<compile_context>
chip_gen: v7x
topology: tpu7x:2x2x1
jax: 0.10.2.dev20260603
libtpu: 0.0.44.dev20260713+nightly
codegen_flags: <defaults>
</compile_context>

<pallas_src>
import functools

import jax
import jax.numpy as jnp
from jax import lax
from jax.experimental import pallas as pl
from jax.experimental.pallas import tpu as pltpu
from jax.experimental.pallas import tpu_sc as plsc

N = 10000
NP = 10240
F = 256
HF = 128
FC1 = 128
E = 160000
EP = 163840
G = 64
DUMMY = 10200
RB = 1024
GRID = NP // RB
CH = 128
CHA = 128
NCH_AGG = (EP // 16) // CHA
SLC_A = 40
NCH_DEG = (EP // 32) // CH
ROWS_PT = NP // 16
NZ = NP
ZROWS_PT = NZ // 16


def _sc_degree(dst32, e0rows, zeros_d):
    mesh = plsc.VectorSubcoreMesh(core_axis_name="c", subcore_axis_name="s")

    @functools.partial(
        pl.kernel,
        out_type=(jax.ShapeDtypeStruct((NP, 16), jnp.float32),
                  jax.ShapeDtypeStruct((NP, 16), jnp.float32)),
        mesh=mesh,
        scratch_types=[
            pltpu.VMEM((NCH_DEG, CH), jnp.int32),
            pltpu.VMEM((CH, 16), jnp.float32),
            pltpu.VMEM_SHARED((NP, 16), jnp.float32),
        ],
    )
    def deg_kernel(dst_hbm, e0_hbm, zd_hbm, d0_hbm, d1_hbm, dstv, e0v, deg_sp):
        cid = lax.axis_index("c")
        sid = lax.axis_index("s")
        w = cid * 16 + sid
        sl = pl.ds(sid * ROWS_PT, ROWS_PT)
        pltpu.sync_copy(zd_hbm, deg_sp.at[sl])
        pltpu.sync_copy(e0_hbm, e0v)
        pltpu.sync_copy(dst_hbm.at[w], dstv)
        plsc.subcore_barrier()

        def body(i, carry):
            pltpu.sync_copy(e0v, deg_sp.at[dstv.at[i]], add=True)
            return carry

        lax.fori_loop(0, NCH_DEG, body, 0)
        plsc.subcore_barrier()

        @pl.when(cid == 0)
        def _():
            pltpu.sync_copy(deg_sp.at[sl], d0_hbm.at[sl])

        @pl.when(cid == 1)
        def _():
            pltpu.sync_copy(deg_sp.at[sl], d1_hbm.at[sl])

    return deg_kernel(dst32, e0rows, zeros_d)


def _sc_aggregate(yl, yr, src16, dst16, zeros_z):
    mesh = plsc.VectorSubcoreMesh(core_axis_name="c", subcore_axis_name="s")

    @functools.partial(
        pl.kernel,
        out_type=(jax.ShapeDtypeStruct((NP, HF), jnp.float32),
                  jax.ShapeDtypeStruct((NP, HF), jnp.float32)),
        mesh=mesh,
        scratch_types=[
            pltpu.VMEM((SLC_A, CHA), jnp.int32),
            pltpu.VMEM((SLC_A, CHA), jnp.int32),
            pltpu.VMEM((CHA, HF), jnp.float32),
            pltpu.VMEM((CHA, HF), jnp.float32),
            pltpu.VMEM_SHARED((NZ, HF), jnp.float32),
            pltpu.SemaphoreType.DMA,
            pltpu.SemaphoreType.DMA,
        ],
    )
    def agg_kernel(yl_hbm, yr_hbm, src_hbm, dst_hbm, zz_hbm, zl_hbm, zr_hbm,
                   srcv, dstv, b0, b1, z_sp, g0, g1):
        cid = lax.axis_index("c")
        sid = lax.axis_index("s")
        zsl = pl.ds(sid * ZROWS_PT, ZROWS_PT)
        bufs = (b0, b1)
        gsems = (g0, g1)
        pltpu.sync_copy(zz_hbm, z_sp.at[zsl])
        plsc.subcore_barrier()

        def run(y_hbm):
            def gather(c, j):
                pltpu.async_copy(y_hbm.at[srcv.at[c]], bufs[j], gsems[j])

            def gwait(j):
                pltpu.make_async_copy(y_hbm.at[srcv.at[0]], bufs[j],
                                      gsems[j]).wait()

            def scat(c, j):
                pltpu.sync_copy(bufs[j], z_sp.at[dstv.at[c]], add=True)

            def load_slc(h):
                pltpu.sync_copy(src_hbm.at[sid, pl.ds(h * SLC_A, SLC_A)],
                                srcv)
                pltpu.sync_copy(dst_hbm.at[sid, pl.ds(h * SLC_A, SLC_A)],
                                dstv)

            load_slc(0)
            for h in range(NCH_AGG // SLC_A):
                gather(0, 0)
                gather(1, 1)

                def body(i, carry):
                    gwait(0)
                    scat(2 * i, 0)
                    gather(2 * i + 2, 0)
                    gwait(1)
                    scat(2 * i + 1, 1)
                    gather(2 * i + 3, 1)
                    return carry

                lax.fori_loop(0, SLC_A // 2 - 1, body, 0)
                gwait(0)
                scat(SLC_A - 2, 0)
                gwait(1)
                scat(SLC_A - 1, 1)
                if h < NCH_AGG // SLC_A - 1:
                    load_slc(h + 1)

        @pl.when(cid == 0)
        def _():
            run(yl_hbm)

        @pl.when(cid == 1)
        def _():
            run(yr_hbm)

        plsc.subcore_barrier()

        @pl.when(cid == 0)
        def _():
            pltpu.sync_copy(z_sp.at[zsl], zl_hbm.at[zsl])

        @pl.when(cid == 1)
        def _():
            pltpu.sync_copy(z_sp.at[zsl], zr_hbm.at[zsl])

    return agg_kernel(yl, yr, src16, dst16, zeros_z)


def _dis(d0_ref, d1_ref):
    deg = d0_ref[:, 0:1] + d1_ref[:, 0:1] + 1.0
    return lax.rsqrt(deg)


def _scaled_matmul(x_p, W, d0, d1):
    def body(x_ref, w_ref, d0_ref, d1_ref, yl_ref, yr_ref):
        y = jnp.dot(x_ref[...], w_ref[...],
                    preferred_element_type=jnp.float32) * _dis(d0_ref, d1_ref)
        yl_ref[...] = y[:, :HF]
        yr_ref[...] = y[:, HF:]

    return pl.pallas_call(
        body,
        grid=(GRID,),
        in_specs=[
            pl.BlockSpec((RB, F), lambda i: (i, 0)),
            pl.BlockSpec((F, F), lambda i: (0, 0)),
            pl.BlockSpec((RB, 16), lambda i: (i, 0)),
            pl.BlockSpec((RB, 16), lambda i: (i, 0)),
        ],
        out_specs=[pl.BlockSpec((RB, HF), lambda i: (i, 0)),
                   pl.BlockSpec((RB, HF), lambda i: (i, 0))],
        out_shape=[jax.ShapeDtypeStruct((NP, HF), jnp.float32),
                   jax.ShapeDtypeStruct((NP, HF), jnp.float32)],
    )(x_p, W, d0, d1)


def _epilogue_stats(zl, zr, yl, yr, d0, d1, b):
    def body(zl_ref, zr_ref, yl_ref, yr_ref, d0_ref, d1_ref, b_ref,
             out_ref, st_ref, acc):
        i = pl.program_id(0)

        @pl.when(i == 0)
        def _():
            acc[...] = jnp.zeros_like(acc)

        dis = _dis(d0_ref, d1_ref)
        z = jnp.concatenate([zl_ref[...], zr_ref[...]], axis=1)
        y = jnp.concatenate([yl_ref[...], yr_ref[...]], axis=1)
        out = dis * (z + y) + b_ref[...]
        out_ref[...] = out
        rows = i * RB + lax.broadcasted_iota(jnp.int32, (RB, 1), 0)
        m = rows < N
        acc[0:1, :] += jnp.sum(jnp.where(m, out, 0.0), axis=0, keepdims=True)
        acc[1:2, :] += jnp.sum(jnp.where(m, out * out, 0.0), axis=0,
                               keepdims=True)

        @pl.when(i == GRID - 1)
        def _():
            st_ref[...] = acc[...]

    return pl.pallas_call(
        body,
        grid=(GRID,),
        in_specs=[
            pl.BlockSpec((RB, HF), lambda i: (i, 0)),
            pl.BlockSpec((RB, HF), lambda i: (i, 0)),
            pl.BlockSpec((RB, HF), lambda i: (i, 0)),
            pl.BlockSpec((RB, HF), lambda i: (i, 0)),
            pl.BlockSpec((RB, 16), lambda i: (i, 0)),
            pl.BlockSpec((RB, 16), lambda i: (i, 0)),
            pl.BlockSpec((1, F), lambda i: (0, 0)),
        ],
        out_specs=[pl.BlockSpec((RB, F), lambda i: (i, 0)),
                   pl.BlockSpec((2, F), lambda i: (0, 0))],
        out_shape=[jax.ShapeDtypeStruct((NP, F), jnp.float32),
                   jax.ShapeDtypeStruct((2, F), jnp.float32)],
        scratch_shapes=[pltpu.VMEM((2, F), jnp.float32)],
    )(zl, zr, yl, yr, d0, d1, b)


def _normalize_block(o_ref, st_ref, g_ref, be_ref, a_ref):
    mu = st_ref[0:1, :] * (1.0 / N)
    var = st_ref[1:2, :] * (1.0 / N) - mu * mu
    inv = lax.rsqrt(var + 1e-5)
    o = (o_ref[...] - mu) * (inv * g_ref[...]) + be_ref[...]
    o = jnp.where(o >= 0, o, a_ref[...] * o)
    nrm = jnp.sqrt(jnp.sum(o * o, axis=1, keepdims=True))
    return o / jnp.maximum(nrm, 1e-12)


def _bn_matmul(out1, st, g, be, a, W2, d0, d1):
    def body(o_ref, st_ref, g_ref, be_ref, a_ref, w_ref, d0_ref, d1_ref,
             yl_ref, yr_ref):
        h = _normalize_block(o_ref, st_ref, g_ref, be_ref, a_ref)
        y2 = jnp.dot(h, w_ref[...],
                     preferred_element_type=jnp.float32) * _dis(d0_ref, d1_ref)
        rows = pl.program_id(0) * RB + lax.broadcasted_iota(
            jnp.int32, (RB, 1), 0)
        y2 = jnp.where(rows < N, y2, 0.0)
        yl_ref[...] = y2[:, :HF]
        yr_ref[...] = y2[:, HF:]

    return pl.pallas_call(
        body,
        grid=(GRID,),
        in_specs=[
            pl.BlockSpec((RB, F), lambda i: (i, 0)),
            pl.BlockSpec((2, F), lambda i: (0, 0)),
            pl.BlockSpec((1, F), lambda i: (0, 0)),
            pl.BlockSpec((1, F), lambda i: (0, 0)),
            pl.BlockSpec((1, 1), lambda i: (0, 0)),
            pl.BlockSpec((F, F), lambda i: (0, 0)),
            pl.BlockSpec((RB, 16), lambda i: (i, 0)),
            pl.BlockSpec((RB, 16), lambda i: (i, 0)),
        ],
        out_specs=[pl.BlockSpec((RB, HF), lambda i: (i, 0)),
                   pl.BlockSpec((RB, HF), lambda i: (i, 0))],
        out_shape=[jax.ShapeDtypeStruct((NP, HF), jnp.float32),
                   jax.ShapeDtypeStruct((NP, HF), jnp.float32)],
    )(out1, st, g, be, a, W2, d0, d1)


def _final(out2, st, g, be, a, batch_b, Wf1, bf1, Wo, bo):
    def body(o_ref, st_ref, g_ref, be_ref, a_ref, bt_ref, wf_ref, bf_ref,
             wo_ref, bo_ref, out_ref, psum, cnt):
        i = pl.program_id(0)

        @pl.when(i == 0)
        def _():
            psum[...] = jnp.zeros_like(psum)
            cnt[...] = jnp.zeros_like(cnt)

        h = _normalize_block(o_ref, st_ref, g_ref, be_ref, a_ref)
        oh = (bt_ref[...] == lax.broadcasted_iota(jnp.int32, (RB, 128), 1)
              ).astype(jnp.float32)
        dn = (((0,), (0,)), ((), ()))
        psum[...] += lax.dot_general(oh, h, dn,
                                     preferred_element_type=jnp.float32)
        cnt[...] += lax.dot_general(oh, jnp.ones((RB, F), jnp.float32), dn,
                                    preferred_element_type=jnp.float32)

        @pl.when(i == GRID - 1)
        def _():
            pooled = psum[...] / jnp.maximum(cnt[...], 1.0)
            p = pooled[0:G, :]
            fc = jnp.maximum(
                jnp.dot(p, wf_ref[...], preferred_element_type=jnp.float32)
                + bf_ref[...], 0.0)
            out_ref[...] = jnp.dot(fc, wo_ref[...],
                                   preferred_element_type=jnp.float32) \
                + bo_ref[...]

    return pl.pallas_call(
        body,
        grid=(GRID,),
        in_specs=[
            pl.BlockSpec((RB, F), lambda i: (i, 0)),
            pl.BlockSpec((2, F), lambda i: (0, 0)),
            pl.BlockSpec((1, F), lambda i: (0, 0)),
            pl.BlockSpec((1, F), lambda i: (0, 0)),
            pl.BlockSpec((1, 1), lambda i: (0, 0)),
            pl.BlockSpec((RB, 128), lambda i: (i, 0)),
            pl.BlockSpec((F, FC1), lambda i: (0, 0)),
            pl.BlockSpec((1, FC1), lambda i: (0, 0)),
            pl.BlockSpec((FC1, 1), lambda i: (0, 0)),
            pl.BlockSpec((1, 1), lambda i: (0, 0)),
        ],
        out_specs=pl.BlockSpec((G, 1), lambda i: (0, 0)),
        out_shape=jax.ShapeDtypeStruct((G, 1), jnp.float32),
        scratch_shapes=[pltpu.VMEM((128, F), jnp.float32),
                        pltpu.VMEM((128, F), jnp.float32)],
    )(out2, st, g, be, a, batch_b, Wf1, bf1, Wo, bo)


def kernel(x, edge_index, batch, W1, b1, g1, be1, a1, W2, b2, g2, be2, a2,
           Wf1, bf1, Wo, bo):
    f32 = jnp.float32
    x_p = jnp.pad(x, ((0, NP - N), (0, 0)))
    pad_e = jnp.full((EP - E,), DUMMY, jnp.int32)
    src = jnp.concatenate([edge_index[0], pad_e])
    dst_deg = jnp.concatenate([edge_index[1], pad_e])
    dst_agg = jnp.concatenate([edge_index[1], pad_e])
    src16 = src.reshape(16, NCH_AGG, CHA)
    dst16 = dst_agg.reshape(16, NCH_AGG, CHA)
    dst32 = dst_deg.reshape(32, NCH_DEG, CH)
    batch_p = jnp.pad(batch.astype(jnp.int32), (0, NP - N), constant_values=G)
    batch_b = jnp.broadcast_to(batch_p[:, None], (NP, 128))
    zeros_z = jnp.zeros((ZROWS_PT, HF), f32)
    zeros_d = jnp.zeros((ROWS_PT, 16), f32)
    e0rows = jnp.concatenate(
        [jnp.ones((CH, 1), f32), jnp.zeros((CH, 15), f32)], axis=1)

    b1r = b1.reshape(1, F)
    b2r = b2.reshape(1, F)
    g1r = g1.reshape(1, F)
    be1r = be1.reshape(1, F)
    g2r = g2.reshape(1, F)
    be2r = be2.reshape(1, F)
    a1r = a1.reshape(1, 1)
    a2r = a2.reshape(1, 1)
    bf1r = bf1.reshape(1, FC1)
    bor = bo.reshape(1, 1)

    d0, d1 = _sc_degree(dst32, e0rows, zeros_d)
    yl1, yr1 = _scaled_matmul(x_p, W1, d0, d1)
    zl1, zr1 = _sc_aggregate(yl1, yr1, src16, dst16, zeros_z)
    out1, st1 = _epilogue_stats(zl1, zr1, yl1, yr1, d0, d1, b1r)
    yl2, yr2 = _bn_matmul(out1, st1, g1r, be1r, a1r, W2, d0, d1)
    zl2, zr2 = _sc_aggregate(yl2, yr2, src16, dst16, zeros_z)
    out2, st2 = _epilogue_stats(zl2, zr2, yl2, yr2, d0, d1, b2r)
    return _final(out2, st2, g2r, be2r, a2r, batch_b, Wf1, bf1r, Wo, bor)

# --- scband reference (transcript-rebuilt; emitter-appended) ---
"""Pipeline reference for scband-gcn-18064632447202 (READ-ONLY COPY).

The authoritative reference and input builder live on the scoring server;
editing this copy changes nothing except your own understanding.
"""

import jax, jax.numpy as jnp
import numpy as np

N = 10000
E = 160000
F_IN = 256
H1 = 256
H2 = 256
FC1 = 128
G = 64


def setup_inputs(seed: int = 0):
    key = jax.random.key(seed)
    ks = jax.random.split(key, 16)
    x = jax.random.normal(ks[0], (N, F_IN), dtype=jnp.float32)
    edge_index = jax.random.randint(ks[1], (2, E), 0, N, dtype=jnp.int32)
    batch = jnp.sort(jax.random.randint(ks[2], (N,), 0, G, dtype=jnp.int32))

    def lin(k, fi, fo):
        lim = 1.0 / np.sqrt(fi)
        return jax.random.uniform(k, (fi, fo), jnp.float32, -lim, lim)

    W1 = lin(ks[3], F_IN, H1); b1 = jnp.zeros((H1,), jnp.float32)
    g1 = jnp.ones((H1,), jnp.float32); be1 = jnp.zeros((H1,), jnp.float32)
    a1 = jnp.array(0.25, jnp.float32)
    W2 = lin(ks[4], H1, H2); b2 = jnp.zeros((H2,), jnp.float32)
    g2 = jnp.ones((H2,), jnp.float32); be2 = jnp.zeros((H2,), jnp.float32)
    a2 = jnp.array(0.25, jnp.float32)
    Wf1 = lin(ks[5], H2, FC1); bf1 = jnp.zeros((FC1,), jnp.float32)
    Wo = lin(ks[6], FC1, 1); bo = jnp.zeros((1,), jnp.float32)
    return {"x": x, "edge_index": edge_index, "batch": batch,
            "W1": W1, "b1": b1, "g1": g1, "be1": be1, "a1": a1,
            "W2": W2, "b2": b2, "g2": g2, "be2": be2, "a2": a2,
            "Wf1": Wf1, "bf1": bf1, "Wo": Wo, "bo": bo}


def _gcn_norm(edge_index):
    # GCNConv normalization with added self-loops: D^{-1/2}(A+I)D^{-1/2}
    loop = jnp.arange(N, dtype=edge_index.dtype)
    src = jnp.concatenate([edge_index[0], loop])
    dst = jnp.concatenate([edge_index[1], loop])
    deg = jnp.zeros((N,), jnp.float32).at[dst].add(1.0)
    dis = jnp.where(deg > 0, jax.lax.rsqrt(deg), 0.0)
    norm = dis[src] * dis[dst]
    return src, dst, norm


def _conv_block(x, src, dst, norm, W, b, g, be, a):
    # GCNConv
    xw = x @ W
    msg = xw[src] * norm[:, None]
    out = jnp.zeros((N, W.shape[1]), jnp.float32).at[dst].add(msg) + b
    # BatchNorm (training-mode stats over nodes)
    mu = out.mean(0)
    var = out.var(0)
    out = (out - mu) / jnp.sqrt(var + 1e-5) * g + be
    # PReLU
    out = jnp.where(out >= 0, out, a * out)
    # F.normalize(x, 2, 1)
    nrm = jnp.sqrt(jnp.sum(out * out, axis=1, keepdims=True))
    out = out / jnp.maximum(nrm, 1e-12)
    return out


def reference(x, edge_index, batch, W1, b1, g1, be1, a1, W2, b2, g2, be2, a2, Wf1, bf1, Wo, bo):
    src, dst, norm = _gcn_norm(edge_index)
    h = _conv_block(x, src, dst, norm, W1, b1, g1, be1, a1)
    h = _conv_block(h, src, dst, norm, W2, b2, g2, be2, a2)
    # global_mean_pool
    s = jax.ops.segment_sum(h, batch, num_segments=G)
    cnt = jax.ops.segment_sum(jnp.ones((N,), jnp.float32), batch, num_segments=G)
    pooled = s / jnp.maximum(cnt, 1.0)[:, None]
    h = jax.nn.relu(pooled @ Wf1 + bf1)
    return h @ Wo + bo

if __name__ == "__main__":
    import jax
    _d = setup_inputs()
    print(jax.jit(kernel)(*tuple(_d.values())))

</pallas_src>

<mosaic_0001>
#map = affine_map<(d0, d1) -> (0, 0)>
#map1 = affine_map<(d0, d1) -> (0, 0, 0)>
module attributes {stable_mosaic.version = 14 : i64} {
  func.func @agg_kernel(%arg0: i32, %arg1: i32, %arg2: memref<10240x128xf32, #tpu.memory_space<hbm>>, %arg3: memref<10240x128xf32, #tpu.memory_space<hbm>>, %arg4: memref<16x80x128xi32, #tpu.memory_space<hbm>>, %arg5: memref<16x80x128xi32, #tpu.memory_space<hbm>>, %arg6: memref<640x128xf32, #tpu.memory_space<hbm>>, %arg7: memref<10240x128xf32, #tpu.memory_space<hbm>>, %arg8: memref<10240x128xf32, #tpu.memory_space<hbm>>, %arg9: memref<40x128xi32, #tpu.memory_space<vmem>>, %arg10: memref<40x128xi32, #tpu.memory_space<vmem>>, %arg11: memref<128x128xf32, #tpu.memory_space<vmem>>, %arg12: memref<128x128xf32, #tpu.memory_space<vmem>>, %arg13: memref<10240x128xf32, #tpu.memory_space<vmem_shared>>, %arg14: memref<!tpu.dma_semaphore, #tpu.memory_space<semaphore_mem>>, %arg15: memref<!tpu.dma_semaphore, #tpu.memory_space<semaphore_mem>>) attributes {dimension_semantics = [#tpu.dimension_semantics<core_parallel>, #tpu.dimension_semantics<subcore_parallel>], iteration_bounds = array<i64: 2, 16>, scalar_prefetch = 0 : i64, scratch_operands = 7 : i64, tpu.core_type = #tpu.core_type<sc_vector_subcore>, window_params = [{transform_indices = #map}, {transform_indices = #map}, {transform_indices = #map1}, {transform_indices = #map1}, {transform_indices = #map}, {transform_indices = #map}, {transform_indices = #map}]} {
    %mul3A = arith.constant 640 : i32
    %mul3A_0 = arith.muli %arg1, %mul3A : i32
    "tpu.region"() ({
      %run_scoped3A = tpu.sem_alloc : memref<!tpu.dma_semaphore, #tpu.memory_space<semaphore_mem>>
      %dma_start3A = arith.constant 0 : i32
      %dma_start3A_19 = tpu.memref_slice %arg13[%mul3A_0, %dma_start3A] : memref<10240x128xf32, #tpu.memory_space<vmem_shared>> -> memref<640x128xf32, #tpu.memory_space<vmem_shared>>
      tpu.enqueue_dma source(%arg6 : memref<640x128xf32, #tpu.memory_space<hbm>>) target(%dma_start3A_19 : memref<640x128xf32, #tpu.memory_space<vmem_shared>>) target_semaphore(%run_scoped3A : memref<!tpu.dma_semaphore, #tpu.memory_space<semaphore_mem>>)
      %dma_wait3A = arith.constant 0 : i32
      %dma_wait3A_20 = tpu.memref_slice %arg13[%mul3A_0, %dma_wait3A] : memref<10240x128xf32, #tpu.memory_space<vmem_shared>> -> memref<640x128xf32, #tpu.memory_space<vmem_shared>>
      tpu.wait_dma2 semaphore(%run_scoped3A : memref<!tpu.dma_semaphore, #tpu.memory_space<semaphore_mem>>) src(%arg6 : memref<640x128xf32, #tpu.memory_space<hbm>>) dst(%dma_wait3A_20 : memref<640x128xf32, #tpu.memory_space<vmem_shared>>)
      tpu.yield
    }) : () -> ()
    %barrier3A = arith.constant 0 : index
    tpu.barrier barrier_id(%barrier3A)
    %eq3A = arith.constant 0 : i32
    %eq3A_1 = arith.cmpi eq, %arg0, %eq3A : i32
    %convert_element_type3A = arith.extui %eq3A_1 : i1 to i32
    %cond3A = arith.constant 0 : i32
    %cond3A_2 = arith.cmpi ne, %convert_element_type3A, %cond3A : i32
    scf.if %cond3A_2 {
      "tpu.region"() ({
        %run_scoped3A_87 = tpu.sem_alloc : memref<!tpu.dma_semaphore, #tpu.memory_space<semaphore_mem>>
        %dma_start3A_88 = arith.constant 0 : i32
        %dma_start3A_89 = arith.constant 0 : i32
        %dma_start3A_90 = tpu.memref_slice %arg4[%arg1, %dma_start3A_88, %dma_start3A_89] : memref<16x80x128xi32, #tpu.memory_space<hbm>> -> memref<1x40x128xi32, #tpu.memory_space<hbm>>
        %dma_start3A_91 = tpu.memref_squeeze %dma_start3A_90 : memref<1x40x128xi32, #tpu.memory_space<hbm>> -> memref<40x128xi32, #tpu.memory_space<hbm>>
        %dma_start3A_92 = arith.constant 0 : i32
        %dma_start3A_93 = arith.constant 0 : i32
        %dma_start3A_94 = tpu.memref_slice %arg4[%arg1, %dma_start3A_92, %dma_start3A_93] : memref<16x80x128xi32, #tpu.memory_space<hbm>> -> memref<1x40x128xi32, #tpu.memory_space<hbm>>
        %dma_start3A_95 = tpu.memref_squeeze %dma_start3A_94 : memref<1x40x128xi32, #tpu.memory_space<hbm>> -> memref<40x128xi32, #tpu.memory_space<hbm>>
        tpu.enqueue_dma source(%dma_start3A_95 : memref<40x128xi32, #tpu.memory_space<hbm>>) target(%arg9 : memref<40x128xi32, #tpu.memory_space<vmem>>) target_semaphore(%run_scoped3A_87 : memref<!tpu.dma_semaphore, #tpu.memory_space<semaphore_mem>>)
        %dma_wait3A_96 = arith.constant 0 : i32
        %dma_wait3A_97 = arith.constant 0 : i32
        %dma_wait3A_98 = tpu.memref_slice %arg4[%arg1, %dma_wait3A_96, %dma_wait3A_97] : memref<16x80x128xi32, #tpu.memory_space<hbm>> -> memref<1x40x128xi32, #tpu.memory_space<hbm>>
        %dma_wait3A_99 = tpu.memref_squeeze %dma_wait3A_98 : memref<1x40x128xi32, #tpu.memory_space<hbm>> -> memref<40x128xi32, #tpu.memory_space<hbm>>
        %dma_wait3A_100 = arith.constant 0 : i32
        %dma_wait3A_101 = arith.constant 0 : i32
        %dma_wait3A_102 = tpu.memref_slice %arg4[%arg1, %dma_wait3A_100, %dma_wait3A_101] : memref<16x80x128xi32, #tpu.memory_space<hbm>> -> memref<1x40x128xi32, #tpu.memory_space<hbm>>
        %dma_wait3A_103 = tpu.memref_squeeze %dma_wait3A_102 : memref<1x40x128xi32, #tpu.memory_space<hbm>> -> memref<40x128xi32, #tpu.memory_space<hbm>>
        tpu.wait_dma2 semaphore(%run_scoped3A_87 : memref<!tpu.dma_semaphore, #tpu.memory_space<semaphore_mem>>) src(%dma_wait3A_103 : memref<40x128xi32, #tpu.memory_space<hbm>>) dst(%arg9 : memref<40x128xi32, #tpu.memory_space<vmem>>)
        tpu.yield
      }) : () -> ()
      "tpu.region"() ({
        %run_scoped3A_87 = tpu.sem_alloc : memref<!tpu.dma_semaphore, #tpu.memory_space<semaphore_mem>>
        %dma_start3A_88 = arith.constant 0 : i32
        %dma_start3A_89 = arith.constant 0 : i32
        %dma_start3A_90 = tpu.memref_slice %arg5[%arg1, %dma_start3A_88, %dma_start3A_89] : memref<16x80x128xi32, #tpu.memory_space<hbm>> -> memref<1x40x128xi32, #tpu.memory_space<hbm>>
        %dma_start3A_91 = tpu.memref_squeeze %dma_start3A_90 : memref<1x40x128xi32, #tpu.memory_space<hbm>> -> memref<40x128xi32, #tpu.memory_space<hbm>>
        %dma_start3A_92 = arith.constant 0 : i32
        %dma_start3A_93 = arith.constant 0 : i32
        %dma_start3A_94 = tpu.memref_slice %arg5[%arg1, %dma_start3A_92, %dma_start3A_93] : memref<16x80x128xi32, #tpu.memory_space<hbm>> -> memref<1x40x128xi32, #tpu.memory_space<hbm>>
        %dma_start3A_95 = tpu.memref_squeeze %dma_start3A_94 : memref<1x40x128xi32, #tpu.memory_space<hbm>> -> memref<40x128xi32, #tpu.memory_space<hbm>>
        tpu.enqueue_dma source(%dma_start3A_95 : memref<40x128xi32, #tpu.memory_space<hbm>>) target(%arg10 : memref<40x128xi32, #tpu.memory_space<vmem>>) target_semaphore(%run_scoped3A_87 : memref<!tpu.dma_semaphore, #tpu.memory_space<semaphore_mem>>)
        %dma_wait3A_96 = arith.constant 0 : i32
        %dma_wait3A_97 = arith.constant 0 : i32
        %dma_wait3A_98 = tpu.memref_slice %arg5[%arg1, %dma_wait3A_96, %dma_wait3A_97] : memref<16x80x128xi32, #tpu.memory_space<hbm>> -> memref<1x40x128xi32, #tpu.memory_space<hbm>>
        %dma_wait3A_99 = tpu.memref_squeeze %dma_wait3A_98 : memref<1x40x128xi32, #tpu.memory_space<hbm>> -> memref<40x128xi32, #tpu.memory_space<hbm>>
        %dma_wait3A_100 = arith.constant 0 : i32
        %dma_wait3A_101 = arith.constant 0 : i32
        %dma_wait3A_102 = tpu.memref_slice %arg5[%arg1, %dma_wait3A_100, %dma_wait3A_101] : memref<16x80x128xi32, #tpu.memory_space<hbm>> -> memref<1x40x128xi32, #tpu.memory_space<hbm>>
        %dma_wait3A_103 = tpu.memref_squeeze %dma_wait3A_102 : memref<1x40x128xi32, #tpu.memory_space<hbm>> -> memref<40x128xi32, #tpu.memory_space<hbm>>
        tpu.wait_dma2 semaphore(%run_scoped3A_87 : memref<!tpu.dma_semaphore, #tpu.memory_space<semaphore_mem>>) src(%dma_wait3A_103 : memref<40x128xi32, #tpu.memory_space<hbm>>) dst(%arg10 : memref<40x128xi32, #tpu.memory_space<vmem>>)
        tpu.yield
      }) : () -> ()
      %dma_start3A = arith.constant 0 : i32
      %dma_start3A_19 = arith.constant 0 : i32
      %dma_start3A_20 = tpu.memref_slice %arg9[%dma_start3A, %dma_start3A_19] : memref<40x128xi32, #tpu.memory_space<vmem>> -> memref<1x128xi32, #tpu.memory_space<vmem>>
      %dma_start3A_21 = tpu.memref_squeeze %dma_start3A_20 : memref<1x128xi32, #tpu.memory_space<vmem>> -> memref<128xi32, #tpu.memory_space<vmem>>
      %dma_start3A_22 = arith.constant 0 : i32
      %dma_start3A_23 = arith.constant 0 : i32
      %dma_start3A_24 = tpu.memref_slice %arg2[%dma_start3A_22, %dma_start3A_23] : memref<10240x128xf32, #tpu.memory_space<hbm>> -> memref<10240x128xf32, #tpu.memory_space<hbm>>
      tpu.enqueue_indirect_dma source(%dma_start3A_24 : memref<10240x128xf32, #tpu.memory_space<hbm>>) target(%arg11 : memref<128x128xf32, #tpu.memory_space<vmem>>) offsets(%dma_start3A_21 : memref<128xi32, #tpu.memory_space<vmem>>) semaphore(%arg14 : memref<!tpu.dma_semaphore, #tpu.memory_space<semaphore_mem>>)
      %dma_start3A_25 = arith.constant 1 : i32
      %dma_start3A_26 = arith.constant 0 : i32
      %dma_start3A_27 = tpu.memref_slice %arg9[%dma_start3A_25, %dma_start3A_26] : memref<40x128xi32, #tpu.memory_space<vmem>> -> memref<1x128xi32, #tpu.memory_space<vmem>>
      %dma_start3A_28 = tpu.memref_squeeze %dma_start3A_27 : memref<1x128xi32, #tpu.memory_space<vmem>> -> memref<128xi32, #tpu.memory_space<vmem>>
      %dma_start3A_29 = arith.constant 0 : i32
      %dma_start3A_30 = arith.constant 0 : i32
      %dma_start3A_31 = tpu.memref_slice %arg2[%dma_start3A_29, %dma_start3A_30] : memref<10240x128xf32, #tpu.memory_space<hbm>> -> memref<10240x128xf32, #tpu.memory_space<hbm>>
      tpu.enqueue_indirect_dma source(%dma_start3A_31 : memref<10240x128xf32, #tpu.memory_space<hbm>>) target(%arg12 : memref<128x128xf32, #tpu.memory_space<vmem>>) offsets(%dma_start3A_28 : memref<128xi32, #tpu.memory_space<vmem>>) semaphore(%arg15 : memref<!tpu.dma_semaphore, #tpu.memory_space<semaphore_mem>>)
      %scan3A = arith.constant 0 : i32
      %scan3A_32 = arith.constant 0 : i32
      %scan3A_33 = arith.constant 19 : i32
      %scan3A_34 = arith.addi %scan3A_32, %scan3A_33 : i32
      %scan3A_35 = arith.constant 1 : i32
      scf.for %scan3A_87 = %scan3A_32 to %scan3A_34 step %scan3A_35  : i32 {
        %dma_wait3A_88 = arith.constant 0 : i32
        %dma_wait3A_89 = arith.constant 0 : i32
        %dma_wait3A_90 = tpu.memref_slice %arg9[%dma_wait3A_88, %dma_wait3A_89] : memref<40x128xi32, #tpu.memory_space<vmem>> -> memref<1x128xi32, #tpu.memory_space<vmem>>
        %dma_wait3A_91 = tpu.memref_squeeze %dma_wait3A_90 : memref<1x128xi32, #tpu.memory_space<vmem>> -> memref<128xi32, #tpu.memory_space<vmem>>
        %dma_wait3A_92 = arith.constant 0 : i32
        %dma_wait3A_93 = arith.constant 0 : i32
        %dma_wait3A_94 = tpu.memref_slice %arg2[%dma_wait3A_92, %dma_wait3A_93] : memref<10240x128xf32, #tpu.memory_space<hbm>> -> memref<10240x128xf32, #tpu.memory_space<hbm>>
        tpu.wait_indirect_dma semaphore(%arg14 : memref<!tpu.dma_semaphore, #tpu.memory_space<semaphore_mem>>) src(%dma_wait3A_94 : memref<10240x128xf32, #tpu.memory_space<hbm>>) dst(%arg11 : memref<128x128xf32, #tpu.memory_space<vmem>>)
        %mul3A_95 = arith.constant 2 : i32
        %mul3A_96 = arith.muli %mul3A_95, %scan3A_87 : i32
        "tpu.region"() ({
          %run_scoped3A_127 = tpu.sem_alloc : memref<!tpu.dma_semaphore, #tpu.memory_space<semaphore_mem>>
          %dma_start3A_128 = arith.constant 0 : i32
          %dma_start3A_129 = tpu.memref_slice %arg10[%mul3A_96, %dma_start3A_128] : memref<40x128xi32, #tpu.memory_space<vmem>> -> memref<1x128xi32, #tpu.memory_space<vmem>>
          %dma_start3A_130 = tpu.memref_squeeze %dma_start3A_129 : memref<1x128xi32, #tpu.memory_space<vmem>> -> memref<128xi32, #tpu.memory_space<vmem>>
          %dma_start3A_131 = arith.constant 0 : i32
          %dma_start3A_132 = arith.constant 0 : i32
          %dma_start3A_133 = tpu.memref_slice %arg13[%dma_start3A_131, %dma_start3A_132] : memref<10240x128xf32, #tpu.memory_space<vmem_shared>> -> memref<10240x128xf32, #tpu.memory_space<vmem_shared>>
          tpu.enqueue_indirect_dma source(%arg11 : memref<128x128xf32, #tpu.memory_space<vmem>>) target(%dma_start3A_133 : memref<10240x128xf32, #tpu.memory_space<vmem_shared>>) offsets(%dma_start3A_130 : memref<128xi32, #tpu.memory_space<vmem>>) semaphore(%run_scoped3A_127 : memref<!tpu.dma_semaphore, #tpu.memory_space<semaphore_mem>>) {add = true}
          %dma_wait3A_134 = arith.constant 0 : i32
          %dma_wait3A_135 = tpu.memref_slice %arg10[%mul3A_96, %dma_wait3A_134] : memref<40x128xi32, #tpu.memory_space<vmem>> -> memref<1x128xi32, #tpu.memory_space<vmem>>
          %dma_wait3A_136 = tpu.memref_squeeze %dma_wait3A_135 : memref<1x128xi32, #tpu.memory_space<vmem>> -> memref<128xi32, #tpu.memory_space<vmem>>
          %dma_wait3A_137 = arith.constant 0 : i32
          %dma_wait3A_138 = arith.constant 0 : i32
          %dma_wait3A_139 = tpu.memref_slice %arg13[%dma_wait3A_137, %dma_wait3A_138] : memref<10240x128xf32, #tpu.memory_space<vmem_shared>> -> memref<10240x128xf32, #tpu.memory_space<vmem_shared>>
          tpu.wait_indirect_dma semaphore(%run_scoped3A_127 : memref<!tpu.dma_semaphore, #tpu.memory_space<semaphore_mem>>) src(%arg11 : memref<128x128xf32, #tpu.memory_space<vmem>>) dst(%dma_wait3A_139 : memref<10240x128xf32, #tpu.memory_space<vmem_shared>>)
          tpu.yield
        }) : () -> ()
        %mul3A_97 = arith.constant 2 : i32
        %mul3A_98 = arith.muli %mul3A_97, %scan3A_87 : i32
        %add3A = arith.constant 2 : i32
        %add3A_99 = arith.addi %mul3A_98, %add3A : i32
        %dma_start3A_100 = arith.constant 0 : i32
        %dma_start3A_101 = tpu.memref_slice %arg9[%add3A_99, %dma_start3A_100] : memref<40x128xi32, #tpu.memory_space<vmem>> -> memref<1x128xi32, #tpu.memory_space<vmem>>
        %dma_start3A_102 = tpu.memref_squeeze %dma_start3A_101 : memref<1x128xi32, #tpu.memory_space<vmem>> -> memref<128xi32, #tpu.memory_space<vmem>>
        %dma_start3A_103 = arith.constant 0 : i32
        %dma_start3A_104 = arith.constant 0 : i32
        %dma_start3A_105 = tpu.memref_slice %arg2[%dma_start3A_103, %dma_start3A_104] : memref<10240x128xf32, #tpu.memory_space<hbm>> -> memref<10240x128xf32, #tpu.memory_space<hbm>>
        tpu.enqueue_indirect_dma source(%dma_start3A_105 : memref<10240x128xf32, #tpu.memory_space<hbm>>) target(%arg11 : memref<128x128xf32, #tpu.memory_space<vmem>>) offsets(%dma_start3A_102 : memref<128xi32, #tpu.memory_space<vmem>>) semaphore(%arg14 : memref<!tpu.dma_semaphore, #tpu.memory_space<semaphore_mem>>)
        %dma_wait3A_106 = arith.constant 0 : i32
        %dma_wait3A_107 = arith.constant 0 : i32
        %dma_wait3A_108 = tpu.memref_slice %arg9[%dma_wait3A_106, %dma_wait3A_107] : memref<40x128xi32, #tpu.memory_space<vmem>> -> memref<1x128xi32, #tpu.memory_space<vmem>>
        %dma_wait3A_109 = tpu.memref_squeeze %dma_wait3A_108 : memref<1x128xi32, #tpu.memory_space<vmem>> -> memref<128xi32, #tpu.memory_space<vmem>>
        %dma_wait3A_110 = arith.constant 0 : i32
        %dma_wait3A_111 = arith.constant 0 : i32
        %dma_wait3A_112 = tpu.memref_slice %arg2[%dma_wait3A_110, %dma_wait3A_111] : memref<10240x128xf32, #tpu.memory_space<hbm>> -> memref<10240x128xf32, #tpu.memory_space<hbm>>
        tpu.wait_indirect_dma semaphore(%arg15 : memref<!tpu.dma_semaphore, #tpu.memory_space<semaphore_mem>>) src(%dma_wait3A_112 : memref<10240x128xf32, #tpu.memory_space<hbm>>) dst(%arg12 : memref<128x128xf32, #tpu.memory_space<vmem>>)
        %mul3A_113 = arith.constant 2 : i32
        %mul3A_114 = arith.muli %mul3A_113, %scan3A_87 : i32
        %add3A_115 = arith.constant 1 : i32
        %add3A_116 = arith.addi %mul3A_114, %add3A_115 : i32
        "tpu.region"() ({
          %run_scoped3A_127 = tpu.sem_alloc : memref<!tpu.dma_semaphore, #tpu.memory_space<semaphore_mem>>
          %dma_start3A_128 = arith.constant 0 : i32
          %dma_start3A_129 = tpu.memref_slice %arg10[%add3A_116, %dma_start3A_128] : memref<40x128xi32, #tpu.memory_space<vmem>> -> memref<1x128xi32, #tpu.memory_space<vmem>>
          %dma_start3A_130 = tpu.memref_squeeze %dma_start3A_129 : memref<1x128xi32, #tpu.memory_space<vmem>> -> memref<128xi32, #tpu.memory_space<vmem>>
          %dma_start3A_131 = arith.constant 0 : i32
          %dma_start3A_132 = arith.constant 0 : i32
          %dma_start3A_133 = tpu.memref_slice %arg13[%dma_start3A_131, %dma_start3A_132] : memref<10240x128xf32, #tpu.memory_space<vmem_shared>> -> memref<10240x128xf32, #tpu.memory_space<vmem_shared>>
          tpu.enqueue_indirect_dma source(%arg12 : memref<128x128xf32, #tpu.memory_space<vmem>>) target(%dma_start3A_133 : memref<10240x128xf32, #tpu.memory_space<vmem_shared>>) offsets(%dma_start3A_130 : memref<128xi32, #tpu.memory_space<vmem>>) semaphore(%run_scoped3A_127 : memref<!tpu.dma_semaphore, #tpu.memory_space<semaphore_mem>>) {add = true}
          %dma_wait3A_134 = arith.constant 0 : i32
          %dma_wait3A_135 = tpu.memref_slice %arg10[%add3A_116, %dma_wait3A_134] : memref<40x128xi32, #tpu.memory_space<vmem>> -> memref<1x128xi32, #tpu.memory_space<vmem>>
          %dma_wait3A_136 = tpu.memref_squeeze %dma_wait3A_135 : memref<1x128xi32, #tpu.memory_space<vmem>> -> memref<128xi32, #tpu.memory_space<vmem>>
          %dma_wait3A_137 = arith.constant 0 : i32
          %dma_wait3A_138 = arith.constant 0 : i32
          %dma_wait3A_139 = tpu.memref_slice %arg13[%dma_wait3A_137, %dma_wait3A_138] : memref<10240x128xf32, #tpu.memory_space<vmem_shared>> -> memref<10240x128xf32, #tpu.memory_space<vmem_shared>>
          tpu.wait_indirect_dma semaphore(%run_scoped3A_127 : memref<!tpu.dma_semaphore, #tpu.memory_space<semaphore_mem>>) src(%arg12 : memref<128x128xf32, #tpu.memory_space<vmem>>) dst(%dma_wait3A_139 : memref<10240x128xf32, #tpu.memory_space<vmem_shared>>)
          tpu.yield
        }) : () -> ()
        %mul3A_117 = arith.constant 2 : i32
        %mul3A_118 = arith.muli %mul3A_117, %scan3A_87 : i32
        %add3A_119 = arith.constant 3 : i32
        %add3A_120 = arith.addi %mul3A_118, %add3A_119 : i32
        %dma_start3A_121 = arith.constant 0 : i32
        %dma_start3A_122 = tpu.memref_slice %arg9[%add3A_120, %dma_start3A_121] : memref<40x128xi32, #tpu.memory_space<vmem>> -> memref<1x128xi32, #tpu.memory_space<vmem>>
        %dma_start3A_123 = tpu.memref_squeeze %dma_start3A_122 : memref<1x128xi32, #tpu.memory_space<vmem>> -> memref<128xi32, #tpu.memory_space<vmem>>
        %dma_start3A_124 = arith.constant 0 : i32
        %dma_start3A_125 = arith.constant 0 : i32
        %dma_start3A_126 = tpu.memref_slice %arg2[%dma_start3A_124, %dma_start3A_125] : memref<10240x128xf32, #tpu.memory_space<hbm>> -> memref<10240x128xf32, #tpu.memory_space<hbm>>
        tpu.enqueue_indirect_dma source(%dma_start3A_126 : memref<10240x128xf32, #tpu.memory_space<hbm>>) target(%arg12 : memref<128x128xf32, #tpu.memory_space<vmem>>) offsets(%dma_start3A_123 : memref<128xi32, #tpu.memory_space<vmem>>) semaphore(%arg15 : memref<!tpu.dma_semaphore, #tpu.memory_space<semaphore_mem>>)
      }
      %scan3A_36 = arith.constant 19 : i32
      %dma_wait3A = arith.constant 0 : i32
      %dma_wait3A_37 = arith.constant 0 : i32
      %dma_wait3A_38 = tpu.memref_slice %arg9[%dma_wait3A, %dma_wait3A_37] : memref<40x128xi32, #tpu.memory_space<vmem>> -> memref<1x128xi32, #tpu.memory_space<vmem>>
      %dma_wait3A_39 = tpu.memref_squeeze %dma_wait3A_38 : memref<1x128xi32, #tpu.memory_space<vmem>> -> memref<128xi32, #tpu.memory_space<vmem>>
      %dma_wait3A_40 = arith.constant 0 : i32
      %dma_wait3A_41 = arith.constant 0 : i32
      %dma_wait3A_42 = tpu.memref_slice %arg2[%dma_wait3A_40, %dma_wait3A_41] : memref<10240x128xf32, #tpu.memory_space<hbm>> -> memref<10240x128xf32, #tpu.memory_space<hbm>>
      tpu.wait_indirect_dma semaphore(%arg14 : memref<!tpu.dma_semaphore, #tpu.memory_space<semaphore_mem>>) src(%dma_wait3A_42 : memref<10240x128xf32, #tpu.memory_space<hbm>>) dst(%arg11 : memref<128x128xf32, #tpu.memory_space<vmem>>)
      %run_scoped3A = arith.constant 38 : i32
      "tpu.region"() ({
        %run_scoped3A_87 = tpu.sem_alloc : memref<!tpu.dma_semaphore, #tpu.memory_space<semaphore_mem>>
        %dma_start3A_88 = arith.constant 0 : i32
        %dma_start3A_89 = tpu.memref_slice %arg10[%run_scoped3A, %dma_start3A_88] : memref<40x128xi32, #tpu.memory_space<vmem>> -> memref<1x128xi32, #tpu.memory_space<vmem>>
        %dma_start3A_90 = tpu.memref_squeeze %dma_start3A_89 : memref<1x128xi32, #tpu.memory_space<vmem>> -> memref<128xi32, #tpu.memory_space<vmem>>
        %dma_start3A_91 = arith.constant 0 : i32
        %dma_start3A_92 = arith.constant 0 : i32
        %dma_start3A_93 = tpu.memref_slice %arg13[%dma_start3A_91, %dma_start3A_92] : memref<10240x128xf32, #tpu.memory_space<vmem_shared>> -> memref<10240x128xf32, #tpu.memory_space<vmem_shared>>
        tpu.enqueue_indirect_dma source(%arg11 : memref<128x128xf32, #tpu.memory_space<vmem>>) target(%dma_start3A_93 : memref<10240x128xf32, #tpu.memory_space<vmem_shared>>) offsets(%dma_start3A_90 : memref<128xi32, #tpu.memory_space<vmem>>) semaphore(%run_scoped3A_87 : memref<!tpu.dma_semaphore, #tpu.memory_space<semaphore_mem>>) {add = true}
        %dma_wait3A_94 = arith.constant 0 : i32
        %dma_wait3A_95 = tpu.memref_slice %arg10[%run_scoped3A, %dma_wait3A_94] : memref<40x128xi32, #tpu.memory_space<vmem>> -> memref<1x128xi32, #tpu.memory_space<vmem>>
        %dma_wait3A_96 = tpu.memref_squeeze %dma_wait3A_95 : memref<1x128xi32, #tpu.memory_space<vmem>> -> memref<128xi32, #tpu.memory_space<vmem>>
        %dma_wait3A_97 = arith.constant 0 : i32
        %dma_wait3A_98 = arith.constant 0 : i32
        %dma_wait3A_99 = tpu.memref_slice %arg13[%dma_wait3A_97, %dma_wait3A_98] : memref<10240x128xf32, #tpu.memory_space<vmem_shared>> -> memref<10240x128xf32, #tpu.memory_space<vmem_shared>>
        tpu.wait_indirect_dma semaphore(%run_scoped3A_87 : memref<!tpu.dma_semaphore, #tpu.memory_space<semaphore_mem>>) src(%arg11 : memref<128x128xf32, #tpu.memory_space<vmem>>) dst(%dma_wait3A_99 : memref<10240x128xf32, #tpu.memory_space<vmem_shared>>)
        tpu.yield
      }) : () -> ()
      %dma_wait3A_43 = arith.constant 0 : i32
      %dma_wait3A_44 = arith.constant 0 : i32
      %dma_wait3A_45 = tpu.memref_slice %arg9[%dma_wait3A_43, %dma_wait3A_44] : memref<40x128xi32, #tpu.memory_space<vmem>> -> memref<1x128xi32, #tpu.memory_space<vmem>>
      %dma_wait3A_46 = tpu.memref_squeeze %dma_wait3A_45 : memref<1x128xi32, #tpu.memory_space<vmem>> -> memref<128xi32, #tpu.memory_space<vmem>>
      %dma_wait3A_47 = arith.constant 0 : i32
      %dma_wait3A_48 = arith.constant 0 : i32
      %dma_wait3A_49 = tpu.memref_slice %arg2[%dma_wait3A_47, %dma_wait3A_48] : memref<10240x128xf32, #tpu.memory_space<hbm>> -> memref<10240x128xf32, #tpu.memory_space<hbm>>
      tpu.wait_indirect_dma semaphore(%arg15 : memref<!tpu.dma_semaphore, #tpu.memory_space<semaphore_mem>>) src(%dma_wait3A_49 : memref<10240x128xf32, #tpu.memory_space<hbm>>) dst(%arg12 : memref<128x128xf32, #tpu.memory_space<vmem>>)
      %run_scoped3A_50 = arith.constant 39 : i32
      "tpu.region"() ({
        %run_scoped3A_87 = tpu.sem_alloc : memref<!tpu.dma_semaphore, #tpu.memory_space<semaphore_mem>>
        %dma_start3A_88 = arith.constant 0 : i32
        %dma_start3A_89 = tpu.memref_slice %arg10[%run_scoped3A_50, %dma_start3A_88] : memref<40x128xi32, #tpu.memory_space<vmem>> -> memref<1x128xi32, #tpu.memory_space<vmem>>
        %dma_start3A_90 = tpu.memref_squeeze %dma_start3A_89 : memref<1x128xi32, #tpu.memory_space<vmem>> -> memref<128xi32, #tpu.memory_space<vmem>>
        %dma_start3A_91 = arith.constant 0 : i32
        %dma_start3A_92 = arith.constant 0 : i32
        %dma_start3A_93 = tpu.memref_slice %arg13[%dma_start3A_91, %dma_start3A_92] : memref<10240x128xf32, #tpu.memory_space<vmem_shared>> -> memref<10240x128xf32, #tpu.memory_space<vmem_shared>>
        tpu.enqueue_indirect_dma source(%arg12 : memref<128x128xf32, #tpu.memory_space<vmem>>) target(%dma_start3A_93 : memref<10240x128xf32, #tpu.memory_space<vmem_shared>>) offsets(%dma_start3A_90 : memref<128xi32, #tpu.memory_space<vmem>>) semaphore(%run_scoped3A_87 : memref<!tpu.dma_semaphore, #tpu.memory_space<semaphore_mem>>) {add = true}
        %dma_wait3A_94 = arith.constant 0 : i32
        %dma_wait3A_95 = tpu.memref_slice %arg10[%run_scoped3A_50, %dma_wait3A_94] : memref<40x128xi32, #tpu.memory_space<vmem>> -> memref<1x128xi32, #tpu.memory_space<vmem>>
        %dma_wait3A_96 = tpu.memref_squeeze %dma_wait3A_95 : memref<1x128xi32, #tpu.memory_space<vmem>> -> memref<128xi32, #tpu.memory_space<vmem>>
        %dma_wait3A_97 = arith.constant 0 : i32
        %dma_wait3A_98 = arith.constant 0 : i32
        %dma_wait3A_99 = tpu.memref_slice %arg13[%dma_wait3A_97, %dma_wait3A_98] : memref<10240x128xf32, #tpu.memory_space<vmem_shared>> -> memref<10240x128xf32, #tpu.memory_space<vmem_shared>>
        tpu.wait_indirect_dma semaphore(%run_scoped3A_87 : memref<!tpu.dma_semaphore, #tpu.memory_space<semaphore_mem>>) src(%arg12 : memref<128x128xf32, #tpu.memory_space<vmem>>) dst(%dma_wait3A_99 : memref<10240x128xf32, #tpu.memory_space<vmem_shared>>)
        tpu.yield
      }) : () -> ()
      "tpu.region"() ({
        %run_scoped3A_87 = tpu.sem_alloc : memref<!tpu.dma_semaphore, #tpu.memory_space<semaphore_mem>>
        %dma_start3A_88 = arith.constant 40 : i32
        %dma_start3A_89 = arith.constant 0 : i32
        %dma_start3A_90 = tpu.memref_slice %arg4[%arg1, %dma_start3A_88, %dma_start3A_89] : memref<16x80x128xi32, #tpu.memory_space<hbm>> -> memref<1x40x128xi32, #tpu.memory_space<hbm>>
        %dma_start3A_91 = tpu.memref_squeeze %dma_start3A_90 : memref<1x40x128xi32, #tpu.memory_space<hbm>> -> memref<40x128xi32, #tpu.memory_space<hbm>>
        %dma_start3A_92 = arith.constant 40 : i32
        %dma_start3A_93 = arith.constant 0 : i32
        %dma_start3A_94 = tpu.memref_slice %arg4[%arg1, %dma_start3A_92, %dma_start3A_93] : memref<16x80x128xi32, #tpu.memory_space<hbm>> -> memref<1x40x128xi32, #tpu.memory_space<hbm>>
        %dma_start3A_95 = tpu.memref_squeeze %dma_start3A_94 : memref<1x40x128xi32, #tpu.memory_space<hbm>> -> memref<40x128xi32, #tpu.memory_space<hbm>>
        tpu.enqueue_dma source(%dma_start3A_95 : memref<40x128xi32, #tpu.memory_space<hbm>>) target(%arg9 : memref<40x128xi32, #tpu.memory_space<vmem>>) target_semaphore(%run_scoped3A_87 : memref<!tpu.dma_semaphore, #tpu.memory_space<semaphore_mem>>)
        %dma_wait3A_96 = arith.constant 40 : i32
        %dma_wait3A_97 = arith.constant 0 : i32
        %dma_wait3A_98 = tpu.memref_slice %arg4[%arg1, %dma_wait3A_96, %dma_wait3A_97] : memref<16x80x128xi32, #tpu.memory_space<hbm>> -> memref<1x40x128xi32, #tpu.memory_space<hbm>>
        %dma_wait3A_99 = tpu.memref_squeeze %dma_wait3A_98 : memref<1x40x128xi32, #tpu.memory_space<hbm>> -> memref<40x128xi32, #tpu.memory_space<hbm>>
        %dma_wait3A_100 = arith.constant 40 : i32
        %dma_wait3A_101 = arith.constant 0 : i32
        %dma_wait3A_102 = tpu.memref_slice %arg4[%arg1, %dma_wait3A_100, %dma_wait3A_101] : memref<16x80x128xi32, #tpu.memory_space<hbm>> -> memref<1x40x128xi32, #tpu.memory_space<hbm>>
        %dma_wait3A_103 = tpu.memref_squeeze %dma_wait3A_102 : memref<1x40x128xi32, #tpu.memory_space<hbm>> -> memref<40x128xi32, #tpu.memory_space<hbm>>
        tpu.wait_dma2 semaphore(%run_scoped3A_87 : memref<!tpu.dma_semaphore, #tpu.memory_space<semaphore_mem>>) src(%dma_wait3A_103 : memref<40x128xi32, #tpu.memory_space<hbm>>) dst(%arg9 : memref<40x128xi32, #tpu.memory_space<vmem>>)
        tpu.yield
      }) : () -> ()
      "tpu.region"() ({
        %run_scoped3A_87 = tpu.sem_alloc : memref<!tpu.dma_semaphore, #tpu.memory_space<semaphore_mem>>
        %dma_start3A_88 = arith.constant 40 : i32
        %dma_start3A_89 = arith.constant 0 : i32
        %dma_start3A_90 = tpu.memref_slice %arg5[%arg1, %dma_start3A_88, %dma_start3A_89] : memref<16x80x128xi32, #tpu.memory_space<hbm>> -> memref<1x40x128xi32, #tpu.memory_space<hbm>>
        %dma_start3A_91 = tpu.memref_squeeze %dma_start3A_90 : memref<1x40x128xi32, #tpu.memory_space<hbm>> -> memref<40x128xi32, #tpu.memory_space<hbm>>
        %dma_start3A_92 = arith.constant 40 : i32
        %dma_start3A_93 = arith.constant 0 : i32
        %dma_start3A_94 = tpu.memref_slice %arg5[%arg1, %dma_start3A_92, %dma_start3A_93] : memref<16x80x128xi32, #tpu.memory_space<hbm>> -> memref<1x40x128xi32, #tpu.memory_space<hbm>>
        %dma_start3A_95 = tpu.memref_squeeze %dma_start3A_94 : memref<1x40x128xi32, #tpu.memory_space<hbm>> -> memref<40x128xi32, #tpu.memory_space<hbm>>
        tpu.enqueue_dma source(%dma_start3A_95 : memref<40x128xi32, #tpu.memory_space<hbm>>) target(%arg10 : memref<40x128xi32, #tpu.memory_space<vmem>>) target_semaphore(%run_scoped3A_87 : memref<!tpu.dma_semaphore, #tpu.memory_space<semaphore_mem>>)
        %dma_wait3A_96 = arith.constant 40 : i32
        %dma_wait3A_97 = arith.constant 0 : i32
        %dma_wait3A_98 = tpu.memref_slice %arg5[%arg1, %dma_wait3A_96, %dma_wait3A_97] : memref<16x80x128xi32, #tpu.memory_space<hbm>> -> memref<1x40x128xi32, #tpu.memory_space<hbm>>
        %dma_wait3A_99 = tpu.memref_squeeze %dma_wait3A_98 : memref<1x40x128xi32, #tpu.memory_space<hbm>> -> memref<40x128xi32, #tpu.memory_space<hbm>>
        %dma_wait3A_100 = arith.constant 40 : i32
        %dma_wait3A_101 = arith.constant 0 : i32
        %dma_wait3A_102 = tpu.memref_slice %arg5[%arg1, %dma_wait3A_100, %dma_wait3A_101] : memref<16x80x128xi32, #tpu.memory_space<hbm>> -> memref<1x40x128xi32, #tpu.memory_space<hbm>>
        %dma_wait3A_103 = tpu.memref_squeeze %dma_wait3A_102 : memref<1x40x128xi32, #tpu.memory_space<hbm>> -> memref<40x128xi32, #tpu.memory_space<hbm>>
        tpu.wait_dma2 semaphore(%run_scoped3A_87 : memref<!tpu.dma_semaphore, #tpu.memory_space<semaphore_mem>>) src(%dma_wait3A_103 : memref<40x128xi32, #tpu.memory_space<hbm>>) dst(%arg10 : memref<40x128xi32, #tpu.memory_space<vmem>>)
        tpu.yield
      }) : () -> ()
      %dma_start3A_51 = arith.constant 0 : i32
      %dma_start3A_52 = arith.constant 0 : i32
      %dma_start3A_53 = tpu.memref_slice %arg9[%dma_start3A_51, %dma_start3A_52] : memref<40x128xi32, #tpu.memory_space<vmem>> -> memref<1x128xi32, #tpu.memory_space<vmem>>
      %dma_start3A_54 = tpu.memref_squeeze %dma_start3A_53 : memref<1x128xi32, #tpu.memory_space<vmem>> -> memref<128xi32, #tpu.memory_space<vmem>>
      %dma_start3A_55 = arith.constant 0 : i32
      %dma_start3A_56 = arith.constant 0 : i32
      %dma_start3A_57 = tpu.memref_slice %arg2[%dma_start3A_55, %dma_start3A_56] : memref<10240x128xf32, #tpu.memory_space<hbm>> -> memref<10240x128xf32, #tpu.memory_space<hbm>>
      tpu.enqueue_indirect_dma source(%dma_start3A_57 : memref<10240x128xf32, #tpu.memory_space<hbm>>) target(%arg11 : memref<128x128xf32, #tpu.memory_space<vmem>>) offsets(%dma_start3A_54 : memref<128xi32, #tpu.memory_space<vmem>>) semaphore(%arg14 : memref<!tpu.dma_semaphore, #tpu.memory_space<semaphore_mem>>)
      %dma_start3A_58 = arith.constant 1 : i32
      %dma_start3A_59 = arith.constant 0 : i32
      %dma_start3A_60 = tpu.memref_slice %arg9[%dma_start3A_58, %dma_start3A_59] : memref<40x128xi32, #tpu.memory_space<vmem>> -> memref<1x128xi32, #tpu.memory_space<vmem>>
      %dma_start3A_61 = tpu.memref_squeeze %dma_start3A_60 : memref<1x128xi32, #tpu.memory_space<vmem>> -> memref<128xi32, #tpu.memory_space<vmem>>
      %dma_start3A_62 = arith.constant 0 : i32
      %dma_start3A_63 = arith.constant 0 : i32
      %dma_start3A_64 = tpu.memref_slice %arg2[%dma_start3A_62, %dma_start3A_63] : memref<10240x128xf32, #tpu.memory_space<hbm>> -> memref<10240x128xf32, #tpu.memory_space<hbm>>
      tpu.enqueue_indirect_dma source(%dma_start3A_64 : memref<10240x128xf32, #tpu.memory_space<hbm>>) target(%arg12 : memref<128x128xf32, #tpu.memory_space<vmem>>) offsets(%dma_start3A_61 : memref<128xi32, #tpu.memory_space<vmem>>) semaphore(%arg15 : memref<!tpu.dma_semaphore, #tpu.memory_space<semaphore_mem>>)
      %scan3A_65 = arith.constant 0 : i32
      %scan3A_66 = arith.constant 0 : i32
      %scan3A_67 = arith.constant 19 : i32
      %scan3A_68 = arith.addi %scan3A_66, %scan3A_67 : i32
      %scan3A_69 = arith.constant 1 : i32
      scf.for %scan3A_87 = %scan3A_66 to %scan3A_68 step %scan3A_69  : i32 {
        %dma_wait3A_88 = arith.constant 0 : i32
        %dma_wait3A_89 = arith.constant 0 : i32
        %dma_wait3A_90 = tpu.memref_slice %arg9[%dma_wait3A_88, %dma_wait3A_89] : memref<40x128xi32, #tpu.memory_space<vmem>> -> memref<1x128xi32, #tpu.memory_space<vmem>>
        %dma_wait3A_91 = tpu.memref_squeeze %dma_wait3A_90 : memref<1x128xi32, #tpu.memory_space<vmem>> -> memref<128xi32, #tpu.memory_space<vmem>>
        %dma_wait3A_92 = arith.constant 0 : i32
        %dma_wait3A_93 = arith.constant 0 : i32
        %dma_wait3A_94 = tpu.memref_slice %arg2[%dma_wait3A_92, %dma_wait3A_93] : memref<10240x128xf32, #tpu.memory_space<hbm>> -> memref<10240x128xf32, #tpu.memory_space<hbm>>
        tpu.wait_indirect_dma semaphore(%arg14 : memref<!tpu.dma_semaphore, #tpu.memory_space<semaphore_mem>>) src(%dma_wait3A_94 : memref<10240x128xf32, #tpu.memory_space<hbm>>) dst(%arg11 : memref<128x128xf32, #tpu.memory_space<vmem>>)
        %mul3A_95 = arith.constant 2 : i32
        %mul3A_96 = arith.muli %mul3A_95, %scan3A_87 : i32
        "tpu.region"() ({
          %run_scoped3A_127 = tpu.sem_alloc : memref<!tpu.dma_semaphore, #tpu.memory_space<semaphore_mem>>
          %dma_start3A_128 = arith.constant 0 : i32
          %dma_start3A_129 = tpu.memref_slice %arg10[%mul3A_96, %dma_start3A_128] : memref<40x128xi32, #tpu.memory_space<vmem>> -> memref<1x128xi32, #tpu.memory_space<vmem>>
          %dma_start3A_130 = tpu.memref_squeeze %dma_start3A_129 : memref<1x128xi32, #tpu.memory_space<vmem>> -> memref<128xi32, #tpu.memory_space<vmem>>
          %dma_start3A_131 = arith.constant 0 : i32
          %dma_start3A_132 = arith.constant 0 : i32
          %dma_start3A_133 = tpu.memref_slice %arg13[%dma_start3A_131, %dma_start3A_132] : memref<10240x128xf32, #tpu.memory_space<vmem_shared>> -> memref<10240x128xf32, #tpu.memory_space<vmem_shared>>
          tpu.enqueue_indirect_dma source(%arg11 : memref<128x128xf32, #tpu.memory_space<vmem>>) target(%dma_start3A_133 : memref<10240x128xf32, #tpu.memory_space<vmem_shared>>) offsets(%dma_start3A_130 : memref<128xi32, #tpu.memory_space<vmem>>) semaphore(%run_scoped3A_127 : memref<!tpu.dma_semaphore, #tpu.memory_space<semaphore_mem>>) {add = true}
          %dma_wait3A_134 = arith.constant 0 : i32
          %dma_wait3A_135 = tpu.memref_slice %arg10[%mul3A_96, %dma_wait3A_134] : memref<40x128xi32, #tpu.memory_space<vmem>> -> memref<1x128xi32, #tpu.memory_space<vmem>>
          %dma_wait3A_136 = tpu.memref_squeeze %dma_wait3A_135 : memref<1x128xi32, #tpu.memory_space<vmem>> -> memref<128xi32, #tpu.memory_space<vmem>>
          %dma_wait3A_137 = arith.constant 0 : i32
          %dma_wait3A_138 = arith.constant 0 : i32
          %dma_wait3A_139 = tpu.memref_slice %arg13[%dma_wait3A_137, %dma_wait3A_138] : memref<10240x128xf32, #tpu.memory_space<vmem_shared>> -> memref<10240x128xf32, #tpu.memory_space<vmem_shared>>
          tpu.wait_indirect_dma semaphore(%run_scoped3A_127 : memref<!tpu.dma_semaphore, #tpu.memory_space<semaphore_mem>>) src(%arg11 : memref<128x128xf32, #tpu.memory_space<vmem>>) dst(%dma_wait3A_139 : memref<10240x128xf32, #tpu.memory_space<vmem_shared>>)
          tpu.yield
        }) : () -> ()
        %mul3A_97 = arith.constant 2 : i32
        %mul3A_98 = arith.muli %mul3A_97, %scan3A_87 : i32
        %add3A = arith.constant 2 : i32
        %add3A_99 = arith.addi %mul3A_98, %add3A : i32
        %dma_start3A_100 = arith.constant 0 : i32
        %dma_start3A_101 = tpu.memref_slice %arg9[%add3A_99, %dma_start3A_100] : memref<40x128xi32, #tpu.memory_space<vmem>> -> memref<1x128xi32, #tpu.memory_space<vmem>>
        %dma_start3A_102 = tpu.memref_squeeze %dma_start3A_101 : memref<1x128xi32, #tpu.memory_space<vmem>> -> memref<128xi32, #tpu.memory_space<vmem>>
        %dma_start3A_103 = arith.constant 0 : i32
        %dma_start3A_104 = arith.constant 0 : i32
        %dma_start3A_105 = tpu.memref_slice %arg2[%dma_start3A_103, %dma_start3A_104] : memref<10240x128xf32, #tpu.memory_space<hbm>> -> memref<10240x128xf32, #tpu.memory_space<hbm>>
        tpu.enqueue_indirect_dma source(%dma_start3A_105 : memref<10240x128xf32, #tpu.memory_space<hbm>>) target(%arg11 : memref<128x128xf32, #tpu.memory_space<vmem>>) offsets(%dma_start3A_102 : memref<128xi32, #tpu.memory_space<vmem>>) semaphore(%arg14 : memref<!tpu.dma_semaphore, #tpu.memory_space<semaphore_mem>>)
        %dma_wait3A_106 = arith.constant 0 : i32
        %dma_wait3A_107 = arith.constant 0 : i32
        %dma_wait3A_108 = tpu.memref_slice %arg9[%dma_wait3A_106, %dma_wait3A_107] : memref<40x128xi32, #tpu.memory_space<vmem>> -> memref<1x128xi32, #tpu.memory_space<vmem>>
        %dma_wait3A_109 = tpu.memref_squeeze %dma_wait3A_108 : memref<1x128xi32, #tpu.memory_space<vmem>> -> memref<128xi32, #tpu.memory_space<vmem>>
        %dma_wait3A_110 = arith.constant 0 : i32
        %dma_wait3A_111 = arith.constant 0 : i32
        %dma_wait3A_112 = tpu.memref_slice %arg2[%dma_wait3A_110, %dma_wait3A_111] : memref<10240x128xf32, #tpu.memory_space<hbm>> -> memref<10240x128xf32, #tpu.memory_space<hbm>>
        tpu.wait_indirect_dma semaphore(%arg15 : memref<!tpu.dma_semaphore, #tpu.memory_space<semaphore_mem>>) src(%dma_wait3A_112 : memref<10240x128xf32, #tpu.memory_space<hbm>>) dst(%arg12 : memref<128x128xf32, #tpu.memory_space<vmem>>)
        %mul3A_113 = arith.constant 2 : i32
        %mul3A_114 = arith.muli %mul3A_113, %scan3A_87 : i32
        %add3A_115 = arith.constant 1 : i32
        %add3A_116 = arith.addi %mul3A_114, %add3A_115 : i32
        "tpu.region"() ({
          %run_scoped3A_127 = tpu.sem_alloc : memref<!tpu.dma_semaphore, #tpu.memory_space<semaphore_mem>>
          %dma_start3A_128 = arith.constant 0 : i32
          %dma_start3A_129 = tpu.memref_slice %arg10[%add3A_116, %dma_start3A_128] : memref<40x128xi32, #tpu.memory_space<vmem>> -> memref<1x128xi32, #tpu.memory_space<vmem>>
          %dma_start3A_130 = tpu.memref_squeeze %dma_start3A_129 : memref<1x128xi32, #tpu.memory_space<vmem>> -> memref<128xi32, #tpu.memory_space<vmem>>
          %dma_start3A_131 = arith.constant 0 : i32
          %dma_start3A_132 = arith.constant 0 : i32
          %dma_start3A_133 = tpu.memref_slice %arg13[%dma_start3A_131, %dma_start3A_132] : memref<10240x128xf32, #tpu.memory_space<vmem_shared>> -> memref<10240x128xf32, #tpu.memory_space<vmem_shared>>
          tpu.enqueue_indirect_dma source(%arg12 : memref<128x128xf32, #tpu.memory_space<vmem>>) target(%dma_start3A_133 : memref<10240x128xf32, #tpu.memory_space<vmem_shared>>) offsets(%dma_start3A_130 : memref<128xi32, #tpu.memory_space<vmem>>) semaphore(%run_scoped3A_127 : memref<!tpu.dma_semaphore, #tpu.memory_space<semaphore_mem>>) {add = true}
          %dma_wait3A_134 = arith.constant 0 : i32
          %dma_wait3A_135 = tpu.memref_slice %arg10[%add3A_116, %dma_wait3A_134] : memref<40x128xi32, #tpu.memory_space<vmem>> -> memref<1x128xi32, #tpu.memory_space<vmem>>
          %dma_wait3A_136 = tpu.memref_squeeze %dma_wait3A_135 : memref<1x128xi32, #tpu.memory_space<vmem>> -> memref<128xi32, #tpu.memory_space<vmem>>
          %dma_wait3A_137 = arith.constant 0 : i32
          %dma_wait3A_138 = arith.constant 0 : i32
          %dma_wait3A_139 = tpu.memref_slice %arg13[%dma_wait3A_137, %dma_wait3A_138] : memref<10240x128xf32, #tpu.memory_space<vmem_shared>> -> memref<10240x128xf32, #tpu.memory_space<vmem_shared>>
          tpu.wait_indirect_dma semaphore(%run_scoped3A_127 : memref<!tpu.dma_semaphore, #tpu.memory_space<semaphore_mem>>) src(%arg12 : memref<128x128xf32, #tpu.memory_space<vmem>>) dst(%dma_wait3A_139 : memref<10240x128xf32, #tpu.memory_space<vmem_shared>>)
          tpu.yield
        }) : () -> ()
        %mul3A_117 = arith.constant 2 : i32
        %mul3A_118 = arith.muli %mul3A_117, %scan3A_87 : i32
        %add3A_119 = arith.constant 3 : i32
        %add3A_120 = arith.addi %mul3A_118, %add3A_119 : i32
        %dma_start3A_121 = arith.constant 0 : i32
        %dma_start3A_122 = tpu.memref_slice %arg9[%add3A_120, %dma_start3A_121] : memref<40x128xi32, #tpu.memory_space<vmem>> -> memref<1x128xi32, #tpu.memory_space<vmem>>
        %dma_start3A_123 = tpu.memref_squeeze %dma_start3A_122 : memref<1x128xi32, #tpu.memory_space<vmem>> -> memref<128xi32, #tpu.memory_space<vmem>>
        %dma_start3A_124 = arith.constant 0 : i32
        %dma_start3A_125 = arith.constant 0 : i32
        %dma_start3A_126 = tpu.memref_slice %arg2[%dma_start3A_124, %dma_start3A_125] : memref<10240x128xf32, #tpu.memory_space<hbm>> -> memref<10240x128xf32, #tpu.memory_space<hbm>>
        tpu.enqueue_indirect_dma source(%dma_start3A_126 : memref<10240x128xf32, #tpu.memory_space<hbm>>) target(%arg12 : memref<128x128xf32, #tpu.memory_space<vmem>>) offsets(%dma_start3A_123 : memref<128xi32, #tpu.memory_space<vmem>>) semaphore(%arg15 : memref<!tpu.dma_semaphore, #tpu.memory_space<semaphore_mem>>)
      }
      %scan3A_70 = arith.constant 19 : i32
      %dma_wait3A_71 = arith.constant 0 : i32
      %dma_wait3A_72 = arith.constant 0 : i32
      %dma_wait3A_73 = tpu.memref_slice %arg9[%dma_wait3A_71, %dma_wait3A_72] : memref<40x128xi32, #tpu.memory_space<vmem>> -> memref<1x128xi32, #tpu.memory_space<vmem>>
      %dma_wait3A_74 = tpu.memref_squeeze %dma_wait3A_73 : memref<1x128xi32, #tpu.memory_space<vmem>> -> memref<128xi32, #tpu.memory_space<vmem>>
      %dma_wait3A_75 = arith.constant 0 : i32
      %dma_wait3A_76 = arith.constant 0 : i32
      %dma_wait3A_77 = tpu.memref_slice %arg2[%dma_wait3A_75, %dma_wait3A_76] : memref<10240x128xf32, #tpu.memory_space<hbm>> -> memref<10240x128xf32, #tpu.memory_space<hbm>>
      tpu.wait_indirect_dma semaphore(%arg14 : memref<!tpu.dma_semaphore, #tpu.memory_space<semaphore_mem>>) src(%dma_wait3A_77 : memref<10240x128xf32, #tpu.memory_space<hbm>>) dst(%arg11 : memref<128x128xf32, #tpu.memory_space<vmem>>)
      %run_scoped3A_78 = arith.constant 38 : i32
      "tpu.region"() ({
        %run_scoped3A_87 = tpu.sem_alloc : memref<!tpu.dma_semaphore, #tpu.memory_space<semaphore_mem>>
        %dma_start3A_88 = arith.constant 0 : i32
        %dma_start3A_89 = tpu.memref_slice %arg10[%run_scoped3A_78, %dma_start3A_88] : memref<40x128xi32, #tpu.memory_space<vmem>> -> memref<1x128xi32, #tpu.memory_space<vmem>>
        %dma_start3A_90 = tpu.memref_squeeze %dma_start3A_89 : memref<1x128xi32, #tpu.memory_space<vmem>> -> memref<128xi32, #tpu.memory_space<vmem>>
        %dma_start3A_91 = arith.constant 0 : i32
        %dma_start3A_92 = arith.constant 0 : i32
        %dma_start3A_93 = tpu.memref_slice %arg13[%dma_start3A_91, %dma_start3A_92] : memref<10240x128xf32, #tpu.memory_space<vmem_shared>> -> memref<10240x128xf32, #tpu.memory_space<vmem_shared>>
        tpu.enqueue_indirect_dma source(%arg11 : memref<128x128xf32, #tpu.memory_space<vmem>>) target(%dma_start3A_93 : memref<10240x128xf32, #tpu.memory_space<vmem_shared>>) offsets(%dma_start3A_90 : memref<128xi32, #tpu.memory_space<vmem>>) semaphore(%run_scoped3A_87 : memref<!tpu.dma_semaphore, #tpu.memory_space<semaphore_mem>>) {add = true}
        %dma_wait3A_94 = arith.constant 0 : i32
        %dma_wait3A_95 = tpu.memref_slice %arg10[%run_scoped3A_78, %dma_wait3A_94] : memref<40x128xi32, #tpu.memory_space<vmem>> -> memref<1x128xi32, #tpu.memory_space<vmem>>
        %dma_wait3A_96 = tpu.memref_squeeze %dma_wait3A_95 : memref<1x128xi32, #tpu.memory_space<vmem>> -> memref<128xi32, #tpu.memory_space<vmem>>
        %dma_wait3A_97 = arith.constant 0 : i32
        %dma_wait3A_98 = arith.constant 0 : i32
        %dma_wait3A_99 = tpu.memref_slice %arg13[%dma_wait3A_97, %dma_wait3A_98] : memref<10240x128xf32, #tpu.memory_space<vmem_shared>> -> memref<10240x128xf32, #tpu.memory_space<vmem_shared>>
        tpu.wait_indirect_dma semaphore(%run_scoped3A_87 : memref<!tpu.dma_semaphore, #tpu.memory_space<semaphore_mem>>) src(%arg11 : memref<128x128xf32, #tpu.memory_space<vmem>>) dst(%dma_wait3A_99 : memref<10240x128xf32, #tpu.memory_space<vmem_shared>>)
        tpu.yield
      }) : () -> ()
      %dma_wait3A_79 = arith.constant 0 : i32
      %dma_wait3A_80 = arith.constant 0 : i32
      %dma_wait3A_81 = tpu.memref_slice %arg9[%dma_wait3A_79, %dma_wait3A_80] : memref<40x128xi32, #tpu.memory_space<vmem>> -> memref<1x128xi32, #tpu.memory_space<vmem>>
      %dma_wait3A_82 = tpu.memref_squeeze %dma_wait3A_81 : memref<1x128xi32, #tpu.memory_space<vmem>> -> memref<128xi32, #tpu.memory_space<vmem>>
      %dma_wait3A_83 = arith.constant 0 : i32
      %dma_wait3A_84 = arith.constant 0 : i32
      %dma_wait3A_85 = tpu.memref_slice %arg2[%dma_wait3A_83, %dma_wait3A_84] : memref<10240x128xf32, #tpu.memory_space<hbm>> -> memref<10240x128xf32, #tpu.memory_space<hbm>>
      tpu.wait_indirect_dma semaphore(%arg15 : memref<!tpu.dma_semaphore, #tpu.memory_space<semaphore_mem>>) src(%dma_wait3A_85 : memref<10240x128xf32, #tpu.memory_space<hbm>>) dst(%arg12 : memref<128x128xf32, #tpu.memory_space<vmem>>)
      %run_scoped3A_86 = arith.constant 39 : i32
      "tpu.region"() ({
        %run_scoped3A_87 = tpu.sem_alloc : memref<!tpu.dma_semaphore, #tpu.memory_space<semaphore_mem>>
        %dma_start3A_88 = arith.constant 0 : i32
        %dma_start3A_89 = tpu.memref_slice %arg10[%run_scoped3A_86, %dma_start3A_88] : memref<40x128xi32, #tpu.memory_space<vmem>> -> memref<1x128xi32, #tpu.memory_space<vmem>>
        %dma_start3A_90 = tpu.memref_squeeze %dma_start3A_89 : memref<1x128xi32, #tpu.memory_space<vmem>> -> memref<128xi32, #tpu.memory_space<vmem>>
        %dma_start3A_91 = arith.constant 0 : i32
        %dma_start3A_92 = arith.constant 0 : i32
        %dma_start3A_93 = tpu.memref_slice %arg13[%dma_start3A_91, %dma_start3A_92] : memref<10240x128xf32, #tpu.memory_space<vmem_shared>> -> memref<10240x128xf32, #tpu.memory_space<vmem_shared>>
        tpu.enqueue_indirect_dma source(%arg12 : memref<128x128xf32, #tpu.memory_space<vmem>>) target(%dma_start3A_93 : memref<10240x128xf32, #tpu.memory_space<vmem_shared>>) offsets(%dma_start3A_90 : memref<128xi32, #tpu.memory_space<vmem>>) semaphore(%run_scoped3A_87 : memref<!tpu.dma_semaphore, #tpu.memory_space<semaphore_mem>>) {add = true}
        %dma_wait3A_94 = arith.constant 0 : i32
        %dma_wait3A_95 = tpu.memref_slice %arg10[%run_scoped3A_86, %dma_wait3A_94] : memref<40x128xi32, #tpu.memory_space<vmem>> -> memref<1x128xi32, #tpu.memory_space<vmem>>
        %dma_wait3A_96 = tpu.memref_squeeze %dma_wait3A_95 : memref<1x128xi32, #tpu.memory_space<vmem>> -> memref<128xi32, #tpu.memory_space<vmem>>
        %dma_wait3A_97 = arith.constant 0 : i32
        %dma_wait3A_98 = arith.constant 0 : i32
        %dma_wait3A_99 = tpu.memref_slice %arg13[%dma_wait3A_97, %dma_wait3A_98] : memref<10240x128xf32, #tpu.memory_space<vmem_shared>> -> memref<10240x128xf32, #tpu.memory_space<vmem_shared>>
        tpu.wait_indirect_dma semaphore(%run_scoped3A_87 : memref<!tpu.dma_semaphore, #tpu.memory_space<semaphore_mem>>) src(%arg12 : memref<128x128xf32, #tpu.memory_space<vmem>>) dst(%dma_wait3A_99 : memref<10240x128xf32, #tpu.memory_space<vmem_shared>>)
        tpu.yield
      }) : () -> ()
    } else {
    }
    %eq3A_3 = arith.constant 1 : i32
    %eq3A_4 = arith.cmpi eq, %arg0, %eq3A_3 : i32
    %convert_element_type3A_5 = arith.extui %eq3A_4 : i1 to i32
    %cond3A_6 = arith.constant 0 : i32
    %cond3A_7 = arith.cmpi ne, %convert_element_type3A_5, %cond3A_6 : i32
    scf.if %cond3A_7 {
      "tpu.region"() ({
        %run_scoped3A_87 = tpu.sem_alloc : memref<!tpu.dma_semaphore, #tpu.memory_space<semaphore_mem>>
        %dma_start3A_88 = arith.constant 0 : i32
        %dma_start3A_89 = arith.constant 0 : i32
        %dma_start3A_90 = tpu.memref_slice %arg4[%arg1, %dma_start3A_88, %dma_start3A_89] : memref<16x80x128xi32, #tpu.memory_space<hbm>> -> memref<1x40x128xi32, #tpu.memory_space<hbm>>
        %dma_start3A_91 = tpu.memref_squeeze %dma_start3A_90 : memref<1x40x128xi32, #tpu.memory_space<hbm>> -> memref<40x128xi32, #tpu.memory_space<hbm>>
        %dma_start3A_92 = arith.constant 0 : i32
        %dma_start3A_93 = arith.constant 0 : i32
        %dma_start3A_94 = tpu.memref_slice %arg4[%arg1, %dma_start3A_92, %dma_start3A_93] : memref<16x80x128xi32, #tpu.memory_space<hbm>> -> memref<1x40x128xi32, #tpu.memory_space<hbm>>
        %dma_start3A_95 = tpu.memref_squeeze %dma_start3A_94 : memref<1x40x128xi32, #tpu.memory_space<hbm>> -> memref<40x128xi32, #tpu.memory_space<hbm>>
        tpu.enqueue_dma source(%dma_start3A_95 : memref<40x128xi32, #tpu.memory_space<hbm>>) target(%arg9 : memref<40x128xi32, #tpu.memory_space<vmem>>) target_semaphore(%run_scoped3A_87 : memref<!tpu.dma_semaphore, #tpu.memory_space<semaphore_mem>>)
        %dma_wait3A_96 = arith.constant 0 : i32
        %dma_wait3A_97 = arith.constant 0 : i32
        %dma_wait3A_98 = tpu.memref_slice %arg4[%arg1, %dma_wait3A_96, %dma_wait3A_97] : memref<16x80x128xi32, #tpu.memory_space<hbm>> -> memref<1x40x128xi32, #tpu.memory_space<hbm>>
        %dma_wait3A_99 = tpu.memref_squeeze %dma_wait3A_98 : memref<1x40x128xi32, #tpu.memory_space<hbm>> -> memref<40x128xi32, #tpu.memory_space<hbm>>
        %dma_wait3A_100 = arith.constant 0 : i32
        %dma_wait3A_101 = arith.constant 0 : i32
        %dma_wait3A_102 = tpu.memref_slice %arg4[%arg1, %dma_wait3A_100, %dma_wait3A_101] : memref<16x80x128xi32, #tpu.memory_space<hbm>> -> memref<1x40x128xi32, #tpu.memory_space<hbm>>
        %dma_wait3A_103 = tpu.memref_squeeze %dma_wait3A_102 : memref<1x40x128xi32, #tpu.memory_space<hbm>> -> memref<40x128xi32, #tpu.memory_space<hbm>>
        tpu.wait_dma2 semaphore(%run_scoped3A_87 : memref<!tpu.dma_semaphore, #tpu.memory_space<semaphore_mem>>) src(%dma_wait3A_103 : memref<40x128xi32, #tpu.memory_space<hbm>>) dst(%arg9 : memref<40x128xi32, #tpu.memory_space<vmem>>)
        tpu.yield
      }) : () -> ()
      "tpu.region"() ({
        %run_scoped3A_87 = tpu.sem_alloc : memref<!tpu.dma_semaphore, #tpu.memory_space<semaphore_mem>>
        %dma_start3A_88 = arith.constant 0 : i32
        %dma_start3A_89 = arith.constant 0 : i32
        %dma_start3A_90 = tpu.memref_slice %arg5[%arg1, %dma_start3A_88, %dma_start3A_89] : memref<16x80x128xi32, #tpu.memory_space<hbm>> -> memref<1x40x128xi32, #tpu.memory_space<hbm>>
        %dma_start3A_91 = tpu.memref_squeeze %dma_start3A_90 : memref<1x40x128xi32, #tpu.memory_space<hbm>> -> memref<40x128xi32, #tpu.memory_space<hbm>>
        %dma_start3A_92 = arith.constant 0 : i32
        %dma_start3A_93 = arith.constant 0 : i32
        %dma_start3A_94 = tpu.memref_slice %arg5[%arg1, %dma_start3A_92, %dma_start3A_93] : memref<16x80x128xi32, #tpu.memory_space<hbm>> -> memref<1x40x128xi32, #tpu.memory_space<hbm>>
        %dma_start3A_95 = tpu.memref_squeeze %dma_start3A_94 : memref<1x40x128xi32, #tpu.memory_space<hbm>> -> memref<40x128xi32, #tpu.memory_space<hbm>>
        tpu.enqueue_dma source(%dma_start3A_95 : memref<40x128xi32, #tpu.memory_space<hbm>>) target(%arg10 : memref<40x128xi32, #tpu.memory_space<vmem>>) target_semaphore(%run_scoped3A_87 : memref<!tpu.dma_semaphore, #tpu.memory_space<semaphore_mem>>)
        %dma_wait3A_96 = arith.constant 0 : i32
        %dma_wait3A_97 = arith.constant 0 : i32
        %dma_wait3A_98 = tpu.memref_slice %arg5[%arg1, %dma_wait3A_96, %dma_wait3A_97] : memref<16x80x128xi32, #tpu.memory_space<hbm>> -> memref<1x40x128xi32, #tpu.memory_space<hbm>>
        %dma_wait3A_99 = tpu.memref_squeeze %dma_wait3A_98 : memref<1x40x128xi32, #tpu.memory_space<hbm>> -> memref<40x128xi32, #tpu.memory_space<hbm>>
        %dma_wait3A_100 = arith.constant 0 : i32
        %dma_wait3A_101 = arith.constant 0 : i32
        %dma_wait3A_102 = tpu.memref_slice %arg5[%arg1, %dma_wait3A_100, %dma_wait3A_101] : memref<16x80x128xi32, #tpu.memory_space<hbm>> -> memref<1x40x128xi32, #tpu.memory_space<hbm>>
        %dma_wait3A_103 = tpu.memref_squeeze %dma_wait3A_102 : memref<1x40x128xi32, #tpu.memory_space<hbm>> -> memref<40x128xi32, #tpu.memory_space<hbm>>
        tpu.wait_dma2 semaphore(%run_scoped3A_87 : memref<!tpu.dma_semaphore, #tpu.memory_space<semaphore_mem>>) src(%dma_wait3A_103 : memref<40x128xi32, #tpu.memory_space<hbm>>) dst(%arg10 : memref<40x128xi32, #tpu.memory_space<vmem>>)
        tpu.yield
      }) : () -> ()
      %dma_start3A = arith.constant 0 : i32
      %dma_start3A_19 = arith.constant 0 : i32
      %dma_start3A_20 = tpu.memref_slice %arg9[%dma_start3A, %dma_start3A_19] : memref<40x128xi32, #tpu.memory_space<vmem>> -> memref<1x128xi32, #tpu.memory_space<vmem>>
      %dma_start3A_21 = tpu.memref_squeeze %dma_start3A_20 : memref<1x128xi32, #tpu.memory_space<vmem>> -> memref<128xi32, #tpu.memory_space<vmem>>
      %dma_start3A_22 = arith.constant 0 : i32
      %dma_start3A_23 = arith.constant 0 : i32
      %dma_start3A_24 = tpu.memref_slice %arg3[%dma_start3A_22, %dma_start3A_23] : memref<10240x128xf32, #tpu.memory_space<hbm>> -> memref<10240x128xf32, #tpu.memory_space<hbm>>
      tpu.enqueue_indirect_dma source(%dma_start3A_24 : memref<10240x128xf32, #tpu.memory_space<hbm>>) target(%arg11 : memref<128x128xf32, #tpu.memory_space<vmem>>) offsets(%dma_start3A_21 : memref<128xi32, #tpu.memory_space<vmem>>) semaphore(%arg14 : memref<!tpu.dma_semaphore, #tpu.memory_space<semaphore_mem>>)
      %dma_start3A_25 = arith.constant 1 : i32
      %dma_start3A_26 = arith.constant 0 : i32
      %dma_start3A_27 = tpu.memref_slice %arg9[%dma_start3A_25, %dma_start3A_26] : memref<40x128xi32, #tpu.memory_space<vmem>> -> memref<1x128xi32, #tpu.memory_space<vmem>>
      %dma_start3A_28 = tpu.memref_squeeze %dma_start3A_27 : memref<1x128xi32, #tpu.memory_space<vmem>> -> memref<128xi32, #tpu.memory_space<vmem>>
      %dma_start3A_29 = arith.constant 0 : i32
      %dma_start3A_30 = arith.constant 0 : i32
      %dma_start3A_31 = tpu.memref_slice %arg3[%dma_start3A_29, %dma_start3A_30] : memref<10240x128xf32, #tpu.memory_space<hbm>> -> memref<10240x128xf32, #tpu.memory_space<hbm>>
      tpu.enqueue_indirect_dma source(%dma_start3A_31 : memref<10240x128xf32, #tpu.memory_space<hbm>>) target(%arg12 : memref<128x128xf32, #tpu.memory_space<vmem>>) offsets(%dma_start3A_28 : memref<128xi32, #tpu.memory_space<vmem>>) semaphore(%arg15 : memref<!tpu.dma_semaphore, #tpu.memory_space<semaphore_mem>>)
      %scan3A = arith.constant 0 : i32
      %scan3A_32 = arith.constant 0 : i32
      %scan3A_33 = arith.constant 19 : i32
      %scan3A_34 = arith.addi %scan3A_32, %scan3A_33 : i32
      %scan3A_35 = arith.constant 1 : i32
      scf.for %scan3A_87 = %scan3A_32 to %scan3A_34 step %scan3A_35  : i32 {
        %dma_wait3A_88 = arith.constant 0 : i32
        %dma_wait3A_89 = arith.constant 0 : i32
        %dma_wait3A_90 = tpu.memref_slice %arg9[%dma_wait3A_88, %dma_wait3A_89] : memref<40x128xi32, #tpu.memory_space<vmem>> -> memref<1x128xi32, #tpu.memory_space<vmem>>
        %dma_wait3A_91 = tpu.memref_squeeze %dma_wait3A_90 : memref<1x128xi32, #tpu.memory_space<vmem>> -> memref<128xi32, #tpu.memory_space<vmem>>
        %dma_wait3A_92 = arith.constant 0 : i32
        %dma_wait3A_93 = arith.constant 0 : i32
        %dma_wait3A_94 = tpu.memref_slice %arg3[%dma_wait3A_92, %dma_wait3A_93] : memref<10240x128xf32, #tpu.memory_space<hbm>> -> memref<10240x128xf32, #tpu.memory_space<hbm>>
        tpu.wait_indirect_dma semaphore(%arg14 : memref<!tpu.dma_semaphore, #tpu.memory_space<semaphore_mem>>) src(%dma_wait3A_94 : memref<10240x128xf32, #tpu.memory_space<hbm>>) dst(%arg11 : memref<128x128xf32, #tpu.memory_space<vmem>>)
        %mul3A_95 = arith.constant 2 : i32
        %mul3A_96 = arith.muli %mul3A_95, %scan3A_87 : i32
        "tpu.region"() ({
          %run_scoped3A_127 = tpu.sem_alloc : memref<!tpu.dma_semaphore, #tpu.memory_space<semaphore_mem>>
          %dma_start3A_128 = arith.constant 0 : i32
          %dma_start3A_129 = tpu.memref_slice %arg10[%mul3A_96, %dma_start3A_128] : memref<40x128xi32, #tpu.memory_space<vmem>> -> memref<1x128xi32, #tpu.memory_space<vmem>>
          %dma_start3A_130 = tpu.memref_squeeze %dma_start3A_129 : memref<1x128xi32, #tpu.memory_space<vmem>> -> memref<128xi32, #tpu.memory_space<vmem>>
          %dma_start3A_131 = arith.constant 0 : i32
          %dma_start3A_132 = arith.constant 0 : i32
          %dma_start3A_133 = tpu.memref_slice %arg13[%dma_start3A_131, %dma_start3A_132] : memref<10240x128xf32, #tpu.memory_space<vmem_shared>> -> memref<10240x128xf32, #tpu.memory_space<vmem_shared>>
          tpu.enqueue_indirect_dma source(%arg11 : memref<128x128xf32, #tpu.memory_space<vmem>>) target(%dma_start3A_133 : memref<10240x128xf32, #tpu.memory_space<vmem_shared>>) offsets(%dma_start3A_130 : memref<128xi32, #tpu.memory_space<vmem>>) semaphore(%run_scoped3A_127 : memref<!tpu.dma_semaphore, #tpu.memory_space<semaphore_mem>>) {add = true}
          %dma_wait3A_134 = arith.constant 0 : i32
          %dma_wait3A_135 = tpu.memref_slice %arg10[%mul3A_96, %dma_wait3A_134] : memref<40x128xi32, #tpu.memory_space<vmem>> -> memref<1x128xi32, #tpu.memory_space<vmem>>
          %dma_wait3A_136 = tpu.memref_squeeze %dma_wait3A_135 : memref<1x128xi32, #tpu.memory_space<vmem>> -> memref<128xi32, #tpu.memory_space<vmem>>
          %dma_wait3A_137 = arith.constant 0 : i32
          %dma_wait3A_138 = arith.constant 0 : i32
          %dma_wait3A_139 = tpu.memref_slice %arg13[%dma_wait3A_137, %dma_wait3A_138] : memref<10240x128xf32, #tpu.memory_space<vmem_shared>> -> memref<10240x128xf32, #tpu.memory_space<vmem_shared>>
          tpu.wait_indirect_dma semaphore(%run_scoped3A_127 : memref<!tpu.dma_semaphore, #tpu.memory_space<semaphore_mem>>) src(%arg11 : memref<128x128xf32, #tpu.memory_space<vmem>>) dst(%dma_wait3A_139 : memref<10240x128xf32, #tpu.memory_space<vmem_shared>>)
          tpu.yield
        }) : () -> ()
        %mul3A_97 = arith.constant 2 : i32
        %mul3A_98 = arith.muli %mul3A_97, %scan3A_87 : i32
        %add3A = arith.constant 2 : i32
        %add3A_99 = arith.addi %mul3A_98, %add3A : i32
        %dma_start3A_100 = arith.constant 0 : i32
        %dma_start3A_101 = tpu.memref_slice %arg9[%add3A_99, %dma_start3A_100] : memref<40x128xi32, #tpu.memory_space<vmem>> -> memref<1x128xi32, #tpu.memory_space<vmem>>
        %dma_start3A_102 = tpu.memref_squeeze %dma_start3A_101 : memref<1x128xi32, #tpu.memory_space<vmem>> -> memref<128xi32, #tpu.memory_space<vmem>>
        %dma_start3A_103 = arith.constant 0 : i32
        %dma_start3A_104 = arith.constant 0 : i32
        %dma_start3A_105 = tpu.memref_slice %arg3[%dma_start3A_103, %dma_start3A_104] : memref<10240x128xf32, #tpu.memory_space<hbm>> -> memref<10240x128xf32, #tpu.memory_space<hbm>>
        tpu.enqueue_indirect_dma source(%dma_start3A_105 : memref<10240x128xf32, #tpu.memory_space<hbm>>) target(%arg11 : memref<128x128xf32, #tpu.memory_space<vmem>>) offsets(%dma_start3A_102 : memref<128xi32, #tpu.memory_space<vmem>>) semaphore(%arg14 : memref<!tpu.dma_semaphore, #tpu.memory_space<semaphore_mem>>)
        %dma_wait3A_106 = arith.constant 0 : i32
        %dma_wait3A_107 = arith.constant 0 : i32
        %dma_wait3A_108 = tpu.memref_slice %arg9[%dma_wait3A_106, %dma_wait3A_107] : memref<40x128xi32, #tpu.memory_space<vmem>> -> memref<1x128xi32, #tpu.memory_space<vmem>>
        %dma_wait3A_109 = tpu.memref_squeeze %dma_wait3A_108 : memref<1x128xi32, #tpu.memory_space<vmem>> -> memref<128xi32, #tpu.memory_space<vmem>>
        %dma_wait3A_110 = arith.constant 0 : i32
        %dma_wait3A_111 = arith.constant 0 : i32
        %dma_wait3A_112 = tpu.memref_slice %arg3[%dma_wait3A_110, %dma_wait3A_111] : memref<10240x128xf32, #tpu.memory_space<hbm>> -> memref<10240x128xf32, #tpu.memory_space<hbm>>
        tpu.wait_indirect_dma semaphore(%arg15 : memref<!tpu.dma_semaphore, #tpu.memory_space<semaphore_mem>>) src(%dma_wait3A_112 : memref<10240x128xf32, #tpu.memory_space<hbm>>) dst(%arg12 : memref<128x128xf32, #tpu.memory_space<vmem>>)
        %mul3A_113 = arith.constant 2 : i32
        %mul3A_114 = arith.muli %mul3A_113, %scan3A_87 : i32
        %add3A_115 = arith.constant 1 : i32
        %add3A_116 = arith.addi %mul3A_114, %add3A_115 : i32
        "tpu.region"() ({
          %run_scoped3A_127 = tpu.sem_alloc : memref<!tpu.dma_semaphore, #tpu.memory_space<semaphore_mem>>
          %dma_start3A_128 = arith.constant 0 : i32
          %dma_start3A_129 = tpu.memref_slice %arg10[%add3A_116, %dma_start3A_128] : memref<40x128xi32, #tpu.memory_space<vmem>> -> memref<1x128xi32, #tpu.memory_space<vmem>>
          %dma_start3A_130 = tpu.memref_squeeze %dma_start3A_129 : memref<1x128xi32, #tpu.memory_space<vmem>> -> memref<128xi32, #tpu.memory_space<vmem>>
          %dma_start3A_131 = arith.constant 0 : i32
          %dma_start3A_132 = arith.constant 0 : i32
          %dma_start3A_133 = tpu.memref_slice %arg13[%dma_start3A_131, %dma_start3A_132] : memref<10240x128xf32, #tpu.memory_space<vmem_shared>> -> memref<10240x128xf32, #tpu.memory_space<vmem_shared>>
          tpu.enqueue_indirect_dma source(%arg12 : memref<128x128xf32, #tpu.memory_space<vmem>>) target(%dma_start3A_133 : memref<10240x128xf32, #tpu.memory_space<vmem_shared>>) offsets(%dma_start3A_130 : memref<128xi32, #tpu.memory_space<vmem>>) semaphore(%run_scoped3A_127 : memref<!tpu.dma_semaphore, #tpu.memory_space<semaphore_mem>>) {add = true}
          %dma_wait3A_134 = arith.constant 0 : i32
          %dma_wait3A_135 = tpu.memref_slice %arg10[%add3A_116, %dma_wait3A_134] : memref<40x128xi32, #tpu.memory_space<vmem>> -> memref<1x128xi32, #tpu.memory_space<vmem>>
          %dma_wait3A_136 = tpu.memref_squeeze %dma_wait3A_135 : memref<1x128xi32, #tpu.memory_space<vmem>> -> memref<128xi32, #tpu.memory_space<vmem>>
          %dma_wait3A_137 = arith.constant 0 : i32
          %dma_wait3A_138 = arith.constant 0 : i32
          %dma_wait3A_139 = tpu.memref_slice %arg13[%dma_wait3A_137, %dma_wait3A_138] : memref<10240x128xf32, #tpu.memory_space<vmem_shared>> -> memref<10240x128xf32, #tpu.memory_space<vmem_shared>>
          tpu.wait_indirect_dma semaphore(%run_scoped3A_127 : memref<!tpu.dma_semaphore, #tpu.memory_space<semaphore_mem>>) src(%arg12 : memref<128x128xf32, #tpu.memory_space<vmem>>) dst(%dma_wait3A_139 : memref<10240x128xf32, #tpu.memory_space<vmem_shared>>)
          tpu.yield
        }) : () -> ()
        %mul3A_117 = arith.constant 2 : i32
        %mul3A_118 = arith.muli %mul3A_117, %scan3A_87 : i32
        %add3A_119 = arith.constant 3 : i32
        %add3A_120 = arith.addi %mul3A_118, %add3A_119 : i32
        %dma_start3A_121 = arith.constant 0 : i32
        %dma_start3A_122 = tpu.memref_slice %arg9[%add3A_120, %dma_start3A_121] : memref<40x128xi32, #tpu.memory_space<vmem>> -> memref<1x128xi32, #tpu.memory_space<vmem>>
        %dma_start3A_123 = tpu.memref_squeeze %dma_start3A_122 : memref<1x128xi32, #tpu.memory_space<vmem>> -> memref<128xi32, #tpu.memory_space<vmem>>
        %dma_start3A_124 = arith.constant 0 : i32
        %dma_start3A_125 = arith.constant 0 : i32
        %dma_start3A_126 = tpu.memref_slice %arg3[%dma_start3A_124, %dma_start3A_125] : memref<10240x128xf32, #tpu.memory_space<hbm>> -> memref<10240x128xf32, #tpu.memory_space<hbm>>
        tpu.enqueue_indirect_dma source(%dma_start3A_126 : memref<10240x128xf32, #tpu.memory_space<hbm>>) target(%arg12 : memref<128x128xf32, #tpu.memory_space<vmem>>) offsets(%dma_start3A_123 : memref<128xi32, #tpu.memory_space<vmem>>) semaphore(%arg15 : memref<!tpu.dma_semaphore, #tpu.memory_space<semaphore_mem>>)
      }
      %scan3A_36 = arith.constant 19 : i32
      %dma_wait3A = arith.constant 0 : i32
      %dma_wait3A_37 = arith.constant 0 : i32
      %dma_wait3A_38 = tpu.memref_slice %arg9[%dma_wait3A, %dma_wait3A_37] : memref<40x128xi32, #tpu.memory_space<vmem>> -> memref<1x128xi32, #tpu.memory_space<vmem>>
      %dma_wait3A_39 = tpu.memref_squeeze %dma_wait3A_38 : memref<1x128xi32, #tpu.memory_space<vmem>> -> memref<128xi32, #tpu.memory_space<vmem>>
      %dma_wait3A_40 = arith.constant 0 : i32
      %dma_wait3A_41 = arith.constant 0 : i32
      %dma_wait3A_42 = tpu.memref_slice %arg3[%dma_wait3A_40, %dma_wait3A_41] : memref<10240x128xf32, #tpu.memory_space<hbm>> -> memref<10240x128xf32, #tpu.memory_space<hbm>>
      tpu.wait_indirect_dma semaphore(%arg14 : memref<!tpu.dma_semaphore, #tpu.memory_space<semaphore_mem>>) src(%dma_wait3A_42 : memref<10240x128xf32, #tpu.memory_space<hbm>>) dst(%arg11 : memref<128x128xf32, #tpu.memory_space<vmem>>)
      %run_scoped3A = arith.constant 38 : i32
      "tpu.region"() ({
        %run_scoped3A_87 = tpu.sem_alloc : memref<!tpu.dma_semaphore, #tpu.memory_space<semaphore_mem>>
        %dma_start3A_88 = arith.constant 0 : i32
        %dma_start3A_89 = tpu.memref_slice %arg10[%run_scoped3A, %dma_start3A_88] : memref<40x128xi32, #tpu.memory_space<vmem>> -> memref<1x128xi32, #tpu.memory_space<vmem>>
        %dma_start3A_90 = tpu.memref_squeeze %dma_start3A_89 : memref<1x128xi32, #tpu.memory_space<vmem>> -> memref<128xi32, #tpu.memory_space<vmem>>
        %dma_start3A_91 = arith.constant 0 : i32
        %dma_start3A_92 = arith.constant 0 : i32
        %dma_start3A_93 = tpu.memref_slice %arg13[%dma_start3A_91, %dma_start3A_92] : memref<10240x128xf32, #tpu.memory_space<vmem_shared>> -> memref<10240x128xf32, #tpu.memory_space<vmem_shared>>
        tpu.enqueue_indirect_dma source(%arg11 : memref<128x128xf32, #tpu.memory_space<vmem>>) target(%dma_start3A_93 : memref<10240x128xf32, #tpu.memory_space<vmem_shared>>) offsets(%dma_start3A_90 : memref<128xi32, #tpu.memory_space<vmem>>) semaphore(%run_scoped3A_87 : memref<!tpu.dma_semaphore, #tpu.memory_space<semaphore_mem>>) {add = true}
        %dma_wait3A_94 = arith.constant 0 : i32
        %dma_wait3A_95 = tpu.memref_slice %arg10[%run_scoped3A, %dma_wait3A_94] : memref<40x128xi32, #tpu.memory_space<vmem>> -> memref<1x128xi32, #tpu.memory_space<vmem>>
        %dma_wait3A_96 = tpu.memref_squeeze %dma_wait3A_95 : memref<1x128xi32, #tpu.memory_space<vmem>> -> memref<128xi32, #tpu.memory_space<vmem>>
        %dma_wait3A_97 = arith.constant 0 : i32
        %dma_wait3A_98 = arith.constant 0 : i32
        %dma_wait3A_99 = tpu.memref_slice %arg13[%dma_wait3A_97, %dma_wait3A_98] : memref<10240x128xf32, #tpu.memory_space<vmem_shared>> -> memref<10240x128xf32, #tpu.memory_space<vmem_shared>>
        tpu.wait_indirect_dma semaphore(%run_scoped3A_87 : memref<!tpu.dma_semaphore, #tpu.memory_space<semaphore_mem>>) src(%arg11 : memref<128x128xf32, #tpu.memory_space<vmem>>) dst(%dma_wait3A_99 : memref<10240x128xf32, #tpu.memory_space<vmem_shared>>)
        tpu.yield
      }) : () -> ()
      %dma_wait3A_43 = arith.constant 0 : i32
      %dma_wait3A_44 = arith.constant 0 : i32
      %dma_wait3A_45 = tpu.memref_slice %arg9[%dma_wait3A_43, %dma_wait3A_44] : memref<40x128xi32, #tpu.memory_space<vmem>> -> memref<1x128xi32, #tpu.memory_space<vmem>>
      %dma_wait3A_46 = tpu.memref_squeeze %dma_wait3A_45 : memref<1x128xi32, #tpu.memory_space<vmem>> -> memref<128xi32, #tpu.memory_space<vmem>>
      %dma_wait3A_47 = arith.constant 0 : i32
      %dma_wait3A_48 = arith.constant 0 : i32
      %dma_wait3A_49 = tpu.memref_slice %arg3[%dma_wait3A_47, %dma_wait3A_48] : memref<10240x128xf32, #tpu.memory_space<hbm>> -> memref<10240x128xf32, #tpu.memory_space<hbm>>
      tpu.wait_indirect_dma semaphore(%arg15 : memref<!tpu.dma_semaphore, #tpu.memory_space<semaphore_mem>>) src(%dma_wait3A_49 : memref<10240x128xf32, #tpu.memory_space<hbm>>) dst(%arg12 : memref<128x128xf32, #tpu.memory_space<vmem>>)
      %run_scoped3A_50 = arith.constant 39 : i32
      "tpu.region"() ({
        %run_scoped3A_87 = tpu.sem_alloc : memref<!tpu.dma_semaphore, #tpu.memory_space<semaphore_mem>>
        %dma_start3A_88 = arith.constant 0 : i32
        %dma_start3A_89 = tpu.memref_slice %arg10[%run_scoped3A_50, %dma_start3A_88] : memref<40x128xi32, #tpu.memory_space<vmem>> -> memref<1x128xi32, #tpu.memory_space<vmem>>
        %dma_start3A_90 = tpu.memref_squeeze %dma_start3A_89 : memref<1x128xi32, #tpu.memory_space<vmem>> -> memref<128xi32, #tpu.memory_space<vmem>>
        %dma_start3A_91 = arith.constant 0 : i32
        %dma_start3A_92 = arith.constant 0 : i32
        %dma_start3A_93 = tpu.memref_slice %arg13[%dma_start3A_91, %dma_start3A_92] : memref<10240x128xf32, #tpu.memory_space<vmem_shared>> -> memref<10240x128xf32, #tpu.memory_space<vmem_shared>>
        tpu.enqueue_indirect_dma source(%arg12 : memref<128x128xf32, #tpu.memory_space<vmem>>) target(%dma_start3A_93 : memref<10240x128xf32, #tpu.memory_space<vmem_shared>>) offsets(%dma_start3A_90 : memref<128xi32, #tpu.memory_space<vmem>>) semaphore(%run_scoped3A_87 : memref<!tpu.dma_semaphore, #tpu.memory_space<semaphore_mem>>) {add = true}
        %dma_wait3A_94 = arith.constant 0 : i32
        %dma_wait3A_95 = tpu.memref_slice %arg10[%run_scoped3A_50, %dma_wait3A_94] : memref<40x128xi32, #tpu.memory_space<vmem>> -> memref<1x128xi32, #tpu.memory_space<vmem>>
        %dma_wait3A_96 = tpu.memref_squeeze %dma_wait3A_95 : memref<1x128xi32, #tpu.memory_space<vmem>> -> memref<128xi32, #tpu.memory_space<vmem>>
        %dma_wait3A_97 = arith.constant 0 : i32
        %dma_wait3A_98 = arith.constant 0 : i32
        %dma_wait3A_99 = tpu.memref_slice %arg13[%dma_wait3A_97, %dma_wait3A_98] : memref<10240x128xf32, #tpu.memory_space<vmem_shared>> -> memref<10240x128xf32, #tpu.memory_space<vmem_shared>>
        tpu.wait_indirect_dma semaphore(%run_scoped3A_87 : memref<!tpu.dma_semaphore, #tpu.memory_space<semaphore_mem>>) src(%arg12 : memref<128x128xf32, #tpu.memory_space<vmem>>) dst(%dma_wait3A_99 : memref<10240x128xf32, #tpu.memory_space<vmem_shared>>)
        tpu.yield
      }) : () -> ()
      "tpu.region"() ({
        %run_scoped3A_87 = tpu.sem_alloc : memref<!tpu.dma_semaphore, #tpu.memory_space<semaphore_mem>>
        %dma_start3A_88 = arith.constant 40 : i32
        %dma_start3A_89 = arith.constant 0 : i32
        %dma_start3A_90 = tpu.memref_slice %arg4[%arg1, %dma_start3A_88, %dma_start3A_89] : memref<16x80x128xi32, #tpu.memory_space<hbm>> -> memref<1x40x128xi32, #tpu.memory_space<hbm>>
        %dma_start3A_91 = tpu.memref_squeeze %dma_start3A_90 : memref<1x40x128xi32, #tpu.memory_space<hbm>> -> memref<40x128xi32, #tpu.memory_space<hbm>>
        %dma_start3A_92 = arith.constant 40 : i32
        %dma_start3A_93 = arith.constant 0 : i32
        %dma_start3A_94 = tpu.memref_slice %arg4[%arg1, %dma_start3A_92, %dma_start3A_93] : memref<16x80x128xi32, #tpu.memory_space<hbm>> -> memref<1x40x128xi32, #tpu.memory_space<hbm>>
        %dma_start3A_95 = tpu.memref_squeeze %dma_start3A_94 : memref<1x40x128xi32, #tpu.memory_space<hbm>> -> memref<40x128xi32, #tpu.memory_space<hbm>>
        tpu.enqueue_dma source(%dma_start3A_95 : memref<40x128xi32, #tpu.memory_space<hbm>>) target(%arg9 : memref<40x128xi32, #tpu.memory_space<vmem>>) target_semaphore(%run_scoped3A_87 : memref<!tpu.dma_semaphore, #tpu.memory_space<semaphore_mem>>)
        %dma_wait3A_96 = arith.constant 40 : i32
        %dma_wait3A_97 = arith.constant 0 : i32
        %dma_wait3A_98 = tpu.memref_slice %arg4[%arg1, %dma_wait3A_96, %dma_wait3A_97] : memref<16x80x128xi32, #tpu.memory_space<hbm>> -> memref<1x40x128xi32, #tpu.memory_space<hbm>>
        %dma_wait3A_99 = tpu.memref_squeeze %dma_wait3A_98 : memref<1x40x128xi32, #tpu.memory_space<hbm>> -> memref<40x128xi32, #tpu.memory_space<hbm>>
        %dma_wait3A_100 = arith.constant 40 : i32
        %dma_wait3A_101 = arith.constant 0 : i32
        %dma_wait3A_102 = tpu.memref_slice %arg4[%arg1, %dma_wait3A_100, %dma_wait3A_101] : memref<16x80x128xi32, #tpu.memory_space<hbm>> -> memref<1x40x128xi32, #tpu.memory_space<hbm>>
        %dma_wait3A_103 = tpu.memref_squeeze %dma_wait3A_102 : memref<1x40x128xi32, #tpu.memory_space<hbm>> -> memref<40x128xi32, #tpu.memory_space<hbm>>
        tpu.wait_dma2 semaphore(%run_scoped3A_87 : memref<!tpu.dma_semaphore, #tpu.memory_space<semaphore_mem>>) src(%dma_wait3A_103 : memref<40x128xi32, #tpu.memory_space<hbm>>) dst(%arg9 : memref<40x128xi32, #tpu.memory_space<vmem>>)
        tpu.yield
      }) : () -> ()
      "tpu.region"() ({
        %run_scoped3A_87 = tpu.sem_alloc : memref<!tpu.dma_semaphore, #tpu.memory_space<semaphore_mem>>
        %dma_start3A_88 = arith.constant 40 : i32
        %dma_start3A_89 = arith.constant 0 : i32
        %dma_start3A_90 = tpu.memref_slice %arg5[%arg1, %dma_start3A_88, %dma_start3A_89] : memref<16x80x128xi32, #tpu.memory_space<hbm>> -> memref<1x40x128xi32, #tpu.memory_space<hbm>>
        %dma_start3A_91 = tpu.memref_squeeze %dma_start3A_90 : memref<1x40x128xi32, #tpu.memory_space<hbm>> -> memref<40x128xi32, #tpu.memory_space<hbm>>
        %dma_start3A_92 = arith.constant 40 : i32
        %dma_start3A_93 = arith.constant 0 : i32
        %dma_start3A_94 = tpu.memref_slice %arg5[%arg1, %dma_start3A_92, %dma_start3A_93] : memref<16x80x128xi32, #tpu.memory_space<hbm>> -> memref<1x40x128xi32, #tpu.memory_space<hbm>>
        %dma_start3A_95 = tpu.memref_squeeze %dma_start3A_94 : memref<1x40x128xi32, #tpu.memory_space<hbm>> -> memref<40x128xi32, #tpu.memory_space<hbm>>
        tpu.enqueue_dma source(%dma_start3A_95 : memref<40x128xi32, #tpu.memory_space<hbm>>) target(%arg10 : memref<40x128xi32, #tpu.memory_space<vmem>>) target_semaphore(%run_scoped3A_87 : memref<!tpu.dma_semaphore, #tpu.memory_space<semaphore_mem>>)
        %dma_wait3A_96 = arith.constant 40 : i32
        %dma_wait3A_97 = arith.constant 0 : i32
        %dma_wait3A_98 = tpu.memref_slice %arg5[%arg1, %dma_wait3A_96, %dma_wait3A_97] : memref<16x80x128xi32, #tpu.memory_space<hbm>> -> memref<1x40x128xi32, #tpu.memory_space<hbm>>
        %dma_wait3A_99 = tpu.memref_squeeze %dma_wait3A_98 : memref<1x40x128xi32, #tpu.memory_space<hbm>> -> memref<40x128xi32, #tpu.memory_space<hbm>>
        %dma_wait3A_100 = arith.constant 40 : i32
        %dma_wait3A_101 = arith.constant 0 : i32
        %dma_wait3A_102 = tpu.memref_slice %arg5[%arg1, %dma_wait3A_100, %dma_wait3A_101] : memref<16x80x128xi32, #tpu.memory_space<hbm>> -> memref<1x40x128xi32, #tpu.memory_space<hbm>>
        %dma_wait3A_103 = tpu.memref_squeeze %dma_wait3A_102 : memref<1x40x128xi32, #tpu.memory_space<hbm>> -> memref<40x128xi32, #tpu.memory_space<hbm>>
        tpu.wait_dma2 semaphore(%run_scoped3A_87 : memref<!tpu.dma_semaphore, #tpu.memory_space<semaphore_mem>>) src(%dma_wait3A_103 : memref<40x128xi32, #tpu.memory_space<hbm>>) dst(%arg10 : memref<40x128xi32, #tpu.memory_space<vmem>>)
        tpu.yield
      }) : () -> ()
      %dma_start3A_51 = arith.constant 0 : i32
      %dma_start3A_52 = arith.constant 0 : i32
      %dma_start3A_53 = tpu.memref_slice %arg9[%dma_start3A_51, %dma_start3A_52] : memref<40x128xi32, #tpu.memory_space<vmem>> -> memref<1x128xi32, #tpu.memory_space<vmem>>
      %dma_start3A_54 = tpu.memref_squeeze %dma_start3A_53 : memref<1x128xi32, #tpu.memory_space<vmem>> -> memref<128xi32, #tpu.memory_space<vmem>>
      %dma_start3A_55 = arith.constant 0 : i32
      %dma_start3A_56 = arith.constant 0 : i32
      %dma_start3A_57 = tpu.memref_slice %arg3[%dma_start3A_55, %dma_start3A_56] : memref<10240x128xf32, #tpu.memory_space<hbm>> -> memref<10240x128xf32, #tpu.memory_space<hbm>>
      tpu.enqueue_indirect_dma source(%dma_start3A_57 : memref<10240x128xf32, #tpu.memory_space<hbm>>) target(%arg11 : memref<128x128xf32, #tpu.memory_space<vmem>>) offsets(%dma_start3A_54 : memref<128xi32, #tpu.memory_space<vmem>>) semaphore(%arg14 : memref<!tpu.dma_semaphore, #tpu.memory_space<semaphore_mem>>)
      %dma_start3A_58 = arith.constant 1 : i32
      %dma_start3A_59 = arith.constant 0 : i32
      %dma_start3A_60 = tpu.memref_slice %arg9[%dma_start3A_58, %dma_start3A_59] : memref<40x128xi32, #tpu.memory_space<vmem>> -> memref<1x128xi32, #tpu.memory_space<vmem>>
      %dma_start3A_61 = tpu.memref_squeeze %dma_start3A_60 : memref<1x128xi32, #tpu.memory_space<vmem>> -> memref<128xi32, #tpu.memory_space<vmem>>
      %dma_start3A_62 = arith.constant 0 : i32
      %dma_start3A_63 = arith.constant 0 : i32
      %dma_start3A_64 = tpu.memref_slice %arg3[%dma_start3A_62, %dma_start3A_63] : memref<10240x128xf32, #tpu.memory_space<hbm>> -> memref<10240x128xf32, #tpu.memory_space<hbm>>
      tpu.enqueue_indirect_dma source(%dma_start3A_64 : memref<10240x128xf32, #tpu.memory_space<hbm>>) target(%arg12 : memref<128x128xf32, #tpu.memory_space<vmem>>) offsets(%dma_start3A_61 : memref<128xi32, #tpu.memory_space<vmem>>) semaphore(%arg15 : memref<!tpu.dma_semaphore, #tpu.memory_space<semaphore_mem>>)
      %scan3A_65 = arith.constant 0 : i32
      %scan3A_66 = arith.constant 0 : i32
      %scan3A_67 = arith.constant 19 : i32
      %scan3A_68 = arith.addi %scan3A_66, %scan3A_67 : i32
      %scan3A_69 = arith.constant 1 : i32
      scf.for %scan3A_87 = %scan3A_66 to %scan3A_68 step %scan3A_69  : i32 {
        %dma_wait3A_88 = arith.constant 0 : i32
        %dma_wait3A_89 = arith.constant 0 : i32
        %dma_wait3A_90 = tpu.memref_slice %arg9[%dma_wait3A_88, %dma_wait3A_89] : memref<40x128xi32, #tpu.memory_space<vmem>> -> memref<1x128xi32, #tpu.memory_space<vmem>>
        %dma_wait3A_91 = tpu.memref_squeeze %dma_wait3A_90 : memref<1x128xi32, #tpu.memory_space<vmem>> -> memref<128xi32, #tpu.memory_space<vmem>>
        %dma_wait3A_92 = arith.constant 0 : i32
        %dma_wait3A_93 = arith.constant 0 : i32
        %dma_wait3A_94 = tpu.memref_slice %arg3[%dma_wait3A_92, %dma_wait3A_93] : memref<10240x128xf32, #tpu.memory_space<hbm>> -> memref<10240x128xf32, #tpu.memory_space<hbm>>
        tpu.wait_indirect_dma semaphore(%arg14 : memref<!tpu.dma_semaphore, #tpu.memory_space<semaphore_mem>>) src(%dma_wait3A_94 : memref<10240x128xf32, #tpu.memory_space<hbm>>) dst(%arg11 : memref<128x128xf32, #tpu.memory_space<vmem>>)
        %mul3A_95 = arith.constant 2 : i32
        %mul3A_96 = arith.muli %mul3A_95, %scan3A_87 : i32
        "tpu.region"() ({
          %run_scoped3A_127 = tpu.sem_alloc : memref<!tpu.dma_semaphore, #tpu.memory_space<semaphore_mem>>
          %dma_start3A_128 = arith.constant 0 : i32
          %dma_start3A_129 = tpu.memref_slice %arg10[%mul3A_96, %dma_start3A_128] : memref<40x128xi32, #tpu.memory_space<vmem>> -> memref<1x128xi32, #tpu.memory_space<vmem>>
          %dma_start3A_130 = tpu.memref_squeeze %dma_start3A_129 : memref<1x128xi32, #tpu.memory_space<vmem>> -> memref<128xi32, #tpu.memory_space<vmem>>
          %dma_start3A_131 = arith.constant 0 : i32
          %dma_start3A_132 = arith.constant 0 : i32
          %dma_start3A_133 = tpu.memref_slice %arg13[%dma_start3A_131, %dma_start3A_132] : memref<10240x128xf32, #tpu.memory_space<vmem_shared>> -> memref<10240x128xf32, #tpu.memory_space<vmem_shared>>
          tpu.enqueue_indirect_dma source(%arg11 : memref<128x128xf32, #tpu.memory_space<vmem>>) target(%dma_start3A_133 : memref<10240x128xf32, #tpu.memory_space<vmem_shared>>) offsets(%dma_start3A_130 : memref<128xi32, #tpu.memory_space<vmem>>) semaphore(%run_scoped3A_127 : memref<!tpu.dma_semaphore, #tpu.memory_space<semaphore_mem>>) {add = true}
          %dma_wait3A_134 = arith.constant 0 : i32
          %dma_wait3A_135 = tpu.memref_slice %arg10[%mul3A_96, %dma_wait3A_134] : memref<40x128xi32, #tpu.memory_space<vmem>> -> memref<1x128xi32, #tpu.memory_space<vmem>>
          %dma_wait3A_136 = tpu.memref_squeeze %dma_wait3A_135 : memref<1x128xi32, #tpu.memory_space<vmem>> -> memref<128xi32, #tpu.memory_space<vmem>>
          %dma_wait3A_137 = arith.constant 0 : i32
          %dma_wait3A_138 = arith.constant 0 : i32
          %dma_wait3A_139 = tpu.memref_slice %arg13[%dma_wait3A_137, %dma_wait3A_138] : memref<10240x128xf32, #tpu.memory_space<vmem_shared>> -> memref<10240x128xf32, #tpu.memory_space<vmem_shared>>
          tpu.wait_indirect_dma semaphore(%run_scoped3A_127 : memref<!tpu.dma_semaphore, #tpu.memory_space<semaphore_mem>>) src(%arg11 : memref<128x128xf32, #tpu.memory_space<vmem>>) dst(%dma_wait3A_139 : memref<10240x128xf32, #tpu.memory_space<vmem_shared>>)
          tpu.yield
        }) : () -> ()
        %mul3A_97 = arith.constant 2 : i32
        %mul3A_98 = arith.muli %mul3A_97, %scan3A_87 : i32
        %add3A = arith.constant 2 : i32
        %add3A_99 = arith.addi %mul3A_98, %add3A : i32
        %dma_start3A_100 = arith.constant 0 : i32
        %dma_start3A_101 = tpu.memref_slice %arg9[%add3A_99, %dma_start3A_100] : memref<40x128xi32, #tpu.memory_space<vmem>> -> memref<1x128xi32, #tpu.memory_space<vmem>>
        %dma_start3A_102 = tpu.memref_squeeze %dma_start3A_101 : memref<1x128xi32, #tpu.memory_space<vmem>> -> memref<128xi32, #tpu.memory_space<vmem>>
        %dma_start3A_103 = arith.constant 0 : i32
        %dma_start3A_104 = arith.constant 0 : i32
        %dma_start3A_105 = tpu.memref_slice %arg3[%dma_start3A_103, %dma_start3A_104] : memref<10240x128xf32, #tpu.memory_space<hbm>> -> memref<10240x128xf32, #tpu.memory_space<hbm>>
        tpu.enqueue_indirect_dma source(%dma_start3A_105 : memref<10240x128xf32, #tpu.memory_space<hbm>>) target(%arg11 : memref<128x128xf32, #tpu.memory_space<vmem>>) offsets(%dma_start3A_102 : memref<128xi32, #tpu.memory_space<vmem>>) semaphore(%arg14 : memref<!tpu.dma_semaphore, #tpu.memory_space<semaphore_mem>>)
        %dma_wait3A_106 = arith.constant 0 : i32
        %dma_wait3A_107 = arith.constant 0 : i32
        %dma_wait3A_108 = tpu.memref_slice %arg9[%dma_wait3A_106, %dma_wait3A_107] : memref<40x128xi32, #tpu.memory_space<vmem>> -> memref<1x128xi32, #tpu.memory_space<vmem>>
        %dma_wait3A_109 = tpu.memref_squeeze %dma_wait3A_108 : memref<1x128xi32, #tpu.memory_space<vmem>> -> memref<128xi32, #tpu.memory_space<vmem>>
        %dma_wait3A_110 = arith.constant 0 : i32
        %dma_wait3A_111 = arith.constant 0 : i32
        %dma_wait3A_112 = tpu.memref_slice %arg3[%dma_wait3A_110, %dma_wait3A_111] : memref<10240x128xf32, #tpu.memory_space<hbm>> -> memref<10240x128xf32, #tpu.memory_space<hbm>>
        tpu.wait_indirect_dma semaphore(%arg15 : memref<!tpu.dma_semaphore, #tpu.memory_space<semaphore_mem>>) src(%dma_wait3A_112 : memref<10240x128xf32, #tpu.memory_space<hbm>>) dst(%arg12 : memref<128x128xf32, #tpu.memory_space<vmem>>)
        %mul3A_113 = arith.constant 2 : i32
        %mul3A_114 = arith.muli %mul3A_113, %scan3A_87 : i32
        %add3A_115 = arith.constant 1 : i32
        %add3A_116 = arith.addi %mul3A_114, %add3A_115 : i32
        "tpu.region"() ({
          %run_scoped3A_127 = tpu.sem_alloc : memref<!tpu.dma_semaphore, #tpu.memory_space<semaphore_mem>>
          %dma_start3A_128 = arith.constant 0 : i32
          %dma_start3A_129 = tpu.memref_slice %arg10[%add3A_116, %dma_start3A_128] : memref<40x128xi32, #tpu.memory_space<vmem>> -> memref<1x128xi32, #tpu.memory_space<vmem>>
          %dma_start3A_130 = tpu.memref_squeeze %dma_start3A_129 : memref<1x128xi32, #tpu.memory_space<vmem>> -> memref<128xi32, #tpu.memory_space<vmem>>
          %dma_start3A_131 = arith.constant 0 : i32
          %dma_start3A_132 = arith.constant 0 : i32
          %dma_start3A_133 = tpu.memref_slice %arg13[%dma_start3A_131, %dma_start3A_132] : memref<10240x128xf32, #tpu.memory_space<vmem_shared>> -> memref<10240x128xf32, #tpu.memory_space<vmem_shared>>
          tpu.enqueue_indirect_dma source(%arg12 : memref<128x128xf32, #tpu.memory_space<vmem>>) target(%dma_start3A_133 : memref<10240x128xf32, #tpu.memory_space<vmem_shared>>) offsets(%dma_start3A_130 : memref<128xi32, #tpu.memory_space<vmem>>) semaphore(%run_scoped3A_127 : memref<!tpu.dma_semaphore, #tpu.memory_space<semaphore_mem>>) {add = true}
          %dma_wait3A_134 = arith.constant 0 : i32
          %dma_wait3A_135 = tpu.memref_slice %arg10[%add3A_116, %dma_wait3A_134] : memref<40x128xi32, #tpu.memory_space<vmem>> -> memref<1x128xi32, #tpu.memory_space<vmem>>
          %dma_wait3A_136 = tpu.memref_squeeze %dma_wait3A_135 : memref<1x128xi32, #tpu.memory_space<vmem>> -> memref<128xi32, #tpu.memory_space<vmem>>
          %dma_wait3A_137 = arith.constant 0 : i32
          %dma_wait3A_138 = arith.constant 0 : i32
          %dma_wait3A_139 = tpu.memref_slice %arg13[%dma_wait3A_137, %dma_wait3A_138] : memref<10240x128xf32, #tpu.memory_space<vmem_shared>> -> memref<10240x128xf32, #tpu.memory_space<vmem_shared>>
          tpu.wait_indirect_dma semaphore(%run_scoped3A_127 : memref<!tpu.dma_semaphore, #tpu.memory_space<semaphore_mem>>) src(%arg12 : memref<128x128xf32, #tpu.memory_space<vmem>>) dst(%dma_wait3A_139 : memref<10240x128xf32, #tpu.memory_space<vmem_shared>>)
          tpu.yield
        }) : () -> ()
        %mul3A_117 = arith.constant 2 : i32
        %mul3A_118 = arith.muli %mul3A_117, %scan3A_87 : i32
        %add3A_119 = arith.constant 3 : i32
        %add3A_120 = arith.addi %mul3A_118, %add3A_119 : i32
        %dma_start3A_121 = arith.constant 0 : i32
        %dma_start3A_122 = tpu.memref_slice %arg9[%add3A_120, %dma_start3A_121] : memref<40x128xi32, #tpu.memory_space<vmem>> -> memref<1x128xi32, #tpu.memory_space<vmem>>
        %dma_start3A_123 = tpu.memref_squeeze %dma_start3A_122 : memref<1x128xi32, #tpu.memory_space<vmem>> -> memref<128xi32, #tpu.memory_space<vmem>>
        %dma_start3A_124 = arith.constant 0 : i32
        %dma_start3A_125 = arith.constant 0 : i32
        %dma_start3A_126 = tpu.memref_slice %arg3[%dma_start3A_124, %dma_start3A_125] : memref<10240x128xf32, #tpu.memory_space<hbm>> -> memref<10240x128xf32, #tpu.memory_space<hbm>>
        tpu.enqueue_indirect_dma source(%dma_start3A_126 : memref<10240x128xf32, #tpu.memory_space<hbm>>) target(%arg12 : memref<128x128xf32, #tpu.memory_space<vmem>>) offsets(%dma_start3A_123 : memref<128xi32, #tpu.memory_space<vmem>>) semaphore(%arg15 : memref<!tpu.dma_semaphore, #tpu.memory_space<semaphore_mem>>)
      }
      %scan3A_70 = arith.constant 19 : i32
      %dma_wait3A_71 = arith.constant 0 : i32
      %dma_wait3A_72 = arith.constant 0 : i32
      %dma_wait3A_73 = tpu.memref_slice %arg9[%dma_wait3A_71, %dma_wait3A_72] : memref<40x128xi32, #tpu.memory_space<vmem>> -> memref<1x128xi32, #tpu.memory_space<vmem>>
      %dma_wait3A_74 = tpu.memref_squeeze %dma_wait3A_73 : memref<1x128xi32, #tpu.memory_space<vmem>> -> memref<128xi32, #tpu.memory_space<vmem>>
      %dma_wait3A_75 = arith.constant 0 : i32
      %dma_wait3A_76 = arith.constant 0 : i32
      %dma_wait3A_77 = tpu.memref_slice %arg3[%dma_wait3A_75, %dma_wait3A_76] : memref<10240x128xf32, #tpu.memory_space<hbm>> -> memref<10240x128xf32, #tpu.memory_space<hbm>>
      tpu.wait_indirect_dma semaphore(%arg14 : memref<!tpu.dma_semaphore, #tpu.memory_space<semaphore_mem>>) src(%dma_wait3A_77 : memref<10240x128xf32, #tpu.memory_space<hbm>>) dst(%arg11 : memref<128x128xf32, #tpu.memory_space<vmem>>)
      %run_scoped3A_78 = arith.constant 38 : i32
      "tpu.region"() ({
        %run_scoped3A_87 = tpu.sem_alloc : memref<!tpu.dma_semaphore, #tpu.memory_space<semaphore_mem>>
        %dma_start3A_88 = arith.constant 0 : i32
        %dma_start3A_89 = tpu.memref_slice %arg10[%run_scoped3A_78, %dma_start3A_88] : memref<40x128xi32, #tpu.memory_space<vmem>> -> memref<1x128xi32, #tpu.memory_space<vmem>>
        %dma_start3A_90 = tpu.memref_squeeze %dma_start3A_89 : memref<1x128xi32, #tpu.memory_space<vmem>> -> memref<128xi32, #tpu.memory_space<vmem>>
        %dma_start3A_91 = arith.constant 0 : i32
        %dma_start3A_92 = arith.constant 0 : i32
        %dma_start3A_93 = tpu.memref_slice %arg13[%dma_start3A_91, %dma_start3A_92] : memref<10240x128xf32, #tpu.memory_space<vmem_shared>> -> memref<10240x128xf32, #tpu.memory_space<vmem_shared>>
        tpu.enqueue_indirect_dma source(%arg11 : memref<128x128xf32, #tpu.memory_space<vmem>>) target(%dma_start3A_93 : memref<10240x128xf32, #tpu.memory_space<vmem_shared>>) offsets(%dma_start3A_90 : memref<128xi32, #tpu.memory_space<vmem>>) semaphore(%run_scoped3A_87 : memref<!tpu.dma_semaphore, #tpu.memory_space<semaphore_mem>>) {add = true}
        %dma_wait3A_94 = arith.constant 0 : i32
        %dma_wait3A_95 = tpu.memref_slice %arg10[%run_scoped3A_78, %dma_wait3A_94] : memref<40x128xi32, #tpu.memory_space<vmem>> -> memref<1x128xi32, #tpu.memory_space<vmem>>
        %dma_wait3A_96 = tpu.memref_squeeze %dma_wait3A_95 : memref<1x128xi32, #tpu.memory_space<vmem>> -> memref<128xi32, #tpu.memory_space<vmem>>
        %dma_wait3A_97 = arith.constant 0 : i32
        %dma_wait3A_98 = arith.constant 0 : i32
        %dma_wait3A_99 = tpu.memref_slice %arg13[%dma_wait3A_97, %dma_wait3A_98] : memref<10240x128xf32, #tpu.memory_space<vmem_shared>> -> memref<10240x128xf32, #tpu.memory_space<vmem_shared>>
        tpu.wait_indirect_dma semaphore(%run_scoped3A_87 : memref<!tpu.dma_semaphore, #tpu.memory_space<semaphore_mem>>) src(%arg11 : memref<128x128xf32, #tpu.memory_space<vmem>>) dst(%dma_wait3A_99 : memref<10240x128xf32, #tpu.memory_space<vmem_shared>>)
        tpu.yield
      }) : () -> ()
      %dma_wait3A_79 = arith.constant 0 : i32
      %dma_wait3A_80 = arith.constant 0 : i32
      %dma_wait3A_81 = tpu.memref_slice %arg9[%dma_wait3A_79, %dma_wait3A_80] : memref<40x128xi32, #tpu.memory_space<vmem>> -> memref<1x128xi32, #tpu.memory_space<vmem>>
      %dma_wait3A_82 = tpu.memref_squeeze %dma_wait3A_81 : memref<1x128xi32, #tpu.memory_space<vmem>> -> memref<128xi32, #tpu.memory_space<vmem>>
      %dma_wait3A_83 = arith.constant 0 : i32
      %dma_wait3A_84 = arith.constant 0 : i32
      %dma_wait3A_85 = tpu.memref_slice %arg3[%dma_wait3A_83, %dma_wait3A_84] : memref<10240x128xf32, #tpu.memory_space<hbm>> -> memref<10240x128xf32, #tpu.memory_space<hbm>>
      tpu.wait_indirect_dma semaphore(%arg15 : memref<!tpu.dma_semaphore, #tpu.memory_space<semaphore_mem>>) src(%dma_wait3A_85 : memref<10240x128xf32, #tpu.memory_space<hbm>>) dst(%arg12 : memref<128x128xf32, #tpu.memory_space<vmem>>)
      %run_scoped3A_86 = arith.constant 39 : i32
      "tpu.region"() ({
        %run_scoped3A_87 = tpu.sem_alloc : memref<!tpu.dma_semaphore, #tpu.memory_space<semaphore_mem>>
        %dma_start3A_88 = arith.constant 0 : i32
        %dma_start3A_89 = tpu.memref_slice %arg10[%run_scoped3A_86, %dma_start3A_88] : memref<40x128xi32, #tpu.memory_space<vmem>> -> memref<1x128xi32, #tpu.memory_space<vmem>>
        %dma_start3A_90 = tpu.memref_squeeze %dma_start3A_89 : memref<1x128xi32, #tpu.memory_space<vmem>> -> memref<128xi32, #tpu.memory_space<vmem>>
        %dma_start3A_91 = arith.constant 0 : i32
        %dma_start3A_92 = arith.constant 0 : i32
        %dma_start3A_93 = tpu.memref_slice %arg13[%dma_start3A_91, %dma_start3A_92] : memref<10240x128xf32, #tpu.memory_space<vmem_shared>> -> memref<10240x128xf32, #tpu.memory_space<vmem_shared>>
        tpu.enqueue_indirect_dma source(%arg12 : memref<128x128xf32, #tpu.memory_space<vmem>>) target(%dma_start3A_93 : memref<10240x128xf32, #tpu.memory_space<vmem_shared>>) offsets(%dma_start3A_90 : memref<128xi32, #tpu.memory_space<vmem>>) semaphore(%run_scoped3A_87 : memref<!tpu.dma_semaphore, #tpu.memory_space<semaphore_mem>>) {add = true}
        %dma_wait3A_94 = arith.constant 0 : i32
        %dma_wait3A_95 = tpu.memref_slice %arg10[%run_scoped3A_86, %dma_wait3A_94] : memref<40x128xi32, #tpu.memory_space<vmem>> -> memref<1x128xi32, #tpu.memory_space<vmem>>
        %dma_wait3A_96 = tpu.memref_squeeze %dma_wait3A_95 : memref<1x128xi32, #tpu.memory_space<vmem>> -> memref<128xi32, #tpu.memory_space<vmem>>
        %dma_wait3A_97 = arith.constant 0 : i32
        %dma_wait3A_98 = arith.constant 0 : i32
        %dma_wait3A_99 = tpu.memref_slice %arg13[%dma_wait3A_97, %dma_wait3A_98] : memref<10240x128xf32, #tpu.memory_space<vmem_shared>> -> memref<10240x128xf32, #tpu.memory_space<vmem_shared>>
        tpu.wait_indirect_dma semaphore(%run_scoped3A_87 : memref<!tpu.dma_semaphore, #tpu.memory_space<semaphore_mem>>) src(%arg12 : memref<128x128xf32, #tpu.memory_space<vmem>>) dst(%dma_wait3A_99 : memref<10240x128xf32, #tpu.memory_space<vmem_shared>>)
        tpu.yield
      }) : () -> ()
    } else {
    }
    %barrier3A_8 = arith.constant 0 : index
    tpu.barrier barrier_id(%barrier3A_8)
    %eq3A_9 = arith.constant 0 : i32
    %eq3A_10 = arith.cmpi eq, %arg0, %eq3A_9 : i32
    %convert_element_type3A_11 = arith.extui %eq3A_10 : i1 to i32
    %cond3A_12 = arith.constant 0 : i32
    %cond3A_13 = arith.cmpi ne, %convert_element_type3A_11, %cond3A_12 : i32
    scf.if %cond3A_13 {
      "tpu.region"() ({
        %run_scoped3A = tpu.sem_alloc : memref<!tpu.dma_semaphore, #tpu.memory_space<semaphore_mem>>
        %dma_start3A = arith.constant 0 : i32
        %dma_start3A_19 = tpu.memref_slice %arg7[%mul3A_0, %dma_start3A] : memref<10240x128xf32, #tpu.memory_space<hbm>> -> memref<640x128xf32, #tpu.memory_space<hbm>>
        %dma_start3A_20 = arith.constant 0 : i32
        %dma_start3A_21 = tpu.memref_slice %arg13[%mul3A_0, %dma_start3A_20] : memref<10240x128xf32, #tpu.memory_space<vmem_shared>> -> memref<640x128xf32, #tpu.memory_space<vmem_shared>>
        tpu.enqueue_dma source(%dma_start3A_21 : memref<640x128xf32, #tpu.memory_space<vmem_shared>>) target(%dma_start3A_19 : memref<640x128xf32, #tpu.memory_space<hbm>>) target_semaphore(%run_scoped3A : memref<!tpu.dma_semaphore, #tpu.memory_space<semaphore_mem>>)
        %dma_wait3A = arith.constant 0 : i32
        %dma_wait3A_22 = tpu.memref_slice %arg7[%mul3A_0, %dma_wait3A] : memref<10240x128xf32, #tpu.memory_space<hbm>> -> memref<640x128xf32, #tpu.memory_space<hbm>>
        %dma_wait3A_23 = arith.constant 0 : i32
        %dma_wait3A_24 = tpu.memref_slice %arg13[%mul3A_0, %dma_wait3A_23] : memref<10240x128xf32, #tpu.memory_space<vmem_shared>> -> memref<640x128xf32, #tpu.memory_space<vmem_shared>>
        tpu.wait_dma2 semaphore(%run_scoped3A : memref<!tpu.dma_semaphore, #tpu.memory_space<semaphore_mem>>) src(%dma_wait3A_24 : memref<640x128xf32, #tpu.memory_space<vmem_shared>>) dst(%dma_wait3A_22 : memref<640x128xf32, #tpu.memory_space<hbm>>)
        tpu.yield
      }) : () -> ()
    } else {
    }
    %eq3A_14 = arith.constant 1 : i32
    %eq3A_15 = arith.cmpi eq, %arg0, %eq3A_14 : i32
    %convert_element_type3A_16 = arith.extui %eq3A_15 : i1 to i32
    %cond3A_17 = arith.constant 0 : i32
    %cond3A_18 = arith.cmpi ne, %convert_element_type3A_16, %cond3A_17 : i32
    scf.if %cond3A_18 {
      "tpu.region"() ({
        %run_scoped3A = tpu.sem_alloc : memref<!tpu.dma_semaphore, #tpu.memory_space<semaphore_mem>>
        %dma_start3A = arith.constant 0 : i32
        %dma_start3A_19 = tpu.memref_slice %arg8[%mul3A_0, %dma_start3A] : memref<10240x128xf32, #tpu.memory_space<hbm>> -> memref<640x128xf32, #tpu.memory_space<hbm>>
        %dma_start3A_20 = arith.constant 0 : i32
        %dma_start3A_21 = tpu.memref_slice %arg13[%mul3A_0, %dma_start3A_20] : memref<10240x128xf32, #tpu.memory_space<vmem_shared>> -> memref<640x128xf32, #tpu.memory_space<vmem_shared>>
        tpu.enqueue_dma source(%dma_start3A_21 : memref<640x128xf32, #tpu.memory_space<vmem_shared>>) target(%dma_start3A_19 : memref<640x128xf32, #tpu.memory_space<hbm>>) target_semaphore(%run_scoped3A : memref<!tpu.dma_semaphore, #tpu.memory_space<semaphore_mem>>)
        %dma_wait3A = arith.constant 0 : i32
        %dma_wait3A_22 = tpu.memref_slice %arg8[%mul3A_0, %dma_wait3A] : memref<10240x128xf32, #tpu.memory_space<hbm>> -> memref<640x128xf32, #tpu.memory_space<hbm>>
        %dma_wait3A_23 = arith.constant 0 : i32
        %dma_wait3A_24 = tpu.memref_slice %arg13[%mul3A_0, %dma_wait3A_23] : memref<10240x128xf32, #tpu.memory_space<vmem_shared>> -> memref<640x128xf32, #tpu.memory_space<vmem_shared>>
        tpu.wait_dma2 semaphore(%run_scoped3A : memref<!tpu.dma_semaphore, #tpu.memory_space<semaphore_mem>>) src(%dma_wait3A_24 : memref<640x128xf32, #tpu.memory_space<vmem_shared>>) dst(%dma_wait3A_22 : memref<640x128xf32, #tpu.memory_space<hbm>>)
        tpu.yield
      }) : () -> ()
    } else {
    }
    return
  }
}

#map = affine_map<(d0, d1) -> (0, 0, 0)>
#map1 = affine_map<(d0, d1) -> (0, 0)>
module attributes {stable_mosaic.version = 14 : i64} {
  func.func @deg_kernel(%arg0: i32, %arg1: i32, %arg2: memref<32x40x128xi32, #tpu.memory_space<hbm>>, %arg3: memref<128x16xf32, #tpu.memory_space<hbm>>, %arg4: memref<640x16xf32, #tpu.memory_space<hbm>>, %arg5: memref<10240x16xf32, #tpu.memory_space<hbm>>, %arg6: memref<10240x16xf32, #tpu.memory_space<hbm>>, %arg7: memref<40x128xi32, #tpu.memory_space<vmem>>, %arg8: memref<128x16xf32, #tpu.memory_space<vmem>>, %arg9: memref<10240x16xf32, #tpu.memory_space<vmem_shared>>) attributes {dimension_semantics = [#tpu.dimension_semantics<core_parallel>, #tpu.dimension_semantics<subcore_parallel>], iteration_bounds = array<i64: 2, 16>, scalar_prefetch = 0 : i64, scratch_operands = 3 : i64, tpu.core_type = #tpu.core_type<sc_vector_subcore>, window_params = [{transform_indices = #map}, {transform_indices = #map1}, {transform_indices = #map1}, {transform_indices = #map1}, {transform_indices = #map1}]} {
    %mul3A = arith.constant 16 : i32
    %mul3A_0 = arith.muli %arg0, %mul3A : i32
    %add3A = arith.addi %mul3A_0, %arg1 : i32
    %mul3A_1 = arith.constant 640 : i32
    %mul3A_2 = arith.muli %arg1, %mul3A_1 : i32
    "tpu.region"() ({
      %run_scoped3A = tpu.sem_alloc : memref<!tpu.dma_semaphore, #tpu.memory_space<semaphore_mem>>
      %dma_start3A = arith.constant 0 : i32
      %dma_start3A_16 = tpu.memref_slice %arg9[%mul3A_2, %dma_start3A] : memref<10240x16xf32, #tpu.memory_space<vmem_shared>> -> memref<640x16xf32, #tpu.memory_space<vmem_shared>>
      tpu.enqueue_dma source(%arg4 : memref<640x16xf32, #tpu.memory_space<hbm>>) target(%dma_start3A_16 : memref<640x16xf32, #tpu.memory_space<vmem_shared>>) target_semaphore(%run_scoped3A : memref<!tpu.dma_semaphore, #tpu.memory_space<semaphore_mem>>)
      %dma_wait3A = arith.constant 0 : i32
      %dma_wait3A_17 = tpu.memref_slice %arg9[%mul3A_2, %dma_wait3A] : memref<10240x16xf32, #tpu.memory_space<vmem_shared>> -> memref<640x16xf32, #tpu.memory_space<vmem_shared>>
      tpu.wait_dma2 semaphore(%run_scoped3A : memref<!tpu.dma_semaphore, #tpu.memory_space<semaphore_mem>>) src(%arg4 : memref<640x16xf32, #tpu.memory_space<hbm>>) dst(%dma_wait3A_17 : memref<640x16xf32, #tpu.memory_space<vmem_shared>>)
      tpu.yield
    }) : () -> ()
    "tpu.region"() ({
      %run_scoped3A = tpu.sem_alloc : memref<!tpu.dma_semaphore, #tpu.memory_space<semaphore_mem>>
      tpu.enqueue_dma source(%arg3 : memref<128x16xf32, #tpu.memory_space<hbm>>) target(%arg8 : memref<128x16xf32, #tpu.memory_space<vmem>>) target_semaphore(%run_scoped3A : memref<!tpu.dma_semaphore, #tpu.memory_space<semaphore_mem>>)
      tpu.wait_dma2 semaphore(%run_scoped3A : memref<!tpu.dma_semaphore, #tpu.memory_space<semaphore_mem>>) src(%arg3 : memref<128x16xf32, #tpu.memory_space<hbm>>) dst(%arg8 : memref<128x16xf32, #tpu.memory_space<vmem>>)
      tpu.yield
    }) : () -> ()
    "tpu.region"() ({
      %run_scoped3A = tpu.sem_alloc : memref<!tpu.dma_semaphore, #tpu.memory_space<semaphore_mem>>
      %dma_start3A = arith.constant 0 : i32
      %dma_start3A_16 = arith.constant 0 : i32
      %dma_start3A_17 = tpu.memref_slice %arg2[%add3A, %dma_start3A, %dma_start3A_16] : memref<32x40x128xi32, #tpu.memory_space<hbm>> -> memref<1x40x128xi32, #tpu.memory_space<hbm>>
      %dma_start3A_18 = tpu.memref_squeeze %dma_start3A_17 : memref<1x40x128xi32, #tpu.memory_space<hbm>> -> memref<40x128xi32, #tpu.memory_space<hbm>>
      %dma_start3A_19 = arith.constant 0 : i32
      %dma_start3A_20 = arith.constant 0 : i32
      %dma_start3A_21 = tpu.memref_slice %arg2[%add3A, %dma_start3A_19, %dma_start3A_20] : memref<32x40x128xi32, #tpu.memory_space<hbm>> -> memref<1x40x128xi32, #tpu.memory_space<hbm>>
      %dma_start3A_22 = tpu.memref_squeeze %dma_start3A_21 : memref<1x40x128xi32, #tpu.memory_space<hbm>> -> memref<40x128xi32, #tpu.memory_space<hbm>>
      tpu.enqueue_dma source(%dma_start3A_22 : memref<40x128xi32, #tpu.memory_space<hbm>>) target(%arg7 : memref<40x128xi32, #tpu.memory_space<vmem>>) target_semaphore(%run_scoped3A : memref<!tpu.dma_semaphore, #tpu.memory_space<semaphore_mem>>)
      %dma_wait3A = arith.constant 0 : i32
      %dma_wait3A_23 = arith.constant 0 : i32
      %dma_wait3A_24 = tpu.memref_slice %arg2[%add3A, %dma_wait3A, %dma_wait3A_23] : memref<32x40x128xi32, #tpu.memory_space<hbm>> -> memref<1x40x128xi32, #tpu.memory_space<hbm>>
      %dma_wait3A_25 = tpu.memref_squeeze %dma_wait3A_24 : memref<1x40x128xi32, #tpu.memory_space<hbm>> -> memref<40x128xi32, #tpu.memory_space<hbm>>
      %dma_wait3A_26 = arith.constant 0 : i32
      %dma_wait3A_27 = arith.constant 0 : i32
      %dma_wait3A_28 = tpu.memref_slice %arg2[%add3A, %dma_wait3A_26, %dma_wait3A_27] : memref<32x40x128xi32, #tpu.memory_space<hbm>> -> memref<1x40x128xi32, #tpu.memory_space<hbm>>
      %dma_wait3A_29 = tpu.memref_squeeze %dma_wait3A_28 : memref<1x40x128xi32, #tpu.memory_space<hbm>> -> memref<40x128xi32, #tpu.memory_space<hbm>>
      tpu.wait_dma2 semaphore(%run_scoped3A : memref<!tpu.dma_semaphore, #tpu.memory_space<semaphore_mem>>) src(%dma_wait3A_29 : memref<40x128xi32, #tpu.memory_space<hbm>>) dst(%arg7 : memref<40x128xi32, #tpu.memory_space<vmem>>)
      tpu.yield
    }) : () -> ()
    %barrier3A = arith.constant 0 : index
    tpu.barrier barrier_id(%barrier3A)
    %scan3A = arith.constant 0 : i32
    %scan3A_3 = arith.constant 0 : i32
    %scan3A_4 = arith.constant 40 : i32
    %scan3A_5 = arith.addi %scan3A_3, %scan3A_4 : i32
    %scan3A_6 = arith.constant 1 : i32
    scf.for %scan3A_16 = %scan3A_3 to %scan3A_5 step %scan3A_6  : i32 {
      "tpu.region"() ({
        %run_scoped3A = tpu.sem_alloc : memref<!tpu.dma_semaphore, #tpu.memory_space<semaphore_mem>>
        %dma_start3A = arith.constant 0 : i32
        %dma_start3A_17 = tpu.memref_slice %arg7[%scan3A_16, %dma_start3A] : memref<40x128xi32, #tpu.memory_space<vmem>> -> memref<1x128xi32, #tpu.memory_space<vmem>>
        %dma_start3A_18 = tpu.memref_squeeze %dma_start3A_17 : memref<1x128xi32, #tpu.memory_space<vmem>> -> memref<128xi32, #tpu.memory_space<vmem>>
        %dma_start3A_19 = arith.constant 0 : i32
        %dma_start3A_20 = arith.constant 0 : i32
        %dma_start3A_21 = tpu.memref_slice %arg9[%dma_start3A_19, %dma_start3A_20] : memref<10240x16xf32, #tpu.memory_space<vmem_shared>> -> memref<10240x16xf32, #tpu.memory_space<vmem_shared>>
        tpu.enqueue_indirect_dma source(%arg8 : memref<128x16xf32, #tpu.memory_space<vmem>>) target(%dma_start3A_21 : memref<10240x16xf32, #tpu.memory_space<vmem_shared>>) offsets(%dma_start3A_18 : memref<128xi32, #tpu.memory_space<vmem>>) semaphore(%run_scoped3A : memref<!tpu.dma_semaphore, #tpu.memory_space<semaphore_mem>>) {add = true}
        %dma_wait3A = arith.constant 0 : i32
        %dma_wait3A_22 = tpu.memref_slice %arg7[%scan3A_16, %dma_wait3A] : memref<40x128xi32, #tpu.memory_space<vmem>> -> memref<1x128xi32, #tpu.memory_space<vmem>>
        %dma_wait3A_23 = tpu.memref_squeeze %dma_wait3A_22 : memref<1x128xi32, #tpu.memory_space<vmem>> -> memref<128xi32, #tpu.memory_space<vmem>>
        %dma_wait3A_24 = arith.constant 0 : i32
        %dma_wait3A_25 = arith.constant 0 : i32
        %dma_wait3A_26 = tpu.memref_slice %arg9[%dma_wait3A_24, %dma_wait3A_25] : memref<10240x16xf32, #tpu.memory_space<vmem_shared>> -> memref<10240x16xf32, #tpu.memory_space<vmem_shared>>
        tpu.wait_indirect_dma semaphore(%run_scoped3A : memref<!tpu.dma_semaphore, #tpu.memory_space<semaphore_mem>>) src(%arg8 : memref<128x16xf32, #tpu.memory_space<vmem>>) dst(%dma_wait3A_26 : memref<10240x16xf32, #tpu.memory_space<vmem_shared>>)
        tpu.yield
      }) : () -> ()
    }
    %scan3A_7 = arith.constant 40 : i32
    %barrier3A_8 = arith.constant 0 : index
    tpu.barrier barrier_id(%barrier3A_8)
    %eq3A = arith.constant 0 : i32
    %eq3A_9 = arith.cmpi eq, %arg0, %eq3A : i32
    %convert_element_type3A = arith.extui %eq3A_9 : i1 to i32
    %cond3A = arith.constant 0 : i32
    %cond3A_10 = arith.cmpi ne, %convert_element_type3A, %cond3A : i32
    scf.if %cond3A_10 {
      "tpu.region"() ({
        %run_scoped3A = tpu.sem_alloc : memref<!tpu.dma_semaphore, #tpu.memory_space<semaphore_mem>>
        %dma_start3A = arith.constant 0 : i32
        %dma_start3A_16 = tpu.memref_slice %arg5[%mul3A_2, %dma_start3A] : memref<10240x16xf32, #tpu.memory_space<hbm>> -> memref<640x16xf32, #tpu.memory_space<hbm>>
        %dma_start3A_17 = arith.constant 0 : i32
        %dma_start3A_18 = tpu.memref_slice %arg9[%mul3A_2, %dma_start3A_17] : memref<10240x16xf32, #tpu.memory_space<vmem_shared>> -> memref<640x16xf32, #tpu.memory_space<vmem_shared>>
        tpu.enqueue_dma source(%dma_start3A_18 : memref<640x16xf32, #tpu.memory_space<vmem_shared>>) target(%dma_start3A_16 : memref<640x16xf32, #tpu.memory_space<hbm>>) target_semaphore(%run_scoped3A : memref<!tpu.dma_semaphore, #tpu.memory_space<semaphore_mem>>)
        %dma_wait3A = arith.constant 0 : i32
        %dma_wait3A_19 = tpu.memref_slice %arg5[%mul3A_2, %dma_wait3A] : memref<10240x16xf32, #tpu.memory_space<hbm>> -> memref<640x16xf32, #tpu.memory_space<hbm>>
        %dma_wait3A_20 = arith.constant 0 : i32
        %dma_wait3A_21 = tpu.memref_slice %arg9[%mul3A_2, %dma_wait3A_20] : memref<10240x16xf32, #tpu.memory_space<vmem_shared>> -> memref<640x16xf32, #tpu.memory_space<vmem_shared>>
        tpu.wait_dma2 semaphore(%run_scoped3A : memref<!tpu.dma_semaphore, #tpu.memory_space<semaphore_mem>>) src(%dma_wait3A_21 : memref<640x16xf32, #tpu.memory_space<vmem_shared>>) dst(%dma_wait3A_19 : memref<640x16xf32, #tpu.memory_space<hbm>>)
        tpu.yield
      }) : () -> ()
    } else {
    }
    %eq3A_11 = arith.constant 1 : i32
    %eq3A_12 = arith.cmpi eq, %arg0, %eq3A_11 : i32
    %convert_element_type3A_13 = arith.extui %eq3A_12 : i1 to i32
    %cond3A_14 = arith.constant 0 : i32
    %cond3A_15 = arith.cmpi ne, %convert_element_type3A_13, %cond3A_14 : i32
    scf.if %cond3A_15 {
      "tpu.region"() ({
        %run_scoped3A = tpu.sem_alloc : memref<!tpu.dma_semaphore, #tpu.memory_space<semaphore_mem>>
        %dma_start3A = arith.constant 0 : i32
        %dma_start3A_16 = tpu.memref_slice %arg6[%mul3A_2, %dma_start3A] : memref<10240x16xf32, #tpu.memory_space<hbm>> -> memref<640x16xf32, #tpu.memory_space<hbm>>
        %dma_start3A_17 = arith.constant 0 : i32
        %dma_start3A_18 = tpu.memref_slice %arg9[%mul3A_2, %dma_start3A_17] : memref<10240x16xf32, #tpu.memory_space<vmem_shared>> -> memref<640x16xf32, #tpu.memory_space<vmem_shared>>
        tpu.enqueue_dma source(%dma_start3A_18 : memref<640x16xf32, #tpu.memory_space<vmem_shared>>) target(%dma_start3A_16 : memref<640x16xf32, #tpu.memory_space<hbm>>) target_semaphore(%run_scoped3A : memref<!tpu.dma_semaphore, #tpu.memory_space<semaphore_mem>>)
        %dma_wait3A = arith.constant 0 : i32
        %dma_wait3A_19 = tpu.memref_slice %arg6[%mul3A_2, %dma_wait3A] : memref<10240x16xf32, #tpu.memory_space<hbm>> -> memref<640x16xf32, #tpu.memory_space<hbm>>
        %dma_wait3A_20 = arith.constant 0 : i32
        %dma_wait3A_21 = tpu.memref_slice %arg9[%mul3A_2, %dma_wait3A_20] : memref<10240x16xf32, #tpu.memory_space<vmem_shared>> -> memref<640x16xf32, #tpu.memory_space<vmem_shared>>
        tpu.wait_dma2 semaphore(%run_scoped3A : memref<!tpu.dma_semaphore, #tpu.memory_space<semaphore_mem>>) src(%dma_wait3A_21 : memref<640x16xf32, #tpu.memory_space<vmem_shared>>) dst(%dma_wait3A_19 : memref<640x16xf32, #tpu.memory_space<hbm>>)
        tpu.yield
      }) : () -> ()
    } else {
    }
    return
  }
}

#map = affine_map<(d0, d1) -> (0, 0)>
#map1 = affine_map<(d0, d1) -> (0, 0, 0)>
module attributes {stable_mosaic.version = 14 : i64} {
  func.func @agg_kernel(%arg0: i32, %arg1: i32, %arg2: memref<10240x128xf32, #tpu.memory_space<hbm>>, %arg3: memref<10240x128xf32, #tpu.memory_space<hbm>>, %arg4: memref<16x80x128xi32, #tpu.memory_space<hbm>>, %arg5: memref<16x80x128xi32, #tpu.memory_space<hbm>>, %arg6: memref<640x128xf32, #tpu.memory_space<hbm>>, %arg7: memref<10240x128xf32, #tpu.memory_space<hbm>>, %arg8: memref<10240x128xf32, #tpu.memory_space<hbm>>, %arg9: memref<40x128xi32, #tpu.memory_space<vmem>>, %arg10: memref<40x128xi32, #tpu.memory_space<vmem>>, %arg11: memref<128x128xf32, #tpu.memory_space<vmem>>, %arg12: memref<128x128xf32, #tpu.memory_space<vmem>>, %arg13: memref<10240x128xf32, #tpu.memory_space<vmem_shared>>, %arg14: memref<!tpu.dma_semaphore, #tpu.memory_space<semaphore_mem>>, %arg15: memref<!tpu.dma_semaphore, #tpu.memory_space<semaphore_mem>>) attributes {dimension_semantics = [#tpu.dimension_semantics<core_parallel>, #tpu.dimension_semantics<subcore_parallel>], iteration_bounds = array<i64: 2, 16>, scalar_prefetch = 0 : i64, scratch_operands = 7 : i64, tpu.core_type = #tpu.core_type<sc_vector_subcore>, window_params = [{transform_indices = #map}, {transform_indices = #map}, {transform_indices = #map1}, {transform_indices = #map1}, {transform_indices = #map}, {transform_indices = #map}, {transform_indices = #map}]} {
    %mul3A = arith.constant 640 : i32
    %mul3A_0 = arith.muli %arg1, %mul3A : i32
    "tpu.region"() ({
      %run_scoped3A = tpu.sem_alloc : memref<!tpu.dma_semaphore, #tpu.memory_space<semaphore_mem>>
      %dma_start3A = arith.constant 0 : i32
      %dma_start3A_19 = tpu.memref_slice %arg13[%mul3A_0, %dma_start3A] : memref<10240x128xf32, #tpu.memory_space<vmem_shared>> -> memref<640x128xf32, #tpu.memory_space<vmem_shared>>
      tpu.enqueue_dma source(%arg6 : memref<640x128xf32, #tpu.memory_space<hbm>>) target(%dma_start3A_19 : memref<640x128xf32, #tpu.memory_space<vmem_shared>>) target_semaphore(%run_scoped3A : memref<!tpu.dma_semaphore, #tpu.memory_space<semaphore_mem>>)
      %dma_wait3A = arith.constant 0 : i32
      %dma_wait3A_20 = tpu.memref_slice %arg13[%mul3A_0, %dma_wait3A] : memref<10240x128xf32, #tpu.memory_space<vmem_shared>> -> memref<640x128xf32, #tpu.memory_space<vmem_shared>>
      tpu.wait_dma2 semaphore(%run_scoped3A : memref<!tpu.dma_semaphore, #tpu.memory_space<semaphore_mem>>) src(%arg6 : memref<640x128xf32, #tpu.memory_space<hbm>>) dst(%dma_wait3A_20 : memref<640x128xf32, #tpu.memory_space<vmem_shared>>)
      tpu.yield
    }) : () -> ()
    %barrier3A = arith.constant 0 : index
    tpu.barrier barrier_id(%barrier3A)
    %eq3A = arith.constant 0 : i32
    %eq3A_1 = arith.cmpi eq, %arg0, %eq3A : i32
    %convert_element_type3A = arith.extui %eq3A_1 : i1 to i32
    %cond3A = arith.constant 0 : i32
    %cond3A_2 = arith.cmpi ne, %convert_element_type3A, %cond3A : i32
    scf.if %cond3A_2 {
      "tpu.region"() ({
        %run_scoped3A_87 = tpu.sem_alloc : memref<!tpu.dma_semaphore, #tpu.memory_space<semaphore_mem>>
        %dma_start3A_88 = arith.constant 0 : i32
        %dma_start3A_89 = arith.constant 0 : i32
        %dma_start3A_90 = tpu.memref_slice %arg4[%arg1, %dma_start3A_88, %dma_start3A_89] : memref<16x80x128xi32, #tpu.memory_space<hbm>> -> memref<1x40x128xi32, #tpu.memory_space<hbm>>
        %dma_start3A_91 = tpu.memref_squeeze %dma_start3A_90 : memref<1x40x128xi32, #tpu.memory_space<hbm>> -> memref<40x128xi32, #tpu.memory_space<hbm>>
        %dma_start3A_92 = arith.constant 0 : i32
        %dma_start3A_93 = arith.constant 0 : i32
        %dma_start3A_94 = tpu.memref_slice %arg4[%arg1, %dma_start3A_92, %dma_start3A_93] : memref<16x80x128xi32, #tpu.memory_space<hbm>> -> memref<1x40x128xi32, #tpu.memory_space<hbm>>
        %dma_start3A_95 = tpu.memref_squeeze %dma_start3A_94 : memref<1x40x128xi32, #tpu.memory_space<hbm>> -> memref<40x128xi32, #tpu.memory_space<hbm>>
        tpu.enqueue_dma source(%dma_start3A_95 : memref<40x128xi32, #tpu.memory_space<hbm>>) target(%arg9 : memref<40x128xi32, #tpu.memory_space<vmem>>) target_semaphore(%run_scoped3A_87 : memref<!tpu.dma_semaphore, #tpu.memory_space<semaphore_mem>>)
        %dma_wait3A_96 = arith.constant 0 : i32
        %dma_wait3A_97 = arith.constant 0 : i32
        %dma_wait3A_98 = tpu.memref_slice %arg4[%arg1, %dma_wait3A_96, %dma_wait3A_97] : memref<16x80x128xi32, #tpu.memory_space<hbm>> -> memref<1x40x128xi32, #tpu.memory_space<hbm>>
        %dma_wait3A_99 = tpu.memref_squeeze %dma_wait3A_98 : memref<1x40x128xi32, #tpu.memory_space<hbm>> -> memref<40x128xi32, #tpu.memory_space<hbm>>
        %dma_wait3A_100 = arith.constant 0 : i32
        %dma_wait3A_101 = arith.constant 0 : i32
        %dma_wait3A_102 = tpu.memref_slice %arg4[%arg1, %dma_wait3A_100, %dma_wait3A_101] : memref<16x80x128xi32, #tpu.memory_space<hbm>> -> memref<1x40x128xi32, #tpu.memory_space<hbm>>
        %dma_wait3A_103 = tpu.memref_squeeze %dma_wait3A_102 : memref<1x40x128xi32, #tpu.memory_space<hbm>> -> memref<40x128xi32, #tpu.memory_space<hbm>>
        tpu.wait_dma2 semaphore(%run_scoped3A_87 : memref<!tpu.dma_semaphore, #tpu.memory_space<semaphore_mem>>) src(%dma_wait3A_103 : memref<40x128xi32, #tpu.memory_space<hbm>>) dst(%arg9 : memref<40x128xi32, #tpu.memory_space<vmem>>)
        tpu.yield
      }) : () -> ()
      "tpu.region"() ({
        %run_scoped3A_87 = tpu.sem_alloc : memref<!tpu.dma_semaphore, #tpu.memory_space<semaphore_mem>>
        %dma_start3A_88 = arith.constant 0 : i32
        %dma_start3A_89 = arith.constant 0 : i32
        %dma_start3A_90 = tpu.memref_slice %arg5[%arg1, %dma_start3A_88, %dma_start3A_89] : memref<16x80x128xi32, #tpu.memory_space<hbm>> -> memref<1x40x128xi32, #tpu.memory_space<hbm>>
        %dma_start3A_91 = tpu.memref_squeeze %dma_start3A_90 : memref<1x40x128xi32, #tpu.memory_space<hbm>> -> memref<40x128xi32, #tpu.memory_space<hbm>>
        %dma_start3A_92 = arith.constant 0 : i32
        %dma_start3A_93 = arith.constant 0 : i32
        %dma_start3A_94 = tpu.memref_slice %arg5[%arg1, %dma_start3A_92, %dma_start3A_93] : memref<16x80x128xi32, #tpu.memory_space<hbm>> -> memref<1x40x128xi32, #tpu.memory_space<hbm>>
        %dma_start3A_95 = tpu.memref_squeeze %dma_start3A_94 : memref<1x40x128xi32, #tpu.memory_space<hbm>> -> memref<40x128xi32, #tpu.memory_space<hbm>>
        tpu.enqueue_dma source(%dma_start3A_95 : memref<40x128xi32, #tpu.memory_space<hbm>>) target(%arg10 : memref<40x128xi32, #tpu.memory_space<vmem>>) target_semaphore(%run_scoped3A_87 : memref<!tpu.dma_semaphore, #tpu.memory_space<semaphore_mem>>)
        %dma_wait3A_96 = arith.constant 0 : i32
        %dma_wait3A_97 = arith.constant 0 : i32
        %dma_wait3A_98 = tpu.memref_slice %arg5[%arg1, %dma_wait3A_96, %dma_wait3A_97] : memref<16x80x128xi32, #tpu.memory_space<hbm>> -> memref<1x40x128xi32, #tpu.memory_space<hbm>>
        %dma_wait3A_99 = tpu.memref_squeeze %dma_wait3A_98 : memref<1x40x128xi32, #tpu.memory_space<hbm>> -> memref<40x128xi32, #tpu.memory_space<hbm>>
        %dma_wait3A_100 = arith.constant 0 : i32
        %dma_wait3A_101 = arith.constant 0 : i32
        %dma_wait3A_102 = tpu.memref_slice %arg5[%arg1, %dma_wait3A_100, %dma_wait3A_101] : memref<16x80x128xi32, #tpu.memory_space<hbm>> -> memref<1x40x128xi32, #tpu.memory_space<hbm>>
        %dma_wait3A_103 = tpu.memref_squeeze %dma_wait3A_102 : memref<1x40x128xi32, #tpu.memory_space<hbm>> -> memref<40x128xi32, #tpu.memory_space<hbm>>
        tpu.wait_dma2 semaphore(%run_scoped3A_87 : memref<!tpu.dma_semaphore, #tpu.memory_space<semaphore_mem>>) src(%dma_wait3A_103 : memref<40x128xi32, #tpu.memory_space<hbm>>) dst(%arg10 : memref<40x128xi32, #tpu.memory_space<vmem>>)
        tpu.yield
      }) : () -> ()
      %dma_start3A = arith.constant 0 : i32
      %dma_start3A_19 = arith.constant 0 : i32
      %dma_start3A_20 = tpu.memref_slice %arg9[%dma_start3A, %dma_start3A_19] : memref<40x128xi32, #tpu.memory_space<vmem>> -> memref<1x128xi32, #tpu.memory_space<vmem>>
      %dma_start3A_21 = tpu.memref_squeeze %dma_start3A_20 : memref<1x128xi32, #tpu.memory_space<vmem>> -> memref<128xi32, #tpu.memory_space<vmem>>
      %dma_start3A_22 = arith.constant 0 : i32
      %dma_start3A_23 = arith.constant 0 : i32
      %dma_start3A_24 = tpu.memref_slice %arg2[%dma_start3A_22, %dma_start3A_23] : memref<10240x128xf32, #tpu.memory_space<hbm>> -> memref<10240x128xf32, #tpu.memory_space<hbm>>
      tpu.enqueue_indirect_dma source(%dma_start3A_24 : memref<10240x128xf32, #tpu.memory_space<hbm>>) target(%arg11 : memref<128x128xf32, #tpu.memory_space<vmem>>) offsets(%dma_start3A_21 : memref<128xi32, #tpu.memory_space<vmem>>) semaphore(%arg14 : memref<!tpu.dma_semaphore, #tpu.memory_space<semaphore_mem>>)
      %dma_start3A_25 = arith.constant 1 : i32
      %dma_start3A_26 = arith.constant 0 : i32
      %dma_start3A_27 = tpu.memref_slice %arg9[%dma_start3A_25, %dma_start3A_26] : memref<40x128xi32, #tpu.memory_space<vmem>> -> memref<1x128xi32, #tpu.memory_space<vmem>>
      %dma_start3A_28 = tpu.memref_squeeze %dma_start3A_27 : memref<1x128xi32, #tpu.memory_space<vmem>> -> memref<128xi32, #tpu.memory_space<vmem>>
      %dma_start3A_29 = arith.constant 0 : i32
      %dma_start3A_30 = arith.constant 0 : i32
      %dma_start3A_31 = tpu.memref_slice %arg2[%dma_start3A_29, %dma_start3A_30] : memref<10240x128xf32, #tpu.memory_space<hbm>> -> memref<10240x128xf32, #tpu.memory_space<hbm>>
      tpu.enqueue_indirect_dma source(%dma_start3A_31 : memref<10240x128xf32, #tpu.memory_space<hbm>>) target(%arg12 : memref<128x128xf32, #tpu.memory_space<vmem>>) offsets(%dma_start3A_28 : memref<128xi32, #tpu.memory_space<vmem>>) semaphore(%arg15 : memref<!tpu.dma_semaphore, #tpu.memory_space<semaphore_mem>>)
      %scan3A = arith.constant 0 : i32
      %scan3A_32 = arith.constant 0 : i32
      %scan3A_33 = arith.constant 19 : i32
      %scan3A_34 = arith.addi %scan3A_32, %scan3A_33 : i32
      %scan3A_35 = arith.constant 1 : i32
      scf.for %scan3A_87 = %scan3A_32 to %scan3A_34 step %scan3A_35  : i32 {
        %dma_wait3A_88 = arith.constant 0 : i32
        %dma_wait3A_89 = arith.constant 0 : i32
        %dma_wait3A_90 = tpu.memref_slice %arg9[%dma_wait3A_88, %dma_wait3A_89] : memref<40x128xi32, #tpu.memory_space<vmem>> -> memref<1x128xi32, #tpu.memory_space<vmem>>
        %dma_wait3A_91 = tpu.memref_squeeze %dma_wait3A_90 : memref<1x128xi32, #tpu.memory_space<vmem>> -> memref<128xi32, #tpu.memory_space<vmem>>
        %dma_wait3A_92 = arith.constant 0 : i32
        %dma_wait3A_93 = arith.constant 0 : i32
        %dma_wait3A_94 = tpu.memref_slice %arg2[%dma_wait3A_92, %dma_wait3A_93] : memref<10240x128xf32, #tpu.memory_space<hbm>> -> memref<10240x128xf32, #tpu.memory_space<hbm>>
        tpu.wait_indirect_dma semaphore(%arg14 : memref<!tpu.dma_semaphore, #tpu.memory_space<semaphore_mem>>) src(%dma_wait3A_94 : memref<10240x128xf32, #tpu.memory_space<hbm>>) dst(%arg11 : memref<128x128xf32, #tpu.memory_space<vmem>>)
        %mul3A_95 = arith.constant 2 : i32
        %mul3A_96 = arith.muli %mul3A_95, %scan3A_87 : i32
        "tpu.region"() ({
          %run_scoped3A_127 = tpu.sem_alloc : memref<!tpu.dma_semaphore, #tpu.memory_space<semaphore_mem>>
          %dma_start3A_128 = arith.constant 0 : i32
          %dma_start3A_129 = tpu.memref_slice %arg10[%mul3A_96, %dma_start3A_128] : memref<40x128xi32, #tpu.memory_space<vmem>> -> memref<1x128xi32, #tpu.memory_space<vmem>>
          %dma_start3A_130 = tpu.memref_squeeze %dma_start3A_129 : memref<1x128xi32, #tpu.memory_space<vmem>> -> memref<128xi32, #tpu.memory_space<vmem>>
          %dma_start3A_131 = arith.constant 0 : i32
          %dma_start3A_132 = arith.constant 0 : i32
          %dma_start3A_133 = tpu.memref_slice %arg13[%dma_start3A_131, %dma_start3A_132] : memref<10240x128xf32, #tpu.memory_space<vmem_shared>> -> memref<10240x128xf32, #tpu.memory_space<vmem_shared>>
          tpu.enqueue_indirect_dma source(%arg11 : memref<128x128xf32, #tpu.memory_space<vmem>>) target(%dma_start3A_133 : memref<10240x128xf32, #tpu.memory_space<vmem_shared>>) offsets(%dma_start3A_130 : memref<128xi32, #tpu.memory_space<vmem>>) semaphore(%run_scoped3A_127 : memref<!tpu.dma_semaphore, #tpu.memory_space<semaphore_mem>>) {add = true}
          %dma_wait3A_134 = arith.constant 0 : i32
          %dma_wait3A_135 = tpu.memref_slice %arg10[%mul3A_96, %dma_wait3A_134] : memref<40x128xi32, #tpu.memory_space<vmem>> -> memref<1x128xi32, #tpu.memory_space<vmem>>
          %dma_wait3A_136 = tpu.memref_squeeze %dma_wait3A_135 : memref<1x128xi32, #tpu.memory_space<vmem>> -> memref<128xi32, #tpu.memory_space<vmem>>
          %dma_wait3A_137 = arith.constant 0 : i32
          %dma_wait3A_138 = arith.constant 0 : i32
          %dma_wait3A_139 = tpu.memref_slice %arg13[%dma_wait3A_137, %dma_wait3A_138] : memref<10240x128xf32, #tpu.memory_space<vmem_shared>> -> memref<10240x128xf32, #tpu.memory_space<vmem_shared>>
          tpu.wait_indirect_dma semaphore(%run_scoped3A_127 : memref<!tpu.dma_semaphore, #tpu.memory_space<semaphore_mem>>) src(%arg11 : memref<128x128xf32, #tpu.memory_space<vmem>>) dst(%dma_wait3A_139 : memref<10240x128xf32, #tpu.memory_space<vmem_shared>>)
          tpu.yield
        }) : () -> ()
        %mul3A_97 = arith.constant 2 : i32
        %mul3A_98 = arith.muli %mul3A_97, %scan3A_87 : i32
        %add3A = arith.constant 2 : i32
        %add3A_99 = arith.addi %mul3A_98, %add3A : i32
        %dma_start3A_100 = arith.constant 0 : i32
        %dma_start3A_101 = tpu.memref_slice %arg9[%add3A_99, %dma_start3A_100] : memref<40x128xi32, #tpu.memory_space<vmem>> -> memref<1x128xi32, #tpu.memory_space<vmem>>
        %dma_start3A_102 = tpu.memref_squeeze %dma_start3A_101 : memref<1x128xi32, #tpu.memory_space<vmem>> -> memref<128xi32, #tpu.memory_space<vmem>>
        %dma_start3A_103 = arith.constant 0 : i32
        %dma_start3A_104 = arith.constant 0 : i32
        %dma_start3A_105 = tpu.memref_slice %arg2[%dma_start3A_103, %dma_start3A_104] : memref<10240x128xf32, #tpu.memory_space<hbm>> -> memref<10240x128xf32, #tpu.memory_space<hbm>>
        tpu.enqueue_indirect_dma source(%dma_start3A_105 : memref<10240x128xf32, #tpu.memory_space<hbm>>) target(%arg11 : memref<128x128xf32, #tpu.memory_space<vmem>>) offsets(%dma_start3A_102 : memref<128xi32, #tpu.memory_space<vmem>>) semaphore(%arg14 : memref<!tpu.dma_semaphore, #tpu.memory_space<semaphore_mem>>)
        %dma_wait3A_106 = arith.constant 0 : i32
        %dma_wait3A_107 = arith.constant 0 : i32
        %dma_wait3A_108 = tpu.memref_slice %arg9[%dma_wait3A_106, %dma_wait3A_107] : memref<40x128xi32, #tpu.memory_space<vmem>> -> memref<1x128xi32, #tpu.memory_space<vmem>>
        %dma_wait3A_109 = tpu.memref_squeeze %dma_wait3A_108 : memref<1x128xi32, #tpu.memory_space<vmem>> -> memref<128xi32, #tpu.memory_space<vmem>>
        %dma_wait3A_110 = arith.constant 0 : i32
        %dma_wait3A_111 = arith.constant 0 : i32
        %dma_wait3A_112 = tpu.memref_slice %arg2[%dma_wait3A_110, %dma_wait3A_111] : memref<10240x128xf32, #tpu.memory_space<hbm>> -> memref<10240x128xf32, #tpu.memory_space<hbm>>
        tpu.wait_indirect_dma semaphore(%arg15 : memref<!tpu.dma_semaphore, #tpu.memory_space<semaphore_mem>>) src(%dma_wait3A_112 : memref<10240x128xf32, #tpu.memory_space<hbm>>) dst(%arg12 : memref<128x128xf32, #tpu.memory_space<vmem>>)
        %mul3A_113 = arith.constant 2 : i32
        %mul3A_114 = arith.muli %mul3A_113, %scan3A_87 : i32
        %add3A_115 = arith.constant 1 : i32
        %add3A_116 = arith.addi %mul3A_114, %add3A_115 : i32
        "tpu.region"() ({
          %run_scoped3A_127 = tpu.sem_alloc : memref<!tpu.dma_semaphore, #tpu.memory_space<semaphore_mem>>
          %dma_start3A_128 = arith.constant 0 : i32
          %dma_start3A_129 = tpu.memref_slice %arg10[%add3A_116, %dma_start3A_128] : memref<40x128xi32, #tpu.memory_space<vmem>> -> memref<1x128xi32, #tpu.memory_space<vmem>>
          %dma_start3A_130 = tpu.memref_squeeze %dma_start3A_129 : memref<1x128xi32, #tpu.memory_space<vmem>> -> memref<128xi32, #tpu.memory_space<vmem>>
          %dma_start3A_131 = arith.constant 0 : i32
          %dma_start3A_132 = arith.constant 0 : i32
          %dma_start3A_133 = tpu.memref_slice %arg13[%dma_start3A_131, %dma_start3A_132] : memref<10240x128xf32, #tpu.memory_space<vmem_shared>> -> memref<10240x128xf32, #tpu.memory_space<vmem_shared>>
          tpu.enqueue_indirect_dma source(%arg12 : memref<128x128xf32, #tpu.memory_space<vmem>>) target(%dma_start3A_133 : memref<10240x128xf32, #tpu.memory_space<vmem_shared>>) offsets(%dma_start3A_130 : memref<128xi32, #tpu.memory_space<vmem>>) semaphore(%run_scoped3A_127 : memref<!tpu.dma_semaphore, #tpu.memory_space<semaphore_mem>>) {add = true}
          %dma_wait3A_134 = arith.constant 0 : i32
          %dma_wait3A_135 = tpu.memref_slice %arg10[%add3A_116, %dma_wait3A_134] : memref<40x128xi32, #tpu.memory_space<vmem>> -> memref<1x128xi32, #tpu.memory_space<vmem>>
          %dma_wait3A_136 = tpu.memref_squeeze %dma_wait3A_135 : memref<1x128xi32, #tpu.memory_space<vmem>> -> memref<128xi32, #tpu.memory_space<vmem>>
          %dma_wait3A_137 = arith.constant 0 : i32
          %dma_wait3A_138 = arith.constant 0 : i32
          %dma_wait3A_139 = tpu.memref_slice %arg13[%dma_wait3A_137, %dma_wait3A_138] : memref<10240x128xf32, #tpu.memory_space<vmem_shared>> -> memref<10240x128xf32, #tpu.memory_space<vmem_shared>>
          tpu.wait_indirect_dma semaphore(%run_scoped3A_127 : memref<!tpu.dma_semaphore, #tpu.memory_space<semaphore_mem>>) src(%arg12 : memref<128x128xf32, #tpu.memory_space<vmem>>) dst(%dma_wait3A_139 : memref<10240x128xf32, #tpu.memory_space<vmem_shared>>)
          tpu.yield
        }) : () -> ()
        %mul3A_117 = arith.constant 2 : i32
        %mul3A_118 = arith.muli %mul3A_117, %scan3A_87 : i32
        %add3A_119 = arith.constant 3 : i32
        %add3A_120 = arith.addi %mul3A_118, %add3A_119 : i32
        %dma_start3A_121 = arith.constant 0 : i32
        %dma_start3A_122 = tpu.memref_slice %arg9[%add3A_120, %dma_start3A_121] : memref<40x128xi32, #tpu.memory_space<vmem>> -> memref<1x128xi32, #tpu.memory_space<vmem>>
        %dma_start3A_123 = tpu.memref_squeeze %dma_start3A_122 : memref<1x128xi32, #tpu.memory_space<vmem>> -> memref<128xi32, #tpu.memory_space<vmem>>
        %dma_start3A_124 = arith.constant 0 : i32
        %dma_start3A_125 = arith.constant 0 : i32
        %dma_start3A_126 = tpu.memref_slice %arg2[%dma_start3A_124, %dma_start3A_125] : memref<10240x128xf32, #tpu.memory_space<hbm>> -> memref<10240x128xf32, #tpu.memory_space<hbm>>
        tpu.enqueue_indirect_dma source(%dma_start3A_126 : memref<10240x128xf32, #tpu.memory_space<hbm>>) target(%arg12 : memref<128x128xf32, #tpu.memory_space<vmem>>) offsets(%dma_start3A_123 : memref<128xi32, #tpu.memory_space<vmem>>) semaphore(%arg15 : memref<!tpu.dma_semaphore, #tpu.memory_space<semaphore_mem>>)
      }
      %scan3A_36 = arith.constant 19 : i32
      %dma_wait3A = arith.constant 0 : i32
      %dma_wait3A_37 = arith.constant 0 : i32
      %dma_wait3A_38 = tpu.memref_slice %arg9[%dma_wait3A, %dma_wait3A_37] : memref<40x128xi32, #tpu.memory_space<vmem>> -> memref<1x128xi32, #tpu.memory_space<vmem>>
      %dma_wait3A_39 = tpu.memref_squeeze %dma_wait3A_38 : memref<1x128xi32, #tpu.memory_space<vmem>> -> memref<128xi32, #tpu.memory_space<vmem>>
      %dma_wait3A_40 = arith.constant 0 : i32
      %dma_wait3A_41 = arith.constant 0 : i32
      %dma_wait3A_42 = tpu.memref_slice %arg2[%dma_wait3A_40, %dma_wait3A_41] : memref<10240x128xf32, #tpu.memory_space<hbm>> -> memref<10240x128xf32, #tpu.memory_space<hbm>>
      tpu.wait_indirect_dma semaphore(%arg14 : memref<!tpu.dma_semaphore, #tpu.memory_space<semaphore_mem>>) src(%dma_wait3A_42 : memref<10240x128xf32, #tpu.memory_space<hbm>>) dst(%arg11 : memref<128x128xf32, #tpu.memory_space<vmem>>)
      %run_scoped3A = arith.constant 38 : i32
      "tpu.region"() ({
        %run_scoped3A_87 = tpu.sem_alloc : memref<!tpu.dma_semaphore, #tpu.memory_space<semaphore_mem>>
        %dma_start3A_88 = arith.constant 0 : i32
        %dma_start3A_89 = tpu.memref_slice %arg10[%run_scoped3A, %dma_start3A_88] : memref<40x128xi32, #tpu.memory_space<vmem>> -> memref<1x128xi32, #tpu.memory_space<vmem>>
        %dma_start3A_90 = tpu.memref_squeeze %dma_start3A_89 : memref<1x128xi32, #tpu.memory_space<vmem>> -> memref<128xi32, #tpu.memory_space<vmem>>
        %dma_start3A_91 = arith.constant 0 : i32
        %dma_start3A_92 = arith.constant 0 : i32
        %dma_start3A_93 = tpu.memref_slice %arg13[%dma_start3A_91, %dma_start3A_92] : memref<10240x128xf32, #tpu.memory_space<vmem_shared>> -> memref<10240x128xf32, #tpu.memory_space<vmem_shared>>
        tpu.enqueue_indirect_dma source(%arg11 : memref<128x128xf32, #tpu.memory_space<vmem>>) target(%dma_start3A_93 : memref<10240x128xf32, #tpu.memory_space<vmem_shared>>) offsets(%dma_start3A_90 : memref<128xi32, #tpu.memory_space<vmem>>) semaphore(%run_scoped3A_87 : memref<!tpu.dma_semaphore, #tpu.memory_space<semaphore_mem>>) {add = true}
        %dma_wait3A_94 = arith.constant 0 : i32
        %dma_wait3A_95 = tpu.memref_slice %arg10[%run_scoped3A, %dma_wait3A_94] : memref<40x128xi32, #tpu.memory_space<vmem>> -> memref<1x128xi32, #tpu.memory_space<vmem>>
        %dma_wait3A_96 = tpu.memref_squeeze %dma_wait3A_95 : memref<1x128xi32, #tpu.memory_space<vmem>> -> memref<128xi32, #tpu.memory_space<vmem>>
        %dma_wait3A_97 = arith.constant 0 : i32
        %dma_wait3A_98 = arith.constant 0 : i32
        %dma_wait3A_99 = tpu.memref_slice %arg13[%dma_wait3A_97, %dma_wait3A_98] : memref<10240x128xf32, #tpu.memory_space<vmem_shared>> -> memref<10240x128xf32, #tpu.memory_space<vmem_shared>>
        tpu.wait_indirect_dma semaphore(%run_scoped3A_87 : memref<!tpu.dma_semaphore, #tpu.memory_space<semaphore_mem>>) src(%arg11 : memref<128x128xf32, #tpu.memory_space<vmem>>) dst(%dma_wait3A_99 : memref<10240x128xf32, #tpu.memory_space<vmem_shared>>)
        tpu.yield
      }) : () -> ()
      %dma_wait3A_43 = arith.constant 0 : i32
      %dma_wait3A_44 = arith.constant 0 : i32
      %dma_wait3A_45 = tpu.memref_slice %arg9[%dma_wait3A_43, %dma_wait3A_44] : memref<40x128xi32, #tpu.memory_space<vmem>> -> memref<1x128xi32, #tpu.memory_space<vmem>>
      %dma_wait3A_46 = tpu.memref_squeeze %dma_wait3A_45 : memref<1x128xi32, #tpu.memory_space<vmem>> -> memref<128xi32, #tpu.memory_space<vmem>>
      %dma_wait3A_47 = arith.constant 0 : i32
      %dma_wait3A_48 = arith.constant 0 : i32
      %dma_wait3A_49 = tpu.memref_slice %arg2[%dma_wait3A_47, %dma_wait3A_48] : memref<10240x128xf32, #tpu.memory_space<hbm>> -> memref<10240x128xf32, #tpu.memory_space<hbm>>
      tpu.wait_indirect_dma semaphore(%arg15 : memref<!tpu.dma_semaphore, #tpu.memory_space<semaphore_mem>>) src(%dma_wait3A_49 : memref<10240x128xf32, #tpu.memory_space<hbm>>) dst(%arg12 : memref<128x128xf32, #tpu.memory_space<vmem>>)
      %run_scoped3A_50 = arith.constant 39 : i32
      "tpu.region"() ({
        %run_scoped3A_87 = tpu.sem_alloc : memref<!tpu.dma_semaphore, #tpu.memory_space<semaphore_mem>>
        %dma_start3A_88 = arith.constant 0 : i32
        %dma_start3A_89 = tpu.memref_slice %arg10[%run_scoped3A_50, %dma_start3A_88] : memref<40x128xi32, #tpu.memory_space<vmem>> -> memref<1x128xi32, #tpu.memory_space<vmem>>
        %dma_start3A_90 = tpu.memref_squeeze %dma_start3A_89 : memref<1x128xi32, #tpu.memory_space<vmem>> -> memref<128xi32, #tpu.memory_space<vmem>>
        %dma_start3A_91 = arith.constant 0 : i32
        %dma_start3A_92 = arith.constant 0 : i32
        %dma_start3A_93 = tpu.memref_slice %arg13[%dma_start3A_91, %dma_start3A_92] : memref<10240x128xf32, #tpu.memory_space<vmem_shared>> -> memref<10240x128xf32, #tpu.memory_space<vmem_shared>>
        tpu.enqueue_indirect_dma source(%arg12 : memref<128x128xf32, #tpu.memory_space<vmem>>) target(%dma_start3A_93 : memref<10240x128xf32, #tpu.memory_space<vmem_shared>>) offsets(%dma_start3A_90 : memref<128xi32, #tpu.memory_space<vmem>>) semaphore(%run_scoped3A_87 : memref<!tpu.dma_semaphore, #tpu.memory_space<semaphore_mem>>) {add = true}
        %dma_wait3A_94 = arith.constant 0 : i32
        %dma_wait3A_95 = tpu.memref_slice %arg10[%run_scoped3A_50, %dma_wait3A_94] : memref<40x128xi32, #tpu.memory_space<vmem>> -> memref<1x128xi32, #tpu.memory_space<vmem>>
        %dma_wait3A_96 = tpu.memref_squeeze %dma_wait3A_95 : memref<1x128xi32, #tpu.memory_space<vmem>> -> memref<128xi32, #tpu.memory_space<vmem>>
        %dma_wait3A_97 = arith.constant 0 : i32
        %dma_wait3A_98 = arith.constant 0 : i32
        %dma_wait3A_99 = tpu.memref_slice %arg13[%dma_wait3A_97, %dma_wait3A_98] : memref<10240x128xf32, #tpu.memory_space<vmem_shared>> -> memref<10240x128xf32, #tpu.memory_space<vmem_shared>>
        tpu.wait_indirect_dma semaphore(%run_scoped3A_87 : memref<!tpu.dma_semaphore, #tpu.memory_space<semaphore_mem>>) src(%arg12 : memref<128x128xf32, #tpu.memory_space<vmem>>) dst(%dma_wait3A_99 : memref<10240x128xf32, #tpu.memory_space<vmem_shared>>)
        tpu.yield
      }) : () -> ()
      "tpu.region"() ({
        %run_scoped3A_87 = tpu.sem_alloc : memref<!tpu.dma_semaphore, #tpu.memory_space<semaphore_mem>>
        %dma_start3A_88 = arith.constant 40 : i32
        %dma_start3A_89 = arith.constant 0 : i32
        %dma_start3A_90 = tpu.memref_slice %arg4[%arg1, %dma_start3A_88, %dma_start3A_89] : memref<16x80x128xi32, #tpu.memory_space<hbm>> -> memref<1x40x128xi32, #tpu.memory_space<hbm>>
        %dma_start3A_91 = tpu.memref_squeeze %dma_start3A_90 : memref<1x40x128xi32, #tpu.memory_space<hbm>> -> memref<40x128xi32, #tpu.memory_space<hbm>>
        %dma_start3A_92 = arith.constant 40 : i32
        %dma_start3A_93 = arith.constant 0 : i32
        %dma_start3A_94 = tpu.memref_slice %arg4[%arg1, %dma_start3A_92, %dma_start3A_93] : memref<16x80x128xi32, #tpu.memory_space<hbm>> -> memref<1x40x128xi32, #tpu.memory_space<hbm>>
        %dma_start3A_95 = tpu.memref_squeeze %dma_start3A_94 : memref<1x40x128xi32, #tpu.memory_space<hbm>> -> memref<40x128xi32, #tpu.memory_space<hbm>>
        tpu.enqueue_dma source(%dma_start3A_95 : memref<40x128xi32, #tpu.memory_space<hbm>>) target(%arg9 : memref<40x128xi32, #tpu.memory_space<vmem>>) target_semaphore(%run_scoped3A_87 : memref<!tpu.dma_semaphore, #tpu.memory_space<semaphore_mem>>)
        %dma_wait3A_96 = arith.constant 40 : i32
        %dma_wait3A_97 = arith.constant 0 : i32
        %dma_wait3A_98 = tpu.memref_slice %arg4[%arg1, %dma_wait3A_96, %dma_wait3A_97] : memref<16x80x128xi32, #tpu.memory_space<hbm>> -> memref<1x40x128xi32, #tpu.memory_space<hbm>>
        %dma_wait3A_99 = tpu.memref_squeeze %dma_wait3A_98 : memref<1x40x128xi32, #tpu.memory_space<hbm>> -> memref<40x128xi32, #tpu.memory_space<hbm>>
        %dma_wait3A_100 = arith.constant 40 : i32
        %dma_wait3A_101 = arith.constant 0 : i32
        %dma_wait3A_102 = tpu.memref_slice %arg4[%arg1, %dma_wait3A_100, %dma_wait3A_101] : memref<16x80x128xi32, #tpu.memory_space<hbm>> -> memref<1x40x128xi32, #tpu.memory_space<hbm>>
        %dma_wait3A_103 = tpu.memref_squeeze %dma_wait3A_102 : memref<1x40x128xi32, #tpu.memory_space<hbm>> -> memref<40x128xi32, #tpu.memory_space<hbm>>
        tpu.wait_dma2 semaphore(%run_scoped3A_87 : memref<!tpu.dma_semaphore, #tpu.memory_space<semaphore_mem>>) src(%dma_wait3A_103 : memref<40x128xi32, #tpu.memory_space<hbm>>) dst(%arg9 : memref<40x128xi32, #tpu.memory_space<vmem>>)
        tpu.yield
      }) : () -> ()
      "tpu.region"() ({
        %run_scoped3A_87 = tpu.sem_alloc : memref<!tpu.dma_semaphore, #tpu.memory_space<semaphore_mem>>
        %dma_start3A_88 = arith.constant 40 : i32
        %dma_start3A_89 = arith.constant 0 : i32
        %dma_start3A_90 = tpu.memref_slice %arg5[%arg1, %dma_start3A_88, %dma_start3A_89] : memref<16x80x128xi32, #tpu.memory_space<hbm>> -> memref<1x40x128xi32, #tpu.memory_space<hbm>>
        %dma_start3A_91 = tpu.memref_squeeze %dma_start3A_90 : memref<1x40x128xi32, #tpu.memory_space<hbm>> -> memref<40x128xi32, #tpu.memory_space<hbm>>
        %dma_start3A_92 = arith.constant 40 : i32
        %dma_start3A_93 = arith.constant 0 : i32
        %dma_start3A_94 = tpu.memref_slice %arg5[%arg1, %dma_start3A_92, %dma_start3A_93] : memref<16x80x128xi32, #tpu.memory_space<hbm>> -> memref<1x40x128xi32, #tpu.memory_space<hbm>>
        %dma_start3A_95 = tpu.memref_squeeze %dma_start3A_94 : memref<1x40x128xi32, #tpu.memory_space<hbm>> -> memref<40x128xi32, #tpu.memory_space<hbm>>
        tpu.enqueue_dma source(%dma_start3A_95 : memref<40x128xi32, #tpu.memory_space<hbm>>) target(%arg10 : memref<40x128xi32, #tpu.memory_space<vmem>>) target_semaphore(%run_scoped3A_87 : memref<!tpu.dma_semaphore, #tpu.memory_space<semaphore_mem>>)
        %dma_wait3A_96 = arith.constant 40 : i32
        %dma_wait3A_97 = arith.constant 0 : i32
        %dma_wait3A_98 = tpu.memref_slice %arg5[%arg1, %dma_wait3A_96, %dma_wait3A_97] : memref<16x80x128xi32, #tpu.memory_space<hbm>> -> memref<1x40x128xi32, #tpu.memory_space<hbm>>
        %dma_wait3A_99 = tpu.memref_squeeze %dma_wait3A_98 : memref<1x40x128xi32, #tpu.memory_space<hbm>> -> memref<40x128xi32, #tpu.memory_space<hbm>>
        %dma_wait3A_100 = arith.constant 40 : i32
        %dma_wait3A_101 = arith.constant 0 : i32
        %dma_wait3A_102 = tpu.memref_slice %arg5[%arg1, %dma_wait3A_100, %dma_wait3A_101] : memref<16x80x128xi32, #tpu.memory_space<hbm>> -> memref<1x40x128xi32, #tpu.memory_space<hbm>>
        %dma_wait3A_103 = tpu.memref_squeeze %dma_wait3A_102 : memref<1x40x128xi32, #tpu.memory_space<hbm>> -> memref<40x128xi32, #tpu.memory_space<hbm>>
        tpu.wait_dma2 semaphore(%run_scoped3A_87 : memref<!tpu.dma_semaphore, #tpu.memory_space<semaphore_mem>>) src(%dma_wait3A_103 : memref<40x128xi32, #tpu.memory_space<hbm>>) dst(%arg10 : memref<40x128xi32, #tpu.memory_space<vmem>>)
        tpu.yield
      }) : () -> ()
      %dma_start3A_51 = arith.constant 0 : i32
      %dma_start3A_52 = arith.constant 0 : i32
      %dma_start3A_53 = tpu.memref_slice %arg9[%dma_start3A_51, %dma_start3A_52] : memref<40x128xi32, #tpu.memory_space<vmem>> -> memref<1x128xi32, #tpu.memory_space<vmem>>
      %dma_start3A_54 = tpu.memref_squeeze %dma_start3A_53 : memref<1x128xi32, #tpu.memory_space<vmem>> -> memref<128xi32, #tpu.memory_space<vmem>>
      %dma_start3A_55 = arith.constant 0 : i32
      %dma_start3A_56 = arith.constant 0 : i32
      %dma_start3A_57 = tpu.memref_slice %arg2[%dma_start3A_55, %dma_start3A_56] : memref<10240x128xf32, #tpu.memory_space<hbm>> -> memref<10240x128xf32, #tpu.memory_space<hbm>>
      tpu.enqueue_indirect_dma source(%dma_start3A_57 : memref<10240x128xf32, #tpu.memory_space<hbm>>) target(%arg11 : memref<128x128xf32, #tpu.memory_space<vmem>>) offsets(%dma_start3A_54 : memref<128xi32, #tpu.memory_space<vmem>>) semaphore(%arg14 : memref<!tpu.dma_semaphore, #tpu.memory_space<semaphore_mem>>)
      %dma_start3A_58 = arith.constant 1 : i32
      %dma_start3A_59 = arith.constant 0 : i32
      %dma_start3A_60 = tpu.memref_slice %arg9[%dma_start3A_58, %dma_start3A_59] : memref<40x128xi32, #tpu.memory_space<vmem>> -> memref<1x128xi32, #tpu.memory_space<vmem>>
      %dma_start3A_61 = tpu.memref_squeeze %dma_start3A_60 : memref<1x128xi32, #tpu.memory_space<vmem>> -> memref<128xi32, #tpu.memory_space<vmem>>
      %dma_start3A_62 = arith.constant 0 : i32
      %dma_start3A_63 = arith.constant 0 : i32
      %dma_start3A_64 = tpu.memref_slice %arg2[%dma_start3A_62, %dma_start3A_63] : memref<10240x128xf32, #tpu.memory_space<hbm>> -> memref<10240x128xf32, #tpu.memory_space<hbm>>
      tpu.enqueue_indirect_dma source(%dma_start3A_64 : memref<10240x128xf32, #tpu.memory_space<hbm>>) target(%arg12 : memref<128x128xf32, #tpu.memory_space<vmem>>) offsets(%dma_start3A_61 : memref<128xi32, #tpu.memory_space<vmem>>) semaphore(%arg15 : memref<!tpu.dma_semaphore, #tpu.memory_space<semaphore_mem>>)
      %scan3A_65 = arith.constant 0 : i32
      %scan3A_66 = arith.constant 0 : i32
      %scan3A_67 = arith.constant 19 : i32
      %scan3A_68 = arith.addi %scan3A_66, %scan3A_67 : i32
      %scan3A_69 = arith.constant 1 : i32
      scf.for %scan3A_87 = %scan3A_66 to %scan3A_68 step %scan3A_69  : i32 {
        %dma_wait3A_88 = arith.constant 0 : i32
        %dma_wait3A_89 = arith.constant 0 : i32
        %dma_wait3A_90 = tpu.memref_slice %arg9[%dma_wait3A_88, %dma_wait3A_89] : memref<40x128xi32, #tpu.memory_space<vmem>> -> memref<1x128xi32, #tpu.memory_space<vmem>>
        %dma_wait3A_91 = tpu.memref_squeeze %dma_wait3A_90 : memref<1x128xi32, #tpu.memory_space<vmem>> -> memref<128xi32, #tpu.memory_space<vmem>>
        %dma_wait3A_92 = arith.constant 0 : i32
        %dma_wait3A_93 = arith.constant 0 : i32
        %dma_wait3A_94 = tpu.memref_slice %arg2[%dma_wait3A_92, %dma_wait3A_93] : memref<10240x128xf32, #tpu.memory_space<hbm>> -> memref<10240x128xf32, #tpu.memory_space<hbm>>
        tpu.wait_indirect_dma semaphore(%arg14 : memref<!tpu.dma_semaphore, #tpu.memory_space<semaphore_mem>>) src(%dma_wait3A_94 : memref<10240x128xf32, #tpu.memory_space<hbm>>) dst(%arg11 : memref<128x128xf32, #tpu.memory_space<vmem>>)
        %mul3A_95 = arith.constant 2 : i32
        %mul3A_96 = arith.muli %mul3A_95, %scan3A_87 : i32
        "tpu.region"() ({
          %run_scoped3A_127 = tpu.sem_alloc : memref<!tpu.dma_semaphore, #tpu.memory_space<semaphore_mem>>
          %dma_start3A_128 = arith.constant 0 : i32
          %dma_start3A_129 = tpu.memref_slice %arg10[%mul3A_96, %dma_start3A_128] : memref<40x128xi32, #tpu.memory_space<vmem>> -> memref<1x128xi32, #tpu.memory_space<vmem>>
          %dma_start3A_130 = tpu.memref_squeeze %dma_start3A_129 : memref<1x128xi32, #tpu.memory_space<vmem>> -> memref<128xi32, #tpu.memory_space<vmem>>
          %dma_start3A_131 = arith.constant 0 : i32
          %dma_start3A_132 = arith.constant 0 : i32
          %dma_start3A_133 = tpu.memref_slice %arg13[%dma_start3A_131, %dma_start3A_132] : memref<10240x128xf32, #tpu.memory_space<vmem_shared>> -> memref<10240x128xf32, #tpu.memory_space<vmem_shared>>
          tpu.enqueue_indirect_dma source(%arg11 : memref<128x128xf32, #tpu.memory_space<vmem>>) target(%dma_start3A_133 : memref<10240x128xf32, #tpu.memory_space<vmem_shared>>) offsets(%dma_start3A_130 : memref<128xi32, #tpu.memory_space<vmem>>) semaphore(%run_scoped3A_127 : memref<!tpu.dma_semaphore, #tpu.memory_space<semaphore_mem>>) {add = true}
          %dma_wait3A_134 = arith.constant 0 : i32
          %dma_wait3A_135 = tpu.memref_slice %arg10[%mul3A_96, %dma_wait3A_134] : memref<40x128xi32, #tpu.memory_space<vmem>> -> memref<1x128xi32, #tpu.memory_space<vmem>>
          %dma_wait3A_136 = tpu.memref_squeeze %dma_wait3A_135 : memref<1x128xi32, #tpu.memory_space<vmem>> -> memref<128xi32, #tpu.memory_space<vmem>>
          %dma_wait3A_137 = arith.constant 0 : i32
          %dma_wait3A_138 = arith.constant 0 : i32
          %dma_wait3A_139 = tpu.memref_slice %arg13[%dma_wait3A_137, %dma_wait3A_138] : memref<10240x128xf32, #tpu.memory_space<vmem_shared>> -> memref<10240x128xf32, #tpu.memory_space<vmem_shared>>
          tpu.wait_indirect_dma semaphore(%run_scoped3A_127 : memref<!tpu.dma_semaphore, #tpu.memory_space<semaphore_mem>>) src(%arg11 : memref<128x128xf32, #tpu.memory_space<vmem>>) dst(%dma_wait3A_139 : memref<10240x128xf32, #tpu.memory_space<vmem_shared>>)
          tpu.yield
        }) : () -> ()
        %mul3A_97 = arith.constant 2 : i32
        %mul3A_98 = arith.muli %mul3A_97, %scan3A_87 : i32
        %add3A = arith.constant 2 : i32
        %add3A_99 = arith.addi %mul3A_98, %add3A : i32
        %dma_start3A_100 = arith.constant 0 : i32
        %dma_start3A_101 = tpu.memref_slice %arg9[%add3A_99, %dma_start3A_100] : memref<40x128xi32, #tpu.memory_space<vmem>> -> memref<1x128xi32, #tpu.memory_space<vmem>>
        %dma_start3A_102 = tpu.memref_squeeze %dma_start3A_101 : memref<1x128xi32, #tpu.memory_space<vmem>> -> memref<128xi32, #tpu.memory_space<vmem>>
        %dma_start3A_103 = arith.constant 0 : i32
        %dma_start3A_104 = arith.constant 0 : i32
        %dma_start3A_105 = tpu.memref_slice %arg2[%dma_start3A_103, %dma_start3A_104] : memref<10240x128xf32, #tpu.memory_space<hbm>> -> memref<10240x128xf32, #tpu.memory_space<hbm>>
        tpu.enqueue_indirect_dma source(%dma_start3A_105 : memref<10240x128xf32, #tpu.memory_space<hbm>>) target(%arg11 : memref<128x128xf32, #tpu.memory_space<vmem>>) offsets(%dma_start3A_102 : memref<128xi32, #tpu.memory_space<vmem>>) semaphore(%arg14 : memref<!tpu.dma_semaphore, #tpu.memory_space<semaphore_mem>>)
        %dma_wait3A_106 = arith.constant 0 : i32
        %dma_wait3A_107 = arith.constant 0 : i32
        %dma_wait3A_108 = tpu.memref_slice %arg9[%dma_wait3A_106, %dma_wait3A_107] : memref<40x128xi32, #tpu.memory_space<vmem>> -> memref<1x128xi32, #tpu.memory_space<vmem>>
        %dma_wait3A_109 = tpu.memref_squeeze %dma_wait3A_108 : memref<1x128xi32, #tpu.memory_space<vmem>> -> memref<128xi32, #tpu.memory_space<vmem>>
        %dma_wait3A_110 = arith.constant 0 : i32
        %dma_wait3A_111 = arith.constant 0 : i32
        %dma_wait3A_112 = tpu.memref_slice %arg2[%dma_wait3A_110, %dma_wait3A_111] : memref<10240x128xf32, #tpu.memory_space<hbm>> -> memref<10240x128xf32, #tpu.memory_space<hbm>>
        tpu.wait_indirect_dma semaphore(%arg15 : memref<!tpu.dma_semaphore, #tpu.memory_space<semaphore_mem>>) src(%dma_wait3A_112 : memref<10240x128xf32, #tpu.memory_space<hbm>>) dst(%arg12 : memref<128x128xf32, #tpu.memory_space<vmem>>)
        %mul3A_113 = arith.constant 2 : i32
        %mul3A_114 = arith.muli %mul3A_113, %scan3A_87 : i32
        %add3A_115 = arith.constant 1 : i32
        %add3A_116 = arith.addi %mul3A_114, %add3A_115 : i32
        "tpu.region"() ({
          %run_scoped3A_127 = tpu.sem_alloc : memref<!tpu.dma_semaphore, #tpu.memory_space<semaphore_mem>>
          %dma_start3A_128 = arith.constant 0 : i32
          %dma_start3A_129 = tpu.memref_slice %arg10[%add3A_116, %dma_start3A_128] : memref<40x128xi32, #tpu.memory_space<vmem>> -> memref<1x128xi32, #tpu.memory_space<vmem>>
          %dma_start3A_130 = tpu.memref_squeeze %dma_start3A_129 : memref<1x128xi32, #tpu.memory_space<vmem>> -> memref<128xi32, #tpu.memory_space<vmem>>
          %dma_start3A_131 = arith.constant 0 : i32
          %dma_start3A_132 = arith.constant 0 : i32
          %dma_start3A_133 = tpu.memref_slice %arg13[%dma_start3A_131, %dma_start3A_132] : memref<10240x128xf32, #tpu.memory_space<vmem_shared>> -> memref<10240x128xf32, #tpu.memory_space<vmem_shared>>
          tpu.enqueue_indirect_dma source(%arg12 : memref<128x128xf32, #tpu.memory_space<vmem>>) target(%dma_start3A_133 : memref<10240x128xf32, #tpu.memory_space<vmem_shared>>) offsets(%dma_start3A_130 : memref<128xi32, #tpu.memory_space<vmem>>) semaphore(%run_scoped3A_127 : memref<!tpu.dma_semaphore, #tpu.memory_space<semaphore_mem>>) {add = true}
          %dma_wait3A_134 = arith.constant 0 : i32
          %dma_wait3A_135 = tpu.memref_slice %arg10[%add3A_116, %dma_wait3A_134] : memref<40x128xi32, #tpu.memory_space<vmem>> -> memref<1x128xi32, #tpu.memory_space<vmem>>
          %dma_wait3A_136 = tpu.memref_squeeze %dma_wait3A_135 : memref<1x128xi32, #tpu.memory_space<vmem>> -> memref<128xi32, #tpu.memory_space<vmem>>
          %dma_wait3A_137 = arith.constant 0 : i32
          %dma_wait3A_138 = arith.constant 0 : i32
          %dma_wait3A_139 = tpu.memref_slice %arg13[%dma_wait3A_137, %dma_wait3A_138] : memref<10240x128xf32, #tpu.memory_space<vmem_shared>> -> memref<10240x128xf32, #tpu.memory_space<vmem_shared>>
          tpu.wait_indirect_dma semaphore(%run_scoped3A_127 : memref<!tpu.dma_semaphore, #tpu.memory_space<semaphore_mem>>) src(%arg12 : memref<128x128xf32, #tpu.memory_space<vmem>>) dst(%dma_wait3A_139 : memref<10240x128xf32, #tpu.memory_space<vmem_shared>>)
          tpu.yield
        }) : () -> ()
        %mul3A_117 = arith.constant 2 : i32
        %mul3A_118 = arith.muli %mul3A_117, %scan3A_87 : i32
        %add3A_119 = arith.constant 3 : i32
        %add3A_120 = arith.addi %mul3A_118, %add3A_119 : i32
        %dma_start3A_121 = arith.constant 0 : i32
        %dma_start3A_122 = tpu.memref_slice %arg9[%add3A_120, %dma_start3A_121] : memref<40x128xi32, #tpu.memory_space<vmem>> -> memref<1x128xi32, #tpu.memory_space<vmem>>
        %dma_start3A_123 = tpu.memref_squeeze %dma_start3A_122 : memref<1x128xi32, #tpu.memory_space<vmem>> -> memref<128xi32, #tpu.memory_space<vmem>>
        %dma_start3A_124 = arith.constant 0 : i32
        %dma_start3A_125 = arith.constant 0 : i32
        %dma_start3A_126 = tpu.memref_slice %arg2[%dma_start3A_124, %dma_start3A_125] : memref<10240x128xf32, #tpu.memory_space<hbm>> -> memref<10240x128xf32, #tpu.memory_space<hbm>>
        tpu.enqueue_indirect_dma source(%dma_start3A_126 : memref<10240x128xf32, #tpu.memory_space<hbm>>) target(%arg12 : memref<128x128xf32, #tpu.memory_space<vmem>>) offsets(%dma_start3A_123 : memref<128xi32, #tpu.memory_space<vmem>>) semaphore(%arg15 : memref<!tpu.dma_semaphore, #tpu.memory_space<semaphore_mem>>)
      }
      %scan3A_70 = arith.constant 19 : i32
      %dma_wait3A_71 = arith.constant 0 : i32
      %dma_wait3A_72 = arith.constant 0 : i32
      %dma_wait3A_73 = tpu.memref_slice %arg9[%dma_wait3A_71, %dma_wait3A_72] : memref<40x128xi32, #tpu.memory_space<vmem>> -> memref<1x128xi32, #tpu.memory_space<vmem>>
      %dma_wait3A_74 = tpu.memref_squeeze %dma_wait3A_73 : memref<1x128xi32, #tpu.memory_space<vmem>> -> memref<128xi32, #tpu.memory_space<vmem>>
      %dma_wait3A_75 = arith.constant 0 : i32
      %dma_wait3A_76 = arith.constant 0 : i32
      %dma_wait3A_77 = tpu.memref_slice %arg2[%dma_wait3A_75, %dma_wait3A_76] : memref<10240x128xf32, #tpu.memory_space<hbm>> -> memref<10240x128xf32, #tpu.memory_space<hbm>>
      tpu.wait_indirect_dma semaphore(%arg14 : memref<!tpu.dma_semaphore, #tpu.memory_space<semaphore_mem>>) src(%dma_wait3A_77 : memref<10240x128xf32, #tpu.memory_space<hbm>>) dst(%arg11 : memref<128x128xf32, #tpu.memory_space<vmem>>)
      %run_scoped3A_78 = arith.constant 38 : i32
      "tpu.region"() ({
        %run_scoped3A_87 = tpu.sem_alloc : memref<!tpu.dma_semaphore, #tpu.memory_space<semaphore_mem>>
        %dma_start3A_88 = arith.constant 0 : i32
        %dma_start3A_89 = tpu.memref_slice %arg10[%run_scoped3A_78, %dma_start3A_88] : memref<40x128xi32, #tpu.memory_space<vmem>> -> memref<1x128xi32, #tpu.memory_space<vmem>>
        %dma_start3A_90 = tpu.memref_squeeze %dma_start3A_89 : memref<1x128xi32, #tpu.memory_space<vmem>> -> memref<128xi32, #tpu.memory_space<vmem>>
        %dma_start3A_91 = arith.constant 0 : i32
        %dma_start3A_92 = arith.constant 0 : i32
        %dma_start3A_93 = tpu.memref_slice %arg13[%dma_start3A_91, %dma_start3A_92] : memref<10240x128xf32, #tpu.memory_space<vmem_shared>> -> memref<10240x128xf32, #tpu.memory_space<vmem_shared>>
        tpu.enqueue_indirect_dma source(%arg11 : memref<128x128xf32, #tpu.memory_space<vmem>>) target(%dma_start3A_93 : memref<10240x128xf32, #tpu.memory_space<vmem_shared>>) offsets(%dma_start3A_90 : memref<128xi32, #tpu.memory_space<vmem>>) semaphore(%run_scoped3A_87 : memref<!tpu.dma_semaphore, #tpu.memory_space<semaphore_mem>>) {add = true}
        %dma_wait3A_94 = arith.constant 0 : i32
        %dma_wait3A_95 = tpu.memref_slice %arg10[%run_scoped3A_78, %dma_wait3A_94] : memref<40x128xi32, #tpu.memory_space<vmem>> -> memref<1x128xi32, #tpu.memory_space<vmem>>
        %dma_wait3A_96 = tpu.memref_squeeze %dma_wait3A_95 : memref<1x128xi32, #tpu.memory_space<vmem>> -> memref<128xi32, #tpu.memory_space<vmem>>
        %dma_wait3A_97 = arith.constant 0 : i32
        %dma_wait3A_98 = arith.constant 0 : i32
        %dma_wait3A_99 = tpu.memref_slice %arg13[%dma_wait3A_97, %dma_wait3A_98] : memref<10240x128xf32, #tpu.memory_space<vmem_shared>> -> memref<10240x128xf32, #tpu.memory_space<vmem_shared>>
        tpu.wait_indirect_dma semaphore(%run_scoped3A_87 : memref<!tpu.dma_semaphore, #tpu.memory_space<semaphore_mem>>) src(%arg11 : memref<128x128xf32, #tpu.memory_space<vmem>>) dst(%dma_wait3A_99 : memref<10240x128xf32, #tpu.memory_space<vmem_shared>>)
        tpu.yield
      }) : () -> ()
      %dma_wait3A_79 = arith.constant 0 : i32
      %dma_wait3A_80 = arith.constant 0 : i32
      %dma_wait3A_81 = tpu.memref_slice %arg9[%dma_wait3A_79, %dma_wait3A_80] : memref<40x128xi32, #tpu.memory_space<vmem>> -> memref<1x128xi32, #tpu.memory_space<vmem>>
      %dma_wait3A_82 = tpu.memref_squeeze %dma_wait3A_81 : memref<1x128xi32, #tpu.memory_space<vmem>> -> memref<128xi32, #tpu.memory_space<vmem>>
      %dma_wait3A_83 = arith.constant 0 : i32
      %dma_wait3A_84 = arith.constant 0 : i32
      %dma_wait3A_85 = tpu.memref_slice %arg2[%dma_wait3A_83, %dma_wait3A_84] : memref<10240x128xf32, #tpu.memory_space<hbm>> -> memref<10240x128xf32, #tpu.memory_space<hbm>>
      tpu.wait_indirect_dma semaphore(%arg15 : memref<!tpu.dma_semaphore, #tpu.memory_space<semaphore_mem>>) src(%dma_wait3A_85 : memref<10240x128xf32, #tpu.memory_space<hbm>>) dst(%arg12 : memref<128x128xf32, #tpu.memory_space<vmem>>)
      %run_scoped3A_86 = arith.constant 39 : i32
      "tpu.region"() ({
        %run_scoped3A_87 = tpu.sem_alloc : memref<!tpu.dma_semaphore, #tpu.memory_space<semaphore_mem>>
        %dma_start3A_88 = arith.constant 0 : i32
        %dma_start3A_89 = tpu.memref_slice %arg10[%run_scoped3A_86, %dma_start3A_88] : memref<40x128xi32, #tpu.memory_space<vmem>> -> memref<1x128xi32, #tpu.memory_space<vmem>>
        %dma_start3A_90 = tpu.memref_squeeze %dma_start3A_89 : memref<1x128xi32, #tpu.memory_space<vmem>> -> memref<128xi32, #tpu.memory_space<vmem>>
        %dma_start3A_91 = arith.constant 0 : i32
        %dma_start3A_92 = arith.constant 0 : i32
        %dma_start3A_93 = tpu.memref_slice %arg13[%dma_start3A_91, %dma_start3A_92] : memref<10240x128xf32, #tpu.memory_space<vmem_shared>> -> memref<10240x128xf32, #tpu.memory_space<vmem_shared>>
        tpu.enqueue_indirect_dma source(%arg12 : memref<128x128xf32, #tpu.memory_space<vmem>>) target(%dma_start3A_93 : memref<10240x128xf32, #tpu.memory_space<vmem_shared>>) offsets(%dma_start3A_90 : memref<128xi32, #tpu.memory_space<vmem>>) semaphore(%run_scoped3A_87 : memref<!tpu.dma_semaphore, #tpu.memory_space<semaphore_mem>>) {add = true}
        %dma_wait3A_94 = arith.constant 0 : i32
        %dma_wait3A_95 = tpu.memref_slice %arg10[%run_scoped3A_86, %dma_wait3A_94] : memref<40x128xi32, #tpu.memory_space<vmem>> -> memref<1x128xi32, #tpu.memory_space<vmem>>
        %dma_wait3A_96 = tpu.memref_squeeze %dma_wait3A_95 : memref<1x128xi32, #tpu.memory_space<vmem>> -> memref<128xi32, #tpu.memory_space<vmem>>
        %dma_wait3A_97 = arith.constant 0 : i32
        %dma_wait3A_98 = arith.constant 0 : i32
        %dma_wait3A_99 = tpu.memref_slice %arg13[%dma_wait3A_97, %dma_wait3A_98] : memref<10240x128xf32, #tpu.memory_space<vmem_shared>> -> memref<10240x128xf32, #tpu.memory_space<vmem_shared>>
        tpu.wait_indirect_dma semaphore(%run_scoped3A_87 : memref<!tpu.dma_semaphore, #tpu.memory_space<semaphore_mem>>) src(%arg12 : memref<128x128xf32, #tpu.memory_space<vmem>>) dst(%dma_wait3A_99 : memref<10240x128xf32, #tpu.memory_space<vmem_shared>>)
        tpu.yield
      }) : () -> ()
    } else {
    }
    %eq3A_3 = arith.constant 1 : i32
    %eq3A_4 = arith.cmpi eq, %arg0, %eq3A_3 : i32
    %convert_element_type3A_5 = arith.extui %eq3A_4 : i1 to i32
    %cond3A_6 = arith.constant 0 : i32
    %cond3A_7 = arith.cmpi ne, %convert_element_type3A_5, %cond3A_6 : i32
    scf.if %cond3A_7 {
      "tpu.region"() ({
        %run_scoped3A_87 = tpu.sem_alloc : memref<!tpu.dma_semaphore, #tpu.memory_space<semaphore_mem>>
        %dma_start3A_88 = arith.constant 0 : i32
        %dma_start3A_89 = arith.constant 0 : i32
        %dma_start3A_90 = tpu.memref_slice %arg4[%arg1, %dma_start3A_88, %dma_start3A_89] : memref<16x80x128xi32, #tpu.memory_space<hbm>> -> memref<1x40x128xi32, #tpu.memory_space<hbm>>
        %dma_start3A_91 = tpu.memref_squeeze %dma_start3A_90 : memref<1x40x128xi32, #tpu.memory_space<hbm>> -> memref<40x128xi32, #tpu.memory_space<hbm>>
        %dma_start3A_92 = arith.constant 0 : i32
        %dma_start3A_93 = arith.constant 0 : i32
        %dma_start3A_94 = tpu.memref_slice %arg4[%arg1, %dma_start3A_92, %dma_start3A_93] : memref<16x80x128xi32, #tpu.memory_space<hbm>> -> memref<1x40x128xi32, #tpu.memory_space<hbm>>
        %dma_start3A_95 = tpu.memref_squeeze %dma_start3A_94 : memref<1x40x128xi32, #tpu.memory_space<hbm>> -> memref<40x128xi32, #tpu.memory_space<hbm>>
        tpu.enqueue_dma source(%dma_start3A_95 : memref<40x128xi32, #tpu.memory_space<hbm>>) target(%arg9 : memref<40x128xi32, #tpu.memory_space<vmem>>) target_semaphore(%run_scoped3A_87 : memref<!tpu.dma_semaphore, #tpu.memory_space<semaphore_mem>>)
        %dma_wait3A_96 = arith.constant 0 : i32
        %dma_wait3A_97 = arith.constant 0 : i32
        %dma_wait3A_98 = tpu.memref_slice %arg4[%arg1, %dma_wait3A_96, %dma_wait3A_97] : memref<16x80x128xi32, #tpu.memory_space<hbm>> -> memref<1x40x128xi32, #tpu.memory_space<hbm>>
        %dma_wait3A_99 = tpu.memref_squeeze %dma_wait3A_98 : memref<1x40x128xi32, #tpu.memory_space<hbm>> -> memref<40x128xi32, #tpu.memory_space<hbm>>
        %dma_wait3A_100 = arith.constant 0 : i32
        %dma_wait3A_101 = arith.constant 0 : i32
        %dma_wait3A_102 = tpu.memref_slice %arg4[%arg1, %dma_wait3A_100, %dma_wait3A_101] : memref<16x80x128xi32, #tpu.memory_space<hbm>> -> memref<1x40x128xi32, #tpu.memory_space<hbm>>
        %dma_wait3A_103 = tpu.memref_squeeze %dma_wait3A_102 : memref<1x40x128xi32, #tpu.memory_space<hbm>> -> memref<40x128xi32, #tpu.memory_space<hbm>>
        tpu.wait_dma2 semaphore(%run_scoped3A_87 : memref<!tpu.dma_semaphore, #tpu.memory_space<semaphore_mem>>) src(%dma_wait3A_103 : memref<40x128xi32, #tpu.memory_space<hbm>>) dst(%arg9 : memref<40x128xi32, #tpu.memory_space<vmem>>)
        tpu.yield
      }) : () -> ()
      "tpu.region"() ({
        %run_scoped3A_87 = tpu.sem_alloc : memref<!tpu.dma_semaphore, #tpu.memory_space<semaphore_mem>>
        %dma_start3A_88 = arith.constant 0 : i32
        %dma_start3A_89 = arith.constant 0 : i32
        %dma_start3A_90 = tpu.memref_slice %arg5[%arg1, %dma_start3A_88, %dma_start3A_89] : memref<16x80x128xi32, #tpu.memory_space<hbm>> -> memref<1x40x128xi32, #tpu.memory_space<hbm>>
        %dma_start3A_91 = tpu.memref_squeeze %dma_start3A_90 : memref<1x40x128xi32, #tpu.memory_space<hbm>> -> memref<40x128xi32, #tpu.memory_space<hbm>>
        %dma_start3A_92 = arith.constant 0 : i32
        %dma_start3A_93 = arith.constant 0 : i32
        %dma_start3A_94 = tpu.memref_slice %arg5[%arg1, %dma_start3A_92, %dma_start3A_93] : memref<16x80x128xi32, #tpu.memory_space<hbm>> -> memref<1x40x128xi32, #tpu.memory_space<hbm>>
        %dma_start3A_95 = tpu.memref_squeeze %dma_start3A_94 : memref<1x40x128xi32, #tpu.memory_space<hbm>> -> memref<40x128xi32, #tpu.memory_space<hbm>>
        tpu.enqueue_dma source(%dma_start3A_95 : memref<40x128xi32, #tpu.memory_space<hbm>>) target(%arg10 : memref<40x128xi32, #tpu.memory_space<vmem>>) target_semaphore(%run_scoped3A_87 : memref<!tpu.dma_semaphore, #tpu.memory_space<semaphore_mem>>)
        %dma_wait3A_96 = arith.constant 0 : i32
        %dma_wait3A_97 = arith.constant 0 : i32
        %dma_wait3A_98 = tpu.memref_slice %arg5[%arg1, %dma_wait3A_96, %dma_wait3A_97] : memref<16x80x128xi32, #tpu.memory_space<hbm>> -> memref<1x40x128xi32, #tpu.memory_space<hbm>>
        %dma_wait3A_99 = tpu.memref_squeeze %dma_wait3A_98 : memref<1x40x128xi32, #tpu.memory_space<hbm>> -> memref<40x128xi32, #tpu.memory_space<hbm>>
        %dma_wait3A_100 = arith.constant 0 : i32
        %dma_wait3A_101 = arith.constant 0 : i32
        %dma_wait3A_102 = tpu.memref_slice %arg5[%arg1, %dma_wait3A_100, %dma_wait3A_101] : memref<16x80x128xi32, #tpu.memory_space<hbm>> -> memref<1x40x128xi32, #tpu.memory_space<hbm>>
        %dma_wait3A_103 = tpu.memref_squeeze %dma_wait3A_102 : memref<1x40x128xi32, #tpu.memory_space<hbm>> -> memref<40x128xi32, #tpu.memory_space<hbm>>
        tpu.wait_dma2 semaphore(%run_scoped3A_87 : memref<!tpu.dma_semaphore, #tpu.memory_space<semaphore_mem>>) src(%dma_wait3A_103 : memref<40x128xi32, #tpu.memory_space<hbm>>) dst(%arg10 : memref<40x128xi32, #tpu.memory_space<vmem>>)
        tpu.yield
      }) : () -> ()
      %dma_start3A = arith.constant 0 : i32
      %dma_start3A_19 = arith.constant 0 : i32
      %dma_start3A_20 = tpu.memref_slice %arg9[%dma_start3A, %dma_start3A_19] : memref<40x128xi32, #tpu.memory_space<vmem>> -> memref<1x128xi32, #tpu.memory_space<vmem>>
      %dma_start3A_21 = tpu.memref_squeeze %dma_start3A_20 : memref<1x128xi32, #tpu.memory_space<vmem>> -> memref<128xi32, #tpu.memory_space<vmem>>
      %dma_start3A_22 = arith.constant 0 : i32
      %dma_start3A_23 = arith.constant 0 : i32
      %dma_start3A_24 = tpu.memref_slice %arg3[%dma_start3A_22, %dma_start3A_23] : memref<10240x128xf32, #tpu.memory_space<hbm>> -> memref<10240x128xf32, #tpu.memory_space<hbm>>
      tpu.enqueue_indirect_dma source(%dma_start3A_24 : memref<10240x128xf32, #tpu.memory_space<hbm>>) target(%arg11 : memref<128x128xf32, #tpu.memory_space<vmem>>) offsets(%dma_start3A_21 : memref<128xi32, #tpu.memory_space<vmem>>) semaphore(%arg14 : memref<!tpu.dma_semaphore, #tpu.memory_space<semaphore_mem>>)
      %dma_start3A_25 = arith.constant 1 : i32
      %dma_start3A_26 = arith.constant 0 : i32
      %dma_start3A_27 = tpu.memref_slice %arg9[%dma_start3A_25, %dma_start3A_26] : memref<40x128xi32, #tpu.memory_space<vmem>> -> memref<1x128xi32, #tpu.memory_space<vmem>>
      %dma_start3A_28 = tpu.memref_squeeze %dma_start3A_27 : memref<1x128xi32, #tpu.memory_space<vmem>> -> memref<128xi32, #tpu.memory_space<vmem>>
      %dma_start3A_29 = arith.constant 0 : i32
      %dma_start3A_30 = arith.constant 0 : i32
      %dma_start3A_31 = tpu.memref_slice %arg3[%dma_start3A_29, %dma_start3A_30] : memref<10240x128xf32, #tpu.memory_space<hbm>> -> memref<10240x128xf32, #tpu.memory_space<hbm>>
      tpu.enqueue_indirect_dma source(%dma_start3A_31 : memref<10240x128xf32, #tpu.memory_space<hbm>>) target(%arg12 : memref<128x128xf32, #tpu.memory_space<vmem>>) offsets(%dma_start3A_28 : memref<128xi32, #tpu.memory_space<vmem>>) semaphore(%arg15 : memref<!tpu.dma_semaphore, #tpu.memory_space<semaphore_mem>>)
      %scan3A = arith.constant 0 : i32
      %scan3A_32 = arith.constant 0 : i32
      %scan3A_33 = arith.constant 19 : i32
      %scan3A_34 = arith.addi %scan3A_32, %scan3A_33 : i32
      %scan3A_35 = arith.constant 1 : i32
      scf.for %scan3A_87 = %scan3A_32 to %scan3A_34 step %scan3A_35  : i32 {
        %dma_wait3A_88 = arith.constant 0 : i32
        %dma_wait3A_89 = arith.constant 0 : i32
        %dma_wait3A_90 = tpu.memref_slice %arg9[%dma_wait3A_88, %dma_wait3A_89] : memref<40x128xi32, #tpu.memory_space<vmem>> -> memref<1x128xi32, #tpu.memory_space<vmem>>
        %dma_wait3A_91 = tpu.memref_squeeze %dma_wait3A_90 : memref<1x128xi32, #tpu.memory_space<vmem>> -> memref<128xi32, #tpu.memory_space<vmem>>
        %dma_wait3A_92 = arith.constant 0 : i32
        %dma_wait3A_93 = arith.constant 0 : i32
        %dma_wait3A_94 = tpu.memref_slice %arg3[%dma_wait3A_92, %dma_wait3A_93] : memref<10240x128xf32, #tpu.memory_space<hbm>> -> memref<10240x128xf32, #tpu.memory_space<hbm>>
        tpu.wait_indirect_dma semaphore(%arg14 : memref<!tpu.dma_semaphore, #tpu.memory_space<semaphore_mem>>) src(%dma_wait3A_94 : memref<10240x128xf32, #tpu.memory_space<hbm>>) dst(%arg11 : memref<128x128xf32, #tpu.memory_space<vmem>>)
        %mul3A_95 = arith.constant 2 : i32
        %mul3A_96 = arith.muli %mul3A_95, %scan3A_87 : i32
        "tpu.region"() ({
          %run_scoped3A_127 = tpu.sem_alloc : memref<!tpu.dma_semaphore, #tpu.memory_space<semaphore_mem>>
          %dma_start3A_128 = arith.constant 0 : i32
          %dma_start3A_129 = tpu.memref_slice %arg10[%mul3A_96, %dma_start3A_128] : memref<40x128xi32, #tpu.memory_space<vmem>> -> memref<1x128xi32, #tpu.memory_space<vmem>>
          %dma_start3A_130 = tpu.memref_squeeze %dma_start3A_129 : memref<1x128xi32, #tpu.memory_space<vmem>> -> memref<128xi32, #tpu.memory_space<vmem>>
          %dma_start3A_131 = arith.constant 0 : i32
          %dma_start3A_132 = arith.constant 0 : i32
          %dma_start3A_133 = tpu.memref_slice %arg13[%dma_start3A_131, %dma_start3A_132] : memref<10240x128xf32, #tpu.memory_space<vmem_shared>> -> memref<10240x128xf32, #tpu.memory_space<vmem_shared>>
          tpu.enqueue_indirect_dma source(%arg11 : memref<128x128xf32, #tpu.memory_space<vmem>>) target(%dma_start3A_133 : memref<10240x128xf32, #tpu.memory_space<vmem_shared>>) offsets(%dma_start3A_130 : memref<128xi32, #tpu.memory_space<vmem>>) semaphore(%run_scoped3A_127 : memref<!tpu.dma_semaphore, #tpu.memory_space<semaphore_mem>>) {add = true}
          %dma_wait3A_134 = arith.constant 0 : i32
          %dma_wait3A_135 = tpu.memref_slice %arg10[%mul3A_96, %dma_wait3A_134] : memref<40x128xi32, #tpu.memory_space<vmem>> -> memref<1x128xi32, #tpu.memory_space<vmem>>
          %dma_wait3A_136 = tpu.memref_squeeze %dma_wait3A_135 : memref<1x128xi32, #tpu.memory_space<vmem>> -> memref<128xi32, #tpu.memory_space<vmem>>
          %dma_wait3A_137 = arith.constant 0 : i32
          %dma_wait3A_138 = arith.constant 0 : i32
          %dma_wait3A_139 = tpu.memref_slice %arg13[%dma_wait3A_137, %dma_wait3A_138] : memref<10240x128xf32, #tpu.memory_space<vmem_shared>> -> memref<10240x128xf32, #tpu.memory_space<vmem_shared>>
          tpu.wait_indirect_dma semaphore(%run_scoped3A_127 : memref<!tpu.dma_semaphore, #tpu.memory_space<semaphore_mem>>) src(%arg11 : memref<128x128xf32, #tpu.memory_space<vmem>>) dst(%dma_wait3A_139 : memref<10240x128xf32, #tpu.memory_space<vmem_shared>>)
          tpu.yield
        }) : () -> ()
        %mul3A_97 = arith.constant 2 : i32
        %mul3A_98 = arith.muli %mul3A_97, %scan3A_87 : i32
        %add3A = arith.constant 2 : i32
        %add3A_99 = arith.addi %mul3A_98, %add3A : i32
        %dma_start3A_100 = arith.constant 0 : i32
        %dma_start3A_101 = tpu.memref_slice %arg9[%add3A_99, %dma_start3A_100] : memref<40x128xi32, #tpu.memory_space<vmem>> -> memref<1x128xi32, #tpu.memory_space<vmem>>
        %dma_start3A_102 = tpu.memref_squeeze %dma_start3A_101 : memref<1x128xi32, #tpu.memory_space<vmem>> -> memref<128xi32, #tpu.memory_space<vmem>>
        %dma_start3A_103 = arith.constant 0 : i32
        %dma_start3A_104 = arith.constant 0 : i32
        %dma_start3A_105 = tpu.memref_slice %arg3[%dma_start3A_103, %dma_start3A_104] : memref<10240x128xf32, #tpu.memory_space<hbm>> -> memref<10240x128xf32, #tpu.memory_space<hbm>>
        tpu.enqueue_indirect_dma source(%dma_start3A_105 : memref<10240x128xf32, #tpu.memory_space<hbm>>) target(%arg11 : memref<128x128xf32, #tpu.memory_space<vmem>>) offsets(%dma_start3A_102 : memref<128xi32, #tpu.memory_space<vmem>>) semaphore(%arg14 : memref<!tpu.dma_semaphore, #tpu.memory_space<semaphore_mem>>)
        %dma_wait3A_106 = arith.constant 0 : i32
        %dma_wait3A_107 = arith.constant 0 : i32
        %dma_wait3A_108 = tpu.memref_slice %arg9[%dma_wait3A_106, %dma_wait3A_107] : memref<40x128xi32, #tpu.memory_space<vmem>> -> memref<1x128xi32, #tpu.memory_space<vmem>>
        %dma_wait3A_109 = tpu.memref_squeeze %dma_wait3A_108 : memref<1x128xi32, #tpu.memory_space<vmem>> -> memref<128xi32, #tpu.memory_space<vmem>>
        %dma_wait3A_110 = arith.constant 0 : i32
        %dma_wait3A_111 = arith.constant 0 : i32
        %dma_wait3A_112 = tpu.memref_slice %arg3[%dma_wait3A_110, %dma_wait3A_111] : memref<10240x128xf32, #tpu.memory_space<hbm>> -> memref<10240x128xf32, #tpu.memory_space<hbm>>
        tpu.wait_indirect_dma semaphore(%arg15 : memref<!tpu.dma_semaphore, #tpu.memory_space<semaphore_mem>>) src(%dma_wait3A_112 : memref<10240x128xf32, #tpu.memory_space<hbm>>) dst(%arg12 : memref<128x128xf32, #tpu.memory_space<vmem>>)
        %mul3A_113 = arith.constant 2 : i32
        %mul3A_114 = arith.muli %mul3A_113, %scan3A_87 : i32
        %add3A_115 = arith.constant 1 : i32
        %add3A_116 = arith.addi %mul3A_114, %add3A_115 : i32
        "tpu.region"() ({
          %run_scoped3A_127 = tpu.sem_alloc : memref<!tpu.dma_semaphore, #tpu.memory_space<semaphore_mem>>
          %dma_start3A_128 = arith.constant 0 : i32
          %dma_start3A_129 = tpu.memref_slice %arg10[%add3A_116, %dma_start3A_128] : memref<40x128xi32, #tpu.memory_space<vmem>> -> memref<1x128xi32, #tpu.memory_space<vmem>>
          %dma_start3A_130 = tpu.memref_squeeze %dma_start3A_129 : memref<1x128xi32, #tpu.memory_space<vmem>> -> memref<128xi32, #tpu.memory_space<vmem>>
          %dma_start3A_131 = arith.constant 0 : i32
          %dma_start3A_132 = arith.constant 0 : i32
          %dma_start3A_133 = tpu.memref_slice %arg13[%dma_start3A_131, %dma_start3A_132] : memref<10240x128xf32, #tpu.memory_space<vmem_shared>> -> memref<10240x128xf32, #tpu.memory_space<vmem_shared>>
          tpu.enqueue_indirect_dma source(%arg12 : memref<128x128xf32, #tpu.memory_space<vmem>>) target(%dma_start3A_133 : memref<10240x128xf32, #tpu.memory_space<vmem_shared>>) offsets(%dma_start3A_130 : memref<128xi32, #tpu.memory_space<vmem>>) semaphore(%run_scoped3A_127 : memref<!tpu.dma_semaphore, #tpu.memory_space<semaphore_mem>>) {add = true}
          %dma_wait3A_134 = arith.constant 0 : i32
          %dma_wait3A_135 = tpu.memref_slice %arg10[%add3A_116, %dma_wait3A_134] : memref<40x128xi32, #tpu.memory_space<vmem>> -> memref<1x128xi32, #tpu.memory_space<vmem>>
          %dma_wait3A_136 = tpu.memref_squeeze %dma_wait3A_135 : memref<1x128xi32, #tpu.memory_space<vmem>> -> memref<128xi32, #tpu.memory_space<vmem>>
          %dma_wait3A_137 = arith.constant 0 : i32
          %dma_wait3A_138 = arith.constant 0 : i32
          %dma_wait3A_139 = tpu.memref_slice %arg13[%dma_wait3A_137, %dma_wait3A_138] : memref<10240x128xf32, #tpu.memory_space<vmem_shared>> -> memref<10240x128xf32, #tpu.memory_space<vmem_shared>>
          tpu.wait_indirect_dma semaphore(%run_scoped3A_127 : memref<!tpu.dma_semaphore, #tpu.memory_space<semaphore_mem>>) src(%arg12 : memref<128x128xf32, #tpu.memory_space<vmem>>) dst(%dma_wait3A_139 : memref<10240x128xf32, #tpu.memory_space<vmem_shared>>)
          tpu.yield
        }) : () -> ()
        %mul3A_117 = arith.constant 2 : i32
        %mul3A_118 = arith.muli %mul3A_117, %scan3A_87 : i32
        %add3A_119 = arith.constant 3 : i32
        %add3A_120 = arith.addi %mul3A_118, %add3A_119 : i32
        %dma_start3A_121 = arith.constant 0 : i32
        %dma_start3A_122 = tpu.memref_slice %arg9[%add3A_120, %dma_start3A_121] : memref<40x128xi32, #tpu.memory_space<vmem>> -> memref<1x128xi32, #tpu.memory_space<vmem>>
        %dma_start3A_123 = tpu.memref_squeeze %dma_start3A_122 : memref<1x128xi32, #tpu.memory_space<vmem>> -> memref<128xi32, #tpu.memory_space<vmem>>
        %dma_start3A_124 = arith.constant 0 : i32
        %dma_start3A_125 = arith.constant 0 : i32
        %dma_start3A_126 = tpu.memref_slice %arg3[%dma_start3A_124, %dma_start3A_125] : memref<10240x128xf32, #tpu.memory_space<hbm>> -> memref<10240x128xf32, #tpu.memory_space<hbm>>
        tpu.enqueue_indirect_dma source(%dma_start3A_126 : memref<10240x128xf32, #tpu.memory_space<hbm>>) target(%arg12 : memref<128x128xf32, #tpu.memory_space<vmem>>) offsets(%dma_start3A_123 : memref<128xi32, #tpu.memory_space<vmem>>) semaphore(%arg15 : memref<!tpu.dma_semaphore, #tpu.memory_space<semaphore_mem>>)
      }
      %scan3A_36 = arith.constant 19 : i32
      %dma_wait3A = arith.constant 0 : i32
      %dma_wait3A_37 = arith.constant 0 : i32
      %dma_wait3A_38 = tpu.memref_slice %arg9[%dma_wait3A, %dma_wait3A_37] : memref<40x128xi32, #tpu.memory_space<vmem>> -> memref<1x128xi32, #tpu.memory_space<vmem>>
      %dma_wait3A_39 = tpu.memref_squeeze %dma_wait3A_38 : memref<1x128xi32, #tpu.memory_space<vmem>> -> memref<128xi32, #tpu.memory_space<vmem>>
      %dma_wait3A_40 = arith.constant 0 : i32
      %dma_wait3A_41 = arith.constant 0 : i32
      %dma_wait3A_42 = tpu.memref_slice %arg3[%dma_wait3A_40, %dma_wait3A_41] : memref<10240x128xf32, #tpu.memory_space<hbm>> -> memref<10240x128xf32, #tpu.memory_space<hbm>>
      tpu.wait_indirect_dma semaphore(%arg14 : memref<!tpu.dma_semaphore, #tpu.memory_space<semaphore_mem>>) src(%dma_wait3A_42 : memref<10240x128xf32, #tpu.memory_space<hbm>>) dst(%arg11 : memref<128x128xf32, #tpu.memory_space<vmem>>)
      %run_scoped3A = arith.constant 38 : i32
      "tpu.region"() ({
        %run_scoped3A_87 = tpu.sem_alloc : memref<!tpu.dma_semaphore, #tpu.memory_space<semaphore_mem>>
        %dma_start3A_88 = arith.constant 0 : i32
        %dma_start3A_89 = tpu.memref_slice %arg10[%run_scoped3A, %dma_start3A_88] : memref<40x128xi32, #tpu.memory_space<vmem>> -> memref<1x128xi32, #tpu.memory_space<vmem>>
        %dma_start3A_90 = tpu.memref_squeeze %dma_start3A_89 : memref<1x128xi32, #tpu.memory_space<vmem>> -> memref<128xi32, #tpu.memory_space<vmem>>
        %dma_start3A_91 = arith.constant 0 : i32
        %dma_start3A_92 = arith.constant 0 : i32
        %dma_start3A_93 = tpu.memref_slice %arg13[%dma_start3A_91, %dma_start3A_92] : memref<10240x128xf32, #tpu.memory_space<vmem_shared>> -> memref<10240x128xf32, #tpu.memory_space<vmem_shared>>
        tpu.enqueue_indirect_dma source(%arg11 : memref<128x128xf32, #tpu.memory_space<vmem>>) target(%dma_start3A_93 : memref<10240x128xf32, #tpu.memory_space<vmem_shared>>) offsets(%dma_start3A_90 : memref<128xi32, #tpu.memory_space<vmem>>) semaphore(%run_scoped3A_87 : memref<!tpu.dma_semaphore, #tpu.memory_space<semaphore_mem>>) {add = true}
        %dma_wait3A_94 = arith.constant 0 : i32
        %dma_wait3A_95 = tpu.memref_slice %arg10[%run_scoped3A, %dma_wait3A_94] : memref<40x128xi32, #tpu.memory_space<vmem>> -> memref<1x128xi32, #tpu.memory_space<vmem>>
        %dma_wait3A_96 = tpu.memref_squeeze %dma_wait3A_95 : memref<1x128xi32, #tpu.memory_space<vmem>> -> memref<128xi32, #tpu.memory_space<vmem>>
        %dma_wait3A_97 = arith.constant 0 : i32
        %dma_wait3A_98 = arith.constant 0 : i32
        %dma_wait3A_99 = tpu.memref_slice %arg13[%dma_wait3A_97, %dma_wait3A_98] : memref<10240x128xf32, #tpu.memory_space<vmem_shared>> -> memref<10240x128xf32, #tpu.memory_space<vmem_shared>>
        tpu.wait_indirect_dma semaphore(%run_scoped3A_87 : memref<!tpu.dma_semaphore, #tpu.memory_space<semaphore_mem>>) src(%arg11 : memref<128x128xf32, #tpu.memory_space<vmem>>) dst(%dma_wait3A_99 : memref<10240x128xf32, #tpu.memory_space<vmem_shared>>)
        tpu.yield
      }) : () -> ()
      %dma_wait3A_43 = arith.constant 0 : i32
      %dma_wait3A_44 = arith.constant 0 : i32
      %dma_wait3A_45 = tpu.memref_slice %arg9[%dma_wait3A_43, %dma_wait3A_44] : memref<40x128xi32, #tpu.memory_space<vmem>> -> memref<1x128xi32, #tpu.memory_space<vmem>>
      %dma_wait3A_46 = tpu.memref_squeeze %dma_wait3A_45 : memref<1x128xi32, #tpu.memory_space<vmem>> -> memref<128xi32, #tpu.memory_space<vmem>>
      %dma_wait3A_47 = arith.constant 0 : i32
      %dma_wait3A_48 = arith.constant 0 : i32
      %dma_wait3A_49 = tpu.memref_slice %arg3[%dma_wait3A_47, %dma_wait3A_48] : memref<10240x128xf32, #tpu.memory_space<hbm>> -> memref<10240x128xf32, #tpu.memory_space<hbm>>
      tpu.wait_indirect_dma semaphore(%arg15 : memref<!tpu.dma_semaphore, #tpu.memory_space<semaphore_mem>>) src(%dma_wait3A_49 : memref<10240x128xf32, #tpu.memory_space<hbm>>) dst(%arg12 : memref<128x128xf32, #tpu.memory_space<vmem>>)
      %run_scoped3A_50 = arith.constant 39 : i32
      "tpu.region"() ({
        %run_scoped3A_87 = tpu.sem_alloc : memref<!tpu.dma_semaphore, #tpu.memory_space<semaphore_mem>>
        %dma_start3A_88 = arith.constant 0 : i32
        %dma_start3A_89 = tpu.memref_slice %arg10[%run_scoped3A_50, %dma_start3A_88] : memref<40x128xi32, #tpu.memory_space<vmem>> -> memref<1x128xi32, #tpu.memory_space<vmem>>
        %dma_start3A_90 = tpu.memref_squeeze %dma_start3A_89 : memref<1x128xi32, #tpu.memory_space<vmem>> -> memref<128xi32, #tpu.memory_space<vmem>>
        %dma_start3A_91 = arith.constant 0 : i32
        %dma_start3A_92 = arith.constant 0 : i32
        %dma_start3A_93 = tpu.memref_slice %arg13[%dma_start3A_91, %dma_start3A_92] : memref<10240x128xf32, #tpu.memory_space<vmem_shared>> -> memref<10240x128xf32, #tpu.memory_space<vmem_shared>>
        tpu.enqueue_indirect_dma source(%arg12 : memref<128x128xf32, #tpu.memory_space<vmem>>) target(%dma_start3A_93 : memref<10240x128xf32, #tpu.memory_space<vmem_shared>>) offsets(%dma_start3A_90 : memref<128xi32, #tpu.memory_space<vmem>>) semaphore(%run_scoped3A_87 : memref<!tpu.dma_semaphore, #tpu.memory_space<semaphore_mem>>) {add = true}
        %dma_wait3A_94 = arith.constant 0 : i32
        %dma_wait3A_95 = tpu.memref_slice %arg10[%run_scoped3A_50, %dma_wait3A_94] : memref<40x128xi32, #tpu.memory_space<vmem>> -> memref<1x128xi32, #tpu.memory_space<vmem>>
        %dma_wait3A_96 = tpu.memref_squeeze %dma_wait3A_95 : memref<1x128xi32, #tpu.memory_space<vmem>> -> memref<128xi32, #tpu.memory_space<vmem>>
        %dma_wait3A_97 = arith.constant 0 : i32
        %dma_wait3A_98 = arith.constant 0 : i32
        %dma_wait3A_99 = tpu.memref_slice %arg13[%dma_wait3A_97, %dma_wait3A_98] : memref<10240x128xf32, #tpu.memory_space<vmem_shared>> -> memref<10240x128xf32, #tpu.memory_space<vmem_shared>>
        tpu.wait_indirect_dma semaphore(%run_scoped3A_87 : memref<!tpu.dma_semaphore, #tpu.memory_space<semaphore_mem>>) src(%arg12 : memref<128x128xf32, #tpu.memory_space<vmem>>) dst(%dma_wait3A_99 : memref<10240x128xf32, #tpu.memory_space<vmem_shared>>)
        tpu.yield
      }) : () -> ()
      "tpu.region"() ({
        %run_scoped3A_87 = tpu.sem_alloc : memref<!tpu.dma_semaphore, #tpu.memory_space<semaphore_mem>>
        %dma_start3A_88 = arith.constant 40 : i32
        %dma_start3A_89 = arith.constant 0 : i32
        %dma_start3A_90 = tpu.memref_slice %arg4[%arg1, %dma_start3A_88, %dma_start3A_89] : memref<16x80x128xi32, #tpu.memory_space<hbm>> -> memref<1x40x128xi32, #tpu.memory_space<hbm>>
        %dma_start3A_91 = tpu.memref_squeeze %dma_start3A_90 : memref<1x40x128xi32, #tpu.memory_space<hbm>> -> memref<40x128xi32, #tpu.memory_space<hbm>>
        %dma_start3A_92 = arith.constant 40 : i32
        %dma_start3A_93 = arith.constant 0 : i32
        %dma_start3A_94 = tpu.memref_slice %arg4[%arg1, %dma_start3A_92, %dma_start3A_93] : memref<16x80x128xi32, #tpu.memory_space<hbm>> -> memref<1x40x128xi32, #tpu.memory_space<hbm>>
        %dma_start3A_95 = tpu.memref_squeeze %dma_start3A_94 : memref<1x40x128xi32, #tpu.memory_space<hbm>> -> memref<40x128xi32, #tpu.memory_space<hbm>>
        tpu.enqueue_dma source(%dma_start3A_95 : memref<40x128xi32, #tpu.memory_space<hbm>>) target(%arg9 : memref<40x128xi32, #tpu.memory_space<vmem>>) target_semaphore(%run_scoped3A_87 : memref<!tpu.dma_semaphore, #tpu.memory_space<semaphore_mem>>)
        %dma_wait3A_96 = arith.constant 40 : i32
        %dma_wait3A_97 = arith.constant 0 : i32
        %dma_wait3A_98 = tpu.memref_slice %arg4[%arg1, %dma_wait3A_96, %dma_wait3A_97] : memref<16x80x128xi32, #tpu.memory_space<hbm>> -> memref<1x40x128xi32, #tpu.memory_space<hbm>>
        %dma_wait3A_99 = tpu.memref_squeeze %dma_wait3A_98 : memref<1x40x128xi32, #tpu.memory_space<hbm>> -> memref<40x128xi32, #tpu.memory_space<hbm>>
        %dma_wait3A_100 = arith.constant 40 : i32
        %dma_wait3A_101 = arith.constant 0 : i32
        %dma_wait3A_102 = tpu.memref_slice %arg4[%arg1, %dma_wait3A_100, %dma_wait3A_101] : memref<16x80x128xi32, #tpu.memory_space<hbm>> -> memref<1x40x128xi32, #tpu.memory_space<hbm>>
        %dma_wait3A_103 = tpu.memref_squeeze %dma_wait3A_102 : memref<1x40x128xi32, #tpu.memory_space<hbm>> -> memref<40x128xi32, #tpu.memory_space<hbm>>
        tpu.wait_dma2 semaphore(%run_scoped3A_87 : memref<!tpu.dma_semaphore, #tpu.memory_space<semaphore_mem>>) src(%dma_wait3A_103 : memref<40x128xi32, #tpu.memory_space<hbm>>) dst(%arg9 : memref<40x128xi32, #tpu.memory_space<vmem>>)
        tpu.yield
      }) : () -> ()
      "tpu.region"() ({
        %run_scoped3A_87 = tpu.sem_alloc : memref<!tpu.dma_semaphore, #tpu.memory_space<semaphore_mem>>
        %dma_start3A_88 = arith.constant 40 : i32
        %dma_start3A_89 = arith.constant 0 : i32
        %dma_start3A_90 = tpu.memref_slice %arg5[%arg1, %dma_start3A_88, %dma_start3A_89] : memref<16x80x128xi32, #tpu.memory_space<hbm>> -> memref<1x40x128xi32, #tpu.memory_space<hbm>>
        %dma_start3A_91 = tpu.memref_squeeze %dma_start3A_90 : memref<1x40x128xi32, #tpu.memory_space<hbm>> -> memref<40x128xi32, #tpu.memory_space<hbm>>
        %dma_start3A_92 = arith.constant 40 : i32
        %dma_start3A_93 = arith.constant 0 : i32
        %dma_start3A_94 = tpu.memref_slice %arg5[%arg1, %dma_start3A_92, %dma_start3A_93] : memref<16x80x128xi32, #tpu.memory_space<hbm>> -> memref<1x40x128xi32, #tpu.memory_space<hbm>>
        %dma_start3A_95 = tpu.memref_squeeze %dma_start3A_94 : memref<1x40x128xi32, #tpu.memory_space<hbm>> -> memref<40x128xi32, #tpu.memory_space<hbm>>
        tpu.enqueue_dma source(%dma_start3A_95 : memref<40x128xi32, #tpu.memory_space<hbm>>) target(%arg10 : memref<40x128xi32, #tpu.memory_space<vmem>>) target_semaphore(%run_scoped3A_87 : memref<!tpu.dma_semaphore, #tpu.memory_space<semaphore_mem>>)
        %dma_wait3A_96 = arith.constant 40 : i32
        %dma_wait3A_97 = arith.constant 0 : i32
        %dma_wait3A_98 = tpu.memref_slice %arg5[%arg1, %dma_wait3A_96, %dma_wait3A_97] : memref<16x80x128xi32, #tpu.memory_space<hbm>> -> memref<1x40x128xi32, #tpu.memory_space<hbm>>
        %dma_wait3A_99 = tpu.memref_squeeze %dma_wait3A_98 : memref<1x40x128xi32, #tpu.memory_space<hbm>> -> memref<40x128xi32, #tpu.memory_space<hbm>>
        %dma_wait3A_100 = arith.constant 40 : i32
        %dma_wait3A_101 = arith.constant 0 : i32
        %dma_wait3A_102 = tpu.memref_slice %arg5[%arg1, %dma_wait3A_100, %dma_wait3A_101] : memref<16x80x128xi32, #tpu.memory_space<hbm>> -> memref<1x40x128xi32, #tpu.memory_space<hbm>>
        %dma_wait3A_103 = tpu.memref_squeeze %dma_wait3A_102 : memref<1x40x128xi32, #tpu.memory_space<hbm>> -> memref<40x128xi32, #tpu.memory_space<hbm>>
        tpu.wait_dma2 semaphore(%run_scoped3A_87 : memref<!tpu.dma_semaphore, #tpu.memory_space<semaphore_mem>>) src(%dma_wait3A_103 : memref<40x128xi32, #tpu.memory_space<hbm>>) dst(%arg10 : memref<40x128xi32, #tpu.memory_space<vmem>>)
        tpu.yield
      }) : () -> ()
      %dma_start3A_51 = arith.constant 0 : i32
      %dma_start3A_52 = arith.constant 0 : i32
      %dma_start3A_53 = tpu.memref_slice %arg9[%dma_start3A_51, %dma_start3A_52] : memref<40x128xi32, #tpu.memory_space<vmem>> -> memref<1x128xi32, #tpu.memory_space<vmem>>
      %dma_start3A_54 = tpu.memref_squeeze %dma_start3A_53 : memref<1x128xi32, #tpu.memory_space<vmem>> -> memref<128xi32, #tpu.memory_space<vmem>>
      %dma_start3A_55 = arith.constant 0 : i32
      %dma_start3A_56 = arith.constant 0 : i32
      %dma_start3A_57 = tpu.memref_slice %arg3[%dma_start3A_55, %dma_start3A_56] : memref<10240x128xf32, #tpu.memory_space<hbm>> -> memref<10240x128xf32, #tpu.memory_space<hbm>>
      tpu.enqueue_indirect_dma source(%dma_start3A_57 : memref<10240x128xf32, #tpu.memory_space<hbm>>) target(%arg11 : memref<128x128xf32, #tpu.memory_space<vmem>>) offsets(%dma_start3A_54 : memref<128xi32, #tpu.memory_space<vmem>>) semaphore(%arg14 : memref<!tpu.dma_semaphore, #tpu.memory_space<semaphore_mem>>)
      %dma_start3A_58 = arith.constant 1 : i32
      %dma_start3A_59 = arith.constant 0 : i32
      %dma_start3A_60 = tpu.memref_slice %arg9[%dma_start3A_58, %dma_start3A_59] : memref<40x128xi32, #tpu.memory_space<vmem>> -> memref<1x128xi32, #tpu.memory_space<vmem>>
      %dma_start3A_61 = tpu.memref_squeeze %dma_start3A_60 : memref<1x128xi32, #tpu.memory_space<vmem>> -> memref<128xi32, #tpu.memory_space<vmem>>
      %dma_start3A_62 = arith.constant 0 : i32
      %dma_start3A_63 = arith.constant 0 : i32
      %dma_start3A_64 = tpu.memref_slice %arg3[%dma_start3A_62, %dma_start3A_63] : memref<10240x128xf32, #tpu.memory_space<hbm>> -> memref<10240x128xf32, #tpu.memory_space<hbm>>
      tpu.enqueue_indirect_dma source(%dma_start3A_64 : memref<10240x128xf32, #tpu.memory_space<hbm>>) target(%arg12 : memref<128x128xf32, #tpu.memory_space<vmem>>) offsets(%dma_start3A_61 : memref<128xi32, #tpu.memory_space<vmem>>) semaphore(%arg15 : memref<!tpu.dma_semaphore, #tpu.memory_space<semaphore_mem>>)
      %scan3A_65 = arith.constant 0 : i32
      %scan3A_66 = arith.constant 0 : i32
      %scan3A_67 = arith.constant 19 : i32
      %scan3A_68 = arith.addi %scan3A_66, %scan3A_67 : i32
      %scan3A_69 = arith.constant 1 : i32
      scf.for %scan3A_87 = %scan3A_66 to %scan3A_68 step %scan3A_69  : i32 {
        %dma_wait3A_88 = arith.constant 0 : i32
        %dma_wait3A_89 = arith.constant 0 : i32
        %dma_wait3A_90 = tpu.memref_slice %arg9[%dma_wait3A_88, %dma_wait3A_89] : memref<40x128xi32, #tpu.memory_space<vmem>> -> memref<1x128xi32, #tpu.memory_space<vmem>>
        %dma_wait3A_91 = tpu.memref_squeeze %dma_wait3A_90 : memref<1x128xi32, #tpu.memory_space<vmem>> -> memref<128xi32, #tpu.memory_space<vmem>>
        %dma_wait3A_92 = arith.constant 0 : i32
        %dma_wait3A_93 = arith.constant 0 : i32
        %dma_wait3A_94 = tpu.memref_slice %arg3[%dma_wait3A_92, %dma_wait3A_93] : memref<10240x128xf32, #tpu.memory_space<hbm>> -> memref<10240x128xf32, #tpu.memory_space<hbm>>
        tpu.wait_indirect_dma semaphore(%arg14 : memref<!tpu.dma_semaphore, #tpu.memory_space<semaphore_mem>>) src(%dma_wait3A_94 : memref<10240x128xf32, #tpu.memory_space<hbm>>) dst(%arg11 : memref<128x128xf32, #tpu.memory_space<vmem>>)
        %mul3A_95 = arith.constant 2 : i32
        %mul3A_96 = arith.muli %mul3A_95, %scan3A_87 : i32
        "tpu.region"() ({
          %run_scoped3A_127 = tpu.sem_alloc : memref<!tpu.dma_semaphore, #tpu.memory_space<semaphore_mem>>
          %dma_start3A_128 = arith.constant 0 : i32
          %dma_start3A_129 = tpu.memref_slice %arg10[%mul3A_96, %dma_start3A_128] : memref<40x128xi32, #tpu.memory_space<vmem>> -> memref<1x128xi32, #tpu.memory_space<vmem>>
          %dma_start3A_130 = tpu.memref_squeeze %dma_start3A_129 : memref<1x128xi32, #tpu.memory_space<vmem>> -> memref<128xi32, #tpu.memory_space<vmem>>
          %dma_start3A_131 = arith.constant 0 : i32
          %dma_start3A_132 = arith.constant 0 : i32
          %dma_start3A_133 = tpu.memref_slice %arg13[%dma_start3A_131, %dma_start3A_132] : memref<10240x128xf32, #tpu.memory_space<vmem_shared>> -> memref<10240x128xf32, #tpu.memory_space<vmem_shared>>
          tpu.enqueue_indirect_dma source(%arg11 : memref<128x128xf32, #tpu.memory_space<vmem>>) target(%dma_start3A_133 : memref<10240x128xf32, #tpu.memory_space<vmem_shared>>) offsets(%dma_start3A_130 : memref<128xi32, #tpu.memory_space<vmem>>) semaphore(%run_scoped3A_127 : memref<!tpu.dma_semaphore, #tpu.memory_space<semaphore_mem>>) {add = true}
          %dma_wait3A_134 = arith.constant 0 : i32
          %dma_wait3A_135 = tpu.memref_slice %arg10[%mul3A_96, %dma_wait3A_134] : memref<40x128xi32, #tpu.memory_space<vmem>> -> memref<1x128xi32, #tpu.memory_space<vmem>>
          %dma_wait3A_136 = tpu.memref_squeeze %dma_wait3A_135 : memref<1x128xi32, #tpu.memory_space<vmem>> -> memref<128xi32, #tpu.memory_space<vmem>>
          %dma_wait3A_137 = arith.constant 0 : i32
          %dma_wait3A_138 = arith.constant 0 : i32
          %dma_wait3A_139 = tpu.memref_slice %arg13[%dma_wait3A_137, %dma_wait3A_138] : memref<10240x128xf32, #tpu.memory_space<vmem_shared>> -> memref<10240x128xf32, #tpu.memory_space<vmem_shared>>
          tpu.wait_indirect_dma semaphore(%run_scoped3A_127 : memref<!tpu.dma_semaphore, #tpu.memory_space<semaphore_mem>>) src(%arg11 : memref<128x128xf32, #tpu.memory_space<vmem>>) dst(%dma_wait3A_139 : memref<10240x128xf32, #tpu.memory_space<vmem_shared>>)
          tpu.yield
        }) : () -> ()
        %mul3A_97 = arith.constant 2 : i32
        %mul3A_98 = arith.muli %mul3A_97, %scan3A_87 : i32
        %add3A = arith.constant 2 : i32
        %add3A_99 = arith.addi %mul3A_98, %add3A : i32
        %dma_start3A_100 = arith.constant 0 : i32
        %dma_start3A_101 = tpu.memref_slice %arg9[%add3A_99, %dma_start3A_100] : memref<40x128xi32, #tpu.memory_space<vmem>> -> memref<1x128xi32, #tpu.memory_space<vmem>>
        %dma_start3A_102 = tpu.memref_squeeze %dma_start3A_101 : memref<1x128xi32, #tpu.memory_space<vmem>> -> memref<128xi32, #tpu.memory_space<vmem>>
        %dma_start3A_103 = arith.constant 0 : i32
        %dma_start3A_104 = arith.constant 0 : i32
        %dma_start3A_105 = tpu.memref_slice %arg3[%dma_start3A_103, %dma_start3A_104] : memref<10240x128xf32, #tpu.memory_space<hbm>> -> memref<10240x128xf32, #tpu.memory_space<hbm>>
        tpu.enqueue_indirect_dma source(%dma_start3A_105 : memref<10240x128xf32, #tpu.memory_space<hbm>>) target(%arg11 : memref<128x128xf32, #tpu.memory_space<vmem>>) offsets(%dma_start3A_102 : memref<128xi32, #tpu.memory_space<vmem>>) semaphore(%arg14 : memref<!tpu.dma_semaphore, #tpu.memory_space<semaphore_mem>>)
        %dma_wait3A_106 = arith.constant 0 : i32
        %dma_wait3A_107 = arith.constant 0 : i32
        %dma_wait3A_108 = tpu.memref_slice %arg9[%dma_wait3A_106, %dma_wait3A_107] : memref<40x128xi32, #tpu.memory_space<vmem>> -> memref<1x128xi32, #tpu.memory_space<vmem>>
        %dma_wait3A_109 = tpu.memref_squeeze %dma_wait3A_108 : memref<1x128xi32, #tpu.memory_space<vmem>> -> memref<128xi32, #tpu.memory_space<vmem>>
        %dma_wait3A_110 = arith.constant 0 : i32
        %dma_wait3A_111 = arith.constant 0 : i32
        %dma_wait3A_112 = tpu.memref_slice %arg3[%dma_wait3A_110, %dma_wait3A_111] : memref<10240x128xf32, #tpu.memory_space<hbm>> -> memref<10240x128xf32, #tpu.memory_space<hbm>>
        tpu.wait_indirect_dma semaphore(%arg15 : memref<!tpu.dma_semaphore, #tpu.memory_space<semaphore_mem>>) src(%dma_wait3A_112 : memref<10240x128xf32, #tpu.memory_space<hbm>>) dst(%arg12 : memref<128x128xf32, #tpu.memory_space<vmem>>)
        %mul3A_113 = arith.constant 2 : i32
        %mul3A_114 = arith.muli %mul3A_113, %scan3A_87 : i32
        %add3A_115 = arith.constant 1 : i32
        %add3A_116 = arith.addi %mul3A_114, %add3A_115 : i32
        "tpu.region"() ({
          %run_scoped3A_127 = tpu.sem_alloc : memref<!tpu.dma_semaphore, #tpu.memory_space<semaphore_mem>>
          %dma_start3A_128 = arith.constant 0 : i32
          %dma_start3A_129 = tpu.memref_slice %arg10[%add3A_116, %dma_start3A_128] : memref<40x128xi32, #tpu.memory_space<vmem>> -> memref<1x128xi32, #tpu.memory_space<vmem>>
          %dma_start3A_130 = tpu.memref_squeeze %dma_start3A_129 : memref<1x128xi32, #tpu.memory_space<vmem>> -> memref<128xi32, #tpu.memory_space<vmem>>
          %dma_start3A_131 = arith.constant 0 : i32
          %dma_start3A_132 = arith.constant 0 : i32
          %dma_start3A_133 = tpu.memref_slice %arg13[%dma_start3A_131, %dma_start3A_132] : memref<10240x128xf32, #tpu.memory_space<vmem_shared>> -> memref<10240x128xf32, #tpu.memory_space<vmem_shared>>
          tpu.enqueue_indirect_dma source(%arg12 : memref<128x128xf32, #tpu.memory_space<vmem>>) target(%dma_start3A_133 : memref<10240x128xf32, #tpu.memory_space<vmem_shared>>) offsets(%dma_start3A_130 : memref<128xi32, #tpu.memory_space<vmem>>) semaphore(%run_scoped3A_127 : memref<!tpu.dma_semaphore, #tpu.memory_space<semaphore_mem>>) {add = true}
          %dma_wait3A_134 = arith.constant 0 : i32
          %dma_wait3A_135 = tpu.memref_slice %arg10[%add3A_116, %dma_wait3A_134] : memref<40x128xi32, #tpu.memory_space<vmem>> -> memref<1x128xi32, #tpu.memory_space<vmem>>
          %dma_wait3A_136 = tpu.memref_squeeze %dma_wait3A_135 : memref<1x128xi32, #tpu.memory_space<vmem>> -> memref<128xi32, #tpu.memory_space<vmem>>
          %dma_wait3A_137 = arith.constant 0 : i32
          %dma_wait3A_138 = arith.constant 0 : i32
          %dma_wait3A_139 = tpu.memref_slice %arg13[%dma_wait3A_137, %dma_wait3A_138] : memref<10240x128xf32, #tpu.memory_space<vmem_shared>> -> memref<10240x128xf32, #tpu.memory_space<vmem_shared>>
          tpu.wait_indirect_dma semaphore(%run_scoped3A_127 : memref<!tpu.dma_semaphore, #tpu.memory_space<semaphore_mem>>) src(%arg12 : memref<128x128xf32, #tpu.memory_space<vmem>>) dst(%dma_wait3A_139 : memref<10240x128xf32, #tpu.memory_space<vmem_shared>>)
          tpu.yield
        }) : () -> ()
        %mul3A_117 = arith.constant 2 : i32
        %mul3A_118 = arith.muli %mul3A_117, %scan3A_87 : i32
        %add3A_119 = arith.constant 3 : i32
        %add3A_120 = arith.addi %mul3A_118, %add3A_119 : i32
        %dma_start3A_121 = arith.constant 0 : i32
        %dma_start3A_122 = tpu.memref_slice %arg9[%add3A_120, %dma_start3A_121] : memref<40x128xi32, #tpu.memory_space<vmem>> -> memref<1x128xi32, #tpu.memory_space<vmem>>
        %dma_start3A_123 = tpu.memref_squeeze %dma_start3A_122 : memref<1x128xi32, #tpu.memory_space<vmem>> -> memref<128xi32, #tpu.memory_space<vmem>>
        %dma_start3A_124 = arith.constant 0 : i32
        %dma_start3A_125 = arith.constant 0 : i32
        %dma_start3A_126 = tpu.memref_slice %arg3[%dma_start3A_124, %dma_start3A_125] : memref<10240x128xf32, #tpu.memory_space<hbm>> -> memref<10240x128xf32, #tpu.memory_space<hbm>>
        tpu.enqueue_indirect_dma source(%dma_start3A_126 : memref<10240x128xf32, #tpu.memory_space<hbm>>) target(%arg12 : memref<128x128xf32, #tpu.memory_space<vmem>>) offsets(%dma_start3A_123 : memref<128xi32, #tpu.memory_space<vmem>>) semaphore(%arg15 : memref<!tpu.dma_semaphore, #tpu.memory_space<semaphore_mem>>)
      }
      %scan3A_70 = arith.constant 19 : i32
      %dma_wait3A_71 = arith.constant 0 : i32
      %dma_wait3A_72 = arith.constant 0 : i32
      %dma_wait3A_73 = tpu.memref_slice %arg9[%dma_wait3A_71, %dma_wait3A_72] : memref<40x128xi32, #tpu.memory_space<vmem>> -> memref<1x128xi32, #tpu.memory_space<vmem>>
      %dma_wait3A_74 = tpu.memref_squeeze %dma_wait3A_73 : memref<1x128xi32, #tpu.memory_space<vmem>> -> memref<128xi32, #tpu.memory_space<vmem>>
      %dma_wait3A_75 = arith.constant 0 : i32
      %dma_wait3A_76 = arith.constant 0 : i32
      %dma_wait3A_77 = tpu.memref_slice %arg3[%dma_wait3A_75, %dma_wait3A_76] : memref<10240x128xf32, #tpu.memory_space<hbm>> -> memref<10240x128xf32, #tpu.memory_space<hbm>>
      tpu.wait_indirect_dma semaphore(%arg14 : memref<!tpu.dma_semaphore, #tpu.memory_space<semaphore_mem>>) src(%dma_wait3A_77 : memref<10240x128xf32, #tpu.memory_space<hbm>>) dst(%arg11 : memref<128x128xf32, #tpu.memory_space<vmem>>)
      %run_scoped3A_78 = arith.constant 38 : i32
      "tpu.region"() ({
        %run_scoped3A_87 = tpu.sem_alloc : memref<!tpu.dma_semaphore, #tpu.memory_space<semaphore_mem>>
        %dma_start3A_88 = arith.constant 0 : i32
        %dma_start3A_89 = tpu.memref_slice %arg10[%run_scoped3A_78, %dma_start3A_88] : memref<40x128xi32, #tpu.memory_space<vmem>> -> memref<1x128xi32, #tpu.memory_space<vmem>>
        %dma_start3A_90 = tpu.memref_squeeze %dma_start3A_89 : memref<1x128xi32, #tpu.memory_space<vmem>> -> memref<128xi32, #tpu.memory_space<vmem>>
        %dma_start3A_91 = arith.constant 0 : i32
        %dma_start3A_92 = arith.constant 0 : i32
        %dma_start3A_93 = tpu.memref_slice %arg13[%dma_start3A_91, %dma_start3A_92] : memref<10240x128xf32, #tpu.memory_space<vmem_shared>> -> memref<10240x128xf32, #tpu.memory_space<vmem_shared>>
        tpu.enqueue_indirect_dma source(%arg11 : memref<128x128xf32, #tpu.memory_space<vmem>>) target(%dma_start3A_93 : memref<10240x128xf32, #tpu.memory_space<vmem_shared>>) offsets(%dma_start3A_90 : memref<128xi32, #tpu.memory_space<vmem>>) semaphore(%run_scoped3A_87 : memref<!tpu.dma_semaphore, #tpu.memory_space<semaphore_mem>>) {add = true}
        %dma_wait3A_94 = arith.constant 0 : i32
        %dma_wait3A_95 = tpu.memref_slice %arg10[%run_scoped3A_78, %dma_wait3A_94] : memref<40x128xi32, #tpu.memory_space<vmem>> -> memref<1x128xi32, #tpu.memory_space<vmem>>
        %dma_wait3A_96 = tpu.memref_squeeze %dma_wait3A_95 : memref<1x128xi32, #tpu.memory_space<vmem>> -> memref<128xi32, #tpu.memory_space<vmem>>
        %dma_wait3A_97 = arith.constant 0 : i32
        %dma_wait3A_98 = arith.constant 0 : i32
        %dma_wait3A_99 = tpu.memref_slice %arg13[%dma_wait3A_97, %dma_wait3A_98] : memref<10240x128xf32, #tpu.memory_space<vmem_shared>> -> memref<10240x128xf32, #tpu.memory_space<vmem_shared>>
        tpu.wait_indirect_dma semaphore(%run_scoped3A_87 : memref<!tpu.dma_semaphore, #tpu.memory_space<semaphore_mem>>) src(%arg11 : memref<128x128xf32, #tpu.memory_space<vmem>>) dst(%dma_wait3A_99 : memref<10240x128xf32, #tpu.memory_space<vmem_shared>>)
        tpu.yield
      }) : () -> ()
      %dma_wait3A_79 = arith.constant 0 : i32
      %dma_wait3A_80 = arith.constant 0 : i32
      %dma_wait3A_81 = tpu.memref_slice %arg9[%dma_wait3A_79, %dma_wait3A_80] : memref<40x128xi32, #tpu.memory_space<vmem>> -> memref<1x128xi32, #tpu.memory_space<vmem>>
      %dma_wait3A_82 = tpu.memref_squeeze %dma_wait3A_81 : memref<1x128xi32, #tpu.memory_space<vmem>> -> memref<128xi32, #tpu.memory_space<vmem>>
      %dma_wait3A_83 = arith.constant 0 : i32
      %dma_wait3A_84 = arith.constant 0 : i32
      %dma_wait3A_85 = tpu.memref_slice %arg3[%dma_wait3A_83, %dma_wait3A_84] : memref<10240x128xf32, #tpu.memory_space<hbm>> -> memref<10240x128xf32, #tpu.memory_space<hbm>>
      tpu.wait_indirect_dma semaphore(%arg15 : memref<!tpu.dma_semaphore, #tpu.memory_space<semaphore_mem>>) src(%dma_wait3A_85 : memref<10240x128xf32, #tpu.memory_space<hbm>>) dst(%arg12 : memref<128x128xf32, #tpu.memory_space<vmem>>)
      %run_scoped3A_86 = arith.constant 39 : i32
      "tpu.region"() ({
        %run_scoped3A_87 = tpu.sem_alloc : memref<!tpu.dma_semaphore, #tpu.memory_space<semaphore_mem>>
        %dma_start3A_88 = arith.constant 0 : i32
        %dma_start3A_89 = tpu.memref_slice %arg10[%run_scoped3A_86, %dma_start3A_88] : memref<40x128xi32, #tpu.memory_space<vmem>> -> memref<1x128xi32, #tpu.memory_space<vmem>>
        %dma_start3A_90 = tpu.memref_squeeze %dma_start3A_89 : memref<1x128xi32, #tpu.memory_space<vmem>> -> memref<128xi32, #tpu.memory_space<vmem>>
        %dma_start3A_91 = arith.constant 0 : i32
        %dma_start3A_92 = arith.constant 0 : i32
        %dma_start3A_93 = tpu.memref_slice %arg13[%dma_start3A_91, %dma_start3A_92] : memref<10240x128xf32, #tpu.memory_space<vmem_shared>> -> memref<10240x128xf32, #tpu.memory_space<vmem_shared>>
        tpu.enqueue_indirect_dma source(%arg12 : memref<128x128xf32, #tpu.memory_space<vmem>>) target(%dma_start3A_93 : memref<10240x128xf32, #tpu.memory_space<vmem_shared>>) offsets(%dma_start3A_90 : memref<128xi32, #tpu.memory_space<vmem>>) semaphore(%run_scoped3A_87 : memref<!tpu.dma_semaphore, #tpu.memory_space<semaphore_mem>>) {add = true}
        %dma_wait3A_94 = arith.constant 0 : i32
        %dma_wait3A_95 = tpu.memref_slice %arg10[%run_scoped3A_86, %dma_wait3A_94] : memref<40x128xi32, #tpu.memory_space<vmem>> -> memref<1x128xi32, #tpu.memory_space<vmem>>
        %dma_wait3A_96 = tpu.memref_squeeze %dma_wait3A_95 : memref<1x128xi32, #tpu.memory_space<vmem>> -> memref<128xi32, #tpu.memory_space<vmem>>
        %dma_wait3A_97 = arith.constant 0 : i32
        %dma_wait3A_98 = arith.constant 0 : i32
        %dma_wait3A_99 = tpu.memref_slice %arg13[%dma_wait3A_97, %dma_wait3A_98] : memref<10240x128xf32, #tpu.memory_space<vmem_shared>> -> memref<10240x128xf32, #tpu.memory_space<vmem_shared>>
        tpu.wait_indirect_dma semaphore(%run_scoped3A_87 : memref<!tpu.dma_semaphore, #tpu.memory_space<semaphore_mem>>) src(%arg12 : memref<128x128xf32, #tpu.memory_space<vmem>>) dst(%dma_wait3A_99 : memref<10240x128xf32, #tpu.memory_space<vmem_shared>>)
        tpu.yield
      }) : () -> ()
    } else {
    }
    %barrier3A_8 = arith.constant 0 : index
    tpu.barrier barrier_id(%barrier3A_8)
    %eq3A_9 = arith.constant 0 : i32
    %eq3A_10 = arith.cmpi eq, %arg0, %eq3A_9 : i32
    %convert_element_type3A_11 = arith.extui %eq3A_10 : i1 to i32
    %cond3A_12 = arith.constant 0 : i32
    %cond3A_13 = arith.cmpi ne, %convert_element_type3A_11, %cond3A_12 : i32
    scf.if %cond3A_13 {
      "tpu.region"() ({
        %run_scoped3A = tpu.sem_alloc : memref<!tpu.dma_semaphore, #tpu.memory_space<semaphore_mem>>
        %dma_start3A = arith.constant 0 : i32
        %dma_start3A_19 = tpu.memref_slice %arg7[%mul3A_0, %dma_start3A] : memref<10240x128xf32, #tpu.memory_space<hbm>> -> memref<640x128xf32, #tpu.memory_space<hbm>>
        %dma_start3A_20 = arith.constant 0 : i32
        %dma_start3A_21 = tpu.memref_slice %arg13[%mul3A_0, %dma_start3A_20] : memref<10240x128xf32, #tpu.memory_space<vmem_shared>> -> memref<640x128xf32, #tpu.memory_space<vmem_shared>>
        tpu.enqueue_dma source(%dma_start3A_21 : memref<640x128xf32, #tpu.memory_space<vmem_shared>>) target(%dma_start3A_19 : memref<640x128xf32, #tpu.memory_space<hbm>>) target_semaphore(%run_scoped3A : memref<!tpu.dma_semaphore, #tpu.memory_space<semaphore_mem>>)
        %dma_wait3A = arith.constant 0 : i32
        %dma_wait3A_22 = tpu.memref_slice %arg7[%mul3A_0, %dma_wait3A] : memref<10240x128xf32, #tpu.memory_space<hbm>> -> memref<640x128xf32, #tpu.memory_space<hbm>>
        %dma_wait3A_23 = arith.constant 0 : i32
        %dma_wait3A_24 = tpu.memref_slice %arg13[%mul3A_0, %dma_wait3A_23] : memref<10240x128xf32, #tpu.memory_space<vmem_shared>> -> memref<640x128xf32, #tpu.memory_space<vmem_shared>>
        tpu.wait_dma2 semaphore(%run_scoped3A : memref<!tpu.dma_semaphore, #tpu.memory_space<semaphore_mem>>) src(%dma_wait3A_24 : memref<640x128xf32, #tpu.memory_space<vmem_shared>>) dst(%dma_wait3A_22 : memref<640x128xf32, #tpu.memory_space<hbm>>)
        tpu.yield
      }) : () -> ()
    } else {
    }
    %eq3A_14 = arith.constant 1 : i32
    %eq3A_15 = arith.cmpi eq, %arg0, %eq3A_14 : i32
    %convert_element_type3A_16 = arith.extui %eq3A_15 : i1 to i32
    %cond3A_17 = arith.constant 0 : i32
    %cond3A_18 = arith.cmpi ne, %convert_element_type3A_16, %cond3A_17 : i32
    scf.if %cond3A_18 {
      "tpu.region"() ({
        %run_scoped3A = tpu.sem_alloc : memref<!tpu.dma_semaphore, #tpu.memory_space<semaphore_mem>>
        %dma_start3A = arith.constant 0 : i32
        %dma_start3A_19 = tpu.memref_slice %arg8[%mul3A_0, %dma_start3A] : memref<10240x128xf32, #tpu.memory_space<hbm>> -> memref<640x128xf32, #tpu.memory_space<hbm>>
        %dma_start3A_20 = arith.constant 0 : i32
        %dma_start3A_21 = tpu.memref_slice %arg13[%mul3A_0, %dma_start3A_20] : memref<10240x128xf32, #tpu.memory_space<vmem_shared>> -> memref<640x128xf32, #tpu.memory_space<vmem_shared>>
        tpu.enqueue_dma source(%dma_start3A_21 : memref<640x128xf32, #tpu.memory_space<vmem_shared>>) target(%dma_start3A_19 : memref<640x128xf32, #tpu.memory_space<hbm>>) target_semaphore(%run_scoped3A : memref<!tpu.dma_semaphore, #tpu.memory_space<semaphore_mem>>)
        %dma_wait3A = arith.constant 0 : i32
        %dma_wait3A_22 = tpu.memref_slice %arg8[%mul3A_0, %dma_wait3A] : memref<10240x128xf32, #tpu.memory_space<hbm>> -> memref<640x128xf32, #tpu.memory_space<hbm>>
        %dma_wait3A_23 = arith.constant 0 : i32
        %dma_wait3A_24 = tpu.memref_slice %arg13[%mul3A_0, %dma_wait3A_23] : memref<10240x128xf32, #tpu.memory_space<vmem_shared>> -> memref<640x128xf32, #tpu.memory_space<vmem_shared>>
        tpu.wait_dma2 semaphore(%run_scoped3A : memref<!tpu.dma_semaphore, #tpu.memory_space<semaphore_mem>>) src(%dma_wait3A_24 : memref<640x128xf32, #tpu.memory_space<vmem_shared>>) dst(%dma_wait3A_22 : memref<640x128xf32, #tpu.memory_space<hbm>>)
        tpu.yield
      }) : () -> ()
    } else {
    }
    return
  }
}

module attributes {stable_mosaic.version = 14 : i64} {
  func.func @body(%arg0: i32, %arg1: memref<1024x256xf32, #tpu.memory_space<vmem>>, %arg2: memref<256x256xf32, #tpu.memory_space<vmem>>, %arg3: memref<1024x16xf32, #tpu.memory_space<vmem>>, %arg4: memref<1024x16xf32, #tpu.memory_space<vmem>>, %arg5: memref<1024x128xf32, #tpu.memory_space<vmem>>, %arg6: memref<1024x128xf32, #tpu.memory_space<vmem>>) attributes {dimension_semantics = [#tpu.dimension_semantics<arbitrary>], iteration_bounds = array<i64: 10>, scalar_prefetch = 0 : i64, scratch_operands = 0 : i64, tpu.core_type = #tpu.core_type<tc>, window_params = [{transform_indices = @transform_0, window_bounds = array<i64: 1024, 256>}, {pipeline_mode = #tpu.pipeline_mode<synchronous>, transform_indices = @transform_1, window_bounds = array<i64: 256, 256>}, {transform_indices = @transform_2, window_bounds = array<i64: 1024, 16>}, {transform_indices = @transform_3, window_bounds = array<i64: 1024, 16>}, {transform_indices = @transform_4, window_bounds = array<i64: 1024, 128>}, {transform_indices = @transform_5, window_bounds = array<i64: 1024, 128>}]} {
    %get3A = arith.constant 0 : index
    %get3A_0 = arith.constant 0 : index
    %get3A_1 = vector.load %arg1[%get3A, %get3A_0] : memref<1024x256xf32, #tpu.memory_space<vmem>>, vector<1024x256xf32>
    %get3A_2 = arith.constant 0 : index
    %get3A_3 = arith.constant 0 : index
    %get3A_4 = vector.load %arg2[%get3A_2, %get3A_3] : memref<256x256xf32, #tpu.memory_space<vmem>>, vector<256x256xf32>
    %dot_general3A = arith.constant dense<0.000000e+00> : vector<1024x256xf32>
    %dot_general3A_5 = tpu.matmul %get3A_1, %get3A_4, %dot_general3A {dimension_numbers = #tpu.dot_dimension_numbers<[1], [0], [0], [1], [0, 0, 1, 1], [], []>, transpose_lhs_hint = false} : vector<1024x256xf32>, vector<256x256xf32>, vector<1024x256xf32> -> vector<1024x256xf32>
    %get3A_6 = arith.constant 0 : index
    %get3A_7 = arith.constant 0 : index
    %get3A_8 = vector.load %arg3[%get3A_6, %get3A_7] : memref<1024x16xf32, #tpu.memory_space<vmem>>, vector<1024x1xf32>
    %get3A_9 = arith.constant 0 : index
    %get3A_10 = arith.constant 0 : index
    %get3A_11 = vector.load %arg4[%get3A_9, %get3A_10] : memref<1024x16xf32, #tpu.memory_space<vmem>>, vector<1024x1xf32>
    %add3A = arith.addf %get3A_8, %get3A_11 : vector<1024x1xf32>
    %add3A_12 = arith.constant 1.000000e+00 : f32
    %add3A_13 = vector.broadcast %add3A_12 : f32 to vector<1024x1xf32>
    %add3A_14 = arith.addf %add3A, %add3A_13 : vector<1024x1xf32>
    %rsqrt3A = math.rsqrt %add3A_14 : vector<1024x1xf32>
    %mul3A = vector.broadcast %rsqrt3A : vector<1024x1xf32> to vector<1024x256xf32>
    %mul3A_15 = arith.mulf %dot_general3A_5, %mul3A : vector<1024x256xf32>
    %slice3A = vector.extract_strided_slice %mul3A_15 {offsets = [0, 0], sizes = [1024, 128], strides = [1, 1]} : vector<1024x256xf32> to vector<1024x128xf32>
    %swap3A = arith.constant 0 : index
    %swap3A_16 = arith.constant 0 : index
    %swap3A_17 = vector.load %arg5[%swap3A, %swap3A_16] : memref<1024x128xf32, #tpu.memory_space<vmem>>, vector<1024x128xf32>
    tpu.vector_store %arg5[%swap3A, %swap3A_16], %slice3A {strides = array<i32>} : memref<1024x128xf32, #tpu.memory_space<vmem>>, vector<1024x128xf32>,
    %slice3A_18 = vector.extract_strided_slice %mul3A_15 {offsets = [0, 128], sizes = [1024, 128], strides = [1, 1]} : vector<1024x256xf32> to vector<1024x128xf32>
    %swap3A_19 = arith.constant 0 : index
    %swap3A_20 = arith.constant 0 : index
    %swap3A_21 = vector.load %arg6[%swap3A_19, %swap3A_20] : memref<1024x128xf32, #tpu.memory_space<vmem>>, vector<1024x128xf32>
    tpu.vector_store %arg6[%swap3A_19, %swap3A_20], %slice3A_18 {strides = array<i32>} : memref<1024x128xf32, #tpu.memory_space<vmem>>, vector<1024x128xf32>,
    return
  }
  func.func @transform_0(%arg0: i32) -> (i32, i32) {
    %c0_i32 = arith.constant 0 : i32
    %c0_i32_0 = arith.constant 0 : i32
    return %arg0, %c0_i32 : i32, i32
  }
  func.func @transform_1(%arg0: i32) -> (i32, i32) {
    %c0_i32 = arith.constant 0 : i32
    %c0_i32_0 = arith.constant 0 : i32
    %c0_i32_1 = arith.constant 0 : i32
    return %c0_i32, %c0_i32_0 : i32, i32
  }
  func.func @transform_2(%arg0: i32) -> (i32, i32) {
    %c0_i32 = arith.constant 0 : i32
    %c0_i32_0 = arith.constant 0 : i32
    return %arg0, %c0_i32 : i32, i32
  }
  func.func @transform_3(%arg0: i32) -> (i32, i32) {
    %c0_i32 = arith.constant 0 : i32
    %c0_i32_0 = arith.constant 0 : i32
    return %arg0, %c0_i32 : i32, i32
  }
  func.func @transform_4(%arg0: i32) -> (i32, i32) {
    %c0_i32 = arith.constant 0 : i32
    %c0_i32_0 = arith.constant 0 : i32
    return %arg0, %c0_i32 : i32, i32
  }
  func.func @transform_5(%arg0: i32) -> (i32, i32) {
    %c0_i32 = arith.constant 0 : i32
    %c0_i32_0 = arith.constant 0 : i32
    return %arg0, %c0_i32 : i32, i32
  }
}

module attributes {stable_mosaic.version = 14 : i64} {
  func.func @body(%arg0: i32, %arg1: memref<1024x128xf32, #tpu.memory_space<vmem>>, %arg2: memref<1024x128xf32, #tpu.memory_space<vmem>>, %arg3: memref<1024x128xf32, #tpu.memory_space<vmem>>, %arg4: memref<1024x128xf32, #tpu.memory_space<vmem>>, %arg5: memref<1024x16xf32, #tpu.memory_space<vmem>>, %arg6: memref<1024x16xf32, #tpu.memory_space<vmem>>, %arg7: memref<1x256xf32, #tpu.memory_space<vmem>>, %arg8: memref<1024x256xf32, #tpu.memory_space<vmem>>, %arg9: memref<2x256xf32, #tpu.memory_space<vmem>>, %arg10: memref<2x256xf32, #tpu.memory_space<vmem>>) attributes {dimension_semantics = [#tpu.dimension_semantics<arbitrary>], iteration_bounds = array<i64: 10>, scalar_prefetch = 0 : i64, scratch_operands = 1 : i64, tpu.core_type = #tpu.core_type<tc>, window_params = [{transform_indices = @transform_0, window_bounds = array<i64: 1024, 128>}, {transform_indices = @transform_1, window_bounds = array<i64: 1024, 128>}, {transform_indices = @transform_2, window_bounds = array<i64: 1024, 128>}, {transform_indices = @transform_3, window_bounds = array<i64: 1024, 128>}, {transform_indices = @transform_4, window_bounds = array<i64: 1024, 16>}, {transform_indices = @transform_5, window_bounds = array<i64: 1024, 16>}, {pipeline_mode = #tpu.pipeline_mode<synchronous>, transform_indices = @transform_6, window_bounds = array<i64: 1, 256>}, {transform_indices = @transform_7, window_bounds = array<i64: 1024, 256>}, {pipeline_mode = #tpu.pipeline_mode<synchronous>, transform_indices = @transform_8, window_bounds = array<i64: 2, 256>}]} {
    %eq3A = arith.constant 0 : i32
    %eq3A_0 = arith.cmpi eq, %arg0, %eq3A : i32
    %convert_element_type3A = arith.extui %eq3A_0 : i1 to i32
    %cond3A = arith.constant 0 : i32
    %cond3A_1 = arith.cmpi ne, %convert_element_type3A, %cond3A : i32
    scf.if %cond3A_1 {
      %broadcast_in_dim3A_70 = arith.constant 0.000000e+00 : f32
      %broadcast_in_dim3A_71 = vector.broadcast %broadcast_in_dim3A_70 : f32 to vector<2x256xf32>
      %swap3A_72 = arith.constant 0 : index
      %swap3A_73 = arith.constant 0 : index
      %swap3A_74 = vector.load %arg10[%swap3A_72, %swap3A_73] : memref<2x256xf32, #tpu.memory_space<vmem>>, vector<2x256xf32>
      tpu.vector_store %arg10[%swap3A_72, %swap3A_73], %broadcast_in_dim3A_71 {strides = array<i32>} : memref<2x256xf32, #tpu.memory_space<vmem>>, vector<2x256xf32>,
    } else {
    }
    %get3A = arith.constant 0 : index
    %get3A_2 = arith.constant 0 : index
    %get3A_3 = vector.load %arg5[%get3A, %get3A_2] : memref<1024x16xf32, #tpu.memory_space<vmem>>, vector<1024x1xf32>
    %get3A_4 = arith.constant 0 : index
    %get3A_5 = arith.constant 0 : index
    %get3A_6 = vector.load %arg6[%get3A_4, %get3A_5] : memref<1024x16xf32, #tpu.memory_space<vmem>>, vector<1024x1xf32>
    %add3A = arith.addf %get3A_3, %get3A_6 : vector<1024x1xf32>
    %add3A_7 = arith.constant 1.000000e+00 : f32
    %add3A_8 = vector.broadcast %add3A_7 : f32 to vector<1024x1xf32>
    %add3A_9 = arith.addf %add3A, %add3A_8 : vector<1024x1xf32>
    %rsqrt3A = math.rsqrt %add3A_9 : vector<1024x1xf32>
    %get3A_10 = arith.constant 0 : index
    %get3A_11 = arith.constant 0 : index
    %get3A_12 = vector.load %arg1[%get3A_10, %get3A_11] : memref<1024x128xf32, #tpu.memory_space<vmem>>, vector<1024x128xf32>
    %get3A_13 = arith.constant 0 : index
    %get3A_14 = arith.constant 0 : index
    %get3A_15 = vector.load %arg2[%get3A_13, %get3A_14] : memref<1024x128xf32, #tpu.memory_space<vmem>>, vector<1024x128xf32>
    %concatenate3A = tpu.concatenate %get3A_12, %get3A_15 in 1 : vector<1024x128xf32>, vector<1024x128xf32> -> vector<1024x256xf32>
    %get3A_16 = arith.constant 0 : index
    %get3A_17 = arith.constant 0 : index
    %get3A_18 = vector.load %arg3[%get3A_16, %get3A_17] : memref<1024x128xf32, #tpu.memory_space<vmem>>, vector<1024x128xf32>
    %get3A_19 = arith.constant 0 : index
    %get3A_20 = arith.constant 0 : index
    %get3A_21 = vector.load %arg4[%get3A_19, %get3A_20] : memref<1024x128xf32, #tpu.memory_space<vmem>>, vector<1024x128xf32>
    %concatenate3A_22 = tpu.concatenate %get3A_18, %get3A_21 in 1 : vector<1024x128xf32>, vector<1024x128xf32> -> vector<1024x256xf32>
    %add3A_23 = arith.addf %concatenate3A, %concatenate3A_22 : vector<1024x256xf32>
    %mul3A = vector.broadcast %rsqrt3A : vector<1024x1xf32> to vector<1024x256xf32>
    %mul3A_24 = arith.mulf %mul3A, %add3A_23 : vector<1024x256xf32>
    %get3A_25 = arith.constant 0 : index
    %get3A_26 = arith.constant 0 : index
    %get3A_27 = vector.load %arg7[%get3A_25, %get3A_26] : memref<1x256xf32, #tpu.memory_space<vmem>>, vector<1x256xf32>
    %add3A_28 = vector.broadcast %get3A_27 : vector<1x256xf32> to vector<1024x256xf32>
    %add3A_29 = arith.addf %mul3A_24, %add3A_28 : vector<1024x256xf32>
    %swap3A = arith.constant 0 : index
    %swap3A_30 = arith.constant 0 : index
    %swap3A_31 = vector.load %arg8[%swap3A, %swap3A_30] : memref<1024x256xf32, #tpu.memory_space<vmem>>, vector<1024x256xf32>
    tpu.vector_store %arg8[%swap3A, %swap3A_30], %add3A_29 {strides = array<i32>} : memref<1024x256xf32, #tpu.memory_space<vmem>>, vector<1024x256xf32>,
    %mul3A_32 = arith.constant 1024 : i32
    %mul3A_33 = arith.muli %arg0, %mul3A_32 : i32
    %iota3A = tpu.iota {dimensions = array<i32: 0>} : vector<1024x1xi32>
    %add3A_34 = vector.broadcast %mul3A_33 : i32 to vector<1024x1xi32>
    %add3A_35 = arith.addi %add3A_34, %iota3A : vector<1024x1xi32>
    %lt3A = arith.constant 10000 : i32
    %lt3A_36 = vector.broadcast %lt3A : i32 to vector<1024x1xi32>
    %lt3A_37 = arith.cmpi slt, %add3A_35, %lt3A_36 : vector<1024x1xi32>
    %get3A_38 = arith.constant 0 : index
    %get3A_39 = arith.constant 0 : index
    %get3A_40 = vector.load %arg10[%get3A_38, %get3A_39] : memref<2x256xf32, #tpu.memory_space<vmem>>, vector<1x256xf32>
    %jit3A = arith.constant 0.000000e+00 : f32
    %broadcast_in_dim3A = vector.shape_cast %lt3A_37 : vector<1024x1xi1> to vector<1024x1xi1>
    %broadcast_in_dim3A_41 = vector.broadcast %broadcast_in_dim3A : vector<1024x1xi1> to vector<1024x256xi1>
    %broadcast_in_dim3A_42 = vector.broadcast %jit3A : f32 to vector<1024x256xf32>
    %select_n3A = arith.select %broadcast_in_dim3A_41, %add3A_29, %broadcast_in_dim3A_42 : vector<1024x256xi1>, vector<1024x256xf32>
    %reduce_sum3A = arith.constant dense<0.000000e+00> : vector<256xf32>
    %reduce_sum3A_43 = vector.multi_reduction <add>, %select_n3A, %reduce_sum3A [0] : vector<1024x256xf32> to vector<256xf32>
    %broadcast_in_dim3A_44 = vector.shape_cast %reduce_sum3A_43 : vector<256xf32> to vector<1x256xf32>
    %add3A_45 = arith.addf %get3A_40, %broadcast_in_dim3A_44 : vector<1x256xf32>
    %swap3A_46 = arith.constant 0 : index
    %swap3A_47 = arith.constant 0 : index
    %swap3A_48 = vector.load %arg10[%swap3A_46, %swap3A_47] : memref<2x256xf32, #tpu.memory_space<vmem>>, vector<1x256xf32>
    tpu.vector_store %arg10[%swap3A_46, %swap3A_47], %add3A_45 {strides = array<i32>} : memref<2x256xf32, #tpu.memory_space<vmem>>, vector<1x256xf32>,
    %get3A_49 = arith.constant 1 : index
    %get3A_50 = arith.constant 0 : index
    %get3A_51 = vector.load %arg10[%get3A_49, %get3A_50] : memref<2x256xf32, #tpu.memory_space<vmem>>, vector<1x256xf32>
    %mul3A_52 = arith.mulf %add3A_29, %add3A_29 : vector<1024x256xf32>
    %jit3A_53 = arith.constant 0.000000e+00 : f32
    %broadcast_in_dim3A_54 = vector.shape_cast %lt3A_37 : vector<1024x1xi1> to vector<1024x1xi1>
    %broadcast_in_dim3A_55 = vector.broadcast %broadcast_in_dim3A_54 : vector<1024x1xi1> to vector<1024x256xi1>
    %broadcast_in_dim3A_56 = vector.broadcast %jit3A_53 : f32 to vector<1024x256xf32>
    %select_n3A_57 = arith.select %broadcast_in_dim3A_55, %mul3A_52, %broadcast_in_dim3A_56 : vector<1024x256xi1>, vector<1024x256xf32>
    %reduce_sum3A_58 = arith.constant dense<0.000000e+00> : vector<256xf32>
    %reduce_sum3A_59 = vector.multi_reduction <add>, %select_n3A_57, %reduce_sum3A_58 [0] : vector<1024x256xf32> to vector<256xf32>
    %broadcast_in_dim3A_60 = vector.shape_cast %reduce_sum3A_59 : vector<256xf32> to vector<1x256xf32>
    %add3A_61 = arith.addf %get3A_51, %broadcast_in_dim3A_60 : vector<1x256xf32>
    %swap3A_62 = arith.constant 1 : index
    %swap3A_63 = arith.constant 0 : index
    %swap3A_64 = vector.load %arg10[%swap3A_62, %swap3A_63] : memref<2x256xf32, #tpu.memory_space<vmem>>, vector<1x256xf32>
    tpu.vector_store %arg10[%swap3A_62, %swap3A_63], %add3A_61 {strides = array<i32>} : memref<2x256xf32, #tpu.memory_space<vmem>>, vector<1x256xf32>,
    %eq3A_65 = arith.constant 9 : i32
    %eq3A_66 = arith.cmpi eq, %arg0, %eq3A_65 : i32
    %convert_element_type3A_67 = arith.extui %eq3A_66 : i1 to i32
    %cond3A_68 = arith.constant 0 : i32
    %cond3A_69 = arith.cmpi ne, %convert_element_type3A_67, %cond3A_68 : i32
    scf.if %cond3A_69 {
      %get3A_70 = arith.constant 0 : index
      %get3A_71 = arith.constant 0 : index
      %get3A_72 = vector.load %arg10[%get3A_70, %get3A_71] : memref<2x256xf32, #tpu.memory_space<vmem>>, vector<2x256xf32>
      %swap3A_73 = arith.constant 0 : index
      %swap3A_74 = arith.constant 0 : index
      %swap3A_75 = vector.load %arg9[%swap3A_73, %swap3A_74] : memref<2x256xf32, #tpu.memory_space<vmem>>, vector<2x256xf32>
      tpu.vector_store %arg9[%swap3A_73, %swap3A_74], %get3A_72 {strides = array<i32>} : memref<2x256xf32, #tpu.memory_space<vmem>>, vector<2x256xf32>,
    } else {
    }
    return
  }
  func.func @transform_0(%arg0: i32) -> (i32, i32) {
    %c0_i32 = arith.constant 0 : i32
    %c0_i32_0 = arith.constant 0 : i32
    return %arg0, %c0_i32 : i32, i32
  }
  func.func @transform_1(%arg0: i32) -> (i32, i32) {
    %c0_i32 = arith.constant 0 : i32
    %c0_i32_0 = arith.constant 0 : i32
    return %arg0, %c0_i32 : i32, i32
  }
  func.func @transform_2(%arg0: i32) -> (i32, i32) {
    %c0_i32 = arith.constant 0 : i32
    %c0_i32_0 = arith.constant 0 : i32
    return %arg0, %c0_i32 : i32, i32
  }
  func.func @transform_3(%arg0: i32) -> (i32, i32) {
    %c0_i32 = arith.constant 0 : i32
    %c0_i32_0 = arith.constant 0 : i32
    return %arg0, %c0_i32 : i32, i32
  }
  func.func @transform_4(%arg0: i32) -> (i32, i32) {
    %c0_i32 = arith.constant 0 : i32
    %c0_i32_0 = arith.constant 0 : i32
    return %arg0, %c0_i32 : i32, i32
  }
  func.func @transform_5(%arg0: i32) -> (i32, i32) {
    %c0_i32 = arith.constant 0 : i32
    %c0_i32_0 = arith.constant 0 : i32
    return %arg0, %c0_i32 : i32, i32
  }
  func.func @transform_6(%arg0: i32) -> (i32, i32) {
    %c0_i32 = arith.constant 0 : i32
    %c0_i32_0 = arith.constant 0 : i32
    %c0_i32_1 = arith.constant 0 : i32
    return %c0_i32, %c0_i32_0 : i32, i32
  }
  func.func @transform_7(%arg0: i32) -> (i32, i32) {
    %c0_i32 = arith.constant 0 : i32
    %c0_i32_0 = arith.constant 0 : i32
    return %arg0, %c0_i32 : i32, i32
  }
  func.func @transform_8(%arg0: i32) -> (i32, i32) {
    %c0_i32 = arith.constant 0 : i32
    %c0_i32_0 = arith.constant 0 : i32
    %c0_i32_1 = arith.constant 0 : i32
    return %c0_i32, %c0_i32_0 : i32, i32
  }
}

module attributes {stable_mosaic.version = 14 : i64} {
  func.func @body(%arg0: i32, %arg1: memref<1024x256xf32, #tpu.memory_space<vmem>>, %arg2: memref<2x256xf32, #tpu.memory_space<vmem>>, %arg3: memref<1x256xf32, #tpu.memory_space<vmem>>, %arg4: memref<1x256xf32, #tpu.memory_space<vmem>>, %arg5: memref<1x1xf32, #tpu.memory_space<vmem>>, %arg6: memref<256x256xf32, #tpu.memory_space<vmem>>, %arg7: memref<1024x16xf32, #tpu.memory_space<vmem>>, %arg8: memref<1024x16xf32, #tpu.memory_space<vmem>>, %arg9: memref<1024x128xf32, #tpu.memory_space<vmem>>, %arg10: memref<1024x128xf32, #tpu.memory_space<vmem>>) attributes {dimension_semantics = [#tpu.dimension_semantics<arbitrary>], iteration_bounds = array<i64: 10>, scalar_prefetch = 0 : i64, scratch_operands = 0 : i64, tpu.core_type = #tpu.core_type<tc>, window_params = [{transform_indices = @transform_0, window_bounds = array<i64: 1024, 256>}, {pipeline_mode = #tpu.pipeline_mode<synchronous>, transform_indices = @transform_1, window_bounds = array<i64: 2, 256>}, {pipeline_mode = #tpu.pipeline_mode<synchronous>, transform_indices = @transform_2, window_bounds = array<i64: 1, 256>}, {pipeline_mode = #tpu.pipeline_mode<synchronous>, transform_indices = @transform_3, window_bounds = array<i64: 1, 256>}, {pipeline_mode = #tpu.pipeline_mode<synchronous>, transform_indices = @transform_4, window_bounds = array<i64: 1, 1>}, {pipeline_mode = #tpu.pipeline_mode<synchronous>, transform_indices = @transform_5, window_bounds = array<i64: 256, 256>}, {transform_indices = @transform_6, window_bounds = array<i64: 1024, 16>}, {transform_indices = @transform_7, window_bounds = array<i64: 1024, 16>}, {transform_indices = @transform_8, window_bounds = array<i64: 1024, 128>}, {transform_indices = @transform_9, window_bounds = array<i64: 1024, 128>}]} {
    %get3A = arith.constant 0 : index
    %get3A_0 = arith.constant 0 : index
    %get3A_1 = vector.load %arg2[%get3A, %get3A_0] : memref<2x256xf32, #tpu.memory_space<vmem>>, vector<1x256xf32>
    %mul3A = arith.constant 9.99999974E-5 : f32
    %mul3A_2 = vector.broadcast %mul3A : f32 to vector<1x256xf32>
    %mul3A_3 = arith.mulf %get3A_1, %mul3A_2 : vector<1x256xf32>
    %get3A_4 = arith.constant 1 : index
    %get3A_5 = arith.constant 0 : index
    %get3A_6 = vector.load %arg2[%get3A_4, %get3A_5] : memref<2x256xf32, #tpu.memory_space<vmem>>, vector<1x256xf32>
    %mul3A_7 = arith.constant 9.99999974E-5 : f32
    %mul3A_8 = vector.broadcast %mul3A_7 : f32 to vector<1x256xf32>
    %mul3A_9 = arith.mulf %get3A_6, %mul3A_8 : vector<1x256xf32>
    %mul3A_10 = arith.mulf %mul3A_3, %mul3A_3 : vector<1x256xf32>
    %sub3A = arith.subf %mul3A_9, %mul3A_10 : vector<1x256xf32>
    %add3A = arith.constant 9.99999974E-6 : f32
    %add3A_11 = vector.broadcast %add3A : f32 to vector<1x256xf32>
    %add3A_12 = arith.addf %sub3A, %add3A_11 : vector<1x256xf32>
    %rsqrt3A = math.rsqrt %add3A_12 : vector<1x256xf32>
    %get3A_13 = arith.constant 0 : index
    %get3A_14 = arith.constant 0 : index
    %get3A_15 = vector.load %arg1[%get3A_13, %get3A_14] : memref<1024x256xf32, #tpu.memory_space<vmem>>, vector<1024x256xf32>
    %sub3A_16 = vector.broadcast %mul3A_3 : vector<1x256xf32> to vector<1024x256xf32>
    %sub3A_17 = arith.subf %get3A_15, %sub3A_16 : vector<1024x256xf32>
    %get3A_18 = arith.constant 0 : index
    %get3A_19 = arith.constant 0 : index
    %get3A_20 = vector.load %arg3[%get3A_18, %get3A_19] : memref<1x256xf32, #tpu.memory_space<vmem>>, vector<1x256xf32>
    %mul3A_21 = arith.mulf %rsqrt3A, %get3A_20 : vector<1x256xf32>
    %mul3A_22 = vector.broadcast %mul3A_21 : vector<1x256xf32> to vector<1024x256xf32>
    %mul3A_23 = arith.mulf %sub3A_17, %mul3A_22 : vector<1024x256xf32>
    %get3A_24 = arith.constant 0 : index
    %get3A_25 = arith.constant 0 : index
    %get3A_26 = vector.load %arg4[%get3A_24, %get3A_25] : memref<1x256xf32, #tpu.memory_space<vmem>>, vector<1x256xf32>
    %add3A_27 = vector.broadcast %get3A_26 : vector<1x256xf32> to vector<1024x256xf32>
    %add3A_28 = arith.addf %mul3A_23, %add3A_27 : vector<1024x256xf32>
    %ge3A = arith.constant 0.000000e+00 : f32
    %ge3A_29 = vector.broadcast %ge3A : f32 to vector<1024x256xf32>
    %ge3A_30 = arith.cmpf oge, %add3A_28, %ge3A_29 : vector<1024x256xf32>
    %get3A_31 = arith.constant 0 : index
    %get3A_32 = arith.constant 0 : index
    %get3A_33 = vector.load %arg5[%get3A_31, %get3A_32] : memref<1x1xf32, #tpu.memory_space<vmem>>, vector<1x1xf32>
    %mul3A_34 = vector.broadcast %get3A_33 : vector<1x1xf32> to vector<1024x256xf32>
    %mul3A_35 = arith.mulf %mul3A_34, %add3A_28 : vector<1024x256xf32>
    %select_n3A = arith.select %ge3A_30, %add3A_28, %mul3A_35 : vector<1024x256xi1>, vector<1024x256xf32>
    %mul3A_36 = arith.mulf %select_n3A, %select_n3A : vector<1024x256xf32>
    %reduce_sum3A = arith.constant dense<0.000000e+00> : vector<1024xf32>
    %reduce_sum3A_37 = vector.multi_reduction <add>, %mul3A_36, %reduce_sum3A [1] : vector<1024x256xf32> to vector<1024xf32>
    %broadcast_in_dim3A = vector.shape_cast %reduce_sum3A_37 : vector<1024xf32> to vector<1024x1xf32>
    %sqrt3A = math.sqrt %broadcast_in_dim3A : vector<1024x1xf32>
    %max3A = arith.constant 9.99999996E-13 : f32
    %max3A_38 = vector.broadcast %max3A : f32 to vector<1024x1xf32>
    %max3A_39 = arith.maximumf %sqrt3A, %max3A_38 : vector<1024x1xf32>
    %div3A = vector.broadcast %max3A_39 : vector<1024x1xf32> to vector<1024x256xf32>
    %div3A_40 = arith.divf %select_n3A, %div3A : vector<1024x256xf32>
    %get3A_41 = arith.constant 0 : index
    %get3A_42 = arith.constant 0 : index
    %get3A_43 = vector.load %arg6[%get3A_41, %get3A_42] : memref<256x256xf32, #tpu.memory_space<vmem>>, vector<256x256xf32>
    %dot_general3A = arith.constant dense<0.000000e+00> : vector<1024x256xf32>
    %dot_general3A_44 = tpu.matmul %div3A_40, %get3A_43, %dot_general3A {dimension_numbers = #tpu.dot_dimension_numbers<[1], [0], [0], [1], [0, 0, 1, 1], [], []>, transpose_lhs_hint = false} : vector<1024x256xf32>, vector<256x256xf32>, vector<1024x256xf32> -> vector<1024x256xf32>
    %get3A_45 = arith.constant 0 : index
    %get3A_46 = arith.constant 0 : index
    %get3A_47 = vector.load %arg7[%get3A_45, %get3A_46] : memref<1024x16xf32, #tpu.memory_space<vmem>>, vector<1024x1xf32>
    %get3A_48 = arith.constant 0 : index
    %get3A_49 = arith.constant 0 : index
    %get3A_50 = vector.load %arg8[%get3A_48, %get3A_49] : memref<1024x16xf32, #tpu.memory_space<vmem>>, vector<1024x1xf32>
    %add3A_51 = arith.addf %get3A_47, %get3A_50 : vector<1024x1xf32>
    %add3A_52 = arith.constant 1.000000e+00 : f32
    %add3A_53 = vector.broadcast %add3A_52 : f32 to vector<1024x1xf32>
    %add3A_54 = arith.addf %add3A_51, %add3A_53 : vector<1024x1xf32>
    %rsqrt3A_55 = math.rsqrt %add3A_54 : vector<1024x1xf32>
    %mul3A_56 = vector.broadcast %rsqrt3A_55 : vector<1024x1xf32> to vector<1024x256xf32>
    %mul3A_57 = arith.mulf %dot_general3A_44, %mul3A_56 : vector<1024x256xf32>
    %mul3A_58 = arith.constant 1024 : i32
    %mul3A_59 = arith.muli %arg0, %mul3A_58 : i32
    %iota3A = tpu.iota {dimensions = array<i32: 0>} : vector<1024x1xi32>
    %add3A_60 = vector.broadcast %mul3A_59 : i32 to vector<1024x1xi32>
    %add3A_61 = arith.addi %add3A_60, %iota3A : vector<1024x1xi32>
    %lt3A = arith.constant 10000 : i32
    %lt3A_62 = vector.broadcast %lt3A : i32 to vector<1024x1xi32>
    %lt3A_63 = arith.cmpi slt, %add3A_61, %lt3A_62 : vector<1024x1xi32>
    %jit3A = arith.constant 0.000000e+00 : f32
    %broadcast_in_dim3A_64 = vector.shape_cast %lt3A_63 : vector<1024x1xi1> to vector<1024x1xi1>
    %broadcast_in_dim3A_65 = vector.broadcast %broadcast_in_dim3A_64 : vector<1024x1xi1> to vector<1024x256xi1>
    %broadcast_in_dim3A_66 = vector.broadcast %jit3A : f32 to vector<1024x256xf32>
    %select_n3A_67 = arith.select %broadcast_in_dim3A_65, %mul3A_57, %broadcast_in_dim3A_66 : vector<1024x256xi1>, vector<1024x256xf32>
    %slice3A = vector.extract_strided_slice %select_n3A_67 {offsets = [0, 0], sizes = [1024, 128], strides = [1, 1]} : vector<1024x256xf32> to vector<1024x128xf32>
    %swap3A = arith.constant 0 : index
    %swap3A_68 = arith.constant 0 : index
    %swap3A_69 = vector.load %arg9[%swap3A, %swap3A_68] : memref<1024x128xf32, #tpu.memory_space<vmem>>, vector<1024x128xf32>
    tpu.vector_store %arg9[%swap3A, %swap3A_68], %slice3A {strides = array<i32>} : memref<1024x128xf32, #tpu.memory_space<vmem>>, vector<1024x128xf32>,
    %slice3A_70 = vector.extract_strided_slice %select_n3A_67 {offsets = [0, 128], sizes = [1024, 128], strides = [1, 1]} : vector<1024x256xf32> to vector<1024x128xf32>
    %swap3A_71 = arith.constant 0 : index
    %swap3A_72 = arith.constant 0 : index
    %swap3A_73 = vector.load %arg10[%swap3A_71, %swap3A_72] : memref<1024x128xf32, #tpu.memory_space<vmem>>, vector<1024x128xf32>
    tpu.vector_store %arg10[%swap3A_71, %swap3A_72], %slice3A_70 {strides = array<i32>} : memref<1024x128xf32, #tpu.memory_space<vmem>>, vector<1024x128xf32>,
    return
  }
  func.func @transform_0(%arg0: i32) -> (i32, i32) {
    %c0_i32 = arith.constant 0 : i32
    %c0_i32_0 = arith.constant 0 : i32
    return %arg0, %c0_i32 : i32, i32
  }
  func.func @transform_1(%arg0: i32) -> (i32, i32) {
    %c0_i32 = arith.constant 0 : i32
    %c0_i32_0 = arith.constant 0 : i32
    %c0_i32_1 = arith.constant 0 : i32
    return %c0_i32, %c0_i32_0 : i32, i32
  }
  func.func @transform_2(%arg0: i32) -> (i32, i32) {
    %c0_i32 = arith.constant 0 : i32
    %c0_i32_0 = arith.constant 0 : i32
    %c0_i32_1 = arith.constant 0 : i32
    return %c0_i32, %c0_i32_0 : i32, i32
  }
  func.func @transform_3(%arg0: i32) -> (i32, i32) {
    %c0_i32 = arith.constant 0 : i32
    %c0_i32_0 = arith.constant 0 : i32
    %c0_i32_1 = arith.constant 0 : i32
    return %c0_i32, %c0_i32_0 : i32, i32
  }
  func.func @transform_4(%arg0: i32) -> (i32, i32) {
    %c0_i32 = arith.constant 0 : i32
    %c0_i32_0 = arith.constant 0 : i32
    %c0_i32_1 = arith.constant 0 : i32
    return %c0_i32, %c0_i32_0 : i32, i32
  }
  func.func @transform_5(%arg0: i32) -> (i32, i32) {
    %c0_i32 = arith.constant 0 : i32
    %c0_i32_0 = arith.constant 0 : i32
    %c0_i32_1 = arith.constant 0 : i32
    return %c0_i32, %c0_i32_0 : i32, i32
  }
  func.func @transform_6(%arg0: i32) -> (i32, i32) {
    %c0_i32 = arith.constant 0 : i32
    %c0_i32_0 = arith.constant 0 : i32
    return %arg0, %c0_i32 : i32, i32
  }
  func.func @transform_7(%arg0: i32) -> (i32, i32) {
    %c0_i32 = arith.constant 0 : i32
    %c0_i32_0 = arith.constant 0 : i32
    return %arg0, %c0_i32 : i32, i32
  }
  func.func @transform_8(%arg0: i32) -> (i32, i32) {
    %c0_i32 = arith.constant 0 : i32
    %c0_i32_0 = arith.constant 0 : i32
    return %arg0, %c0_i32 : i32, i32
  }
  func.func @transform_9(%arg0: i32) -> (i32, i32) {
    %c0_i32 = arith.constant 0 : i32
    %c0_i32_0 = arith.constant 0 : i32
    return %arg0, %c0_i32 : i32, i32
  }
}

module attributes {stable_mosaic.version = 14 : i64} {
  func.func @body(%arg0: i32, %arg1: memref<1024x256xf32, #tpu.memory_space<vmem>>, %arg2: memref<2x256xf32, #tpu.memory_space<vmem>>, %arg3: memref<1x256xf32, #tpu.memory_space<vmem>>, %arg4: memref<1x256xf32, #tpu.memory_space<vmem>>, %arg5: memref<1x1xf32, #tpu.memory_space<vmem>>, %arg6: memref<1024x128xi32, #tpu.memory_space<vmem>>, %arg7: memref<256x128xf32, #tpu.memory_space<vmem>>, %arg8: memref<1x128xf32, #tpu.memory_space<vmem>>, %arg9: memref<128x1xf32, #tpu.memory_space<vmem>>, %arg10: memref<1x1xf32, #tpu.memory_space<vmem>>, %arg11: memref<64x1xf32, #tpu.memory_space<vmem>>, %arg12: memref<128x256xf32, #tpu.memory_space<vmem>>, %arg13: memref<128x256xf32, #tpu.memory_space<vmem>>) attributes {dimension_semantics = [#tpu.dimension_semantics<arbitrary>], iteration_bounds = array<i64: 10>, scalar_prefetch = 0 : i64, scratch_operands = 2 : i64, tpu.core_type = #tpu.core_type<tc>, window_params = [{transform_indices = @transform_0, window_bounds = array<i64: 1024, 256>}, {pipeline_mode = #tpu.pipeline_mode<synchronous>, transform_indices = @transform_1, window_bounds = array<i64: 2, 256>}, {pipeline_mode = #tpu.pipeline_mode<synchronous>, transform_indices = @transform_2, window_bounds = array<i64: 1, 256>}, {pipeline_mode = #tpu.pipeline_mode<synchronous>, transform_indices = @transform_3, window_bounds = array<i64: 1, 256>}, {pipeline_mode = #tpu.pipeline_mode<synchronous>, transform_indices = @transform_4, window_bounds = array<i64: 1, 1>}, {transform_indices = @transform_5, window_bounds = array<i64: 1024, 128>}, {pipeline_mode = #tpu.pipeline_mode<synchronous>, transform_indices = @transform_6, window_bounds = array<i64: 256, 128>}, {pipeline_mode = #tpu.pipeline_mode<synchronous>, transform_indices = @transform_7, window_bounds = array<i64: 1, 128>}, {pipeline_mode = #tpu.pipeline_mode<synchronous>, transform_indices = @transform_8, window_bounds = array<i64: 128, 1>}, {pipeline_mode = #tpu.pipeline_mode<synchronous>, transform_indices = @transform_9, window_bounds = array<i64: 1, 1>}, {pipeline_mode = #tpu.pipeline_mode<synchronous>, transform_indices = @transform_10, window_bounds = array<i64: 64, 1>}]} {
    %eq3A = arith.constant 0 : i32
    %eq3A_0 = arith.cmpi eq, %arg0, %eq3A : i32
    %convert_element_type3A = arith.extui %eq3A_0 : i1 to i32
    %cond3A = arith.constant 0 : i32
    %cond3A_1 = arith.cmpi ne, %convert_element_type3A, %cond3A : i32
    scf.if %cond3A_1 {
      %broadcast_in_dim3A_72 = arith.constant 0.000000e+00 : f32
      %broadcast_in_dim3A_73 = vector.broadcast %broadcast_in_dim3A_72 : f32 to vector<128x256xf32>
      %swap3A_74 = arith.constant 0 : index
      %swap3A_75 = arith.constant 0 : index
      %swap3A_76 = vector.load %arg12[%swap3A_74, %swap3A_75] : memref<128x256xf32, #tpu.memory_space<vmem>>, vector<128x256xf32>
      tpu.vector_store %arg12[%swap3A_74, %swap3A_75], %broadcast_in_dim3A_73 {strides = array<i32>} : memref<128x256xf32, #tpu.memory_space<vmem>>, vector<128x256xf32>,
      %broadcast_in_dim3A_77 = arith.constant 0.000000e+00 : f32
      %broadcast_in_dim3A_78 = vector.broadcast %broadcast_in_dim3A_77 : f32 to vector<128x256xf32>
      %swap3A_79 = arith.constant 0 : index
      %swap3A_80 = arith.constant 0 : index
      %swap3A_81 = vector.load %arg13[%swap3A_79, %swap3A_80] : memref<128x256xf32, #tpu.memory_space<vmem>>, vector<128x256xf32>
      tpu.vector_store %arg13[%swap3A_79, %swap3A_80], %broadcast_in_dim3A_78 {strides = array<i32>} : memref<128x256xf32, #tpu.memory_space<vmem>>, vector<128x256xf32>,
    } else {
    }
    %get3A = arith.constant 0 : index
    %get3A_2 = arith.constant 0 : index
    %get3A_3 = vector.load %arg2[%get3A, %get3A_2] : memref<2x256xf32, #tpu.memory_space<vmem>>, vector<1x256xf32>
    %mul3A = arith.constant 9.99999974E-5 : f32
    %mul3A_4 = vector.broadcast %mul3A : f32 to vector<1x256xf32>
    %mul3A_5 = arith.mulf %get3A_3, %mul3A_4 : vector<1x256xf32>
    %get3A_6 = arith.constant 1 : index
    %get3A_7 = arith.constant 0 : index
    %get3A_8 = vector.load %arg2[%get3A_6, %get3A_7] : memref<2x256xf32, #tpu.memory_space<vmem>>, vector<1x256xf32>
    %mul3A_9 = arith.constant 9.99999974E-5 : f32
    %mul3A_10 = vector.broadcast %mul3A_9 : f32 to vector<1x256xf32>
    %mul3A_11 = arith.mulf %get3A_8, %mul3A_10 : vector<1x256xf32>
    %mul3A_12 = arith.mulf %mul3A_5, %mul3A_5 : vector<1x256xf32>
    %sub3A = arith.subf %mul3A_11, %mul3A_12 : vector<1x256xf32>
    %add3A = arith.constant 9.99999974E-6 : f32
    %add3A_13 = vector.broadcast %add3A : f32 to vector<1x256xf32>
    %add3A_14 = arith.addf %sub3A, %add3A_13 : vector<1x256xf32>
    %rsqrt3A = math.rsqrt %add3A_14 : vector<1x256xf32>
    %get3A_15 = arith.constant 0 : index
    %get3A_16 = arith.constant 0 : index
    %get3A_17 = vector.load %arg1[%get3A_15, %get3A_16] : memref<1024x256xf32, #tpu.memory_space<vmem>>, vector<1024x256xf32>
    %sub3A_18 = vector.broadcast %mul3A_5 : vector<1x256xf32> to vector<1024x256xf32>
    %sub3A_19 = arith.subf %get3A_17, %sub3A_18 : vector<1024x256xf32>
    %get3A_20 = arith.constant 0 : index
    %get3A_21 = arith.constant 0 : index
    %get3A_22 = vector.load %arg3[%get3A_20, %get3A_21] : memref<1x256xf32, #tpu.memory_space<vmem>>, vector<1x256xf32>
    %mul3A_23 = arith.mulf %rsqrt3A, %get3A_22 : vector<1x256xf32>
    %mul3A_24 = vector.broadcast %mul3A_23 : vector<1x256xf32> to vector<1024x256xf32>
    %mul3A_25 = arith.mulf %sub3A_19, %mul3A_24 : vector<1024x256xf32>
    %get3A_26 = arith.constant 0 : index
    %get3A_27 = arith.constant 0 : index
    %get3A_28 = vector.load %arg4[%get3A_26, %get3A_27] : memref<1x256xf32, #tpu.memory_space<vmem>>, vector<1x256xf32>
    %add3A_29 = vector.broadcast %get3A_28 : vector<1x256xf32> to vector<1024x256xf32>
    %add3A_30 = arith.addf %mul3A_25, %add3A_29 : vector<1024x256xf32>
    %ge3A = arith.constant 0.000000e+00 : f32
    %ge3A_31 = vector.broadcast %ge3A : f32 to vector<1024x256xf32>
    %ge3A_32 = arith.cmpf oge, %add3A_30, %ge3A_31 : vector<1024x256xf32>
    %get3A_33 = arith.constant 0 : index
    %get3A_34 = arith.constant 0 : index
    %get3A_35 = vector.load %arg5[%get3A_33, %get3A_34] : memref<1x1xf32, #tpu.memory_space<vmem>>, vector<1x1xf32>
    %mul3A_36 = vector.broadcast %get3A_35 : vector<1x1xf32> to vector<1024x256xf32>
    %mul3A_37 = arith.mulf %mul3A_36, %add3A_30 : vector<1024x256xf32>
    %select_n3A = arith.select %ge3A_32, %add3A_30, %mul3A_37 : vector<1024x256xi1>, vector<1024x256xf32>
    %mul3A_38 = arith.mulf %select_n3A, %select_n3A : vector<1024x256xf32>
    %reduce_sum3A = arith.constant dense<0.000000e+00> : vector<1024xf32>
    %reduce_sum3A_39 = vector.multi_reduction <add>, %mul3A_38, %reduce_sum3A [1] : vector<1024x256xf32> to vector<1024xf32>
    %broadcast_in_dim3A = vector.shape_cast %reduce_sum3A_39 : vector<1024xf32> to vector<1024x1xf32>
    %sqrt3A = math.sqrt %broadcast_in_dim3A : vector<1024x1xf32>
    %max3A = arith.constant 9.99999996E-13 : f32
    %max3A_40 = vector.broadcast %max3A : f32 to vector<1024x1xf32>
    %max3A_41 = arith.maximumf %sqrt3A, %max3A_40 : vector<1024x1xf32>
    %div3A = vector.broadcast %max3A_41 : vector<1024x1xf32> to vector<1024x256xf32>
    %div3A_42 = arith.divf %select_n3A, %div3A : vector<1024x256xf32>
    %get3A_43 = arith.constant 0 : index
    %get3A_44 = arith.constant 0 : index
    %get3A_45 = vector.load %arg6[%get3A_43, %get3A_44] : memref<1024x128xi32, #tpu.memory_space<vmem>>, vector<1024x128xi32>
    %iota3A = tpu.iota {dimensions = array<i32: 1>} : vector<1024x128xi32>
    %eq3A_46 = arith.cmpi eq, %get3A_45, %iota3A : vector<1024x128xi32>
    %convert_element_type3A_47 = arith.extui %eq3A_46 : vector<1024x128xi1> to vector<1024x128xi32>
    %convert_element_type3A_48 = arith.sitofp %convert_element_type3A_47 : vector<1024x128xi32> to vector<1024x128xf32>
    %get3A_49 = arith.constant 0 : index
    %get3A_50 = arith.constant 0 : index
    %get3A_51 = vector.load %arg12[%get3A_49, %get3A_50] : memref<128x256xf32, #tpu.memory_space<vmem>>, vector<128x256xf32>
    %dot_general3A = arith.constant dense<0.000000e+00> : vector<128x256xf32>
    %dot_general3A_52 = tpu.matmul %convert_element_type3A_48, %div3A_42, %dot_general3A {dimension_numbers = #tpu.dot_dimension_numbers<[0], [0], [1], [1], [0, 1, 1, 1], [], []>, transpose_lhs_hint = false} : vector<1024x128xf32>, vector<1024x256xf32>, vector<128x256xf32> -> vector<128x256xf32>
    %add3A_53 = arith.addf %get3A_51, %dot_general3A_52 : vector<128x256xf32>
    %swap3A = arith.constant 0 : index
    %swap3A_54 = arith.constant 0 : index
    %swap3A_55 = vector.load %arg12[%swap3A, %swap3A_54] : memref<128x256xf32, #tpu.memory_space<vmem>>, vector<128x256xf32>
    tpu.vector_store %arg12[%swap3A, %swap3A_54], %add3A_53 {strides = array<i32>} : memref<128x256xf32, #tpu.memory_space<vmem>>, vector<128x256xf32>,
    %get3A_56 = arith.constant 0 : index
    %get3A_57 = arith.constant 0 : index
    %get3A_58 = vector.load %arg13[%get3A_56, %get3A_57] : memref<128x256xf32, #tpu.memory_space<vmem>>, vector<128x256xf32>
    %broadcast_in_dim3A_59 = arith.constant 1.000000e+00 : f32
    %broadcast_in_dim3A_60 = vector.broadcast %broadcast_in_dim3A_59 : f32 to vector<1024x256xf32>
    %dot_general3A_61 = arith.constant dense<0.000000e+00> : vector<128x256xf32>
    %dot_general3A_62 = tpu.matmul %convert_element_type3A_48, %broadcast_in_dim3A_60, %dot_general3A_61 {dimension_numbers = #tpu.dot_dimension_numbers<[0], [0], [1], [1], [0, 1, 1, 1], [], []>, transpose_lhs_hint = false} : vector<1024x128xf32>, vector<1024x256xf32>, vector<128x256xf32> -> vector<128x256xf32>
    %add3A_63 = arith.addf %get3A_58, %dot_general3A_62 : vector<128x256xf32>
    %swap3A_64 = arith.constant 0 : index
    %swap3A_65 = arith.constant 0 : index
    %swap3A_66 = vector.load %arg13[%swap3A_64, %swap3A_65] : memref<128x256xf32, #tpu.memory_space<vmem>>, vector<128x256xf32>
    tpu.vector_store %arg13[%swap3A_64, %swap3A_65], %add3A_63 {strides = array<i32>} : memref<128x256xf32, #tpu.memory_space<vmem>>, vector<128x256xf32>,
    %eq3A_67 = arith.constant 9 : i32
    %eq3A_68 = arith.cmpi eq, %arg0, %eq3A_67 : i32
    %convert_element_type3A_69 = arith.extui %eq3A_68 : i1 to i32
    %cond3A_70 = arith.constant 0 : i32
    %cond3A_71 = arith.cmpi ne, %convert_element_type3A_69, %cond3A_70 : i32
    scf.if %cond3A_71 {
      %get3A_72 = arith.constant 0 : index
      %get3A_73 = arith.constant 0 : index
      %get3A_74 = vector.load %arg12[%get3A_72, %get3A_73] : memref<128x256xf32, #tpu.memory_space<vmem>>, vector<128x256xf32>
      %get3A_75 = arith.constant 0 : index
      %get3A_76 = arith.constant 0 : index
      %get3A_77 = vector.load %arg13[%get3A_75, %get3A_76] : memref<128x256xf32, #tpu.memory_space<vmem>>, vector<128x256xf32>
      %max3A_78 = arith.constant 1.000000e+00 : f32
      %max3A_79 = vector.broadcast %max3A_78 : f32 to vector<128x256xf32>
      %max3A_80 = arith.maximumf %get3A_77, %max3A_79 : vector<128x256xf32>
      %div3A_81 = arith.divf %get3A_74, %max3A_80 : vector<128x256xf32>
      %slice3A = vector.extract_strided_slice %div3A_81 {offsets = [0, 0], sizes = [64, 256], strides = [1, 1]} : vector<128x256xf32> to vector<64x256xf32>
      %get3A_82 = arith.constant 0 : index
      %get3A_83 = arith.constant 0 : index
      %get3A_84 = vector.load %arg7[%get3A_82, %get3A_83] : memref<256x128xf32, #tpu.memory_space<vmem>>, vector<256x128xf32>
      %dot_general3A_85 = arith.constant dense<0.000000e+00> : vector<64x128xf32>
      %dot_general3A_86 = tpu.matmul %slice3A, %get3A_84, %dot_general3A_85 {dimension_numbers = #tpu.dot_dimension_numbers<[1], [0], [0], [1], [0, 0, 1, 1], [], []>, transpose_lhs_hint = false} : vector<64x256xf32>, vector<256x128xf32>, vector<64x128xf32> -> vector<64x128xf32>
      %get3A_87 = arith.constant 0 : index
      %get3A_88 = arith.constant 0 : index
      %get3A_89 = vector.load %arg8[%get3A_87, %get3A_88] : memref<1x128xf32, #tpu.memory_space<vmem>>, vector<1x128xf32>
      %add3A_90 = vector.broadcast %get3A_89 : vector<1x128xf32> to vector<64x128xf32>
      %add3A_91 = arith.addf %dot_general3A_86, %add3A_90 : vector<64x128xf32>
      %max3A_92 = arith.constant 0.000000e+00 : f32
      %max3A_93 = vector.broadcast %max3A_92 : f32 to vector<64x128xf32>
      %max3A_94 = arith.maximumf %add3A_91, %max3A_93 : vector<64x128xf32>
      %get3A_95 = arith.constant 0 : index
      %get3A_96 = arith.constant 0 : index
      %get3A_97 = vector.load %arg9[%get3A_95, %get3A_96] : memref<128x1xf32, #tpu.memory_space<vmem>>, vector<128x1xf32>
      %dot_general3A_98 = arith.constant dense<0.000000e+00> : vector<64x1xf32>
      %dot_general3A_99 = tpu.matmul %max3A_94, %get3A_97, %dot_general3A_98 {dimension_numbers = #tpu.dot_dimension_numbers<[1], [0], [0], [1], [0, 0, 1, 1], [], []>, transpose_lhs_hint = false} : vector<64x128xf32>, vector<128x1xf32>, vector<64x1xf32> -> vector<64x1xf32>
      %get3A_100 = arith.constant 0 : index
      %get3A_101 = arith.constant 0 : index
      %get3A_102 = vector.load %arg10[%get3A_100, %get3A_101] : memref<1x1xf32, #tpu.memory_space<vmem>>, vector<1x1xf32>
      %add3A_103 = vector.broadcast %get3A_102 : vector<1x1xf32> to vector<64x1xf32>
      %add3A_104 = arith.addf %dot_general3A_99, %add3A_103 : vector<64x1xf32>
      %swap3A_105 = arith.constant 0 : index
      %swap3A_106 = arith.constant 0 : index
      %swap3A_107 = vector.load %arg11[%swap3A_105, %swap3A_106] : memref<64x1xf32, #tpu.memory_space<vmem>>, vector<64x1xf32>
      tpu.vector_store %arg11[%swap3A_105, %swap3A_106], %add3A_104 {strides = array<i32>} : memref<64x1xf32, #tpu.memory_space<vmem>>, vector<64x1xf32>,
    } else {
    }
    return
  }
  func.func @transform_0(%arg0: i32) -> (i32, i32) {
    %c0_i32 = arith.constant 0 : i32
    %c0_i32_0 = arith.constant 0 : i32
    return %arg0, %c0_i32 : i32, i32
  }
  func.func @transform_1(%arg0: i32) -> (i32, i32) {
    %c0_i32 = arith.constant 0 : i32
    %c0_i32_0 = arith.constant 0 : i32
    %c0_i32_1 = arith.constant 0 : i32
    return %c0_i32, %c0_i32_0 : i32, i32
  }
  func.func @transform_2(%arg0: i32) -> (i32, i32) {
    %c0_i32 = arith.constant 0 : i32
    %c0_i32_0 = arith.constant 0 : i32
    %c0_i32_1 = arith.constant 0 : i32
    return %c0_i32, %c0_i32_0 : i32, i32
  }
  func.func @transform_3(%arg0: i32) -> (i32, i32) {
    %c0_i32 = arith.constant 0 : i32
    %c0_i32_0 = arith.constant 0 : i32
    %c0_i32_1 = arith.constant 0 : i32
    return %c0_i32, %c0_i32_0 : i32, i32
  }
  func.func @transform_4(%arg0: i32) -> (i32, i32) {
    %c0_i32 = arith.constant 0 : i32
    %c0_i32_0 = arith.constant 0 : i32
    %c0_i32_1 = arith.constant 0 : i32
    return %c0_i32, %c0_i32_0 : i32, i32
  }
  func.func @transform_5(%arg0: i32) -> (i32, i32) {
    %c0_i32 = arith.constant 0 : i32
    %c0_i32_0 = arith.constant 0 : i32
    return %arg0, %c0_i32 : i32, i32
  }
  func.func @transform_6(%arg0: i32) -> (i32, i32) {
    %c0_i32 = arith.constant 0 : i32
    %c0_i32_0 = arith.constant 0 : i32
    %c0_i32_1 = arith.constant 0 : i32
    return %c0_i32, %c0_i32_0 : i32, i32
  }
  func.func @transform_7(%arg0: i32) -> (i32, i32) {
    %c0_i32 = arith.constant 0 : i32
    %c0_i32_0 = arith.constant 0 : i32
    %c0_i32_1 = arith.constant 0 : i32
    return %c0_i32, %c0_i32_0 : i32, i32
  }
  func.func @transform_8(%arg0: i32) -> (i32, i32) {
    %c0_i32 = arith.constant 0 : i32
    %c0_i32_0 = arith.constant 0 : i32
    %c0_i32_1 = arith.constant 0 : i32
    return %c0_i32, %c0_i32_0 : i32, i32
  }
  func.func @transform_9(%arg0: i32) -> (i32, i32) {
    %c0_i32 = arith.constant 0 : i32
    %c0_i32_0 = arith.constant 0 : i32
    %c0_i32_1 = arith.constant 0 : i32
    return %c0_i32, %c0_i32_0 : i32, i32
  }
  func.func @transform_10(%arg0: i32) -> (i32, i32) {
    %c0_i32 = arith.constant 0 : i32
    %c0_i32_0 = arith.constant 0 : i32
    %c0_i32_1 = arith.constant 0 : i32
    return %c0_i32, %c0_i32_0 : i32, i32
  }
}

</mosaic_0001>

<sc_bundles>
// kernel: kernel.10.cloned.1.call-start
scs
__scs_entry_jumppad:
0x0: {  	(pc) =	sbr.rel $0x88, $3  }
0x1: {  	(tag) =	ssettag $0x0;
	lr =	simm.s32 $0x1  }
0x2: {  	[smem:$0x3F90] =	sst lr;
	_ =	strace $0xD0000000  }
0x3: {  	_ = 	snop  }
0x4: {  	_ = 	snop  }
0x5: {  	_ = 	snop  }
0x6: {  	_ = 	snop  }
0x7: {  	_ = 	snop  }
__scs_overlays_trampoline_lowered:
0x8: {  	[smem:$0x3F9F] =	sst s0  }
0x9: {  	[smem:$0x3FA0] =	sst s1  }
0xa: {  	[smem:$0x3FA1] =	sst s2  }
0xb: {  	[smem:$0x3FA2] =	sst s3  }
0xc: {  	[smem:$0x3FA3] =	sst s4  }
0xd: {  	[smem:$0x3FA4] =	sst s5  }
0xe: {  	[smem:$0x3FA5] =	sst s6  }
0xf: {  	[smem:$0x3FA6] =	sst s7  }
0x10: {  	[smem:$0x3FA7] =	sst s8  }
0x11: {  	[smem:$0x3FA8] =	sst s9;
	s0 =	simm.s32 @!p0 $0x0  }
0x12: {  	s1 =	sld [smem:$0x3F8E];
	s0 =	simm.s32 @p0 $0x1  }
0x13: {  	[smem:$0x3FA9] =	sst s0;
	s0 =	simm.s32 @!p1 $0x0  }
0x14: {  	s2 =	sld [smem:$0x3F8D];
	s0 =	simm.s32 @p1 $0x1  }
0x15: {  	[smem:$0x3FAA] =	sst s0;
	s0 =	simm.s32 @!p2 $0x0  }
0x16: {  	s3 =	sld [smem:$0x3FDB];
	s0 =	simm.s32 @p2 $0x1  }
0x17: {  	s4 =	simm.s32 $0x1BF5;
	[smem:$0x3FAC] =	sst s0  }
0x18: {  	s0 =	sld [smem:$0x3F8F];
	_ =	swait.ge [sflag:s4], $0x0  }
0x19: {  	s7 =	sld [smem:$0x3F90]  }
0x1a: {  	s8 =	sadd.s32 $0xFFFFE003, lr  }
0x1b: {  	s9 =	sadd.s32 $0xFFFFFEF7, lr;
	s5 =	simm.s32 $0xFFFFFFFF;
	p2 =	slt.u32 s8, $0xFFFFF086  }
0x1c: {  	p1 =	slt.u32 s9, $0xF7A;
	s5 =	simm.s32 @!p2 $0x0  }
0x1d: {  	s5 =	simm.s32 @p1 $0x1;
	p0 =	seq.s32 s7, s2  }
0x1e: {  	s7 =	smul.u32 @!p0 $0xF7A, s2;
	p2 =	seq.s32 @!p0 s5, $0x0  }
0x1f: {  	s9 =	smul.u32 $0xF7A, s1;
	s8 =	simm.s32 @!p0 $0x1BF5;
	p2 =	por !p2, p0  }
0x20: {  	[sflag:s8] =	ssyncset.s32 @!p0 $0xFFFFF086;
	s6 =	sadd.s32 @!p0 s3, s7;
	s7 =	simm.s32 @!p0 $0x108  }
0x21: {  	s3 =	sadd.s32 s3, s9;
	s6 =	sadd.s32 @!p0 $0x88, s6;
	s7 =	simm.s32 @p2 $0x1082  }
0x22: {  	[simem:s7], [sflag:s8] =	dma.local @!p0 [hbm:s6], $0xF7A  }
0x23: {  	s9 =	sor.u32 $0xD0000000, s2;
	s6 =	simm.s32 $0x108;
	_ =	swait.ge @!p0 [sflag:s8], $0x0  }
0x24: {  	s3 =	sadd.s32 $0x88, s3;
	s6 =	simm.s32 @!p1 $0x1082;
	[sflag:s4] =	ssyncset.s32 $0xFFFFF086  }
0x25: {  	[simem:s6], [sflag:s4] =	dma.local [hbm:s3], $0xF7A  }
0x26: {  	[smem:$0x3F90] =	sst s1;
	(tag) =	ssettag s2;
	_ =	strace s9  }
0x27: {  	s1 =	sld [smem:$0x3FA0]  }
0x28: {  	s2 =	sld [smem:$0x3FA1]  }
0x29: {  	s4 =	sld [smem:$0x3FA3]  }
0x2a: {  	p0 =	seq.s32 s5, $0x0;
	s5 =	sld [smem:$0x3FA4]  }
0x2b: {  	s6 =	sld [smem:$0x3FA5]  }
0x2c: {  	s7 =	sld [smem:$0x3FA6]  }
0x2d: {  	s3 =	simm.s32 $0x108;
	s8 =	sld [smem:$0x3FA7]  }
0x2e: {  	s3 =	simm.s32 @!p0 $0x1082;
	s9 =	sld [smem:$0x3FA8]  }
0x2f: {  	lr =	sadd.s32 s0, s3;
	s0 =	sld [smem:$0x3F9F]  }
0x30: {  	s3 =	sld [smem:$0x3FA2]  }
0x31: {  	[smem:$0x3FAB] =	sst s10  }
0x32: {  	s10 =	sld [smem:$0x3FA9];
	_ =	sdelay $0x3  }
0x33: {  	p0 =	seq.s32 s10, $0x1;
	s10 =	sld [smem:$0x3FAB];
	_ =	sdelay $0x3  }
0x34: {  	[smem:$0x3FAB] =	sst s10  }
0x35: {  	s10 =	sld [smem:$0x3FAA];
	_ =	sdelay $0x3  }
0x36: {  	p1 =	seq.s32 s10, $0x1;
	s10 =	sld [smem:$0x3FAB];
	_ =	sdelay $0x3  }
0x37: {  	[smem:$0x3FAB] =	sst s10  }
0x38: {  	s10 =	sld [smem:$0x3FAC]  }
0x39: {  	_ = 	snop;
	(pc) =	sbr.ind lr, $3  }
0x3a: {  	_ = 	snop  }
0x3b: {  	_ = 	snop  }
0x3c: {  	p2 =	seq.s32 s10, $0x1;
	s10 =	sld [smem:$0x3FAB]  }
0x3d: {  	_ =	shalt  }
0x3e: {  	_ =	shalt  }
0x3f: {  	_ =	shalt  }
0x40: {  	_ =	shalt  }
0x41: {  	_ =	shalt  }
0x42: {  	_ =	shalt  }
0x43: {  	_ =	shalt  }
0x44: {  	_ =	shalt  }
0x45: {  	_ =	shalt  }
0x46: {  	_ =	shalt  }
0x47: {  	_ =	shalt  }
0x48: {  	_ =	shalt  }
0x49: {  	_ =	shalt  }
0x4a: {  	_ =	shalt  }
0x4b: {  	_ =	shalt  }
0x4c: {  	_ =	shalt  }
0x4d: {  	_ =	shalt  }
0x4e: {  	_ =	shalt  }
0x4f: {  	_ =	shalt  }
0x50: {  	_ =	shalt  }
0x51: {  	_ =	shalt  }
0x52: {  	_ =	shalt  }
0x53: {  	_ =	shalt  }
0x54: {  	_ =	shalt  }
0x55: {  	_ =	shalt  }
0x56: {  	_ =	shalt  }
0x57: {  	_ =	shalt  }
0x58: {  	_ =	shalt  }
0x59: {  	_ =	shalt  }
0x5a: {  	_ =	shalt  }
0x5b: {  	_ =	shalt  }
0x5c: {  	_ =	shalt  }
0x5d: {  	_ =	shalt  }
0x5e: {  	_ =	shalt  }
0x5f: {  	_ =	shalt  }
0x60: {  	_ =	shalt  }
0x61: {  	_ =	shalt  }
0x62: {  	_ =	shalt  }
0x63: {  	_ =	shalt  }
0x64: {  	_ =	shalt  }
0x65: {  	_ =	shalt  }
0x66: {  	_ =	shalt  }
0x67: {  	_ =	shalt  }
0x68: {  	_ =	shalt  }
0x69: {  	_ =	shalt  }
0x6a: {  	_ =	shalt  }
0x6b: {  	_ =	shalt  }
0x6c: {  	_ =	shalt  }
0x6d: {  	_ =	shalt  }
0x6e: {  	_ =	shalt  }
0x6f: {  	_ =	shalt  }
0x70: {  	_ =	shalt  }
0x71: {  	_ =	shalt  }
0x72: {  	_ =	shalt  }
0x73: {  	_ =	shalt  }
0x74: {  	_ =	shalt  }
0x75: {  	_ =	shalt  }
0x76: {  	_ =	shalt  }
0x77: {  	_ =	shalt  }
0x78: {  	_ =	shalt  }
0x79: {  	_ =	shalt  }
0x7a: {  	_ =	shalt  }
0x7b: {  	_ =	shalt  }
0x7c: {  	_ =	shalt  }
0x7d: {  	_ =	shalt  }
0x7e: {  	_ =	shalt  }
0x7f: {  	_ =	shalt  }
0x80: {  	_ =	shalt  }
0x81: {  	_ =	shalt  }
0x82: {  	_ =	shalt  }
0x83: {  	_ =	shalt  }
0x84: {  	_ =	shalt  }
0x85: {  	_ =	shalt  }
0x86: {  	_ =	shalt  }
0x87: {  	_ =	shalt  }
.Lfunc_end0:
.L_simem_size_0:
called_computation_lowered:
.L_overlay_start_0:
0x88: {  	s2 =	sld [smem:$0x3FD9]  }
0x89: {  	s3 =	sld [smem:$0x3FFE];
	_ =	sdelay $0x1  }
0x8a: {  	s1 =	srdreg.scid  }
0x8b: {  	s0 =	sand.u32 $0x1, s1  }
0x8c: {  	s16 =	sshll.u32 s0, $0xA;
	s2 =	sadd.s32 s3, s2  }
0x8d: {  	s2 =	sadd.s32 s2, s16  }
0x8e: {  	[smem:$0x3FB7] =	sst s2  }
0x8f: {  	_ = 	snop  }
0x90: {  	(tm) =	ssettm $0x1  }
0x91: {  	s17 =	sld [smem:$0x3FFB];
	_ =	sdelay $0x3  }
0x92: {  	_ =	strace s17  }
0x93: {  	s2 =	sld [smem:$0x3FFC];
	_ =	sdelay $0x3  }
0x94: {  	_ =	strace s2  }
0x95: {  	s2 =	sld [smem:$0x3FFD];
	_ =	sdelay $0x3  }
0x96: {  	_ =	strace s2  }
0x97: {  	_ =	strace $0x8FFFFFFF  }
0x98: {  	s18 =	sld [smem:$0x3FDB];
	_ =	sdelay $0x1  }
0x99: {  	s19 =	simm.s32 $_scs_section_size  }
0x9a: {  	s4 =	simm.s32 $_size__tile_overlayer_lowered;
	s5 =	simm.s32 $_tile_overlayer_lowered  }
0x9b: {  	s22 =	simm.s32 $0x1BFF;
	s21 =	sshll.u32 s5, $0x1;
	s2 =	sadd.s32 s19, s18  }
0x9c: {  	s6 =	simm.s32 $0x0;
	s20 =	sshll.u32 s4, $0x1;
	s4 =	sadd.s32 s21, s2  }
0x9d: {  	[timem:s6], [sflag:s22] =	dma.local [hbm:s4], s20  }
0x9e: {  	_ =	swait.ge [sflag:s22], s20  }
0x9f: {  	s3 =	ssub.s32 $0x0, s20;
	[sflag:s22] =	ssyncset.done $0x0  }
0xa0: {  	[sflag:s22] =	ssyncadd.s32 s3;
	_ =	sdelay $0x1  }
0xa1: {  	s23 =	simm.s32 $0x1B8B  }
0xa2: {  	_ =	swait.ge [sflag:s23], $0x1  }
0xa3: {  	[sflag:s23] =	ssyncset.done $0x0  }
0xa4: {  	s25 =	simm.s32 $0x1B8E;
	s24 =	sld [smem:$0x3FFE];
	[sflag:s23] =	ssyncadd.s32 $0xFFFFFFFF  }
0xa5: {  	s26 =	simm.s32 $execute0_lowered;
	[smem:$0x3FD2] =	sst s25  }
0xa6: {  	s4 =	sshll.u32 s26, $0x1;
	_ =	strace $0x80000046;
	[dreg:$0x1] =	wrdreg $0xFFFFFFFF  }
0xa7: {  	s28 =	simm.s32 $_size_execute0_lowered;
	s2 =	sadd.s32 s2, s4;
	[dreg:$0x0] =	wrdreg $0x0  }
0xa8: {  	s4 =	sshll.u32 s28, $0x1;
	[dreg:$0x2] =	wrdreg s2  }
0xa9: {  	[dreg:$0x3] =	wrdreg s4  }
0xaa: {  	[dreg:$0x4] =	wrdreg $0xC0  }
0xab: {  	_ =	task [dreg:s6], $0x5FFFF  }
0xac: {  	[dreg:$0x1] =	wrdreg $0xFFFFFFFF  }
0xad: {  	[dreg:$0x0] =	wrdreg $0x60  }
0xae: {  	[dreg:$0x2] =	wrdreg s24  }
0xaf: {  	[dreg:$0x3] =	wrdreg $0x54000  }
0xb0: {  	[dreg:$0x4] =	wrdreg $0x9  }
0xb1: {  	_ =	task.clear_ibuf [dreg:s6], $0x5FFFF;
	_ =	strace $0x90000046  }
0xb2: {  	s29 =	simm.s32 $0x9;
	_ =	strace $0x80000048  }
0xb3: {  	_ =	swait.ge [sflag:s29], $0x1  }
0xb4: {  	[sflag:s29] =	ssyncadd.s32 $0xFFFFFFFF  }
0xb5: {  	_ =	strace $0x90000048  }
0xb6: {  	_ =	sfence  }
0xb7: {  	s30 =	sld [smem:$0x0];
	_ =	sdelay $0x2  }
0xb8: {  	s31 =	sshll.u32 s1, $0xD;
	s1 =	sshrl.u32 s1, $0x2  }
0xb9: {  	s3 =	sand.u32 $0x4000, s31;
	s1 =	sadd.s32 s1, s30  }
0xba: {  	s0 =	sor.u32 s3, s0;
	s1 =	sshll.u32 s1, $0x11  }
0xbb: {  	s0 =	sor.u32 s1, s0  }
0xbc: {  	s0 =	sadd.s32 $0x8F2B, s0  }
0xbd: {  	[sflag:s0] =	ssyncadd.remote.s32 $0x1  }
0xbe: {  	_ =	sfence.sel $0xFFFF  }
0xbf: {  	[dreg:$0x0] =	wrdreg $0xFFFFFFFF;
	(pc) =	sbr.abs _section_cstart, $3  }
0xc0: {  	[dreg:$0x1] =	wrdreg $0xFFFFFFFF  }
0xc1: {  	_ =	task.clear_ibuf [dreg:s6], $0x2FFFF;
	_ =	strace $0x9FFFFFFF  }
0xc2: {  	(tm) =	ssettm $0x7FFFFFFF  }
0xc3: {  	_ =	shalt  }
tec
execute0_lowered:
.L_overlay_start_1:
0x0: {  	(tag) =	ssettag $0x1  }
0x1: {  	s9 =	rddreg [dreg:$0x0]  }
0x2: {  	s0 =	srdreg.scid;
	s2 =	rddreg [dreg:$0x1]  }
0x3: {  	s3 =	simm.s32 $0x0;
	s12 =	simm.s32 $0x35E00;
	s13 =	simm.s32 $0x80  }
0x4: {  	s14 =	simm.s32 $0x0;
	s6 =	sand.u32 $0x1, s0;
	s0 =	stileid.u32  }
0x5: {  	[smem:$0x7FF] =	sst s3;
	s1 =	sshll.u32 s6, $0x4;
	s5 =	smul.u32 $0x50000, s0  }
0x6: {  	s8 =	ssub.s32 $0x2, s6;
	s30 =	sshll.u32 s0, $0x6;
	p0 =	seq.s32 s6, $0x1  }
0x7: {  	s31 =	smul.u32 $0x2800, s0;
	s4 =	sor.u32 s0, s1;
	s1 =	rddreg [dreg:$0x2]  }
0x8: {  	_ =	strace $0x80000047;
	s10 =	sshrl.u32 s8, $0x1;
	s6 =	sor.u32 $0x1C01, s30  }
0x9: {  	s12 =	simm.s32 @!p0 $0xDE00;
	s4 =	smul.u32 $0x280, s4;
	s11 =	sshrl.u32 s5, $0x2  }
0xa: {  	s5 =	sadd.s32 $0xB600, s9;
	s8 =	ssub.s32 s8, s10;
	s29 =	sadd.s32 s11, s2  }
0xb: {  	s8 =	smax.u32 s8, $0x1;
	s11 =	simm.s32 $0x1;
	s7 =	sadd.s32 s4, s9  }
0xc: {  	s4 =	sadd.s32 $0xAE00, s9;
	s9 =	sadd.s32 s12, s9;
	s10 =	sshrl.u32 s29, $0x3  }
0xd: {  	s12 =	simm.s32 $0x1400;
	s7 =	sadd.s32 $0x5E00, s7;
	s9 =	sadd.s32 s9, s31  }
.LBB2_1:
0xe: {  	[spmem:s10], [sflag:s6] =	dma.local [hbm:s5], $0x2800  }
0xf: {  	_ =	swait.ge [sflag:s11], $0x2800  }
0x10: {  	[sflag:s11] =	ssyncset.done $0x0  }
0x11: {  	[sflag:s11] =	ssyncadd.s32 $0xFFFFD800  }
0x12: {  	[tilespmem:s12], [sflag:$0x1] =	stream.linear.gather [hbm4b:s4+s3], $0x4000, $0x38;
	[tilespmem:$0x7C00] =	vst v63  }
0x13: {  	_ =	swait.ge [sflag:s11], $0x4000  }
0x14: {  	[sflag:s11] =	ssyncset.done $0x0  }
0x15: {  	[sflag:s11] =	ssyncadd.s32 $0xFFFFC000  }
0x16: {  	[tilespmem:s3], [sflag:$0x1] =	stream.linear.gather [hbm4b:s7+s3], $0x1400, $0x38;
	[tilespmem:$0x7C00] =	vst v63  }
0x17: {  	_ =	swait.ge [sflag:s11], $0x1400  }
0x18: {  	[sflag:s11] =	ssyncset.done $0x0  }
0x19: {  	[sflag:s11] =	ssyncadd.s32 $0xFFFFEC00  }
0x1a: {  	s15 =	simm.s32 $0x0;
	[bflag:$0x0] =	sbarrier.arrive $0xFFFF  }
0x1b: {  	[spmem:s2] =	stream.indirect.scatter.add.f32 [tilespmem:s12], [sflag:$0x1], $0x10, s15, s13, $0xb8;
	[tilespmem:$0x7C00] =	vst v63  }
0x1c: {  	_ =	swait.ge [sflag:s11], $0x800  }
0x1d: {  	s15 =	simm.s32 $0x200;
	[sflag:s11] =	ssyncset.done $0x0  }
.LBB2_2:
0x1e: {  	s16 =	sshra.s32 s15, $0x2;
	[sflag:s11] =	ssyncadd.s32 $0xFFFFF800;
	p0 =	sne.s32 s15, $0x4E00  }
0x1f: {  	[spmem:s2] =	stream.indirect.scatter.add.f32 [tilespmem:s12], [sflag:$0x1], $0x10, s16, s13, $0xb8;
	[tilespmem:$0x7C00] =	vst v63  }
.Ltmp0:
0x20: {  	_ = 	snop;
	(pc) =	sbr.rel @p0 .LBB2_2-.Ltmp0, $4  }
0x21: {  	_ = 	snop  }
0x22: {  	s15 =	sadd.s32 $0x200, s15  }
0x23: {  	_ =	swait.ge [sflag:s11], $0x800  }
0x24: {  	[sflag:s11] =	ssyncset.done $0x0  }
0x25: {  	s14 =	sadd.s32 $0x1, s14  }
0x26: {  	[sflag:s11] =	ssyncadd.s32 $0xFFFFF800;
	p0 =	sne.s32 s14, s8  }
.Ltmp1:
0x27: {  	[bflag:$0x0] =	sbarrier.arrive $0xFFFF;
	(pc) =	sbr.rel @p0 .LBB2_1-.Ltmp1, $4  }
0x28: {  	[hbm:s9], [sflag:s6] =	dma.local [spmem:s10], $0x2800  }
0x29: {  	_ =	swait.ge [sflag:s11], $0x2800  }
0x2a: {  	[sflag:s11] =	ssyncset.done $0x0  }
0x2b: {  	[sflag:s11] =	ssyncadd.s32 $0xFFFFD800  }
0x2c: {  	_ =	sfence.sel $0x180000  }
0x2d: {  	[bflag:$0x0] =	sbarrier.arrive $0xFFFF  }
0x2e: {  	p0 =	sne.s32 s0, $0x0;
	_ =	strace $0x90000047  }
0x2f: {  	s0 =	sadd.s32 @!p0 $0x100000, s1;
	[bflag:$0x2] =	sbarrier.arrive $0xFFFF  }
0x30: {  	[sflag:s0] =	ssyncadd.tile.s32 @!p0 $0x1;
	_ =	shalt  }
.Lfunc_end2:
_tile_overlayer_lowered:
.L_overlay_start_2:
0x31: {  	(tag) =	ssettag $0x2  }
0x32: {  	s0 =	rddreg [dreg:$0x0];
	s2 =	stileid.u32  }
0x33: {  	s1 =	rddreg [dreg:$0x1];
	p0 =	sne.s32 s2, $0x0  }
0x34: {  	s3 =	rddreg [dreg:$0x2];
	[bflag:$0x3] =	sbarrier.arrive $0xFFFF;
	s2 =	simm.s32 @!p0 $0x1C01  }
0x35: {  	[timem:s3], [sflag:s2] =	dma.local @!p0 [hbm:s0], s1  }
0x36: {  	s0 =	simm.s32 @!p0 $0x1  }
0x37: {  	_ =	swait.ge @!p0 [sflag:s0], s1  }
0x38: {  	s1 =	ssub.s32 @!p0 $0x0, s1;
	[sflag:s0] =	ssyncset.done @!p0 $0x0  }
0x39: {  	[sflag:s0] =	ssyncadd.s32 @!p0 s1  }
0x3a: {  	[bflag:$0x3] =	sbarrier.arrive $0xFFFF  }
0x3b: {  	_ =	shalt  }

// kernel: kernel.13.cloned.1.call-start
scs
__scs_entry_jumppad:
0x0: {  	(pc) =	sbr.rel $0x88, $3  }
0x1: {  	(tag) =	ssettag $0x0;
	lr =	simm.s32 $0x1  }
0x2: {  	[smem:$0x3F90] =	sst lr;
	_ =	strace $0xD0000000  }
0x3: {  	_ = 	snop  }
0x4: {  	_ = 	snop  }
0x5: {  	_ = 	snop  }
0x6: {  	_ = 	snop  }
0x7: {  	_ = 	snop  }
__scs_overlays_trampoline_lowered:
0x8: {  	[smem:$0x3F9F] =	sst s0  }
0x9: {  	[smem:$0x3FA0] =	sst s1  }
0xa: {  	[smem:$0x3FA1] =	sst s2  }
0xb: {  	[smem:$0x3FA2] =	sst s3  }
0xc: {  	[smem:$0x3FA3] =	sst s4  }
0xd: {  	[smem:$0x3FA4] =	sst s5  }
0xe: {  	[smem:$0x3FA5] =	sst s6  }
0xf: {  	[smem:$0x3FA6] =	sst s7  }
0x10: {  	[smem:$0x3FA7] =	sst s8  }
0x11: {  	[smem:$0x3FA8] =	sst s9;
	s0 =	simm.s32 @!p0 $0x0  }
0x12: {  	s1 =	sld [smem:$0x3F8E];
	s0 =	simm.s32 @p0 $0x1  }
0x13: {  	[smem:$0x3FA9] =	sst s0;
	s0 =	simm.s32 @!p1 $0x0  }
0x14: {  	s2 =	sld [smem:$0x3F8D];
	s0 =	simm.s32 @p1 $0x1  }
0x15: {  	[smem:$0x3FAA] =	sst s0;
	s0 =	simm.s32 @!p2 $0x0  }
0x16: {  	s3 =	sld [smem:$0x3FDB];
	s0 =	simm.s32 @p2 $0x1  }
0x17: {  	s4 =	simm.s32 $0x1BF5;
	[smem:$0x3FAC] =	sst s0  }
0x18: {  	s0 =	sld [smem:$0x3F8F];
	_ =	swait.ge [sflag:s4], $0x0  }
0x19: {  	s7 =	sld [smem:$0x3F90]  }
0x1a: {  	s8 =	sadd.s32 $0xFFFFE003, lr  }
0x1b: {  	s9 =	sadd.s32 $0xFFFFFEF7, lr;
	s5 =	simm.s32 $0xFFFFFFFF;
	p2 =	slt.u32 s8, $0xFFFFF086  }
0x1c: {  	p1 =	slt.u32 s9, $0xF7A;
	s5 =	simm.s32 @!p2 $0x0  }
0x1d: {  	s5 =	simm.s32 @p1 $0x1;
	p0 =	seq.s32 s7, s2  }
0x1e: {  	s7 =	smul.u32 @!p0 $0xF7A, s2;
	p2 =	seq.s32 @!p0 s5, $0x0  }
0x1f: {  	s9 =	smul.u32 $0xF7A, s1;
	s8 =	simm.s32 @!p0 $0x1BF5;
	p2 =	por !p2, p0  }
0x20: {  	[sflag:s8] =	ssyncset.s32 @!p0 $0xFFFFF086;
	s6 =	sadd.s32 @!p0 s3, s7;
	s7 =	simm.s32 @!p0 $0x108  }
0x21: {  	s3 =	sadd.s32 s3, s9;
	s6 =	sadd.s32 @!p0 $0x88, s6;
	s7 =	simm.s32 @p2 $0x1082  }
0x22: {  	[simem:s7], [sflag:s8] =	dma.local @!p0 [hbm:s6], $0xF7A  }
0x23: {  	s9 =	sor.u32 $0xD0000000, s2;
	s6 =	simm.s32 $0x108;
	_ =	swait.ge @!p0 [sflag:s8], $0x0  }
0x24: {  	s3 =	sadd.s32 $0x88, s3;
	s6 =	simm.s32 @!p1 $0x1082;
	[sflag:s4] =	ssyncset.s32 $0xFFFFF086  }
0x25: {  	[simem:s6], [sflag:s4] =	dma.local [hbm:s3], $0xF7A  }
0x26: {  	[smem:$0x3F90] =	sst s1;
	(tag) =	ssettag s2;
	_ =	strace s9  }
0x27: {  	s1 =	sld [smem:$0x3FA0]  }
0x28: {  	s2 =	sld [smem:$0x3FA1]  }
0x29: {  	s4 =	sld [smem:$0x3FA3]  }
0x2a: {  	p0 =	seq.s32 s5, $0x0;
	s5 =	sld [smem:$0x3FA4]  }
0x2b: {  	s6 =	sld [smem:$0x3FA5]  }
0x2c: {  	s7 =	sld [smem:$0x3FA6]  }
0x2d: {  	s3 =	simm.s32 $0x108;
	s8 =	sld [smem:$0x3FA7]  }
0x2e: {  	s3 =	simm.s32 @!p0 $0x1082;
	s9 =	sld [smem:$0x3FA8]  }
0x2f: {  	lr =	sadd.s32 s0, s3;
	s0 =	sld [smem:$0x3F9F]  }
0x30: {  	s3 =	sld [smem:$0x3FA2]  }
0x31: {  	[smem:$0x3FAB] =	sst s10  }
0x32: {  	s10 =	sld [smem:$0x3FA9];
	_ =	sdelay $0x3  }
0x33: {  	p0 =	seq.s32 s10, $0x1;
	s10 =	sld [smem:$0x3FAB];
	_ =	sdelay $0x3  }
0x34: {  	[smem:$0x3FAB] =	sst s10  }
0x35: {  	s10 =	sld [smem:$0x3FAA];
	_ =	sdelay $0x3  }
0x36: {  	p1 =	seq.s32 s10, $0x1;
	s10 =	sld [smem:$0x3FAB];
	_ =	sdelay $0x3  }
0x37: {  	[smem:$0x3FAB] =	sst s10  }
0x38: {  	s10 =	sld [smem:$0x3FAC]  }
0x39: {  	_ = 	snop;
	(pc) =	sbr.ind lr, $3  }
0x3a: {  	_ = 	snop  }
0x3b: {  	_ = 	snop  }
0x3c: {  	p2 =	seq.s32 s10, $0x1;
	s10 =	sld [smem:$0x3FAB]  }
0x3d: {  	_ =	shalt  }
0x3e: {  	_ =	shalt  }
0x3f: {  	_ =	shalt  }
0x40: {  	_ =	shalt  }
0x41: {  	_ =	shalt  }
0x42: {  	_ =	shalt  }
0x43: {  	_ =	shalt  }
0x44: {  	_ =	shalt  }
0x45: {  	_ =	shalt  }
0x46: {  	_ =	shalt  }
0x47: {  	_ =	shalt  }
0x48: {  	_ =	shalt  }
0x49: {  	_ =	shalt  }
0x4a: {  	_ =	shalt  }
0x4b: {  	_ =	shalt  }
0x4c: {  	_ =	shalt  }
0x4d: {  	_ =	shalt  }
0x4e: {  	_ =	shalt  }
0x4f: {  	_ =	shalt  }
0x50: {  	_ =	shalt  }
0x51: {  	_ =	shalt  }
0x52: {  	_ =	shalt  }
0x53: {  	_ =	shalt  }
0x54: {  	_ =	shalt  }
0x55: {  	_ =	shalt  }
0x56: {  	_ =	shalt  }
0x57: {  	_ =	shalt  }
0x58: {  	_ =	shalt  }
0x59: {  	_ =	shalt  }
0x5a: {  	_ =	shalt  }
0x5b: {  	_ =	shalt  }
0x5c: {  	_ =	shalt  }
0x5d: {  	_ =	shalt  }
0x5e: {  	_ =	shalt  }
0x5f: {  	_ =	shalt  }
0x60: {  	_ =	shalt  }
0x61: {  	_ =	shalt  }
0x62: {  	_ =	shalt  }
0x63: {  	_ =	shalt  }
0x64: {  	_ =	shalt  }
0x65: {  	_ =	shalt  }
0x66: {  	_ =	shalt  }
0x67: {  	_ =	shalt  }
0x68: {  	_ =	shalt  }
0x69: {  	_ =	shalt  }
0x6a: {  	_ =	shalt  }
0x6b: {  	_ =	shalt  }
0x6c: {  	_ =	shalt  }
0x6d: {  	_ =	shalt  }
0x6e: {  	_ =	shalt  }
0x6f: {  	_ =	shalt  }
0x70: {  	_ =	shalt  }
0x71: {  	_ =	shalt  }
0x72: {  	_ =	shalt  }
0x73: {  	_ =	shalt  }
0x74: {  	_ =	shalt  }
0x75: {  	_ =	shalt  }
0x76: {  	_ =	shalt  }
0x77: {  	_ =	shalt  }
0x78: {  	_ =	shalt  }
0x79: {  	_ =	shalt  }
0x7a: {  	_ =	shalt  }
0x7b: {  	_ =	shalt  }
0x7c: {  	_ =	shalt  }
0x7d: {  	_ =	shalt  }
0x7e: {  	_ =	shalt  }
0x7f: {  	_ =	shalt  }
0x80: {  	_ =	shalt  }
0x81: {  	_ =	shalt  }
0x82: {  	_ =	shalt  }
0x83: {  	_ =	shalt  }
0x84: {  	_ =	shalt  }
0x85: {  	_ =	shalt  }
0x86: {  	_ =	shalt  }
0x87: {  	_ =	shalt  }
.Lfunc_end0:
.L_simem_size_0:
called_computation.1_lowered:
.L_overlay_start_0:
0x88: {  	s2 =	sld [smem:$0x3FD9]  }
0x89: {  	s3 =	sld [smem:$0x3FFE];
	_ =	sdelay $0x1  }
0x8a: {  	s1 =	srdreg.scid  }
0x8b: {  	s0 =	sand.u32 $0x1, s1  }
0x8c: {  	s16 =	sshll.u32 s0, $0xA;
	s2 =	sadd.s32 s3, s2  }
0x8d: {  	s2 =	sadd.s32 s2, s16  }
0x8e: {  	[smem:$0x3FB7] =	sst s2  }
0x8f: {  	_ = 	snop  }
0x90: {  	(tm) =	ssettm $0x1  }
0x91: {  	s17 =	sld [smem:$0x3FFB];
	_ =	sdelay $0x3  }
0x92: {  	_ =	strace s17  }
0x93: {  	s2 =	sld [smem:$0x3FFC];
	_ =	sdelay $0x3  }
0x94: {  	_ =	strace s2  }
0x95: {  	s2 =	sld [smem:$0x3FFD];
	_ =	sdelay $0x3  }
0x96: {  	_ =	strace s2  }
0x97: {  	_ =	strace $0x8FFFFFFF  }
0x98: {  	s18 =	sld [smem:$0x3FDB];
	_ =	sdelay $0x1  }
0x99: {  	s19 =	simm.s32 $_scs_section_size  }
0x9a: {  	s4 =	simm.s32 $_size__tile_overlayer_lowered;
	s5 =	simm.s32 $_tile_overlayer_lowered  }
0x9b: {  	s22 =	simm.s32 $0x1BFF;
	s21 =	sshll.u32 s5, $0x1;
	s2 =	sadd.s32 s19, s18  }
0x9c: {  	s6 =	simm.s32 $0x0;
	s20 =	sshll.u32 s4, $0x1;
	s4 =	sadd.s32 s21, s2  }
0x9d: {  	[timem:s6], [sflag:s22] =	dma.local [hbm:s4], s20  }
0x9e: {  	_ =	swait.ge [sflag:s22], s20  }
0x9f: {  	s3 =	ssub.s32 $0x0, s20;
	[sflag:s22] =	ssyncset.done $0x0  }
0xa0: {  	[sflag:s22] =	ssyncadd.s32 s3;
	_ =	sdelay $0x1  }
0xa1: {  	s23 =	simm.s32 $0x1B8B  }
0xa2: {  	_ =	swait.ge [sflag:s23], $0x1  }
0xa3: {  	[sflag:s23] =	ssyncset.done $0x0  }
0xa4: {  	s25 =	simm.s32 $0x1B8E;
	s24 =	sld [smem:$0x3FFE];
	[sflag:s23] =	ssyncadd.s32 $0xFFFFFFFF  }
0xa5: {  	s26 =	simm.s32 $execute0_lowered;
	[smem:$0x3FD2] =	sst s25  }
0xa6: {  	s4 =	sshll.u32 s26, $0x1;
	_ =	strace $0x80000049;
	[dreg:$0x1] =	wrdreg $0xFFFFFFFF  }
0xa7: {  	s28 =	simm.s32 $_size_execute0_lowered;
	s2 =	sadd.s32 s2, s4;
	[dreg:$0x0] =	wrdreg $0x0  }
0xa8: {  	s4 =	sshll.u32 s28, $0x1;
	[dreg:$0x2] =	wrdreg s2  }
0xa9: {  	[dreg:$0x3] =	wrdreg s4  }
0xaa: {  	[dreg:$0x4] =	wrdreg $0xC0  }
0xab: {  	_ =	task [dreg:s6], $0x5FFFF  }
0xac: {  	[dreg:$0x1] =	wrdreg $0xFFFFFFFF  }
0xad: {  	[dreg:$0x0] =	wrdreg $0x60  }
0xae: {  	[dreg:$0x2] =	wrdreg s24  }
0xaf: {  	[dreg:$0x3] =	wrdreg $0xA8000  }
0xb0: {  	[dreg:$0x4] =	wrdreg $0x9  }
0xb1: {  	_ =	task.clear_ibuf [dreg:s6], $0x5FFFF;
	_ =	strace $0x90000049  }
0xb2: {  	s29 =	simm.s32 $0x9;
	_ =	strace $0x8000004B  }
0xb3: {  	_ =	swait.ge [sflag:s29], $0x1  }
0xb4: {  	[sflag:s29] =	ssyncadd.s32 $0xFFFFFFFF  }
0xb5: {  	_ =	strace $0x9000004B  }
0xb6: {  	_ =	sfence  }
0xb7: {  	s30 =	sld [smem:$0x0];
	_ =	sdelay $0x2  }
0xb8: {  	s31 =	sshll.u32 s1, $0xD;
	s1 =	sshrl.u32 s1, $0x2  }
0xb9: {  	s3 =	sand.u32 $0x4000, s31;
	s1 =	sadd.s32 s1, s30  }
0xba: {  	s0 =	sor.u32 s3, s0;
	s1 =	sshll.u32 s1, $0x11  }
0xbb: {  	s0 =	sor.u32 s1, s0  }
0xbc: {  	s0 =	sadd.s32 $0x8F2B, s0  }
0xbd: {  	[sflag:s0] =	ssyncadd.remote.s32 $0x1  }
0xbe: {  	_ =	sfence.sel $0xFFFF  }
0xbf: {  	[dreg:$0x0] =	wrdreg $0xFFFFFFFF;
	(pc) =	sbr.abs _section_cstart, $3  }
0xc0: {  	[dreg:$0x1] =	wrdreg $0xFFFFFFFF  }
0xc1: {  	_ =	task.clear_ibuf [dreg:s6], $0x2FFFF;
	_ =	strace $0x9FFFFFFF  }
0xc2: {  	(tm) =	ssettm $0x7FFFFFFF  }
0xc3: {  	_ =	shalt  }
tec
execute0_lowered:
.L_overlay_start_1:
0x0: {  	(tag) =	ssettag $0x1  }
0x1: {  	s8 =	rddreg [dreg:$0x0]  }
0x2: {  	s1 =	rddreg [dreg:$0x1]  }
0x3: {  	s0 =	rddreg [dreg:$0x2]  }
0x4: {  	s2 =	simm.s32 $0x0;
	s7 =	srdreg.scid;
	s5 =	stileid.u32  }
0x5: {  	s19 =	simm.s32 $0x80;
	s20 =	simm.s32 $0x2800;
	s21 =	simm.s32 $0x6800  }
0x6: {  	s22 =	simm.s32 $0x1;
	s23 =	simm.s32 $0x2;
	s24 =	simm.s32 $0x2700  }
0x7: {  	s25 =	simm.s32 $0x2780;
	s26 =	simm.s32 $0x0;
	[smem:$0x7FF] =	sst s2  }
0x8: {  	s3 =	sadd.s32 $0x5DE00, s8;
	s4 =	sadd.s32 $0x85E00, s8;
	s13 =	sadd.s32 $0xADE00, s8  }
0x9: {  	s14 =	sadd.s32 $0x5E00, s8;
	s6 =	sadd.s32 $0xAE00, s8;
	s16 =	sand.u32 $0x1, s7  }
0xa: {  	s7 =	sadd.s32 $0xB2E00, s8;
	s11 =	smul.u32 $0x50000, s5;
	s8 =	sadd.s32 $0xDAE00, s8  }
0xb: {  	s9 =	smul.u32 $0x2800, s5;
	s31 =	sshll.u32 s5, $0x6;
	s10 =	ssub.s32 $0x2, s16  }
0xc: {  	_ =	strace $0x8000004A;
	p0 =	sne.s32 s16, $0x0;
	s12 =	sshrl.u32 s10, $0x1  }
.Ltmp0:
0xd: {  	s30 =	sshrl.u32 s11, $0x2;
	s18 =	sshrl.u32 s9, $0x3;
	(pc) =	sbr.rel .LBB2_1-.Ltmp0, $4  }
0xe: {  	s15 =	ssub.s32 s10, s12;
	s17 =	sadd.s32 s30, s1;
	s10 =	sor.u32 $0x1C03, s31  }
0xf: {  	s11 =	sadd.s32 s13, s18;
	s12 =	sadd.s32 s14, s18;
	s18 =	sadd.s32 $0x280, s18  }
0x10: {  	s13 =	sadd.s32 s13, s18;
	s14 =	sadd.s32 s14, s18;
	s15 =	smax.u32 s15, $0x1  }
0x11: {  	s16 =	sshrl.u32 s17, $0x3;
	s17 =	simm.s32 $0x3;
	s18 =	simm.s32 $0x1400  }
.LBB2_11:
0x12: {  	[tilespmem:s21], [sflag:$0x2] =	stream.indirect.gather [hbm4b:s4+s19], $0x80, s29, s19, $0xb8;
	[tilespmem:$0x1E800] =	vst v63  }
0x13: {  	s28 =	smov.u32 s8  }
.LBB2_12:
0x14: {  	_ =	swait.ge [sflag:s22], $0x4000  }
0x15: {  	[sflag:s22] =	ssyncset.done $0x0  }
0x16: {  	[sflag:s22] =	ssyncadd.s32 $0xFFFFC000  }
0x17: {  	[spmem:s1] =	stream.indirect.scatter.add.f32 [tilespmem:s20], [sflag:$0x3], $0x80, s24, s19, $0xb8;
	[tilespmem:$0x1E800] =	vst v63  }
0x18: {  	_ =	swait.ge [sflag:s17], $0x4000  }
0x19: {  	[sflag:s17] =	ssyncset.done $0x0  }
0x1a: {  	[sflag:s17] =	ssyncadd.s32 $0xFFFFC000  }
0x1b: {  	_ =	swait.ge [sflag:s23], $0x4000  }
0x1c: {  	[sflag:s23] =	ssyncset.done $0x0  }
0x1d: {  	[sflag:s23] =	ssyncadd.s32 $0xFFFFC000  }
0x1e: {  	[spmem:s1] =	stream.indirect.scatter.add.f32 [tilespmem:s21], [sflag:$0x3], $0x80, s25, s19, $0xb8;
	[tilespmem:$0x1E800] =	vst v63  }
0x1f: {  	_ =	swait.ge [sflag:s17], $0x4000  }
0x20: {  	s26 =	sadd.s32 $0x1, s26;
	[sflag:s17] =	ssyncset.done $0x0  }
0x21: {  	p1 =	sne.s32 s26, s15;
	[sflag:s17] =	ssyncadd.s32 $0xFFFFC000  }
.Ltmp1:
0x22: {  	s28 =	sadd.s32 s28, s9;
	[bflag:$0x0] =	sbarrier.arrive $0xFFFF;
	(pc) =	sbr.rel @!p1 .LBB2_13-.Ltmp1, $4  }
0x23: {  	[hbm:s28], [sflag:s10] =	dma.local [spmem:s16], $0x2800  }
0x24: {  	_ =	swait.ge [sflag:s17], $0x2800  }
0x25: {  	[sflag:s17] =	ssyncset.done $0x0  }
0x26: {  	[sflag:s17] =	ssyncadd.s32 $0xFFFFD800  }
.LBB2_1:
0x27: {  	[spmem:s16], [sflag:s10] =	dma.local [hbm:s6], $0x2800  }
0x28: {  	_ =	swait.ge [sflag:s17], $0x2800  }
0x29: {  	[sflag:s17] =	ssyncset.done $0x0  }
0x2a: {  	[sflag:s17] =	ssyncadd.s32 $0xFFFFD800  }
0x2b: {  	[bflag:$0x0] =	sbarrier.arrive $0xFFFF  }
0x2c: {  	[tilespmem:s2], [sflag:$0x3] =	stream.linear.gather [hbm4b:s11+s2], $0x1400, $0x38;
	[tilespmem:$0x1E800] =	vst v63  }
0x2d: {  	_ =	swait.ge [sflag:s17], $0x1400  }
0x2e: {  	[sflag:s17] =	ssyncset.done $0x0  }
.Ltmp2:
0x2f: {  	[sflag:s17] =	ssyncadd.s32 $0xFFFFEC00;
	(pc) =	sbr.rel @p0 .LBB2_7-.Ltmp2, $4  }
0x30: {  	[tilespmem:s18], [sflag:$0x3] =	stream.linear.gather [hbm4b:s12+s2], $0x1400, $0x38;
	[tilespmem:$0x1E800] =	vst v63  }
0x31: {  	_ =	swait.ge [sflag:s17], $0x1400  }
0x32: {  	[sflag:s17] =	ssyncset.done $0x0  }
0x33: {  	s28 =	simm.s32 $0x0;
	[sflag:s17] =	ssyncadd.s32 $0xFFFFEC00  }
0x34: {  	[tilespmem:s20], [sflag:$0x1] =	stream.indirect.gather [hbm4b:s3+s19], $0x80, s28, s19, $0xb8;
	[tilespmem:$0x1E800] =	vst v63  }
0x35: {  	_ = 	snop  }
0x36: {  	[tilespmem:s21], [sflag:$0x2] =	stream.indirect.gather [hbm4b:s3+s19], $0x80, s19, s19, $0xb8;
	[tilespmem:$0x1E800] =	vst v63  }
0x37: {  	_ =	swait.ge [sflag:s22], $0x4000  }
0x38: {  	[sflag:s22] =	ssyncset.done $0x0  }
0x39: {  	s28 =	simm.s32 $0x1400;
	[sflag:s22] =	ssyncadd.s32 $0xFFFFC000  }
0x3a: {  	[spmem:s1] =	stream.indirect.scatter.add.f32 [tilespmem:s20], [sflag:$0x3], $0x80, s28, s19, $0xb8;
	[tilespmem:$0x1E800] =	vst v63  }
0x3b: {  	_ =	swait.ge [sflag:s17], $0x4000  }
0x3c: {  	[sflag:s17] =	ssyncset.done $0x0  }
0x3d: {  	s28 =	simm.s32 $0x100;
	[sflag:s17] =	ssyncadd.s32 $0xFFFFC000  }
0x3e: {  	[tilespmem:s20], [sflag:$0x1] =	stream.indirect.gather [hbm4b:s3+s19], $0x80, s28, s19, $0xb8;
	[tilespmem:$0x1E800] =	vst v63  }
0x3f: {  	_ =	swait.ge [sflag:s23], $0x4000  }
0x40: {  	[sflag:s23] =	ssyncset.done $0x0  }
0x41: {  	s28 =	simm.s32 $0x1480;
	[sflag:s23] =	ssyncadd.s32 $0xFFFFC000  }
0x42: {  	[spmem:s1] =	stream.indirect.scatter.add.f32 [tilespmem:s21], [sflag:$0x3], $0x80, s28, s19, $0xb8;
	[tilespmem:$0x1E800] =	vst v63  }
0x43: {  	_ =	swait.ge [sflag:s17], $0x4000  }
0x44: {  	[sflag:s17] =	ssyncset.done $0x0  }
0x45: {  	s29 =	simm.s32 $0x180;
	s28 =	simm.s32 $0x400;
	[sflag:s17] =	ssyncadd.s32 $0xFFFFC000  }
.LBB2_3:
0x46: {  	[tilespmem:s21], [sflag:$0x2] =	stream.indirect.gather [hbm4b:s3+s19], $0x80, s29, s19, $0xb8;
	[tilespmem:$0x1E800] =	vst v63  }
0x47: {  	s29 =	smov.u32 s28  }
0x48: {  	p1 =	sne.s32 s28, $0x4800;
	s28 =	sadd.s32 $0x400, s28;
	_ =	swait.ge [sflag:s22], $0x4000  }
0x49: {  	s29 =	sshra.s32 s29, $0x2;
	[sflag:s22] =	ssyncset.done $0x0  }
0x4a: {  	s30 =	sadd.s32 $0x1400, s29;
	[sflag:s22] =	ssyncadd.s32 $0xFFFFC000  }
0x4b: {  	[spmem:s1] =	stream.indirect.scatter.add.f32 [tilespmem:s20], [sflag:$0x3], $0x80, s30, s19, $0xb8;
	[tilespmem:$0x1E800] =	vst v63  }
0x4c: {  	_ =	swait.ge [sflag:s17], $0x4000  }
0x4d: {  	[sflag:s17] =	ssyncset.done $0x0  }
0x4e: {  	s30 =	sadd.s32 $0x100, s29;
	[sflag:s17] =	ssyncadd.s32 $0xFFFFC000  }
0x4f: {  	[tilespmem:s20], [sflag:$0x1] =	stream.indirect.gather [hbm4b:s3+s19], $0x80, s30, s19, $0xb8;
	[tilespmem:$0x1E800] =	vst v63  }
0x50: {  	_ =	swait.ge [sflag:s23], $0x4000  }
0x51: {  	[sflag:s23] =	ssyncset.done $0x0  }
.Ltmp3:
0x52: {  	s30 =	sadd.s32 $0x1480, s29;
	[sflag:s23] =	ssyncadd.s32 $0xFFFFC000;
	(pc) =	sbr.rel @p1 .LBB2_3-.Ltmp3, $4  }
0x53: {  	[spmem:s1] =	stream.indirect.scatter.add.f32 [tilespmem:s21], [sflag:$0x3], $0x80, s30, s19, $0xb8;
	[tilespmem:$0x1E800] =	vst v63  }
0x54: {  	_ =	swait.ge [sflag:s17], $0x4000  }
0x55: {  	[sflag:s17] =	ssyncset.done $0x0  }
0x56: {  	s29 =	sadd.s32 $0x180, s29;
	[sflag:s17] =	ssyncadd.s32 $0xFFFFC000  }
0x57: {  	[tilespmem:s21], [sflag:$0x2] =	stream.indirect.gather [hbm4b:s3+s19], $0x80, s29, s19, $0xb8;
	[tilespmem:$0x1E800] =	vst v63  }
0x58: {  	_ =	swait.ge [sflag:s22], $0x4000  }
0x59: {  	[sflag:s22] =	ssyncset.done $0x0  }
0x5a: {  	[sflag:s22] =	ssyncadd.s32 $0xFFFFC000  }
0x5b: {  	[spmem:s1] =	stream.indirect.scatter.add.f32 [tilespmem:s20], [sflag:$0x3], $0x80, s24, s19, $0xb8;
	[tilespmem:$0x1E800] =	vst v63  }
0x5c: {  	_ =	swait.ge [sflag:s17], $0x4000  }
0x5d: {  	[sflag:s17] =	ssyncset.done $0x0  }
0x5e: {  	[sflag:s17] =	ssyncadd.s32 $0xFFFFC000  }
0x5f: {  	_ =	swait.ge [sflag:s23], $0x4000  }
0x60: {  	[sflag:s23] =	ssyncset.done $0x0  }
0x61: {  	[sflag:s23] =	ssyncadd.s32 $0xFFFFC000  }
0x62: {  	[spmem:s1] =	stream.indirect.scatter.add.f32 [tilespmem:s21], [sflag:$0x3], $0x80, s25, s19, $0xb8;
	[tilespmem:$0x1E800] =	vst v63  }
0x63: {  	_ =	swait.ge [sflag:s17], $0x4000  }
0x64: {  	[sflag:s17] =	ssyncset.done $0x0  }
0x65: {  	s28 =	simm.s32 $0x0;
	[sflag:s17] =	ssyncadd.s32 $0xFFFFC000  }
0x66: {  	[tilespmem:s28], [sflag:$0x3] =	stream.linear.gather [hbm4b:s13+s28], $0x1400, $0x38;
	[tilespmem:$0x1E800] =	vst v63  }
0x67: {  	_ =	swait.ge [sflag:s17], $0x1400  }
0x68: {  	[sflag:s17] =	ssyncset.done $0x0  }
0x69: {  	[sflag:s17] =	ssyncadd.s32 $0xFFFFEC00  }
0x6a: {  	[tilespmem:s18], [sflag:$0x3] =	stream.linear.gather [hbm4b:s14+s28], $0x1400, $0x38;
	[tilespmem:$0x1E800] =	vst v63  }
0x6b: {  	_ =	swait.ge [sflag:s17], $0x1400  }
0x6c: {  	[sflag:s17] =	ssyncset.done $0x0  }
0x6d: {  	[sflag:s17] =	ssyncadd.s32 $0xFFFFEC00  }
0x6e: {  	[tilespmem:s20], [sflag:$0x1] =	stream.indirect.gather [hbm4b:s3+s19], $0x80, s28, s19, $0xb8;
	[tilespmem:$0x1E800] =	vst v63  }
0x6f: {  	_ = 	snop  }
0x70: {  	[tilespmem:s21], [sflag:$0x2] =	stream.indirect.gather [hbm4b:s3+s19], $0x80, s19, s19, $0xb8;
	[tilespmem:$0x1E800] =	vst v63  }
0x71: {  	_ =	swait.ge [sflag:s22], $0x4000  }
0x72: {  	[sflag:s22] =	ssyncset.done $0x0  }
0x73: {  	s28 =	simm.s32 $0x1400;
	[sflag:s22] =	ssyncadd.s32 $0xFFFFC000  }
0x74: {  	[spmem:s1] =	stream.indirect.scatter.add.f32 [tilespmem:s20], [sflag:$0x3], $0x80, s28, s19, $0xb8;
	[tilespmem:$0x1E800] =	vst v63  }
0x75: {  	_ =	swait.ge [sflag:s17], $0x4000  }
0x76: {  	[sflag:s17] =	ssyncset.done $0x0  }
0x77: {  	s28 =	simm.s32 $0x100;
	[sflag:s17] =	ssyncadd.s32 $0xFFFFC000  }
0x78: {  	[tilespmem:s20], [sflag:$0x1] =	stream.indirect.gather [hbm4b:s3+s19], $0x80, s28, s19, $0xb8;
	[tilespmem:$0x1E800] =	vst v63  }
0x79: {  	_ =	swait.ge [sflag:s23], $0x4000  }
0x7a: {  	[sflag:s23] =	ssyncset.done $0x0  }
0x7b: {  	s28 =	simm.s32 $0x1480;
	[sflag:s23] =	ssyncadd.s32 $0xFFFFC000  }
0x7c: {  	[spmem:s1] =	stream.indirect.scatter.add.f32 [tilespmem:s21], [sflag:$0x3], $0x80, s28, s19, $0xb8;
	[tilespmem:$0x1E800] =	vst v63  }
0x7d: {  	_ =	swait.ge [sflag:s17], $0x4000  }
0x7e: {  	[sflag:s17] =	ssyncset.done $0x0  }
0x7f: {  	s29 =	simm.s32 $0x180;
	s28 =	simm.s32 $0x400;
	[sflag:s17] =	ssyncadd.s32 $0xFFFFC000  }
.LBB2_5:
0x80: {  	[tilespmem:s21], [sflag:$0x2] =	stream.indirect.gather [hbm4b:s3+s19], $0x80, s29, s19, $0xb8;
	[tilespmem:$0x1E800] =	vst v63  }
0x81: {  	s29 =	smov.u32 s28  }
0x82: {  	p1 =	seq.s32 s28, $0x4800;
	s28 =	sadd.s32 $0x400, s28;
	_ =	swait.ge [sflag:s22], $0x4000  }
0x83: {  	s29 =	sshra.s32 s29, $0x2;
	[sflag:s22] =	ssyncset.done $0x0  }
0x84: {  	s30 =	sadd.s32 $0x1400, s29;
	[sflag:s22] =	ssyncadd.s32 $0xFFFFC000  }
0x85: {  	[spmem:s1] =	stream.indirect.scatter.add.f32 [tilespmem:s20], [sflag:$0x3], $0x80, s30, s19, $0xb8;
	[tilespmem:$0x1E800] =	vst v63  }
0x86: {  	_ =	swait.ge [sflag:s17], $0x4000  }
0x87: {  	[sflag:s17] =	ssyncset.done $0x0  }
0x88: {  	s30 =	sadd.s32 $0x100, s29;
	[sflag:s17] =	ssyncadd.s32 $0xFFFFC000  }
0x89: {  	[tilespmem:s20], [sflag:$0x1] =	stream.indirect.gather [hbm4b:s3+s19], $0x80, s30, s19, $0xb8;
	[tilespmem:$0x1E800] =	vst v63  }
0x8a: {  	_ =	swait.ge [sflag:s23], $0x4000  }
0x8b: {  	[sflag:s23] =	ssyncset.done $0x0  }
.Ltmp4:
0x8c: {  	s30 =	sadd.s32 $0x1480, s29;
	[sflag:s23] =	ssyncadd.s32 $0xFFFFC000;
	(pc) =	sbr.rel @!p1 .LBB2_5-.Ltmp4, $4  }
0x8d: {  	[spmem:s1] =	stream.indirect.scatter.add.f32 [tilespmem:s21], [sflag:$0x3], $0x80, s30, s19, $0xb8;
	[tilespmem:$0x1E800] =	vst v63  }
0x8e: {  	_ =	swait.ge [sflag:s17], $0x4000  }
0x8f: {  	[sflag:s17] =	ssyncset.done $0x0  }
0x90: {  	s29 =	sadd.s32 $0x180, s29;
	[sflag:s17] =	ssyncadd.s32 $0xFFFFC000  }
.Ltmp5:
0x91: {  	(pc) =	sbr.rel .LBB2_12-.Ltmp5, $3  }
0x92: {  	_ =	sdelay $0x1  }
0x93: {  	[tilespmem:s21], [sflag:$0x2] =	stream.indirect.gather [hbm4b:s3+s19], $0x80, s29, s19, $0xb8;
	[tilespmem:$0x1E800] =	vst v63  }
0x94: {  	s28 =	smov.u32 s7  }
.LBB2_7:
0x95: {  	[tilespmem:s20], [sflag:$0x1] =	stream.indirect.gather [hbm4b:s4+s19], $0x80, s28, s19, $0xb8;
	[tilespmem:$0x1E800] =	vst v63  }
0x96: {  	_ = 	snop  }
0x97: {  	[tilespmem:s21], [sflag:$0x2] =	stream.indirect.gather [hbm4b:s4+s19], $0x80, s19, s19, $0xb8;
	[tilespmem:$0x1E800] =	vst v63  }
0x98: {  	_ =	swait.ge [sflag:s22], $0x4000  }
0x99: {  	[sflag:s22] =	ssyncset.done $0x0  }
0x9a: {  	s28 =	simm.s32 $0x1400;
	[sflag:s22] =	ssyncadd.s32 $0xFFFFC000  }
0x9b: {  	[spmem:s1] =	stream.indirect.scatter.add.f32 [tilespmem:s20], [sflag:$0x3], $0x80, s28, s19, $0xb8;
	[tilespmem:$0x1E800] =	vst v63  }
0x9c: {  	_ =	swait.ge [sflag:s17], $0x4000  }
0x9d: {  	[sflag:s17] =	ssyncset.done $0x0  }
0x9e: {  	s28 =	simm.s32 $0x100;
	[sflag:s17] =	ssyncadd.s32 $0xFFFFC000  }
0x9f: {  	[tilespmem:s20], [sflag:$0x1] =	stream.indirect.gather [hbm4b:s4+s19], $0x80, s28, s19, $0xb8;
	[tilespmem:$0x1E800] =	vst v63  }
0xa0: {  	_ =	swait.ge [sflag:s23], $0x4000  }
0xa1: {  	[sflag:s23] =	ssyncset.done $0x0  }
0xa2: {  	s28 =	simm.s32 $0x1480;
	[sflag:s23] =	ssyncadd.s32 $0xFFFFC000  }
0xa3: {  	[spmem:s1] =	stream.indirect.scatter.add.f32 [tilespmem:s21], [sflag:$0x3], $0x80, s28, s19, $0xb8;
	[tilespmem:$0x1E800] =	vst v63  }
0xa4: {  	_ =	swait.ge [sflag:s17], $0x4000  }
0xa5: {  	[sflag:s17] =	ssyncset.done $0x0  }
0xa6: {  	s29 =	simm.s32 $0x180;
	s28 =	simm.s32 $0x400;
	[sflag:s17] =	ssyncadd.s32 $0xFFFFC000  }
.LBB2_8:
0xa7: {  	[tilespmem:s21], [sflag:$0x2] =	stream.indirect.gather [hbm4b:s4+s19], $0x80, s29, s19, $0xb8;
	[tilespmem:$0x1E800] =	vst v63  }
0xa8: {  	s29 =	smov.u32 s28  }
0xa9: {  	p1 =	sne.s32 s28, $0x4800;
	s28 =	sadd.s32 $0x400, s28;
	_ =	swait.ge [sflag:s22], $0x4000  }
0xaa: {  	s29 =	sshra.s32 s29, $0x2;
	[sflag:s22] =	ssyncset.done $0x0  }
0xab: {  	s30 =	sadd.s32 $0x1400, s29;
	[sflag:s22] =	ssyncadd.s32 $0xFFFFC000  }
0xac: {  	[spmem:s1] =	stream.indirect.scatter.add.f32 [tilespmem:s20], [sflag:$0x3], $0x80, s30, s19, $0xb8;
	[tilespmem:$0x1E800] =	vst v63  }
0xad: {  	_ =	swait.ge [sflag:s17], $0x4000  }
0xae: {  	[sflag:s17] =	ssyncset.done $0x0  }
0xaf: {  	s30 =	sadd.s32 $0x100, s29;
	[sflag:s17] =	ssyncadd.s32 $0xFFFFC000  }
0xb0: {  	[tilespmem:s20], [sflag:$0x1] =	stream.indirect.gather [hbm4b:s4+s19], $0x80, s30, s19, $0xb8;
	[tilespmem:$0x1E800] =	vst v63  }
0xb1: {  	_ =	swait.ge [sflag:s23], $0x4000  }
0xb2: {  	[sflag:s23] =	ssyncset.done $0x0  }
.Ltmp6:
0xb3: {  	s30 =	sadd.s32 $0x1480, s29;
	[sflag:s23] =	ssyncadd.s32 $0xFFFFC000;
	(pc) =	sbr.rel @p1 .LBB2_8-.Ltmp6, $4  }
0xb4: {  	[spmem:s1] =	stream.indirect.scatter.add.f32 [tilespmem:s21], [sflag:$0x3], $0x80, s30, s19, $0xb8;
	[tilespmem:$0x1E800] =	vst v63  }
0xb5: {  	_ =	swait.ge [sflag:s17], $0x4000  }
0xb6: {  	[sflag:s17] =	ssyncset.done $0x0  }
0xb7: {  	s29 =	sadd.s32 $0x180, s29;
	[sflag:s17] =	ssyncadd.s32 $0xFFFFC000  }
0xb8: {  	[tilespmem:s21], [sflag:$0x2] =	stream.indirect.gather [hbm4b:s4+s19], $0x80, s29, s19, $0xb8;
	[tilespmem:$0x1E800] =	vst v63  }
0xb9: {  	_ =	swait.ge [sflag:s22], $0x4000  }
0xba: {  	[sflag:s22] =	ssyncset.done $0x0  }
0xbb: {  	[sflag:s22] =	ssyncadd.s32 $0xFFFFC000  }
0xbc: {  	[spmem:s1] =	stream.indirect.scatter.add.f32 [tilespmem:s20], [sflag:$0x3], $0x80, s24, s19, $0xb8;
	[tilespmem:$0x1E800] =	vst v63  }
0xbd: {  	_ =	swait.ge [sflag:s17], $0x4000  }
0xbe: {  	[sflag:s17] =	ssyncset.done $0x0  }
0xbf: {  	[sflag:s17] =	ssyncadd.s32 $0xFFFFC000  }
0xc0: {  	_ =	swait.ge [sflag:s23], $0x4000  }
0xc1: {  	[sflag:s23] =	ssyncset.done $0x0  }
0xc2: {  	[sflag:s23] =	ssyncadd.s32 $0xFFFFC000  }
0xc3: {  	[spmem:s1] =	stream.indirect.scatter.add.f32 [tilespmem:s21], [sflag:$0x3], $0x80, s25, s19, $0xb8;
	[tilespmem:$0x1E800] =	vst v63  }
0xc4: {  	_ =	swait.ge [sflag:s17], $0x4000  }
0xc5: {  	[sflag:s17] =	ssyncset.done $0x0  }
0xc6: {  	s28 =	simm.s32 $0x0;
	[sflag:s17] =	ssyncadd.s32 $0xFFFFC000  }
0xc7: {  	[tilespmem:s28], [sflag:$0x3] =	stream.linear.gather [hbm4b:s13+s28], $0x1400, $0x38;
	[tilespmem:$0x1E800] =	vst v63  }
0xc8: {  	_ =	swait.ge [sflag:s17], $0x1400  }
0xc9: {  	[sflag:s17] =	ssyncset.done $0x0  }
0xca: {  	[sflag:s17] =	ssyncadd.s32 $0xFFFFEC00  }
0xcb: {  	[tilespmem:s18], [sflag:$0x3] =	stream.linear.gather [hbm4b:s14+s28], $0x1400, $0x38;
	[tilespmem:$0x1E800] =	vst v63  }
0xcc: {  	_ =	swait.ge [sflag:s17], $0x1400  }
0xcd: {  	[sflag:s17] =	ssyncset.done $0x0  }
0xce: {  	[sflag:s17] =	ssyncadd.s32 $0xFFFFEC00  }
0xcf: {  	[tilespmem:s20], [sflag:$0x1] =	stream.indirect.gather [hbm4b:s4+s19], $0x80, s28, s19, $0xb8;
	[tilespmem:$0x1E800] =	vst v63  }
0xd0: {  	_ = 	snop  }
0xd1: {  	[tilespmem:s21], [sflag:$0x2] =	stream.indirect.gather [hbm4b:s4+s19], $0x80, s19, s19, $0xb8;
	[tilespmem:$0x1E800] =	vst v63  }
0xd2: {  	_ =	swait.ge [sflag:s22], $0x4000  }
0xd3: {  	[sflag:s22] =	ssyncset.done $0x0  }
0xd4: {  	s28 =	simm.s32 $0x1400;
	[sflag:s22] =	ssyncadd.s32 $0xFFFFC000  }
0xd5: {  	[spmem:s1] =	stream.indirect.scatter.add.f32 [tilespmem:s20], [sflag:$0x3], $0x80, s28, s19, $0xb8;
	[tilespmem:$0x1E800] =	vst v63  }
0xd6: {  	_ =	swait.ge [sflag:s17], $0x4000  }
0xd7: {  	[sflag:s17] =	ssyncset.done $0x0  }
0xd8: {  	s28 =	simm.s32 $0x100;
	[sflag:s17] =	ssyncadd.s32 $0xFFFFC000  }
0xd9: {  	[tilespmem:s20], [sflag:$0x1] =	stream.indirect.gather [hbm4b:s4+s19], $0x80, s28, s19, $0xb8;
	[tilespmem:$0x1E800] =	vst v63  }
0xda: {  	_ =	swait.ge [sflag:s23], $0x4000  }
0xdb: {  	[sflag:s23] =	ssyncset.done $0x0  }
0xdc: {  	s28 =	simm.s32 $0x1480;
	[sflag:s23] =	ssyncadd.s32 $0xFFFFC000  }
0xdd: {  	[spmem:s1] =	stream.indirect.scatter.add.f32 [tilespmem:s21], [sflag:$0x3], $0x80, s28, s19, $0xb8;
	[tilespmem:$0x1E800] =	vst v63  }
0xde: {  	_ =	swait.ge [sflag:s17], $0x4000  }
0xdf: {  	[sflag:s17] =	ssyncset.done $0x0  }
0xe0: {  	s29 =	simm.s32 $0x180;
	s28 =	simm.s32 $0x400;
	[sflag:s17] =	ssyncadd.s32 $0xFFFFC000  }
.LBB2_10:
0xe1: {  	[tilespmem:s21], [sflag:$0x2] =	stream.indirect.gather [hbm4b:s4+s19], $0x80, s29, s19, $0xb8;
	[tilespmem:$0x1E800] =	vst v63  }
0xe2: {  	s29 =	smov.u32 s28  }
0xe3: {  	p1 =	sne.s32 s28, $0x4800;
	s28 =	sadd.s32 $0x400, s28;
	_ =	swait.ge [sflag:s22], $0x4000  }
0xe4: {  	s29 =	sshra.s32 s29, $0x2;
	[sflag:s22] =	ssyncset.done $0x0  }
0xe5: {  	s30 =	sadd.s32 $0x1400, s29;
	[sflag:s22] =	ssyncadd.s32 $0xFFFFC000  }
0xe6: {  	[spmem:s1] =	stream.indirect.scatter.add.f32 [tilespmem:s20], [sflag:$0x3], $0x80, s30, s19, $0xb8;
	[tilespmem:$0x1E800] =	vst v63  }
0xe7: {  	_ =	swait.ge [sflag:s17], $0x4000  }
0xe8: {  	[sflag:s17] =	ssyncset.done $0x0  }
0xe9: {  	s30 =	sadd.s32 $0x100, s29;
	[sflag:s17] =	ssyncadd.s32 $0xFFFFC000  }
0xea: {  	[tilespmem:s20], [sflag:$0x1] =	stream.indirect.gather [hbm4b:s4+s19], $0x80, s30, s19, $0xb8;
	[tilespmem:$0x1E800] =	vst v63  }
0xeb: {  	_ =	swait.ge [sflag:s23], $0x4000  }
0xec: {  	[sflag:s23] =	ssyncset.done $0x0  }
.Ltmp7:
0xed: {  	s30 =	sadd.s32 $0x1480, s29;
	[sflag:s23] =	ssyncadd.s32 $0xFFFFC000;
	(pc) =	sbr.rel @p1 .LBB2_10-.Ltmp7, $4  }
0xee: {  	[spmem:s1] =	stream.indirect.scatter.add.f32 [tilespmem:s21], [sflag:$0x3], $0x80, s30, s19, $0xb8;
	[tilespmem:$0x1E800] =	vst v63  }
0xef: {  	_ =	swait.ge [sflag:s17], $0x4000  }
0xf0: {  	[sflag:s17] =	ssyncset.done $0x0  }
0xf1: {  	s29 =	sadd.s32 $0x180, s29;
	[sflag:s17] =	ssyncadd.s32 $0xFFFFC000  }
.Ltmp8:
0xf2: {  	_ = 	snop;
	(pc) =	sbr.rel .LBB2_11-.Ltmp8, $1  }
0xf3: {  	_ =	sdelay $0x3  }
.LBB2_13:
0xf4: {  	_ =	sfence.sel $0x180000  }
0xf5: {  	[bflag:$0x0] =	sbarrier.arrive $0xFFFF  }
0xf6: {  	p0 =	sne.s32 s5, $0x0;
	_ =	strace $0x9000004A  }
0xf7: {  	s0 =	sadd.s32 @!p0 $0x100000, s0;
	[bflag:$0x2] =	sbarrier.arrive $0xFFFF  }
0xf8: {  	[sflag:s0] =	ssyncadd.tile.s32 @!p0 $0x1;
	_ =	shalt  }
.Lfunc_end2:
_tile_overlayer_lowered:
.L_overlay_start_2:
0xf9: {  	(tag) =	ssettag $0x2  }
0xfa: {  	s0 =	rddreg [dreg:$0x0];
	s2 =	stileid.u32  }
0xfb: {  	s1 =	rddreg [dreg:$0x1];
	p0 =	sne.s32 s2, $0x0  }
0xfc: {  	s3 =	rddreg [dreg:$0x2];
	[bflag:$0x3] =	sbarrier.arrive $0xFFFF;
	s2 =	simm.s32 @!p0 $0x1C03  }
0xfd: {  	[timem:s3], [sflag:s2] =	dma.local @!p0 [hbm:s0], s1  }
0xfe: {  	s0 =	simm.s32 @!p0 $0x3  }
0xff: {  	_ =	swait.ge @!p0 [sflag:s0], s1  }
0x100: {  	s1 =	ssub.s32 @!p0 $0x0, s1;
	[sflag:s0] =	ssyncset.done @!p0 $0x0  }
0x101: {  	[sflag:s0] =	ssyncadd.s32 @!p0 s1  }
0x102: {  	[bflag:$0x3] =	sbarrier.arrive $0xFFFF  }
0x103: {  	_ =	shalt  }

// kernel: kernel.16.cloned.1.call-start
scs
__scs_entry_jumppad:
0x0: {  	(pc) =	sbr.rel $0x88, $3  }
0x1: {  	(tag) =	ssettag $0x0;
	lr =	simm.s32 $0x1  }
0x2: {  	[smem:$0x3F90] =	sst lr;
	_ =	strace $0xD0000000  }
0x3: {  	_ = 	snop  }
0x4: {  	_ = 	snop  }
0x5: {  	_ = 	snop  }
0x6: {  	_ = 	snop  }
0x7: {  	_ = 	snop  }
__scs_overlays_trampoline_lowered:
0x8: {  	[smem:$0x3F9F] =	sst s0  }
0x9: {  	[smem:$0x3FA0] =	sst s1  }
0xa: {  	[smem:$0x3FA1] =	sst s2  }
0xb: {  	[smem:$0x3FA2] =	sst s3  }
0xc: {  	[smem:$0x3FA3] =	sst s4  }
0xd: {  	[smem:$0x3FA4] =	sst s5  }
0xe: {  	[smem:$0x3FA5] =	sst s6  }
0xf: {  	[smem:$0x3FA6] =	sst s7  }
0x10: {  	[smem:$0x3FA7] =	sst s8  }
0x11: {  	[smem:$0x3FA8] =	sst s9;
	s0 =	simm.s32 @!p0 $0x0  }
0x12: {  	s1 =	sld [smem:$0x3F8E];
	s0 =	simm.s32 @p0 $0x1  }
0x13: {  	[smem:$0x3FA9] =	sst s0;
	s0 =	simm.s32 @!p1 $0x0  }
0x14: {  	s2 =	sld [smem:$0x3F8D];
	s0 =	simm.s32 @p1 $0x1  }
0x15: {  	[smem:$0x3FAA] =	sst s0;
	s0 =	simm.s32 @!p2 $0x0  }
0x16: {  	s3 =	sld [smem:$0x3FDB];
	s0 =	simm.s32 @p2 $0x1  }
0x17: {  	s4 =	simm.s32 $0x1BF5;
	[smem:$0x3FAC] =	sst s0  }
0x18: {  	s0 =	sld [smem:$0x3F8F];
	_ =	swait.ge [sflag:s4], $0x0  }
0x19: {  	s7 =	sld [smem:$0x3F90]  }
0x1a: {  	s8 =	sadd.s32 $0xFFFFE003, lr  }
0x1b: {  	s9 =	sadd.s32 $0xFFFFFEF7, lr;
	s5 =	simm.s32 $0xFFFFFFFF;
	p2 =	slt.u32 s8, $0xFFFFF086  }
0x1c: {  	p1 =	slt.u32 s9, $0xF7A;
	s5 =	simm.s32 @!p2 $0x0  }
0x1d: {  	s5 =	simm.s32 @p1 $0x1;
	p0 =	seq.s32 s7, s2  }
0x1e: {  	s7 =	smul.u32 @!p0 $0xF7A, s2;
	p2 =	seq.s32 @!p0 s5, $0x0  }
0x1f: {  	s9 =	smul.u32 $0xF7A, s1;
	s8 =	simm.s32 @!p0 $0x1BF5;
	p2 =	por !p2, p0  }
0x20: {  	[sflag:s8] =	ssyncset.s32 @!p0 $0xFFFFF086;
	s6 =	sadd.s32 @!p0 s3, s7;
	s7 =	simm.s32 @!p0 $0x108  }
0x21: {  	s3 =	sadd.s32 s3, s9;
	s6 =	sadd.s32 @!p0 $0x88, s6;
	s7 =	simm.s32 @p2 $0x1082  }
0x22: {  	[simem:s7], [sflag:s8] =	dma.local @!p0 [hbm:s6], $0xF7A  }
0x23: {  	s9 =	sor.u32 $0xD0000000, s2;
	s6 =	simm.s32 $0x108;
	_ =	swait.ge @!p0 [sflag:s8], $0x0  }
0x24: {  	s3 =	sadd.s32 $0x88, s3;
	s6 =	simm.s32 @!p1 $0x1082;
	[sflag:s4] =	ssyncset.s32 $0xFFFFF086  }
0x25: {  	[simem:s6], [sflag:s4] =	dma.local [hbm:s3], $0xF7A  }
0x26: {  	[smem:$0x3F90] =	sst s1;
	(tag) =	ssettag s2;
	_ =	strace s9  }
0x27: {  	s1 =	sld [smem:$0x3FA0]  }
0x28: {  	s2 =	sld [smem:$0x3FA1]  }
0x29: {  	s4 =	sld [smem:$0x3FA3]  }
0x2a: {  	p0 =	seq.s32 s5, $0x0;
	s5 =	sld [smem:$0x3FA4]  }
0x2b: {  	s6 =	sld [smem:$0x3FA5]  }
0x2c: {  	s7 =	sld [smem:$0x3FA6]  }
0x2d: {  	s3 =	simm.s32 $0x108;
	s8 =	sld [smem:$0x3FA7]  }
0x2e: {  	s3 =	simm.s32 @!p0 $0x1082;
	s9 =	sld [smem:$0x3FA8]  }
0x2f: {  	lr =	sadd.s32 s0, s3;
	s0 =	sld [smem:$0x3F9F]  }
0x30: {  	s3 =	sld [smem:$0x3FA2]  }
0x31: {  	[smem:$0x3FAB] =	sst s10  }
0x32: {  	s10 =	sld [smem:$0x3FA9];
	_ =	sdelay $0x3  }
0x33: {  	p0 =	seq.s32 s10, $0x1;
	s10 =	sld [smem:$0x3FAB];
	_ =	sdelay $0x3  }
0x34: {  	[smem:$0x3FAB] =	sst s10  }
0x35: {  	s10 =	sld [smem:$0x3FAA];
	_ =	sdelay $0x3  }
0x36: {  	p1 =	seq.s32 s10, $0x1;
	s10 =	sld [smem:$0x3FAB];
	_ =	sdelay $0x3  }
0x37: {  	[smem:$0x3FAB] =	sst s10  }
0x38: {  	s10 =	sld [smem:$0x3FAC]  }
0x39: {  	_ = 	snop;
	(pc) =	sbr.ind lr, $3  }
0x3a: {  	_ = 	snop  }
0x3b: {  	_ = 	snop  }
0x3c: {  	p2 =	seq.s32 s10, $0x1;
	s10 =	sld [smem:$0x3FAB]  }
0x3d: {  	_ =	shalt  }
0x3e: {  	_ =	shalt  }
0x3f: {  	_ =	shalt  }
0x40: {  	_ =	shalt  }
0x41: {  	_ =	shalt  }
0x42: {  	_ =	shalt  }
0x43: {  	_ =	shalt  }
0x44: {  	_ =	shalt  }
0x45: {  	_ =	shalt  }
0x46: {  	_ =	shalt  }
0x47: {  	_ =	shalt  }
0x48: {  	_ =	shalt  }
0x49: {  	_ =	shalt  }
0x4a: {  	_ =	shalt  }
0x4b: {  	_ =	shalt  }
0x4c: {  	_ =	shalt  }
0x4d: {  	_ =	shalt  }
0x4e: {  	_ =	shalt  }
0x4f: {  	_ =	shalt  }
0x50: {  	_ =	shalt  }
0x51: {  	_ =	shalt  }
0x52: {  	_ =	shalt  }
0x53: {  	_ =	shalt  }
0x54: {  	_ =	shalt  }
0x55: {  	_ =	shalt  }
0x56: {  	_ =	shalt  }
0x57: {  	_ =	shalt  }
0x58: {  	_ =	shalt  }
0x59: {  	_ =	shalt  }
0x5a: {  	_ =	shalt  }
0x5b: {  	_ =	shalt  }
0x5c: {  	_ =	shalt  }
0x5d: {  	_ =	shalt  }
0x5e: {  	_ =	shalt  }
0x5f: {  	_ =	shalt  }
0x60: {  	_ =	shalt  }
0x61: {  	_ =	shalt  }
0x62: {  	_ =	shalt  }
0x63: {  	_ =	shalt  }
0x64: {  	_ =	shalt  }
0x65: {  	_ =	shalt  }
0x66: {  	_ =	shalt  }
0x67: {  	_ =	shalt  }
0x68: {  	_ =	shalt  }
0x69: {  	_ =	shalt  }
0x6a: {  	_ =	shalt  }
0x6b: {  	_ =	shalt  }
0x6c: {  	_ =	shalt  }
0x6d: {  	_ =	shalt  }
0x6e: {  	_ =	shalt  }
0x6f: {  	_ =	shalt  }
0x70: {  	_ =	shalt  }
0x71: {  	_ =	shalt  }
0x72: {  	_ =	shalt  }
0x73: {  	_ =	shalt  }
0x74: {  	_ =	shalt  }
0x75: {  	_ =	shalt  }
0x76: {  	_ =	shalt  }
0x77: {  	_ =	shalt  }
0x78: {  	_ =	shalt  }
0x79: {  	_ =	shalt  }
0x7a: {  	_ =	shalt  }
0x7b: {  	_ =	shalt  }
0x7c: {  	_ =	shalt  }
0x7d: {  	_ =	shalt  }
0x7e: {  	_ =	shalt  }
0x7f: {  	_ =	shalt  }
0x80: {  	_ =	shalt  }
0x81: {  	_ =	shalt  }
0x82: {  	_ =	shalt  }
0x83: {  	_ =	shalt  }
0x84: {  	_ =	shalt  }
0x85: {  	_ =	shalt  }
0x86: {  	_ =	shalt  }
0x87: {  	_ =	shalt  }
.Lfunc_end0:
.L_simem_size_0:
called_computation.2_lowered:
.L_overlay_start_0:
0x88: {  	s2 =	sld [smem:$0x3FD9]  }
0x89: {  	s3 =	sld [smem:$0x3FFE];
	_ =	sdelay $0x1  }
0x8a: {  	s1 =	srdreg.scid  }
0x8b: {  	s0 =	sand.u32 $0x1, s1  }
0x8c: {  	s16 =	sshll.u32 s0, $0xA;
	s2 =	sadd.s32 s3, s2  }
0x8d: {  	s2 =	sadd.s32 s2, s16  }
0x8e: {  	[smem:$0x3FB7] =	sst s2  }
0x8f: {  	_ = 	snop  }
0x90: {  	(tm) =	ssettm $0x1  }
0x91: {  	s17 =	sld [smem:$0x3FFB];
	_ =	sdelay $0x3  }
0x92: {  	_ =	strace s17  }
0x93: {  	s2 =	sld [smem:$0x3FFC];
	_ =	sdelay $0x3  }
0x94: {  	_ =	strace s2  }
0x95: {  	s2 =	sld [smem:$0x3FFD];
	_ =	sdelay $0x3  }
0x96: {  	_ =	strace s2  }
0x97: {  	_ =	strace $0x8FFFFFFF  }
0x98: {  	s18 =	sld [smem:$0x3FDB];
	_ =	sdelay $0x1  }
0x99: {  	s19 =	simm.s32 $_scs_section_size  }
0x9a: {  	s4 =	simm.s32 $_size__tile_overlayer_lowered;
	s5 =	simm.s32 $_tile_overlayer_lowered  }
0x9b: {  	s22 =	simm.s32 $0x1BFF;
	s21 =	sshll.u32 s5, $0x1;
	s2 =	sadd.s32 s19, s18  }
0x9c: {  	s6 =	simm.s32 $0x0;
	s20 =	sshll.u32 s4, $0x1;
	s4 =	sadd.s32 s21, s2  }
0x9d: {  	[timem:s6], [sflag:s22] =	dma.local [hbm:s4], s20  }
0x9e: {  	_ =	swait.ge [sflag:s22], s20  }
0x9f: {  	s3 =	ssub.s32 $0x0, s20;
	[sflag:s22] =	ssyncset.done $0x0  }
0xa0: {  	[sflag:s22] =	ssyncadd.s32 s3;
	_ =	sdelay $0x1  }
0xa1: {  	s23 =	simm.s32 $0x1B8B  }
0xa2: {  	_ =	swait.ge [sflag:s23], $0x1  }
0xa3: {  	[sflag:s23] =	ssyncset.done $0x0  }
0xa4: {  	s25 =	simm.s32 $0x1B8E;
	s24 =	sld [smem:$0x3FFE];
	[sflag:s23] =	ssyncadd.s32 $0xFFFFFFFF  }
0xa5: {  	s26 =	simm.s32 $execute0_lowered;
	[smem:$0x3FD2] =	sst s25  }
0xa6: {  	s4 =	sshll.u32 s26, $0x1;
	_ =	strace $0x8000004C;
	[dreg:$0x1] =	wrdreg $0xFFFFFFFF  }
0xa7: {  	s28 =	simm.s32 $_size_execute0_lowered;
	s2 =	sadd.s32 s2, s4;
	[dreg:$0x0] =	wrdreg $0x0  }
0xa8: {  	s4 =	sshll.u32 s28, $0x1;
	[dreg:$0x2] =	wrdreg s2  }
0xa9: {  	[dreg:$0x3] =	wrdreg s4  }
0xaa: {  	[dreg:$0x4] =	wrdreg $0xC0  }
0xab: {  	_ =	task [dreg:s6], $0x5FFFF  }
0xac: {  	[dreg:$0x1] =	wrdreg $0xFFFFFFFF  }
0xad: {  	[dreg:$0x0] =	wrdreg $0x60  }
0xae: {  	[dreg:$0x2] =	wrdreg s24  }
0xaf: {  	[dreg:$0x3] =	wrdreg $0xA8000  }
0xb0: {  	[dreg:$0x4] =	wrdreg $0x9  }
0xb1: {  	_ =	task.clear_ibuf [dreg:s6], $0x5FFFF;
	_ =	strace $0x9000004C  }
0xb2: {  	s29 =	simm.s32 $0x9;
	_ =	strace $0x8000004E  }
0xb3: {  	_ =	swait.ge [sflag:s29], $0x1  }
0xb4: {  	[sflag:s29] =	ssyncadd.s32 $0xFFFFFFFF  }
0xb5: {  	_ =	strace $0x9000004E  }
0xb6: {  	_ =	sfence  }
0xb7: {  	s30 =	sld [smem:$0x0];
	_ =	sdelay $0x2  }
0xb8: {  	s31 =	sshll.u32 s1, $0xD;
	s1 =	sshrl.u32 s1, $0x2  }
0xb9: {  	s3 =	sand.u32 $0x4000, s31;
	s1 =	sadd.s32 s1, s30  }
0xba: {  	s0 =	sor.u32 s3, s0;
	s1 =	sshll.u32 s1, $0x11  }
0xbb: {  	s0 =	sor.u32 s1, s0  }
0xbc: {  	s0 =	sadd.s32 $0x8F2B, s0  }
0xbd: {  	[sflag:s0] =	ssyncadd.remote.s32 $0x1  }
0xbe: {  	_ =	sfence.sel $0xFFFF  }
0xbf: {  	[dreg:$0x0] =	wrdreg $0xFFFFFFFF;
	(pc) =	sbr.abs _section_cstart, $3  }
0xc0: {  	[dreg:$0x1] =	wrdreg $0xFFFFFFFF  }
0xc1: {  	_ =	task.clear_ibuf [dreg:s6], $0x2FFFF;
	_ =	strace $0x9FFFFFFF  }
0xc2: {  	(tm) =	ssettm $0x7FFFFFFF  }
0xc3: {  	_ =	shalt  }
tec
execute0_lowered:
.L_overlay_start_1:
0x0: {  	(tag) =	ssettag $0x1  }
0x1: {  	s8 =	rddreg [dreg:$0x0]  }
0x2: {  	s1 =	rddreg [dreg:$0x1]  }
0x3: {  	s0 =	rddreg [dreg:$0x2]  }
0x4: {  	s2 =	simm.s32 $0x0;
	s7 =	srdreg.scid;
	s5 =	stileid.u32  }
0x5: {  	s19 =	simm.s32 $0x80;
	s20 =	simm.s32 $0x2800;
	s21 =	simm.s32 $0x6800  }
0x6: {  	s22 =	simm.s32 $0x1;
	s23 =	simm.s32 $0x2;
	s24 =	simm.s32 $0x2700  }
0x7: {  	s25 =	simm.s32 $0x2780;
	s26 =	simm.s32 $0x0;
	[smem:$0x7FF] =	sst s2  }
0x8: {  	s3 =	sadd.s32 $0x5DE00, s8;
	s4 =	sadd.s32 $0x85E00, s8;
	s13 =	sadd.s32 $0xADE00, s8  }
0x9: {  	s14 =	sadd.s32 $0x5E00, s8;
	s6 =	sadd.s32 $0xAE00, s8;
	s16 =	sand.u32 $0x1, s7  }
0xa: {  	s7 =	sadd.s32 $0xB2E00, s8;
	s11 =	smul.u32 $0x50000, s5;
	s8 =	sadd.s32 $0xDAE00, s8  }
0xb: {  	s9 =	smul.u32 $0x2800, s5;
	s31 =	sshll.u32 s5, $0x6;
	s10 =	ssub.s32 $0x2, s16  }
0xc: {  	_ =	strace $0x8000004D;
	p0 =	sne.s32 s16, $0x0;
	s12 =	sshrl.u32 s10, $0x1  }
.Ltmp0:
0xd: {  	s30 =	sshrl.u32 s11, $0x2;
	s18 =	sshrl.u32 s9, $0x3;
	(pc) =	sbr.rel .LBB2_1-.Ltmp0, $4  }
0xe: {  	s15 =	ssub.s32 s10, s12;
	s17 =	sadd.s32 s30, s1;
	s10 =	sor.u32 $0x1C03, s31  }
0xf: {  	s11 =	sadd.s32 s13, s18;
	s12 =	sadd.s32 s14, s18;
	s18 =	sadd.s32 $0x280, s18  }
0x10: {  	s13 =	sadd.s32 s13, s18;
	s14 =	sadd.s32 s14, s18;
	s15 =	smax.u32 s15, $0x1  }
0x11: {  	s16 =	sshrl.u32 s17, $0x3;
	s17 =	simm.s32 $0x3;
	s18 =	simm.s32 $0x1400  }
.LBB2_11:
0x12: {  	[tilespmem:s21], [sflag:$0x2] =	stream.indirect.gather [hbm4b:s4+s19], $0x80, s29, s19, $0xb8;
	[tilespmem:$0x1E800] =	vst v63  }
0x13: {  	s28 =	smov.u32 s8  }
.LBB2_12:
0x14: {  	_ =	swait.ge [sflag:s22], $0x4000  }
0x15: {  	[sflag:s22] =	ssyncset.done $0x0  }
0x16: {  	[sflag:s22] =	ssyncadd.s32 $0xFFFFC000  }
0x17: {  	[spmem:s1] =	stream.indirect.scatter.add.f32 [tilespmem:s20], [sflag:$0x3], $0x80, s24, s19, $0xb8;
	[tilespmem:$0x1E800] =	vst v63  }
0x18: {  	_ =	swait.ge [sflag:s17], $0x4000  }
0x19: {  	[sflag:s17] =	ssyncset.done $0x0  }
0x1a: {  	[sflag:s17] =	ssyncadd.s32 $0xFFFFC000  }
0x1b: {  	_ =	swait.ge [sflag:s23], $0x4000  }
0x1c: {  	[sflag:s23] =	ssyncset.done $0x0  }
0x1d: {  	[sflag:s23] =	ssyncadd.s32 $0xFFFFC000  }
0x1e: {  	[spmem:s1] =	stream.indirect.scatter.add.f32 [tilespmem:s21], [sflag:$0x3], $0x80, s25, s19, $0xb8;
	[tilespmem:$0x1E800] =	vst v63  }
0x1f: {  	_ =	swait.ge [sflag:s17], $0x4000  }
0x20: {  	s26 =	sadd.s32 $0x1, s26;
	[sflag:s17] =	ssyncset.done $0x0  }
0x21: {  	p1 =	sne.s32 s26, s15;
	[sflag:s17] =	ssyncadd.s32 $0xFFFFC000  }
.Ltmp1:
0x22: {  	s28 =	sadd.s32 s28, s9;
	[bflag:$0x0] =	sbarrier.arrive $0xFFFF;
	(pc) =	sbr.rel @!p1 .LBB2_13-.Ltmp1, $4  }
0x23: {  	[hbm:s28], [sflag:s10] =	dma.local [spmem:s16], $0x2800  }
0x24: {  	_ =	swait.ge [sflag:s17], $0x2800  }
0x25: {  	[sflag:s17] =	ssyncset.done $0x0  }
0x26: {  	[sflag:s17] =	ssyncadd.s32 $0xFFFFD800  }
.LBB2_1:
0x27: {  	[spmem:s16], [sflag:s10] =	dma.local [hbm:s6], $0x2800  }
0x28: {  	_ =	swait.ge [sflag:s17], $0x2800  }
0x29: {  	[sflag:s17] =	ssyncset.done $0x0  }
0x2a: {  	[sflag:s17] =	ssyncadd.s32 $0xFFFFD800  }
0x2b: {  	[bflag:$0x0] =	sbarrier.arrive $0xFFFF  }
0x2c: {  	[tilespmem:s2], [sflag:$0x3] =	stream.linear.gather [hbm4b:s11+s2], $0x1400, $0x38;
	[tilespmem:$0x1E800] =	vst v63  }
0x2d: {  	_ =	swait.ge [sflag:s17], $0x1400  }
0x2e: {  	[sflag:s17] =	ssyncset.done $0x0  }
.Ltmp2:
0x2f: {  	[sflag:s17] =	ssyncadd.s32 $0xFFFFEC00;
	(pc) =	sbr.rel @p0 .LBB2_7-.Ltmp2, $4  }
0x30: {  	[tilespmem:s18], [sflag:$0x3] =	stream.linear.gather [hbm4b:s12+s2], $0x1400, $0x38;
	[tilespmem:$0x1E800] =	vst v63  }
0x31: {  	_ =	swait.ge [sflag:s17], $0x1400  }
0x32: {  	[sflag:s17] =	ssyncset.done $0x0  }
0x33: {  	s28 =	simm.s32 $0x0;
	[sflag:s17] =	ssyncadd.s32 $0xFFFFEC00  }
0x34: {  	[tilespmem:s20], [sflag:$0x1] =	stream.indirect.gather [hbm4b:s3+s19], $0x80, s28, s19, $0xb8;
	[tilespmem:$0x1E800] =	vst v63  }
0x35: {  	_ = 	snop  }
0x36: {  	[tilespmem:s21], [sflag:$0x2] =	stream.indirect.gather [hbm4b:s3+s19], $0x80, s19, s19, $0xb8;
	[tilespmem:$0x1E800] =	vst v63  }
0x37: {  	_ =	swait.ge [sflag:s22], $0x4000  }
0x38: {  	[sflag:s22] =	ssyncset.done $0x0  }
0x39: {  	s28 =	simm.s32 $0x1400;
	[sflag:s22] =	ssyncadd.s32 $0xFFFFC000  }
0x3a: {  	[spmem:s1] =	stream.indirect.scatter.add.f32 [tilespmem:s20], [sflag:$0x3], $0x80, s28, s19, $0xb8;
	[tilespmem:$0x1E800] =	vst v63  }
0x3b: {  	_ =	swait.ge [sflag:s17], $0x4000  }
0x3c: {  	[sflag:s17] =	ssyncset.done $0x0  }
0x3d: {  	s28 =	simm.s32 $0x100;
	[sflag:s17] =	ssyncadd.s32 $0xFFFFC000  }
0x3e: {  	[tilespmem:s20], [sflag:$0x1] =	stream.indirect.gather [hbm4b:s3+s19], $0x80, s28, s19, $0xb8;
	[tilespmem:$0x1E800] =	vst v63  }
0x3f: {  	_ =	swait.ge [sflag:s23], $0x4000  }
0x40: {  	[sflag:s23] =	ssyncset.done $0x0  }
0x41: {  	s28 =	simm.s32 $0x1480;
	[sflag:s23] =	ssyncadd.s32 $0xFFFFC000  }
0x42: {  	[spmem:s1] =	stream.indirect.scatter.add.f32 [tilespmem:s21], [sflag:$0x3], $0x80, s28, s19, $0xb8;
	[tilespmem:$0x1E800] =	vst v63  }
0x43: {  	_ =	swait.ge [sflag:s17], $0x4000  }
0x44: {  	[sflag:s17] =	ssyncset.done $0x0  }
0x45: {  	s29 =	simm.s32 $0x180;
	s28 =	simm.s32 $0x400;
	[sflag:s17] =	ssyncadd.s32 $0xFFFFC000  }
.LBB2_3:
0x46: {  	[tilespmem:s21], [sflag:$0x2] =	stream.indirect.gather [hbm4b:s3+s19], $0x80, s29, s19, $0xb8;
	[tilespmem:$0x1E800] =	vst v63  }
0x47: {  	s29 =	smov.u32 s28  }
0x48: {  	p1 =	sne.s32 s28, $0x4800;
	s28 =	sadd.s32 $0x400, s28;
	_ =	swait.ge [sflag:s22], $0x4000  }
0x49: {  	s29 =	sshra.s32 s29, $0x2;
	[sflag:s22] =	ssyncset.done $0x0  }
0x4a: {  	s30 =	sadd.s32 $0x1400, s29;
	[sflag:s22] =	ssyncadd.s32 $0xFFFFC000  }
0x4b: {  	[spmem:s1] =	stream.indirect.scatter.add.f32 [tilespmem:s20], [sflag:$0x3], $0x80, s30, s19, $0xb8;
	[tilespmem:$0x1E800] =	vst v63  }
0x4c: {  	_ =	swait.ge [sflag:s17], $0x4000  }
0x4d: {  	[sflag:s17] =	ssyncset.done $0x0  }
0x4e: {  	s30 =	sadd.s32 $0x100, s29;
	[sflag:s17] =	ssyncadd.s32 $0xFFFFC000  }
0x4f: {  	[tilespmem:s20], [sflag:$0x1] =	stream.indirect.gather [hbm4b:s3+s19], $0x80, s30, s19, $0xb8;
	[tilespmem:$0x1E800] =	vst v63  }
0x50: {  	_ =	swait.ge [sflag:s23], $0x4000  }
0x51: {  	[sflag:s23] =	ssyncset.done $0x0  }
.Ltmp3:
0x52: {  	s30 =	sadd.s32 $0x1480, s29;
	[sflag:s23] =	ssyncadd.s32 $0xFFFFC000;
	(pc) =	sbr.rel @p1 .LBB2_3-.Ltmp3, $4  }
0x53: {  	[spmem:s1] =	stream.indirect.scatter.add.f32 [tilespmem:s21], [sflag:$0x3], $0x80, s30, s19, $0xb8;
	[tilespmem:$0x1E800] =	vst v63  }
0x54: {  	_ =	swait.ge [sflag:s17], $0x4000  }
0x55: {  	[sflag:s17] =	ssyncset.done $0x0  }
0x56: {  	s29 =	sadd.s32 $0x180, s29;
	[sflag:s17] =	ssyncadd.s32 $0xFFFFC000  }
0x57: {  	[tilespmem:s21], [sflag:$0x2] =	stream.indirect.gather [hbm4b:s3+s19], $0x80, s29, s19, $0xb8;
	[tilespmem:$0x1E800] =	vst v63  }
0x58: {  	_ =	swait.ge [sflag:s22], $0x4000  }
0x59: {  	[sflag:s22] =	ssyncset.done $0x0  }
0x5a: {  	[sflag:s22] =	ssyncadd.s32 $0xFFFFC000  }
0x5b: {  	[spmem:s1] =	stream.indirect.scatter.add.f32 [tilespmem:s20], [sflag:$0x3], $0x80, s24, s19, $0xb8;
	[tilespmem:$0x1E800] =	vst v63  }
0x5c: {  	_ =	swait.ge [sflag:s17], $0x4000  }
0x5d: {  	[sflag:s17] =	ssyncset.done $0x0  }
0x5e: {  	[sflag:s17] =	ssyncadd.s32 $0xFFFFC000  }
0x5f: {  	_ =	swait.ge [sflag:s23], $0x4000  }
0x60: {  	[sflag:s23] =	ssyncset.done $0x0  }
0x61: {  	[sflag:s23] =	ssyncadd.s32 $0xFFFFC000  }
0x62: {  	[spmem:s1] =	stream.indirect.scatter.add.f32 [tilespmem:s21], [sflag:$0x3], $0x80, s25, s19, $0xb8;
	[tilespmem:$0x1E800] =	vst v63  }
0x63: {  	_ =	swait.ge [sflag:s17], $0x4000  }
0x64: {  	[sflag:s17] =	ssyncset.done $0x0  }
0x65: {  	s28 =	simm.s32 $0x0;
	[sflag:s17] =	ssyncadd.s32 $0xFFFFC000  }
0x66: {  	[tilespmem:s28], [sflag:$0x3] =	stream.linear.gather [hbm4b:s13+s28], $0x1400, $0x38;
	[tilespmem:$0x1E800] =	vst v63  }
0x67: {  	_ =	swait.ge [sflag:s17], $0x1400  }
0x68: {  	[sflag:s17] =	ssyncset.done $0x0  }
0x69: {  	[sflag:s17] =	ssyncadd.s32 $0xFFFFEC00  }
0x6a: {  	[tilespmem:s18], [sflag:$0x3] =	stream.linear.gather [hbm4b:s14+s28], $0x1400, $0x38;
	[tilespmem:$0x1E800] =	vst v63  }
0x6b: {  	_ =	swait.ge [sflag:s17], $0x1400  }
0x6c: {  	[sflag:s17] =	ssyncset.done $0x0  }
0x6d: {  	[sflag:s17] =	ssyncadd.s32 $0xFFFFEC00  }
0x6e: {  	[tilespmem:s20], [sflag:$0x1] =	stream.indirect.gather [hbm4b:s3+s19], $0x80, s28, s19, $0xb8;
	[tilespmem:$0x1E800] =	vst v63  }
0x6f: {  	_ = 	snop  }
0x70: {  	[tilespmem:s21], [sflag:$0x2] =	stream.indirect.gather [hbm4b:s3+s19], $0x80, s19, s19, $0xb8;
	[tilespmem:$0x1E800] =	vst v63  }
0x71: {  	_ =	swait.ge [sflag:s22], $0x4000  }
0x72: {  	[sflag:s22] =	ssyncset.done $0x0  }
0x73: {  	s28 =	simm.s32 $0x1400;
	[sflag:s22] =	ssyncadd.s32 $0xFFFFC000  }
0x74: {  	[spmem:s1] =	stream.indirect.scatter.add.f32 [tilespmem:s20], [sflag:$0x3], $0x80, s28, s19, $0xb8;
	[tilespmem:$0x1E800] =	vst v63  }
0x75: {  	_ =	swait.ge [sflag:s17], $0x4000  }
0x76: {  	[sflag:s17] =	ssyncset.done $0x0  }
0x77: {  	s28 =	simm.s32 $0x100;
	[sflag:s17] =	ssyncadd.s32 $0xFFFFC000  }
0x78: {  	[tilespmem:s20], [sflag:$0x1] =	stream.indirect.gather [hbm4b:s3+s19], $0x80, s28, s19, $0xb8;
	[tilespmem:$0x1E800] =	vst v63  }
0x79: {  	_ =	swait.ge [sflag:s23], $0x4000  }
0x7a: {  	[sflag:s23] =	ssyncset.done $0x0  }
0x7b: {  	s28 =	simm.s32 $0x1480;
	[sflag:s23] =	ssyncadd.s32 $0xFFFFC000  }
0x7c: {  	[spmem:s1] =	stream.indirect.scatter.add.f32 [tilespmem:s21], [sflag:$0x3], $0x80, s28, s19, $0xb8;
	[tilespmem:$0x1E800] =	vst v63  }
0x7d: {  	_ =	swait.ge [sflag:s17], $0x4000  }
0x7e: {  	[sflag:s17] =	ssyncset.done $0x0  }
0x7f: {  	s29 =	simm.s32 $0x180;
	s28 =	simm.s32 $0x400;
	[sflag:s17] =	ssyncadd.s32 $0xFFFFC000  }
.LBB2_5:
0x80: {  	[tilespmem:s21], [sflag:$0x2] =	stream.indirect.gather [hbm4b:s3+s19], $0x80, s29, s19, $0xb8;
	[tilespmem:$0x1E800] =	vst v63  }
0x81: {  	s29 =	smov.u32 s28  }
0x82: {  	p1 =	seq.s32 s28, $0x4800;
	s28 =	sadd.s32 $0x400, s28;
	_ =	swait.ge [sflag:s22], $0x4000  }
0x83: {  	s29 =	sshra.s32 s29, $0x2;
	[sflag:s22] =	ssyncset.done $0x0  }
0x84: {  	s30 =	sadd.s32 $0x1400, s29;
	[sflag:s22] =	ssyncadd.s32 $0xFFFFC000  }
0x85: {  	[spmem:s1] =	stream.indirect.scatter.add.f32 [tilespmem:s20], [sflag:$0x3], $0x80, s30, s19, $0xb8;
	[tilespmem:$0x1E800] =	vst v63  }
0x86: {  	_ =	swait.ge [sflag:s17], $0x4000  }
0x87: {  	[sflag:s17] =	ssyncset.done $0x0  }
0x88: {  	s30 =	sadd.s32 $0x100, s29;
	[sflag:s17] =	ssyncadd.s32 $0xFFFFC000  }
0x89: {  	[tilespmem:s20], [sflag:$0x1] =	stream.indirect.gather [hbm4b:s3+s19], $0x80, s30, s19, $0xb8;
	[tilespmem:$0x1E800] =	vst v63  }
0x8a: {  	_ =	swait.ge [sflag:s23], $0x4000  }
0x8b: {  	[sflag:s23] =	ssyncset.done $0x0  }
.Ltmp4:
0x8c: {  	s30 =	sadd.s32 $0x1480, s29;
	[sflag:s23] =	ssyncadd.s32 $0xFFFFC000;
	(pc) =	sbr.rel @!p1 .LBB2_5-.Ltmp4, $4  }
0x8d: {  	[spmem:s1] =	stream.indirect.scatter.add.f32 [tilespmem:s21], [sflag:$0x3], $0x80, s30, s19, $0xb8;
	[tilespmem:$0x1E800] =	vst v63  }
0x8e: {  	_ =	swait.ge [sflag:s17], $0x4000  }
0x8f: {  	[sflag:s17] =	ssyncset.done $0x0  }
0x90: {  	s29 =	sadd.s32 $0x180, s29;
	[sflag:s17] =	ssyncadd.s32 $0xFFFFC000  }
.Ltmp5:
0x91: {  	(pc) =	sbr.rel .LBB2_12-.Ltmp5, $3  }
0x92: {  	_ =	sdelay $0x1  }
0x93: {  	[tilespmem:s21], [sflag:$0x2] =	stream.indirect.gather [hbm4b:s3+s19], $0x80, s29, s19, $0xb8;
	[tilespmem:$0x1E800] =	vst v63  }
0x94: {  	s28 =	smov.u32 s7  }
.LBB2_7:
0x95: {  	[tilespmem:s20], [sflag:$0x1] =	stream.indirect.gather [hbm4b:s4+s19], $0x80, s28, s19, $0xb8;
	[tilespmem:$0x1E800] =	vst v63  }
0x96: {  	_ = 	snop  }
0x97: {  	[tilespmem:s21], [sflag:$0x2] =	stream.indirect.gather [hbm4b:s4+s19], $0x80, s19, s19, $0xb8;
	[tilespmem:$0x1E800] =	vst v63  }
0x98: {  	_ =	swait.ge [sflag:s22], $0x4000  }
0x99: {  	[sflag:s22] =	ssyncset.done $0x0  }
0x9a: {  	s28 =	simm.s32 $0x1400;
	[sflag:s22] =	ssyncadd.s32 $0xFFFFC000  }
0x9b: {  	[spmem:s1] =	stream.indirect.scatter.add.f32 [tilespmem:s20], [sflag:$0x3], $0x80, s28, s19, $0xb8;
	[tilespmem:$0x1E800] =	vst v63  }
0x9c: {  	_ =	swait.ge [sflag:s17], $0x4000  }
0x9d: {  	[sflag:s17] =	ssyncset.done $0x0  }
0x9e: {  	s28 =	simm.s32 $0x100;
	[sflag:s17] =	ssyncadd.s32 $0xFFFFC000  }
0x9f: {  	[tilespmem:s20], [sflag:$0x1] =	stream.indirect.gather [hbm4b:s4+s19], $0x80, s28, s19, $0xb8;
	[tilespmem:$0x1E800] =	vst v63  }
0xa0: {  	_ =	swait.ge [sflag:s23], $0x4000  }
0xa1: {  	[sflag:s23] =	ssyncset.done $0x0  }
0xa2: {  	s28 =	simm.s32 $0x1480;
	[sflag:s23] =	ssyncadd.s32 $0xFFFFC000  }
0xa3: {  	[spmem:s1] =	stream.indirect.scatter.add.f32 [tilespmem:s21], [sflag:$0x3], $0x80, s28, s19, $0xb8;
	[tilespmem:$0x1E800] =	vst v63  }
0xa4: {  	_ =	swait.ge [sflag:s17], $0x4000  }
0xa5: {  	[sflag:s17] =	ssyncset.done $0x0  }
0xa6: {  	s29 =	simm.s32 $0x180;
	s28 =	simm.s32 $0x400;
	[sflag:s17] =	ssyncadd.s32 $0xFFFFC000  }
.LBB2_8:
0xa7: {  	[tilespmem:s21], [sflag:$0x2] =	stream.indirect.gather [hbm4b:s4+s19], $0x80, s29, s19, $0xb8;
	[tilespmem:$0x1E800] =	vst v63  }
0xa8: {  	s29 =	smov.u32 s28  }
0xa9: {  	p1 =	sne.s32 s28, $0x4800;
	s28 =	sadd.s32 $0x400, s28;
	_ =	swait.ge [sflag:s22], $0x4000  }
0xaa: {  	s29 =	sshra.s32 s29, $0x2;
	[sflag:s22] =	ssyncset.done $0x0  }
0xab: {  	s30 =	sadd.s32 $0x1400, s29;
	[sflag:s22] =	ssyncadd.s32 $0xFFFFC000  }
0xac: {  	[spmem:s1] =	stream.indirect.scatter.add.f32 [tilespmem:s20], [sflag:$0x3], $0x80, s30, s19, $0xb8;
	[tilespmem:$0x1E800] =	vst v63  }
0xad: {  	_ =	swait.ge [sflag:s17], $0x4000  }
0xae: {  	[sflag:s17] =	ssyncset.done $0x0  }
0xaf: {  	s30 =	sadd.s32 $0x100, s29;
	[sflag:s17] =	ssyncadd.s32 $0xFFFFC000  }
0xb0: {  	[tilespmem:s20], [sflag:$0x1] =	stream.indirect.gather [hbm4b:s4+s19], $0x80, s30, s19, $0xb8;
	[tilespmem:$0x1E800] =	vst v63  }
0xb1: {  	_ =	swait.ge [sflag:s23], $0x4000  }
0xb2: {  	[sflag:s23] =	ssyncset.done $0x0  }
.Ltmp6:
0xb3: {  	s30 =	sadd.s32 $0x1480, s29;
	[sflag:s23] =	ssyncadd.s32 $0xFFFFC000;
	(pc) =	sbr.rel @p1 .LBB2_8-.Ltmp6, $4  }
0xb4: {  	[spmem:s1] =	stream.indirect.scatter.add.f32 [tilespmem:s21], [sflag:$0x3], $0x80, s30, s19, $0xb8;
	[tilespmem:$0x1E800] =	vst v63  }
0xb5: {  	_ =	swait.ge [sflag:s17], $0x4000  }
0xb6: {  	[sflag:s17] =	ssyncset.done $0x0  }
0xb7: {  	s29 =	sadd.s32 $0x180, s29;
	[sflag:s17] =	ssyncadd.s32 $0xFFFFC000  }
0xb8: {  	[tilespmem:s21], [sflag:$0x2] =	stream.indirect.gather [hbm4b:s4+s19], $0x80, s29, s19, $0xb8;
	[tilespmem:$0x1E800] =	vst v63  }
0xb9: {  	_ =	swait.ge [sflag:s22], $0x4000  }
0xba: {  	[sflag:s22] =	ssyncset.done $0x0  }
0xbb: {  	[sflag:s22] =	ssyncadd.s32 $0xFFFFC000  }
0xbc: {  	[spmem:s1] =	stream.indirect.scatter.add.f32 [tilespmem:s20], [sflag:$0x3], $0x80, s24, s19, $0xb8;
	[tilespmem:$0x1E800] =	vst v63  }
0xbd: {  	_ =	swait.ge [sflag:s17], $0x4000  }
0xbe: {  	[sflag:s17] =	ssyncset.done $0x0  }
0xbf: {  	[sflag:s17] =	ssyncadd.s32 $0xFFFFC000  }
0xc0: {  	_ =	swait.ge [sflag:s23], $0x4000  }
0xc1: {  	[sflag:s23] =	ssyncset.done $0x0  }
0xc2: {  	[sflag:s23] =	ssyncadd.s32 $0xFFFFC000  }
0xc3: {  	[spmem:s1] =	stream.indirect.scatter.add.f32 [tilespmem:s21], [sflag:$0x3], $0x80, s25, s19, $0xb8;
	[tilespmem:$0x1E800] =	vst v63  }
0xc4: {  	_ =	swait.ge [sflag:s17], $0x4000  }
0xc5: {  	[sflag:s17] =	ssyncset.done $0x0  }
0xc6: {  	s28 =	simm.s32 $0x0;
	[sflag:s17] =	ssyncadd.s32 $0xFFFFC000  }
0xc7: {  	[tilespmem:s28], [sflag:$0x3] =	stream.linear.gather [hbm4b:s13+s28], $0x1400, $0x38;
	[tilespmem:$0x1E800] =	vst v63  }
0xc8: {  	_ =	swait.ge [sflag:s17], $0x1400  }
0xc9: {  	[sflag:s17] =	ssyncset.done $0x0  }
0xca: {  	[sflag:s17] =	ssyncadd.s32 $0xFFFFEC00  }
0xcb: {  	[tilespmem:s18], [sflag:$0x3] =	stream.linear.gather [hbm4b:s14+s28], $0x1400, $0x38;
	[tilespmem:$0x1E800] =	vst v63  }
0xcc: {  	_ =	swait.ge [sflag:s17], $0x1400  }
0xcd: {  	[sflag:s17] =	ssyncset.done $0x0  }
0xce: {  	[sflag:s17] =	ssyncadd.s32 $0xFFFFEC00  }
0xcf: {  	[tilespmem:s20], [sflag:$0x1] =	stream.indirect.gather [hbm4b:s4+s19], $0x80, s28, s19, $0xb8;
	[tilespmem:$0x1E800] =	vst v63  }
0xd0: {  	_ = 	snop  }
0xd1: {  	[tilespmem:s21], [sflag:$0x2] =	stream.indirect.gather [hbm4b:s4+s19], $0x80, s19, s19, $0xb8;
	[tilespmem:$0x1E800] =	vst v63  }
0xd2: {  	_ =	swait.ge [sflag:s22], $0x4000  }
0xd3: {  	[sflag:s22] =	ssyncset.done $0x0  }
0xd4: {  	s28 =	simm.s32 $0x1400;
	[sflag:s22] =	ssyncadd.s32 $0xFFFFC000  }
0xd5: {  	[spmem:s1] =	stream.indirect.scatter.add.f32 [tilespmem:s20], [sflag:$0x3], $0x80, s28, s19, $0xb8;
	[tilespmem:$0x1E800] =	vst v63  }
0xd6: {  	_ =	swait.ge [sflag:s17], $0x4000  }
0xd7: {  	[sflag:s17] =	ssyncset.done $0x0  }
0xd8: {  	s28 =	simm.s32 $0x100;
	[sflag:s17] =	ssyncadd.s32 $0xFFFFC000  }
0xd9: {  	[tilespmem:s20], [sflag:$0x1] =	stream.indirect.gather [hbm4b:s4+s19], $0x80, s28, s19, $0xb8;
	[tilespmem:$0x1E800] =	vst v63  }
0xda: {  	_ =	swait.ge [sflag:s23], $0x4000  }
0xdb: {  	[sflag:s23] =	ssyncset.done $0x0  }
0xdc: {  	s28 =	simm.s32 $0x1480;
	[sflag:s23] =	ssyncadd.s32 $0xFFFFC000  }
0xdd: {  	[spmem:s1] =	stream.indirect.scatter.add.f32 [tilespmem:s21], [sflag:$0x3], $0x80, s28, s19, $0xb8;
	[tilespmem:$0x1E800] =	vst v63  }
0xde: {  	_ =	swait.ge [sflag:s17], $0x4000  }
0xdf: {  	[sflag:s17] =	ssyncset.done $0x0  }
0xe0: {  	s29 =	simm.s32 $0x180;
	s28 =	simm.s32 $0x400;
	[sflag:s17] =	ssyncadd.s32 $0xFFFFC000  }
.LBB2_10:
0xe1: {  	[tilespmem:s21], [sflag:$0x2] =	stream.indirect.gather [hbm4b:s4+s19], $0x80, s29, s19, $0xb8;
	[tilespmem:$0x1E800] =	vst v63  }
0xe2: {  	s29 =	smov.u32 s28  }
0xe3: {  	p1 =	sne.s32 s28, $0x4800;
	s28 =	sadd.s32 $0x400, s28;
	_ =	swait.ge [sflag:s22], $0x4000  }
0xe4: {  	s29 =	sshra.s32 s29, $0x2;
	[sflag:s22] =	ssyncset.done $0x0  }
0xe5: {  	s30 =	sadd.s32 $0x1400, s29;
	[sflag:s22] =	ssyncadd.s32 $0xFFFFC000  }
0xe6: {  	[spmem:s1] =	stream.indirect.scatter.add.f32 [tilespmem:s20], [sflag:$0x3], $0x80, s30, s19, $0xb8;
	[tilespmem:$0x1E800] =	vst v63  }
0xe7: {  	_ =	swait.ge [sflag:s17], $0x4000  }
0xe8: {  	[sflag:s17] =	ssyncset.done $0x0  }
0xe9: {  	s30 =	sadd.s32 $0x100, s29;
	[sflag:s17] =	ssyncadd.s32 $0xFFFFC000  }
0xea: {  	[tilespmem:s20], [sflag:$0x1] =	stream.indirect.gather [hbm4b:s4+s19], $0x80, s30, s19, $0xb8;
	[tilespmem:$0x1E800] =	vst v63  }
0xeb: {  	_ =	swait.ge [sflag:s23], $0x4000  }
0xec: {  	[sflag:s23] =	ssyncset.done $0x0  }
.Ltmp7:
0xed: {  	s30 =	sadd.s32 $0x1480, s29;
	[sflag:s23] =	ssyncadd.s32 $0xFFFFC000;
	(pc) =	sbr.rel @p1 .LBB2_10-.Ltmp7, $4  }
0xee: {  	[spmem:s1] =	stream.indirect.scatter.add.f32 [tilespmem:s21], [sflag:$0x3], $0x80, s30, s19, $0xb8;
	[tilespmem:$0x1E800] =	vst v63  }
0xef: {  	_ =	swait.ge [sflag:s17], $0x4000  }
0xf0: {  	[sflag:s17] =	ssyncset.done $0x0  }
0xf1: {  	s29 =	sadd.s32 $0x180, s29;
	[sflag:s17] =	ssyncadd.s32 $0xFFFFC000  }
.Ltmp8:
0xf2: {  	_ = 	snop;
	(pc) =	sbr.rel .LBB2_11-.Ltmp8, $1  }
0xf3: {  	_ =	sdelay $0x3  }
.LBB2_13:
0xf4: {  	_ =	sfence.sel $0x180000  }
0xf5: {  	[bflag:$0x0] =	sbarrier.arrive $0xFFFF  }
0xf6: {  	p0 =	sne.s32 s5, $0x0;
	_ =	strace $0x9000004D  }
0xf7: {  	s0 =	sadd.s32 @!p0 $0x100000, s0;
	[bflag:$0x2] =	sbarrier.arrive $0xFFFF  }
0xf8: {  	[sflag:s0] =	ssyncadd.tile.s32 @!p0 $0x1;
	_ =	shalt  }
.Lfunc_end2:
_tile_overlayer_lowered:
.L_overlay_start_2:
0xf9: {  	(tag) =	ssettag $0x2  }
0xfa: {  	s0 =	rddreg [dreg:$0x0];
	s2 =	stileid.u32  }
0xfb: {  	s1 =	rddreg [dreg:$0x1];
	p0 =	sne.s32 s2, $0x0  }
0xfc: {  	s3 =	rddreg [dreg:$0x2];
	[bflag:$0x3] =	sbarrier.arrive $0xFFFF;
	s2 =	simm.s32 @!p0 $0x1C03  }
0xfd: {  	[timem:s3], [sflag:s2] =	dma.local @!p0 [hbm:s0], s1  }
0xfe: {  	s0 =	simm.s32 @!p0 $0x3  }
0xff: {  	_ =	swait.ge @!p0 [sflag:s0], s1  }
0x100: {  	s1 =	ssub.s32 @!p0 $0x0, s1;
	[sflag:s0] =	ssyncset.done @!p0 $0x0  }
0x101: {  	[sflag:s0] =	ssyncadd.s32 @!p0 s1  }
0x102: {  	[bflag:$0x3] =	sbarrier.arrive $0xFFFF  }
0x103: {  	_ =	shalt  }

</sc_bundles>
